<compile_context>
chip_gen: v7x
topology: tpu7x:2x2x1
jax: 0.10.2.dev20260603
libtpu: 0.0.44.dev20260713+nightly
codegen_flags: <defaults>
</compile_context>

<pallas_src>
import functools

import jax
import jax.numpy as jnp
from jax import lax
from jax.experimental import pallas as pl
from jax.experimental.pallas import tpu as pltpu
from jax.experimental.pallas import tpu_sc as plsc

N_NODES = 10000
N_EDGES = 320000
D = 128

NC = 2
NS = 16
NW = NC * NS
CH = 64
NBUF = 4
DGSZ = 16
CPW = 160
NGRP = CPW // NBUF
E_PAD = NW * CH * CPW
EPW = E_PAD // NW
NCHT = E_PAD // CH
NP = 10240
ZROWS = NP // NS
BLK = 512
GRID = NP // BLK

_f32 = jnp.float32



def _make_deg_kernel():
    mesh = plsc.VectorSubcoreMesh(core_axis_name="c", subcore_axis_name="s")

    @functools.partial(
        pl.kernel,
        out_type=jax.ShapeDtypeStruct((NC, NP), _f32),
        mesh=mesh,
        scratch_types=[
            pltpu.VMEM((DGSZ, CH), jnp.int32),
            pltpu.VMEM((DGSZ, CH), jnp.int32),
            pltpu.VMEM((CH,), _f32),
            pltpu.VMEM((ZROWS,), _f32),
            pltpu.VMEM_SHARED((NP,), _f32),
            pltpu.SemaphoreType.DMA,
            pltpu.SemaphoreType.DMA,
            pltpu.SemaphoreType.DMA,
            pltpu.SemaphoreType.DMA,
            pltpu.SemaphoreType.DMA,
            pltpu.SemaphoreType.DMA,
        ],
    )
    def deg_kernel(dst_hbm, out_hbm, dstA, dstB, ones_v, zeros_v, acc_sh,
                   sia, sib, s0, s1, s2, s3):
        c = lax.axis_index("c")
        s = lax.axis_index("s")
        wid = s * NC + c
        ssem = (s0, s1, s2, s3)

        one = jnp.full((16,), 1.0, _f32)
        zero = jnp.zeros((16,), _f32)

        def fill_ones(i, _):
            ones_v[pl.ds(i * 16, 16)] = one
            return 0

        lax.fori_loop(0, CH // 16, fill_ones, 0)

        def fill_zeros(i, _):
            zeros_v[pl.ds(i * 16, 16)] = zero
            return 0

        lax.fori_loop(0, ZROWS // 16, fill_zeros, 0)
        pltpu.sync_copy(zeros_v, acc_sh.at[pl.ds(s * ZROWS, ZROWS)])
        plsc.subcore_barrier()

        base = wid * CPW
        pltpu.async_copy(dst_hbm.at[pl.ds(base, DGSZ)], dstA, sia).wait()

        def body(k, _):
            dib = pltpu.async_copy(
                dst_hbm.at[pl.ds(base + (2 * k + 1) * DGSZ, DGSZ)], dstB, sib)
            dsa = [pltpu.async_copy(ones_v, acc_sh.at[dstA.at[j]],
                                    ssem[j % 4], add=True)
                   for j in range(DGSZ)]
            dib.wait()
            for j in range(DGSZ):
                dsa[j].wait()
            nxt = jnp.minimum(base + (2 * k + 2) * DGSZ, NCHT - DGSZ)
            dia = pltpu.async_copy(dst_hbm.at[pl.ds(nxt, DGSZ)], dstA, sia)
            dsb = [pltpu.async_copy(ones_v, acc_sh.at[dstB.at[j]],
                                    ssem[j % 4], add=True)
                   for j in range(DGSZ)]
            dia.wait()
            for j in range(DGSZ):
                dsb[j].wait()
            return 0

        lax.fori_loop(0, CPW // DGSZ // 2, body, 0)
        plsc.subcore_barrier()
        pltpu.sync_copy(acc_sh.at[pl.ds(s * ZROWS, ZROWS)],
                        out_hbm.at[c, pl.ds(s * ZROWS, ZROWS)])

    return deg_kernel


def _make_agg_kernel():
    mesh = plsc.VectorSubcoreMesh(core_axis_name="c", subcore_axis_name="s")

    @functools.partial(
        pl.kernel,
        out_type=jax.ShapeDtypeStruct((NC, NP, D), _f32),
        mesh=mesh,
        scratch_types=[
            pltpu.VMEM((NBUF, CH), jnp.int32),
            pltpu.VMEM((NBUF, CH), jnp.int32),
            pltpu.VMEM((NBUF, CH), jnp.int32),
            pltpu.VMEM((NBUF, CH), jnp.int32),
            pltpu.VMEM((NBUF, CH, D), _f32),
            pltpu.VMEM_SHARED((NP, D), _f32),
            pltpu.SemaphoreType.DMA,
            pltpu.SemaphoreType.DMA,
            pltpu.SemaphoreType.DMA,
            pltpu.SemaphoreType.DMA,
            pltpu.SemaphoreType.DMA,
            pltpu.SemaphoreType.DMA,
            pltpu.SemaphoreType.DMA,
            pltpu.SemaphoreType.DMA,
            pltpu.SemaphoreType.DMA,
            pltpu.SemaphoreType.DMA,
        ],
    )
    def agg_kernel(y_hbm, src_hbm, dst_hbm, out_hbm,
                   srcA, srcB, dstA, dstB, rows_v, acc_sh,
                   sia, sib, g0, g1, g2, g3, s0, s1, s2, s3):
        c = lax.axis_index("c")
        s = lax.axis_index("s")
        wid = s * NC + c
        gsem = (g0, g1, g2, g3)
        ssem = (s0, s1, s2, s3)

        zero = jnp.zeros((16,), _f32)

        def fill_zeros(i, _):
            rows_v[0, i // (D // 16), pl.ds((i % (D // 16)) * 16, 16)] = zero
            return 0

        lax.fori_loop(0, CH * (D // 16), fill_zeros, 0)

        zd = [pltpu.async_copy(rows_v.at[0],
                               acc_sh.at[pl.ds(s * ZROWS + i * CH, CH)],
                               gsem[i % NBUF])
              for i in range(ZROWS // CH)]
        for d in zd:
            d.wait()

        lanes = lax.iota(jnp.int32, 16)
        for t in range(CH // 16):
            dstB[0, pl.ds(t * 16, 16)] = lanes + (N_NODES + (t * 16) % 128)
        plsc.subcore_barrier()

        prime = [pltpu.async_copy(rows_v.at[j], acc_sh.at[dstB.at[0]],
                                  ssem[j], add=True) for j in range(NBUF)]
        del prime

        def wait_scatter(j):
            pltpu.make_async_copy(rows_v.at[j], acc_sh.at[dstB.at[0]],
                                  ssem[j]).wait()

        base = wid * CPW
        da = pltpu.async_copy(src_hbm.at[pl.ds(base, NBUF)], srcA, sia)
        db = pltpu.async_copy(dst_hbm.at[pl.ds(base, NBUF)], dstA, sia)
        da.wait()
        db.wait()

        def body(k, _):
            dg = []
            for j in range(NBUF):
                wait_scatter(j)
                dg.append(pltpu.async_copy(y_hbm.at[srcA.at[j]],
                                           rows_v.at[j], gsem[j]))
            cb = base + (2 * k + 1) * NBUF
            dib1 = pltpu.async_copy(src_hbm.at[pl.ds(cb, NBUF)], srcB, sib)
            dib2 = pltpu.async_copy(dst_hbm.at[pl.ds(cb, NBUF)], dstB, sib)
            for j in range(NBUF):
                dg[j].wait()
                pltpu.async_copy(rows_v.at[j], acc_sh.at[dstA.at[j]],
                                 ssem[j], add=True)
            dib1.wait()
            dib2.wait()
            dg = []
            for j in range(NBUF):
                wait_scatter(j)
                dg.append(pltpu.async_copy(y_hbm.at[srcB.at[j]],
                                           rows_v.at[j], gsem[j]))
            nxt = jnp.minimum(base + (2 * k + 2) * NBUF, NCHT - NBUF)
            dia1 = pltpu.async_copy(src_hbm.at[pl.ds(nxt, NBUF)], srcA, sia)
            dia2 = pltpu.async_copy(dst_hbm.at[pl.ds(nxt, NBUF)], dstA, sia)
            for j in range(NBUF):
                dg[j].wait()
                pltpu.async_copy(rows_v.at[j], acc_sh.at[dstB.at[j]],
                                 ssem[j], add=True)
            dia1.wait()
            dia2.wait()
            return 0

        lax.fori_loop(0, NGRP // 2, body, 0)
        for j in range(NBUF):
            wait_scatter(j)
        plsc.subcore_barrier()
        pltpu.sync_copy(acc_sh.at[pl.ds(s * ZROWS, ZROWS)],
                        out_hbm.at[c, pl.ds(s * ZROWS, ZROWS)])

    return agg_kernel



def _dinv_block(deg_ref):
    deg = deg_ref[0, :] + deg_ref[1, :] + 1.0
    return lax.rsqrt(deg)


def _mm1_body(deg_ref, x_ref, w_ref, y_ref):
    dinv = _dinv_block(deg_ref)
    xw = jnp.dot(x_ref[...], w_ref[...], preferred_element_type=_f32)
    y_ref[...] = xw * dinv[:, None]


def _mm2_body(deg_ref, agg_ref, y1_ref, w_ref, b_ref, y2_ref):
    dinv = _dinv_block(deg_ref)
    pre = (agg_ref[0] + agg_ref[1] + y1_ref[...]) * dinv[:, None] + b_ref[...]
    h = jnp.maximum(pre, 0.0)
    hw = jnp.dot(h, w_ref[...], preferred_element_type=_f32)
    y2_ref[...] = hw * dinv[:, None]


def _mm3_body(deg_ref, agg_ref, y2_ref, b_ref, z_ref):
    dinv = _dinv_block(deg_ref)
    z_ref[...] = ((agg_ref[0] + agg_ref[1] + y2_ref[...]) * dinv[:, None]
                  + b_ref[...])


_deg_spec = pl.BlockSpec((NC, BLK), lambda i: (0, i))
_row_spec = pl.BlockSpec((BLK, D), lambda i: (i, 0))
_w_spec = pl.BlockSpec((D, D), lambda i: (0, 0))
_b_spec = pl.BlockSpec((1, D), lambda i: (0, 0))
_agg_spec = pl.BlockSpec((NC, BLK, D), lambda i: (0, i, 0))
_out_shape = jax.ShapeDtypeStruct((NP, D), _f32)


def _mm1(degp, x, w):
    return pl.pallas_call(
        _mm1_body, grid=(GRID,),
        in_specs=[_deg_spec, _row_spec, _w_spec],
        out_specs=_row_spec, out_shape=_out_shape,
    )(degp, x, w)


def _mm2(degp, agg, y1, w, b):
    return pl.pallas_call(
        _mm2_body, grid=(GRID,),
        in_specs=[_deg_spec, _agg_spec, _row_spec, _w_spec, _b_spec],
        out_specs=_row_spec, out_shape=_out_shape,
    )(degp, agg, y1, w, b)


def _mm3(degp, agg, y2, b):
    return pl.pallas_call(
        _mm3_body, grid=(GRID,),
        in_specs=[_deg_spec, _agg_spec, _row_spec, _b_spec],
        out_specs=_row_spec, out_shape=_out_shape,
    )(degp, agg, y2, b)



def kernel(x, edge_index, W1, b1, W2, b2):
    src = edge_index[0].astype(jnp.int32)
    dst = edge_index[1].astype(jnp.int32)
    pad = E_PAD - N_EDGES
    it = jnp.arange(pad, dtype=jnp.int32)
    src_p = jnp.concatenate([src, it % N_NODES]).reshape(NCHT, CH)
    dst_p = jnp.concatenate([dst, N_NODES + it % (NP - N_NODES)]
                            ).reshape(NCHT, CH)
    b1r = b1.reshape(1, D)
    b2r = b2.reshape(1, D)

    deg_k = _make_deg_kernel()
    agg_k = _make_agg_kernel()

    x_p = jnp.pad(x, ((0, NP - N_NODES), (0, 0)))
    degp = deg_k(dst_p)
    y1 = _mm1(degp, x_p, W1)
    agg1 = agg_k(y1, src_p, dst_p)
    y2 = _mm2(degp, agg1, y1, W2, b1r)
    agg2 = agg_k(y2, src_p, dst_p)
    return _mm3(degp, agg2, y2, b2r)[:N_NODES]

# --- scband reference (transcript-rebuilt; emitter-appended) ---
"""Pipeline reference for scband-gcn-10015863734590 (READ-ONLY COPY).

The authoritative reference and input builder live on the scoring server;
editing this copy changes nothing except your own understanding.
"""

import jax, jax.numpy as jnp
import numpy as np

N_NODES = 10000
N_EDGES = 320000
D_IN = 128
D_HID = 128
D_OUT = 128


def setup_inputs(seed: int = 0) -> dict:
    key = jax.random.key(seed)
    k1, k2, k3, k4, k5, k6 = jax.random.split(key, 6)
    x = jax.random.normal(k1, (N_NODES, D_IN), dtype=jnp.float32)
    edge_index = jax.random.randint(k2, (2, N_EDGES), 0, N_NODES, dtype=jnp.int64)
    # GCNConv weights (glorot-style scale)
    W1 = jax.random.normal(k3, (D_IN, D_HID), dtype=jnp.float32) * (1.0 / np.sqrt(D_IN))
    b1 = jnp.zeros((D_HID,), dtype=jnp.float32)
    W2 = jax.random.normal(k4, (D_HID, D_OUT), dtype=jnp.float32) * (1.0 / np.sqrt(D_HID))
    b2 = jnp.zeros((D_OUT,), dtype=jnp.float32)
    return {"x": x, "edge_index": edge_index, "W1": W1, "b1": b1, "W2": W2, "b2": b2}


def _gcn_conv(x, edge_index, W, b, num_nodes):
    # PyG GCNConv: add self-loops, symmetric normalization, linear transform,
    # message = norm * x_src, aggregate (sum) at dst, add bias.
    src = edge_index[0]
    dst = edge_index[1]
    loop = jnp.arange(num_nodes, dtype=src.dtype)
    src = jnp.concatenate([src, loop], axis=0)
    dst = jnp.concatenate([dst, loop], axis=0)
    ew = jnp.ones(src.shape[0], dtype=x.dtype)
    deg = jax.ops.segment_sum(ew, dst, num_segments=num_nodes)
    deg_inv_sqrt = jnp.where(deg > 0, jax.lax.rsqrt(deg), 0.0)
    norm = deg_inv_sqrt[src] * ew * deg_inv_sqrt[dst]
    xw = x @ W
    msg = xw[src] * norm[:, None]
    out = jax.ops.segment_sum(msg, dst, num_segments=num_nodes)
    return out + b


def reference(x, edge_index, W1, b1, W2, b2):
    # GCN.encode: conv1 -> relu -> conv2
    h = _gcn_conv(x, edge_index, W1, b1, N_NODES)
    h = jax.nn.relu(h)
    z = _gcn_conv(h, edge_index, W2, b2, N_NODES)
    return z

if __name__ == "__main__":
    import jax
    _d = setup_inputs()
    print(jax.jit(kernel)(*tuple(_d.values())))

</pallas_src>

<mosaic_0001>
#map = affine_map<(d0, d1) -> (0, 0)>
#map1 = affine_map<(d0, d1) -> (0, 0, 0)>
module attributes {stable_mosaic.version = 14 : i64} {
  func.func @agg_kernel(%arg0: i32, %arg1: i32, %arg2: memref<10240x128xf32, #tpu.memory_space<hbm>>, %arg3: memref<5120x64xi32, #tpu.memory_space<hbm>>, %arg4: memref<5120x64xi32, #tpu.memory_space<hbm>>, %arg5: memref<2x10240x128xf32, #tpu.memory_space<hbm>>, %arg6: memref<4x64xi32, #tpu.memory_space<vmem>>, %arg7: memref<4x64xi32, #tpu.memory_space<vmem>>, %arg8: memref<4x64xi32, #tpu.memory_space<vmem>>, %arg9: memref<4x64xi32, #tpu.memory_space<vmem>>, %arg10: memref<4x64x128xf32, #tpu.memory_space<vmem>>, %arg11: memref<10240x128xf32, #tpu.memory_space<vmem_shared>>, %arg12: memref<!tpu.dma_semaphore, #tpu.memory_space<semaphore_mem>>, %arg13: memref<!tpu.dma_semaphore, #tpu.memory_space<semaphore_mem>>, %arg14: memref<!tpu.dma_semaphore, #tpu.memory_space<semaphore_mem>>, %arg15: memref<!tpu.dma_semaphore, #tpu.memory_space<semaphore_mem>>, %arg16: memref<!tpu.dma_semaphore, #tpu.memory_space<semaphore_mem>>, %arg17: memref<!tpu.dma_semaphore, #tpu.memory_space<semaphore_mem>>, %arg18: memref<!tpu.dma_semaphore, #tpu.memory_space<semaphore_mem>>, %arg19: memref<!tpu.dma_semaphore, #tpu.memory_space<semaphore_mem>>, %arg20: memref<!tpu.dma_semaphore, #tpu.memory_space<semaphore_mem>>, %arg21: memref<!tpu.dma_semaphore, #tpu.memory_space<semaphore_mem>>) attributes {dimension_semantics = [#tpu.dimension_semantics<core_parallel>, #tpu.dimension_semantics<subcore_parallel>], iteration_bounds = array<i64: 2, 16>, scalar_prefetch = 0 : i64, scratch_operands = 16 : i64, tpu.core_type = #tpu.core_type<sc_vector_subcore>, window_params = [{transform_indices = #map}, {transform_indices = #map}, {transform_indices = #map}, {transform_indices = #map1}]} {
    %mul3A = arith.constant 2 : i32
    %mul3A_0 = arith.muli %arg1, %mul3A : i32
    %add3A = arith.addi %mul3A_0, %arg0 : i32
    %broadcast_in_dim3A = arith.constant 0.000000e+00 : f32
    %broadcast_in_dim3A_1 = vector.broadcast %broadcast_in_dim3A : f32 to vector<16xf32>
    %scan3A = arith.constant 0 : i32
    %scan3A_2 = arith.constant 0 : i32
    %scan3A_3 = arith.constant 512 : i32
    %scan3A_4 = arith.addi %scan3A_2, %scan3A_3 : i32
    %scan3A_5 = arith.constant 1 : i32
    %scan3A_6 = scf.for %scan3A_467 = %scan3A_2 to %scan3A_4 step %scan3A_5 iter_args(%scan3A_468 = %scan3A) -> (i32)  : i32 {
      %jit3A = arith.constant 8 : i32
      %div3A = arith.divsi %scan3A_467, %jit3A : i32
      %sign3A = arith.constant 0 : i32
      %sign3A_469 = arith.cmpi sgt, %scan3A_467, %sign3A : i32
      %sign3A_470 = arith.extui %sign3A_469 : i1 to i32
      %sign3A_471 = arith.constant 0 : i32
      %sign3A_472 = arith.cmpi slt, %scan3A_467, %sign3A_471 : i32
      %sign3A_473 = arith.extui %sign3A_472 : i1 to i32
      %sign3A_474 = arith.subi %sign3A_470, %sign3A_473 : i32
      %sign3A_475 = arith.constant 0 : i32
      %sign3A_476 = arith.cmpi sgt, %jit3A, %sign3A_475 : i32
      %sign3A_477 = arith.extui %sign3A_476 : i1 to i32
      %sign3A_478 = arith.constant 0 : i32
      %sign3A_479 = arith.cmpi slt, %jit3A, %sign3A_478 : i32
      %sign3A_480 = arith.extui %sign3A_479 : i1 to i32
      %sign3A_481 = arith.subi %sign3A_477, %sign3A_480 : i32
      %ne3A = arith.cmpi ne, %sign3A_474, %sign3A_481 : i32
      %rem3A = arith.remsi %scan3A_467, %jit3A : i32
      %ne3A_482 = arith.constant 0 : i32
      %ne3A_483 = arith.cmpi ne, %rem3A, %ne3A_482 : i32
      %and3A = arith.andi %ne3A, %ne3A_483 : i1
      %sub3A = arith.constant 1 : i32
      %sub3A_484 = arith.subi %div3A, %sub3A : i32
      %select_n3A = arith.select %and3A, %sub3A_484, %div3A : i32
      %jit3A_485 = arith.constant 8 : i32
      %eq3A = arith.constant 0 : i32
      %eq3A_486 = arith.cmpi eq, %jit3A_485, %eq3A : i32
      %jit3A_487 = arith.constant 1 : i32
      %select_n3A_488 = arith.select %eq3A_486, %jit3A_487, %jit3A_485 : i32
      %rem3A_489 = arith.remsi %scan3A_467, %select_n3A_488 : i32
      %ne3A_490 = arith.constant 0 : i32
      %ne3A_491 = arith.cmpi ne, %rem3A_489, %ne3A_490 : i32
      %lt3A = arith.constant 0 : i32
      %lt3A_492 = arith.cmpi slt, %rem3A_489, %lt3A : i32
      %lt3A_493 = arith.constant 0 : i32
      %lt3A_494 = arith.cmpi slt, %select_n3A_488, %lt3A_493 : i32
      %ne3A_495 = arith.xori %lt3A_492, %lt3A_494 : i1
      %and3A_496 = arith.andi %ne3A_495, %ne3A_491 : i1
      %add3A_497 = arith.addi %rem3A_489, %select_n3A_488 : i32
      %select_n3A_498 = arith.select %and3A_496, %add3A_497, %rem3A_489 : i32
      %mul3A_499 = arith.constant 16 : i32
      %mul3A_500 = arith.muli %select_n3A_498, %mul3A_499 : i32
      %swap3A_501 = arith.constant 0 : i32
      %swap3A_502 = arith.index_cast %swap3A_501 : i32 to index
      %swap3A_503 = arith.index_cast %select_n3A : i32 to index
      %swap3A_504 = arith.index_cast %mul3A_500 : i32 to index
      %swap3A_505 = tpu.vector_load %arg10[%swap3A_502, %swap3A_503, %swap3A_504] {strides = array<i32>} : memref<4x64x128xf32, #tpu.memory_space<vmem>>, vector<1x1x16xf32>,
      %swap3A_506 = vector.shape_cast %swap3A_505 : vector<1x1x16xf32> to vector<16xf32>
      %swap3A_507 = vector.shape_cast %broadcast_in_dim3A_1 : vector<16xf32> to vector<1x1x16xf32>
      tpu.vector_store %arg10[%swap3A_502, %swap3A_503, %swap3A_504], %swap3A_507 {strides = array<i32>} : memref<4x64x128xf32, #tpu.memory_space<vmem>>, vector<1x1x16xf32>,
      %scan3A_508 = arith.constant 0 : i32
      scf.yield %scan3A_508 : i32
    }
    %scan3A_7 = arith.constant 512 : i32
    %mul3A_8 = arith.constant 640 : i32
    %mul3A_9 = arith.muli %arg1, %mul3A_8 : i32
    %add3A_10 = arith.constant 0 : i32
    %add3A_11 = arith.addi %mul3A_9, %add3A_10 : i32
    %dma_start3A = arith.constant 0 : i32
    %dma_start3A_12 = arith.constant 0 : i32
    %dma_start3A_13 = arith.constant 0 : i32
    %dma_start3A_14 = tpu.memref_slice %arg10[%dma_start3A, %dma_start3A_12, %dma_start3A_13] : memref<4x64x128xf32, #tpu.memory_space<vmem>> -> memref<1x64x128xf32, #tpu.memory_space<vmem>>
    %dma_start3A_15 = tpu.memref_squeeze %dma_start3A_14 : memref<1x64x128xf32, #tpu.memory_space<vmem>> -> memref<64x128xf32, #tpu.memory_space<vmem>>
    %dma_start3A_16 = arith.constant 0 : i32
    %dma_start3A_17 = tpu.memref_slice %arg11[%add3A_11, %dma_start3A_16] : memref<10240x128xf32, #tpu.memory_space<vmem_shared>> -> memref<64x128xf32, #tpu.memory_space<vmem_shared>>
    %dma_start3A_18 = arith.constant 0 : i32
    %dma_start3A_19 = tpu.memref_slice %arg11[%add3A_11, %dma_start3A_18] : memref<10240x128xf32, #tpu.memory_space<vmem_shared>> -> memref<64x128xf32, #tpu.memory_space<vmem_shared>>
    %dma_start3A_20 = arith.constant 0 : i32
    %dma_start3A_21 = arith.constant 0 : i32
    %dma_start3A_22 = tpu.memref_slice %arg10[%dma_start3A, %dma_start3A_20, %dma_start3A_21] : memref<4x64x128xf32, #tpu.memory_space<vmem>> -> memref<1x64x128xf32, #tpu.memory_space<vmem>>
    %dma_start3A_23 = tpu.memref_squeeze %dma_start3A_22 : memref<1x64x128xf32, #tpu.memory_space<vmem>> -> memref<64x128xf32, #tpu.memory_space<vmem>>
    tpu.enqueue_dma source(%dma_start3A_23 : memref<64x128xf32, #tpu.memory_space<vmem>>) target(%dma_start3A_19 : memref<64x128xf32, #tpu.memory_space<vmem_shared>>) target_semaphore(%arg14 : memref<!tpu.dma_semaphore, #tpu.memory_space<semaphore_mem>>)
    %mul3A_24 = arith.constant 640 : i32
    %mul3A_25 = arith.muli %arg1, %mul3A_24 : i32
    %add3A_26 = arith.constant 64 : i32
    %add3A_27 = arith.addi %mul3A_25, %add3A_26 : i32
    %dma_start3A_28 = arith.constant 0 : i32
    %dma_start3A_29 = arith.constant 0 : i32
    %dma_start3A_30 = arith.constant 0 : i32
    %dma_start3A_31 = tpu.memref_slice %arg10[%dma_start3A_28, %dma_start3A_29, %dma_start3A_30] : memref<4x64x128xf32, #tpu.memory_space<vmem>> -> memref<1x64x128xf32, #tpu.memory_space<vmem>>
    %dma_start3A_32 = tpu.memref_squeeze %dma_start3A_31 : memref<1x64x128xf32, #tpu.memory_space<vmem>> -> memref<64x128xf32, #tpu.memory_space<vmem>>
    %dma_start3A_33 = arith.constant 0 : i32
    %dma_start3A_34 = tpu.memref_slice %arg11[%add3A_27, %dma_start3A_33] : memref<10240x128xf32, #tpu.memory_space<vmem_shared>> -> memref<64x128xf32, #tpu.memory_space<vmem_shared>>
    %dma_start3A_35 = arith.constant 0 : i32
    %dma_start3A_36 = tpu.memref_slice %arg11[%add3A_27, %dma_start3A_35] : memref<10240x128xf32, #tpu.memory_space<vmem_shared>> -> memref<64x128xf32, #tpu.memory_space<vmem_shared>>
    %dma_start3A_37 = arith.constant 0 : i32
    %dma_start3A_38 = arith.constant 0 : i32
    %dma_start3A_39 = tpu.memref_slice %arg10[%dma_start3A_28, %dma_start3A_37, %dma_start3A_38] : memref<4x64x128xf32, #tpu.memory_space<vmem>> -> memref<1x64x128xf32, #tpu.memory_space<vmem>>
    %dma_start3A_40 = tpu.memref_squeeze %dma_start3A_39 : memref<1x64x128xf32, #tpu.memory_space<vmem>> -> memref<64x128xf32, #tpu.memory_space<vmem>>
    tpu.enqueue_dma source(%dma_start3A_40 : memref<64x128xf32, #tpu.memory_space<vmem>>) target(%dma_start3A_36 : memref<64x128xf32, #tpu.memory_space<vmem_shared>>) target_semaphore(%arg15 : memref<!tpu.dma_semaphore, #tpu.memory_space<semaphore_mem>>)
    %mul3A_41 = arith.constant 640 : i32
    %mul3A_42 = arith.muli %arg1, %mul3A_41 : i32
    %add3A_43 = arith.constant 128 : i32
    %add3A_44 = arith.addi %mul3A_42, %add3A_43 : i32
    %dma_start3A_45 = arith.constant 0 : i32
    %dma_start3A_46 = arith.constant 0 : i32
    %dma_start3A_47 = arith.constant 0 : i32
    %dma_start3A_48 = tpu.memref_slice %arg10[%dma_start3A_45, %dma_start3A_46, %dma_start3A_47] : memref<4x64x128xf32, #tpu.memory_space<vmem>> -> memref<1x64x128xf32, #tpu.memory_space<vmem>>
    %dma_start3A_49 = tpu.memref_squeeze %dma_start3A_48 : memref<1x64x128xf32, #tpu.memory_space<vmem>> -> memref<64x128xf32, #tpu.memory_space<vmem>>
    %dma_start3A_50 = arith.constant 0 : i32
    %dma_start3A_51 = tpu.memref_slice %arg11[%add3A_44, %dma_start3A_50] : memref<10240x128xf32, #tpu.memory_space<vmem_shared>> -> memref<64x128xf32, #tpu.memory_space<vmem_shared>>
    %dma_start3A_52 = arith.constant 0 : i32
    %dma_start3A_53 = tpu.memref_slice %arg11[%add3A_44, %dma_start3A_52] : memref<10240x128xf32, #tpu.memory_space<vmem_shared>> -> memref<64x128xf32, #tpu.memory_space<vmem_shared>>
    %dma_start3A_54 = arith.constant 0 : i32
    %dma_start3A_55 = arith.constant 0 : i32
    %dma_start3A_56 = tpu.memref_slice %arg10[%dma_start3A_45, %dma_start3A_54, %dma_start3A_55] : memref<4x64x128xf32, #tpu.memory_space<vmem>> -> memref<1x64x128xf32, #tpu.memory_space<vmem>>
    %dma_start3A_57 = tpu.memref_squeeze %dma_start3A_56 : memref<1x64x128xf32, #tpu.memory_space<vmem>> -> memref<64x128xf32, #tpu.memory_space<vmem>>
    tpu.enqueue_dma source(%dma_start3A_57 : memref<64x128xf32, #tpu.memory_space<vmem>>) target(%dma_start3A_53 : memref<64x128xf32, #tpu.memory_space<vmem_shared>>) target_semaphore(%arg16 : memref<!tpu.dma_semaphore, #tpu.memory_space<semaphore_mem>>)
    %mul3A_58 = arith.constant 640 : i32
    %mul3A_59 = arith.muli %arg1, %mul3A_58 : i32
    %add3A_60 = arith.constant 192 : i32
    %add3A_61 = arith.addi %mul3A_59, %add3A_60 : i32
    %dma_start3A_62 = arith.constant 0 : i32
    %dma_start3A_63 = arith.constant 0 : i32
    %dma_start3A_64 = arith.constant 0 : i32
    %dma_start3A_65 = tpu.memref_slice %arg10[%dma_start3A_62, %dma_start3A_63, %dma_start3A_64] : memref<4x64x128xf32, #tpu.memory_space<vmem>> -> memref<1x64x128xf32, #tpu.memory_space<vmem>>
    %dma_start3A_66 = tpu.memref_squeeze %dma_start3A_65 : memref<1x64x128xf32, #tpu.memory_space<vmem>> -> memref<64x128xf32, #tpu.memory_space<vmem>>
    %dma_start3A_67 = arith.constant 0 : i32
    %dma_start3A_68 = tpu.memref_slice %arg11[%add3A_61, %dma_start3A_67] : memref<10240x128xf32, #tpu.memory_space<vmem_shared>> -> memref<64x128xf32, #tpu.memory_space<vmem_shared>>
    %dma_start3A_69 = arith.constant 0 : i32
    %dma_start3A_70 = tpu.memref_slice %arg11[%add3A_61, %dma_start3A_69] : memref<10240x128xf32, #tpu.memory_space<vmem_shared>> -> memref<64x128xf32, #tpu.memory_space<vmem_shared>>
    %dma_start3A_71 = arith.constant 0 : i32
    %dma_start3A_72 = arith.constant 0 : i32
    %dma_start3A_73 = tpu.memref_slice %arg10[%dma_start3A_62, %dma_start3A_71, %dma_start3A_72] : memref<4x64x128xf32, #tpu.memory_space<vmem>> -> memref<1x64x128xf32, #tpu.memory_space<vmem>>
    %dma_start3A_74 = tpu.memref_squeeze %dma_start3A_73 : memref<1x64x128xf32, #tpu.memory_space<vmem>> -> memref<64x128xf32, #tpu.memory_space<vmem>>
    tpu.enqueue_dma source(%dma_start3A_74 : memref<64x128xf32, #tpu.memory_space<vmem>>) target(%dma_start3A_70 : memref<64x128xf32, #tpu.memory_space<vmem_shared>>) target_semaphore(%arg17 : memref<!tpu.dma_semaphore, #tpu.memory_space<semaphore_mem>>)
    %mul3A_75 = arith.constant 640 : i32
    %mul3A_76 = arith.muli %arg1, %mul3A_75 : i32
    %add3A_77 = arith.constant 256 : i32
    %add3A_78 = arith.addi %mul3A_76, %add3A_77 : i32
    %dma_start3A_79 = arith.constant 0 : i32
    %dma_start3A_80 = arith.constant 0 : i32
    %dma_start3A_81 = arith.constant 0 : i32
    %dma_start3A_82 = tpu.memref_slice %arg10[%dma_start3A_79, %dma_start3A_80, %dma_start3A_81] : memref<4x64x128xf32, #tpu.memory_space<vmem>> -> memref<1x64x128xf32, #tpu.memory_space<vmem>>
    %dma_start3A_83 = tpu.memref_squeeze %dma_start3A_82 : memref<1x64x128xf32, #tpu.memory_space<vmem>> -> memref<64x128xf32, #tpu.memory_space<vmem>>
    %dma_start3A_84 = arith.constant 0 : i32
    %dma_start3A_85 = tpu.memref_slice %arg11[%add3A_78, %dma_start3A_84] : memref<10240x128xf32, #tpu.memory_space<vmem_shared>> -> memref<64x128xf32, #tpu.memory_space<vmem_shared>>
    %dma_start3A_86 = arith.constant 0 : i32
    %dma_start3A_87 = tpu.memref_slice %arg11[%add3A_78, %dma_start3A_86] : memref<10240x128xf32, #tpu.memory_space<vmem_shared>> -> memref<64x128xf32, #tpu.memory_space<vmem_shared>>
    %dma_start3A_88 = arith.constant 0 : i32
    %dma_start3A_89 = arith.constant 0 : i32
    %dma_start3A_90 = tpu.memref_slice %arg10[%dma_start3A_79, %dma_start3A_88, %dma_start3A_89] : memref<4x64x128xf32, #tpu.memory_space<vmem>> -> memref<1x64x128xf32, #tpu.memory_space<vmem>>
    %dma_start3A_91 = tpu.memref_squeeze %dma_start3A_90 : memref<1x64x128xf32, #tpu.memory_space<vmem>> -> memref<64x128xf32, #tpu.memory_space<vmem>>
    tpu.enqueue_dma source(%dma_start3A_91 : memref<64x128xf32, #tpu.memory_space<vmem>>) target(%dma_start3A_87 : memref<64x128xf32, #tpu.memory_space<vmem_shared>>) target_semaphore(%arg14 : memref<!tpu.dma_semaphore, #tpu.memory_space<semaphore_mem>>)
    %mul3A_92 = arith.constant 640 : i32
    %mul3A_93 = arith.muli %arg1, %mul3A_92 : i32
    %add3A_94 = arith.constant 320 : i32
    %add3A_95 = arith.addi %mul3A_93, %add3A_94 : i32
    %dma_start3A_96 = arith.constant 0 : i32
    %dma_start3A_97 = arith.constant 0 : i32
    %dma_start3A_98 = arith.constant 0 : i32
    %dma_start3A_99 = tpu.memref_slice %arg10[%dma_start3A_96, %dma_start3A_97, %dma_start3A_98] : memref<4x64x128xf32, #tpu.memory_space<vmem>> -> memref<1x64x128xf32, #tpu.memory_space<vmem>>
    %dma_start3A_100 = tpu.memref_squeeze %dma_start3A_99 : memref<1x64x128xf32, #tpu.memory_space<vmem>> -> memref<64x128xf32, #tpu.memory_space<vmem>>
    %dma_start3A_101 = arith.constant 0 : i32
    %dma_start3A_102 = tpu.memref_slice %arg11[%add3A_95, %dma_start3A_101] : memref<10240x128xf32, #tpu.memory_space<vmem_shared>> -> memref<64x128xf32, #tpu.memory_space<vmem_shared>>
    %dma_start3A_103 = arith.constant 0 : i32
    %dma_start3A_104 = tpu.memref_slice %arg11[%add3A_95, %dma_start3A_103] : memref<10240x128xf32, #tpu.memory_space<vmem_shared>> -> memref<64x128xf32, #tpu.memory_space<vmem_shared>>
    %dma_start3A_105 = arith.constant 0 : i32
    %dma_start3A_106 = arith.constant 0 : i32
    %dma_start3A_107 = tpu.memref_slice %arg10[%dma_start3A_96, %dma_start3A_105, %dma_start3A_106] : memref<4x64x128xf32, #tpu.memory_space<vmem>> -> memref<1x64x128xf32, #tpu.memory_space<vmem>>
    %dma_start3A_108 = tpu.memref_squeeze %dma_start3A_107 : memref<1x64x128xf32, #tpu.memory_space<vmem>> -> memref<64x128xf32, #tpu.memory_space<vmem>>
    tpu.enqueue_dma source(%dma_start3A_108 : memref<64x128xf32, #tpu.memory_space<vmem>>) target(%dma_start3A_104 : memref<64x128xf32, #tpu.memory_space<vmem_shared>>) target_semaphore(%arg15 : memref<!tpu.dma_semaphore, #tpu.memory_space<semaphore_mem>>)
    %mul3A_109 = arith.constant 640 : i32
    %mul3A_110 = arith.muli %arg1, %mul3A_109 : i32
    %add3A_111 = arith.constant 384 : i32
    %add3A_112 = arith.addi %mul3A_110, %add3A_111 : i32
    %dma_start3A_113 = arith.constant 0 : i32
    %dma_start3A_114 = arith.constant 0 : i32
    %dma_start3A_115 = arith.constant 0 : i32
    %dma_start3A_116 = tpu.memref_slice %arg10[%dma_start3A_113, %dma_start3A_114, %dma_start3A_115] : memref<4x64x128xf32, #tpu.memory_space<vmem>> -> memref<1x64x128xf32, #tpu.memory_space<vmem>>
    %dma_start3A_117 = tpu.memref_squeeze %dma_start3A_116 : memref<1x64x128xf32, #tpu.memory_space<vmem>> -> memref<64x128xf32, #tpu.memory_space<vmem>>
    %dma_start3A_118 = arith.constant 0 : i32
    %dma_start3A_119 = tpu.memref_slice %arg11[%add3A_112, %dma_start3A_118] : memref<10240x128xf32, #tpu.memory_space<vmem_shared>> -> memref<64x128xf32, #tpu.memory_space<vmem_shared>>
    %dma_start3A_120 = arith.constant 0 : i32
    %dma_start3A_121 = tpu.memref_slice %arg11[%add3A_112, %dma_start3A_120] : memref<10240x128xf32, #tpu.memory_space<vmem_shared>> -> memref<64x128xf32, #tpu.memory_space<vmem_shared>>
    %dma_start3A_122 = arith.constant 0 : i32
    %dma_start3A_123 = arith.constant 0 : i32
    %dma_start3A_124 = tpu.memref_slice %arg10[%dma_start3A_113, %dma_start3A_122, %dma_start3A_123] : memref<4x64x128xf32, #tpu.memory_space<vmem>> -> memref<1x64x128xf32, #tpu.memory_space<vmem>>
    %dma_start3A_125 = tpu.memref_squeeze %dma_start3A_124 : memref<1x64x128xf32, #tpu.memory_space<vmem>> -> memref<64x128xf32, #tpu.memory_space<vmem>>
    tpu.enqueue_dma source(%dma_start3A_125 : memref<64x128xf32, #tpu.memory_space<vmem>>) target(%dma_start3A_121 : memref<64x128xf32, #tpu.memory_space<vmem_shared>>) target_semaphore(%arg16 : memref<!tpu.dma_semaphore, #tpu.memory_space<semaphore_mem>>)
    %mul3A_126 = arith.constant 640 : i32
    %mul3A_127 = arith.muli %arg1, %mul3A_126 : i32
    %add3A_128 = arith.constant 448 : i32
    %add3A_129 = arith.addi %mul3A_127, %add3A_128 : i32
    %dma_start3A_130 = arith.constant 0 : i32
    %dma_start3A_131 = arith.constant 0 : i32
    %dma_start3A_132 = arith.constant 0 : i32
    %dma_start3A_133 = tpu.memref_slice %arg10[%dma_start3A_130, %dma_start3A_131, %dma_start3A_132] : memref<4x64x128xf32, #tpu.memory_space<vmem>> -> memref<1x64x128xf32, #tpu.memory_space<vmem>>
    %dma_start3A_134 = tpu.memref_squeeze %dma_start3A_133 : memref<1x64x128xf32, #tpu.memory_space<vmem>> -> memref<64x128xf32, #tpu.memory_space<vmem>>
    %dma_start3A_135 = arith.constant 0 : i32
    %dma_start3A_136 = tpu.memref_slice %arg11[%add3A_129, %dma_start3A_135] : memref<10240x128xf32, #tpu.memory_space<vmem_shared>> -> memref<64x128xf32, #tpu.memory_space<vmem_shared>>
    %dma_start3A_137 = arith.constant 0 : i32
    %dma_start3A_138 = tpu.memref_slice %arg11[%add3A_129, %dma_start3A_137] : memref<10240x128xf32, #tpu.memory_space<vmem_shared>> -> memref<64x128xf32, #tpu.memory_space<vmem_shared>>
    %dma_start3A_139 = arith.constant 0 : i32
    %dma_start3A_140 = arith.constant 0 : i32
    %dma_start3A_141 = tpu.memref_slice %arg10[%dma_start3A_130, %dma_start3A_139, %dma_start3A_140] : memref<4x64x128xf32, #tpu.memory_space<vmem>> -> memref<1x64x128xf32, #tpu.memory_space<vmem>>
    %dma_start3A_142 = tpu.memref_squeeze %dma_start3A_141 : memref<1x64x128xf32, #tpu.memory_space<vmem>> -> memref<64x128xf32, #tpu.memory_space<vmem>>
    tpu.enqueue_dma source(%dma_start3A_142 : memref<64x128xf32, #tpu.memory_space<vmem>>) target(%dma_start3A_138 : memref<64x128xf32, #tpu.memory_space<vmem_shared>>) target_semaphore(%arg17 : memref<!tpu.dma_semaphore, #tpu.memory_space<semaphore_mem>>)
    %mul3A_143 = arith.constant 640 : i32
    %mul3A_144 = arith.muli %arg1, %mul3A_143 : i32
    %add3A_145 = arith.constant 512 : i32
    %add3A_146 = arith.addi %mul3A_144, %add3A_145 : i32
    %dma_start3A_147 = arith.constant 0 : i32
    %dma_start3A_148 = arith.constant 0 : i32
    %dma_start3A_149 = arith.constant 0 : i32
    %dma_start3A_150 = tpu.memref_slice %arg10[%dma_start3A_147, %dma_start3A_148, %dma_start3A_149] : memref<4x64x128xf32, #tpu.memory_space<vmem>> -> memref<1x64x128xf32, #tpu.memory_space<vmem>>
    %dma_start3A_151 = tpu.memref_squeeze %dma_start3A_150 : memref<1x64x128xf32, #tpu.memory_space<vmem>> -> memref<64x128xf32, #tpu.memory_space<vmem>>
    %dma_start3A_152 = arith.constant 0 : i32
    %dma_start3A_153 = tpu.memref_slice %arg11[%add3A_146, %dma_start3A_152] : memref<10240x128xf32, #tpu.memory_space<vmem_shared>> -> memref<64x128xf32, #tpu.memory_space<vmem_shared>>
    %dma_start3A_154 = arith.constant 0 : i32
    %dma_start3A_155 = tpu.memref_slice %arg11[%add3A_146, %dma_start3A_154] : memref<10240x128xf32, #tpu.memory_space<vmem_shared>> -> memref<64x128xf32, #tpu.memory_space<vmem_shared>>
    %dma_start3A_156 = arith.constant 0 : i32
    %dma_start3A_157 = arith.constant 0 : i32
    %dma_start3A_158 = tpu.memref_slice %arg10[%dma_start3A_147, %dma_start3A_156, %dma_start3A_157] : memref<4x64x128xf32, #tpu.memory_space<vmem>> -> memref<1x64x128xf32, #tpu.memory_space<vmem>>
    %dma_start3A_159 = tpu.memref_squeeze %dma_start3A_158 : memref<1x64x128xf32, #tpu.memory_space<vmem>> -> memref<64x128xf32, #tpu.memory_space<vmem>>
    tpu.enqueue_dma source(%dma_start3A_159 : memref<64x128xf32, #tpu.memory_space<vmem>>) target(%dma_start3A_155 : memref<64x128xf32, #tpu.memory_space<vmem_shared>>) target_semaphore(%arg14 : memref<!tpu.dma_semaphore, #tpu.memory_space<semaphore_mem>>)
    %mul3A_160 = arith.constant 640 : i32
    %mul3A_161 = arith.muli %arg1, %mul3A_160 : i32
    %add3A_162 = arith.constant 576 : i32
    %add3A_163 = arith.addi %mul3A_161, %add3A_162 : i32
    %dma_start3A_164 = arith.constant 0 : i32
    %dma_start3A_165 = arith.constant 0 : i32
    %dma_start3A_166 = arith.constant 0 : i32
    %dma_start3A_167 = tpu.memref_slice %arg10[%dma_start3A_164, %dma_start3A_165, %dma_start3A_166] : memref<4x64x128xf32, #tpu.memory_space<vmem>> -> memref<1x64x128xf32, #tpu.memory_space<vmem>>
    %dma_start3A_168 = tpu.memref_squeeze %dma_start3A_167 : memref<1x64x128xf32, #tpu.memory_space<vmem>> -> memref<64x128xf32, #tpu.memory_space<vmem>>
    %dma_start3A_169 = arith.constant 0 : i32
    %dma_start3A_170 = tpu.memref_slice %arg11[%add3A_163, %dma_start3A_169] : memref<10240x128xf32, #tpu.memory_space<vmem_shared>> -> memref<64x128xf32, #tpu.memory_space<vmem_shared>>
    %dma_start3A_171 = arith.constant 0 : i32
    %dma_start3A_172 = tpu.memref_slice %arg11[%add3A_163, %dma_start3A_171] : memref<10240x128xf32, #tpu.memory_space<vmem_shared>> -> memref<64x128xf32, #tpu.memory_space<vmem_shared>>
    %dma_start3A_173 = arith.constant 0 : i32
    %dma_start3A_174 = arith.constant 0 : i32
    %dma_start3A_175 = tpu.memref_slice %arg10[%dma_start3A_164, %dma_start3A_173, %dma_start3A_174] : memref<4x64x128xf32, #tpu.memory_space<vmem>> -> memref<1x64x128xf32, #tpu.memory_space<vmem>>
    %dma_start3A_176 = tpu.memref_squeeze %dma_start3A_175 : memref<1x64x128xf32, #tpu.memory_space<vmem>> -> memref<64x128xf32, #tpu.memory_space<vmem>>
    tpu.enqueue_dma source(%dma_start3A_176 : memref<64x128xf32, #tpu.memory_space<vmem>>) target(%dma_start3A_172 : memref<64x128xf32, #tpu.memory_space<vmem_shared>>) target_semaphore(%arg15 : memref<!tpu.dma_semaphore, #tpu.memory_space<semaphore_mem>>)
    %dma_wait3A = arith.constant 0 : i32
    %dma_wait3A_177 = arith.constant 0 : i32
    %dma_wait3A_178 = arith.constant 0 : i32
    %dma_wait3A_179 = tpu.memref_slice %arg10[%dma_wait3A, %dma_wait3A_177, %dma_wait3A_178] : memref<4x64x128xf32, #tpu.memory_space<vmem>> -> memref<1x64x128xf32, #tpu.memory_space<vmem>>
    %dma_wait3A_180 = tpu.memref_squeeze %dma_wait3A_179 : memref<1x64x128xf32, #tpu.memory_space<vmem>> -> memref<64x128xf32, #tpu.memory_space<vmem>>
    %dma_wait3A_181 = arith.constant 0 : i32
    %dma_wait3A_182 = tpu.memref_slice %arg11[%add3A_11, %dma_wait3A_181] : memref<10240x128xf32, #tpu.memory_space<vmem_shared>> -> memref<64x128xf32, #tpu.memory_space<vmem_shared>>
    %dma_wait3A_183 = arith.constant 0 : i32
    %dma_wait3A_184 = tpu.memref_slice %arg11[%add3A_11, %dma_wait3A_183] : memref<10240x128xf32, #tpu.memory_space<vmem_shared>> -> memref<64x128xf32, #tpu.memory_space<vmem_shared>>
    %dma_wait3A_185 = arith.constant 0 : i32
    %dma_wait3A_186 = arith.constant 0 : i32
    %dma_wait3A_187 = tpu.memref_slice %arg10[%dma_wait3A, %dma_wait3A_185, %dma_wait3A_186] : memref<4x64x128xf32, #tpu.memory_space<vmem>> -> memref<1x64x128xf32, #tpu.memory_space<vmem>>
    %dma_wait3A_188 = tpu.memref_squeeze %dma_wait3A_187 : memref<1x64x128xf32, #tpu.memory_space<vmem>> -> memref<64x128xf32, #tpu.memory_space<vmem>>
    tpu.wait_dma2 semaphore(%arg14 : memref<!tpu.dma_semaphore, #tpu.memory_space<semaphore_mem>>) src(%dma_wait3A_188 : memref<64x128xf32, #tpu.memory_space<vmem>>) dst(%dma_wait3A_184 : memref<64x128xf32, #tpu.memory_space<vmem_shared>>)
    %dma_wait3A_189 = arith.constant 0 : i32
    %dma_wait3A_190 = arith.constant 0 : i32
    %dma_wait3A_191 = arith.constant 0 : i32
    %dma_wait3A_192 = tpu.memref_slice %arg10[%dma_wait3A_189, %dma_wait3A_190, %dma_wait3A_191] : memref<4x64x128xf32, #tpu.memory_space<vmem>> -> memref<1x64x128xf32, #tpu.memory_space<vmem>>
    %dma_wait3A_193 = tpu.memref_squeeze %dma_wait3A_192 : memref<1x64x128xf32, #tpu.memory_space<vmem>> -> memref<64x128xf32, #tpu.memory_space<vmem>>
    %dma_wait3A_194 = arith.constant 0 : i32
    %dma_wait3A_195 = tpu.memref_slice %arg11[%add3A_27, %dma_wait3A_194] : memref<10240x128xf32, #tpu.memory_space<vmem_shared>> -> memref<64x128xf32, #tpu.memory_space<vmem_shared>>
    %dma_wait3A_196 = arith.constant 0 : i32
    %dma_wait3A_197 = tpu.memref_slice %arg11[%add3A_27, %dma_wait3A_196] : memref<10240x128xf32, #tpu.memory_space<vmem_shared>> -> memref<64x128xf32, #tpu.memory_space<vmem_shared>>
    %dma_wait3A_198 = arith.constant 0 : i32
    %dma_wait3A_199 = arith.constant 0 : i32
    %dma_wait3A_200 = tpu.memref_slice %arg10[%dma_wait3A_189, %dma_wait3A_198, %dma_wait3A_199] : memref<4x64x128xf32, #tpu.memory_space<vmem>> -> memref<1x64x128xf32, #tpu.memory_space<vmem>>
    %dma_wait3A_201 = tpu.memref_squeeze %dma_wait3A_200 : memref<1x64x128xf32, #tpu.memory_space<vmem>> -> memref<64x128xf32, #tpu.memory_space<vmem>>
    tpu.wait_dma2 semaphore(%arg15 : memref<!tpu.dma_semaphore, #tpu.memory_space<semaphore_mem>>) src(%dma_wait3A_201 : memref<64x128xf32, #tpu.memory_space<vmem>>) dst(%dma_wait3A_197 : memref<64x128xf32, #tpu.memory_space<vmem_shared>>)
    %dma_wait3A_202 = arith.constant 0 : i32
    %dma_wait3A_203 = arith.constant 0 : i32
    %dma_wait3A_204 = arith.constant 0 : i32
    %dma_wait3A_205 = tpu.memref_slice %arg10[%dma_wait3A_202, %dma_wait3A_203, %dma_wait3A_204] : memref<4x64x128xf32, #tpu.memory_space<vmem>> -> memref<1x64x128xf32, #tpu.memory_space<vmem>>
    %dma_wait3A_206 = tpu.memref_squeeze %dma_wait3A_205 : memref<1x64x128xf32, #tpu.memory_space<vmem>> -> memref<64x128xf32, #tpu.memory_space<vmem>>
    %dma_wait3A_207 = arith.constant 0 : i32
    %dma_wait3A_208 = tpu.memref_slice %arg11[%add3A_44, %dma_wait3A_207] : memref<10240x128xf32, #tpu.memory_space<vmem_shared>> -> memref<64x128xf32, #tpu.memory_space<vmem_shared>>
    %dma_wait3A_209 = arith.constant 0 : i32
    %dma_wait3A_210 = tpu.memref_slice %arg11[%add3A_44, %dma_wait3A_209] : memref<10240x128xf32, #tpu.memory_space<vmem_shared>> -> memref<64x128xf32, #tpu.memory_space<vmem_shared>>
    %dma_wait3A_211 = arith.constant 0 : i32
    %dma_wait3A_212 = arith.constant 0 : i32
    %dma_wait3A_213 = tpu.memref_slice %arg10[%dma_wait3A_202, %dma_wait3A_211, %dma_wait3A_212] : memref<4x64x128xf32, #tpu.memory_space<vmem>> -> memref<1x64x128xf32, #tpu.memory_space<vmem>>
    %dma_wait3A_214 = tpu.memref_squeeze %dma_wait3A_213 : memref<1x64x128xf32, #tpu.memory_space<vmem>> -> memref<64x128xf32, #tpu.memory_space<vmem>>
    tpu.wait_dma2 semaphore(%arg16 : memref<!tpu.dma_semaphore, #tpu.memory_space<semaphore_mem>>) src(%dma_wait3A_214 : memref<64x128xf32, #tpu.memory_space<vmem>>) dst(%dma_wait3A_210 : memref<64x128xf32, #tpu.memory_space<vmem_shared>>)
    %dma_wait3A_215 = arith.constant 0 : i32
    %dma_wait3A_216 = arith.constant 0 : i32
    %dma_wait3A_217 = arith.constant 0 : i32
    %dma_wait3A_218 = tpu.memref_slice %arg10[%dma_wait3A_215, %dma_wait3A_216, %dma_wait3A_217] : memref<4x64x128xf32, #tpu.memory_space<vmem>> -> memref<1x64x128xf32, #tpu.memory_space<vmem>>
    %dma_wait3A_219 = tpu.memref_squeeze %dma_wait3A_218 : memref<1x64x128xf32, #tpu.memory_space<vmem>> -> memref<64x128xf32, #tpu.memory_space<vmem>>
    %dma_wait3A_220 = arith.constant 0 : i32
    %dma_wait3A_221 = tpu.memref_slice %arg11[%add3A_61, %dma_wait3A_220] : memref<10240x128xf32, #tpu.memory_space<vmem_shared>> -> memref<64x128xf32, #tpu.memory_space<vmem_shared>>
    %dma_wait3A_222 = arith.constant 0 : i32
    %dma_wait3A_223 = tpu.memref_slice %arg11[%add3A_61, %dma_wait3A_222] : memref<10240x128xf32, #tpu.memory_space<vmem_shared>> -> memref<64x128xf32, #tpu.memory_space<vmem_shared>>
    %dma_wait3A_224 = arith.constant 0 : i32
    %dma_wait3A_225 = arith.constant 0 : i32
    %dma_wait3A_226 = tpu.memref_slice %arg10[%dma_wait3A_215, %dma_wait3A_224, %dma_wait3A_225] : memref<4x64x128xf32, #tpu.memory_space<vmem>> -> memref<1x64x128xf32, #tpu.memory_space<vmem>>
    %dma_wait3A_227 = tpu.memref_squeeze %dma_wait3A_226 : memref<1x64x128xf32, #tpu.memory_space<vmem>> -> memref<64x128xf32, #tpu.memory_space<vmem>>
    tpu.wait_dma2 semaphore(%arg17 : memref<!tpu.dma_semaphore, #tpu.memory_space<semaphore_mem>>) src(%dma_wait3A_227 : memref<64x128xf32, #tpu.memory_space<vmem>>) dst(%dma_wait3A_223 : memref<64x128xf32, #tpu.memory_space<vmem_shared>>)
    %dma_wait3A_228 = arith.constant 0 : i32
    %dma_wait3A_229 = arith.constant 0 : i32
    %dma_wait3A_230 = arith.constant 0 : i32
    %dma_wait3A_231 = tpu.memref_slice %arg10[%dma_wait3A_228, %dma_wait3A_229, %dma_wait3A_230] : memref<4x64x128xf32, #tpu.memory_space<vmem>> -> memref<1x64x128xf32, #tpu.memory_space<vmem>>
    %dma_wait3A_232 = tpu.memref_squeeze %dma_wait3A_231 : memref<1x64x128xf32, #tpu.memory_space<vmem>> -> memref<64x128xf32, #tpu.memory_space<vmem>>
    %dma_wait3A_233 = arith.constant 0 : i32
    %dma_wait3A_234 = tpu.memref_slice %arg11[%add3A_78, %dma_wait3A_233] : memref<10240x128xf32, #tpu.memory_space<vmem_shared>> -> memref<64x128xf32, #tpu.memory_space<vmem_shared>>
    %dma_wait3A_235 = arith.constant 0 : i32
    %dma_wait3A_236 = tpu.memref_slice %arg11[%add3A_78, %dma_wait3A_235] : memref<10240x128xf32, #tpu.memory_space<vmem_shared>> -> memref<64x128xf32, #tpu.memory_space<vmem_shared>>
    %dma_wait3A_237 = arith.constant 0 : i32
    %dma_wait3A_238 = arith.constant 0 : i32
    %dma_wait3A_239 = tpu.memref_slice %arg10[%dma_wait3A_228, %dma_wait3A_237, %dma_wait3A_238] : memref<4x64x128xf32, #tpu.memory_space<vmem>> -> memref<1x64x128xf32, #tpu.memory_space<vmem>>
    %dma_wait3A_240 = tpu.memref_squeeze %dma_wait3A_239 : memref<1x64x128xf32, #tpu.memory_space<vmem>> -> memref<64x128xf32, #tpu.memory_space<vmem>>
    tpu.wait_dma2 semaphore(%arg14 : memref<!tpu.dma_semaphore, #tpu.memory_space<semaphore_mem>>) src(%dma_wait3A_240 : memref<64x128xf32, #tpu.memory_space<vmem>>) dst(%dma_wait3A_236 : memref<64x128xf32, #tpu.memory_space<vmem_shared>>)
    %dma_wait3A_241 = arith.constant 0 : i32
    %dma_wait3A_242 = arith.constant 0 : i32
    %dma_wait3A_243 = arith.constant 0 : i32
    %dma_wait3A_244 = tpu.memref_slice %arg10[%dma_wait3A_241, %dma_wait3A_242, %dma_wait3A_243] : memref<4x64x128xf32, #tpu.memory_space<vmem>> -> memref<1x64x128xf32, #tpu.memory_space<vmem>>
    %dma_wait3A_245 = tpu.memref_squeeze %dma_wait3A_244 : memref<1x64x128xf32, #tpu.memory_space<vmem>> -> memref<64x128xf32, #tpu.memory_space<vmem>>
    %dma_wait3A_246 = arith.constant 0 : i32
    %dma_wait3A_247 = tpu.memref_slice %arg11[%add3A_95, %dma_wait3A_246] : memref<10240x128xf32, #tpu.memory_space<vmem_shared>> -> memref<64x128xf32, #tpu.memory_space<vmem_shared>>
    %dma_wait3A_248 = arith.constant 0 : i32
    %dma_wait3A_249 = tpu.memref_slice %arg11[%add3A_95, %dma_wait3A_248] : memref<10240x128xf32, #tpu.memory_space<vmem_shared>> -> memref<64x128xf32, #tpu.memory_space<vmem_shared>>
    %dma_wait3A_250 = arith.constant 0 : i32
    %dma_wait3A_251 = arith.constant 0 : i32
    %dma_wait3A_252 = tpu.memref_slice %arg10[%dma_wait3A_241, %dma_wait3A_250, %dma_wait3A_251] : memref<4x64x128xf32, #tpu.memory_space<vmem>> -> memref<1x64x128xf32, #tpu.memory_space<vmem>>
    %dma_wait3A_253 = tpu.memref_squeeze %dma_wait3A_252 : memref<1x64x128xf32, #tpu.memory_space<vmem>> -> memref<64x128xf32, #tpu.memory_space<vmem>>
    tpu.wait_dma2 semaphore(%arg15 : memref<!tpu.dma_semaphore, #tpu.memory_space<semaphore_mem>>) src(%dma_wait3A_253 : memref<64x128xf32, #tpu.memory_space<vmem>>) dst(%dma_wait3A_249 : memref<64x128xf32, #tpu.memory_space<vmem_shared>>)
    %dma_wait3A_254 = arith.constant 0 : i32
    %dma_wait3A_255 = arith.constant 0 : i32
    %dma_wait3A_256 = arith.constant 0 : i32
    %dma_wait3A_257 = tpu.memref_slice %arg10[%dma_wait3A_254, %dma_wait3A_255, %dma_wait3A_256] : memref<4x64x128xf32, #tpu.memory_space<vmem>> -> memref<1x64x128xf32, #tpu.memory_space<vmem>>
    %dma_wait3A_258 = tpu.memref_squeeze %dma_wait3A_257 : memref<1x64x128xf32, #tpu.memory_space<vmem>> -> memref<64x128xf32, #tpu.memory_space<vmem>>
    %dma_wait3A_259 = arith.constant 0 : i32
    %dma_wait3A_260 = tpu.memref_slice %arg11[%add3A_112, %dma_wait3A_259] : memref<10240x128xf32, #tpu.memory_space<vmem_shared>> -> memref<64x128xf32, #tpu.memory_space<vmem_shared>>
    %dma_wait3A_261 = arith.constant 0 : i32
    %dma_wait3A_262 = tpu.memref_slice %arg11[%add3A_112, %dma_wait3A_261] : memref<10240x128xf32, #tpu.memory_space<vmem_shared>> -> memref<64x128xf32, #tpu.memory_space<vmem_shared>>
    %dma_wait3A_263 = arith.constant 0 : i32
    %dma_wait3A_264 = arith.constant 0 : i32
    %dma_wait3A_265 = tpu.memref_slice %arg10[%dma_wait3A_254, %dma_wait3A_263, %dma_wait3A_264] : memref<4x64x128xf32, #tpu.memory_space<vmem>> -> memref<1x64x128xf32, #tpu.memory_space<vmem>>
    %dma_wait3A_266 = tpu.memref_squeeze %dma_wait3A_265 : memref<1x64x128xf32, #tpu.memory_space<vmem>> -> memref<64x128xf32, #tpu.memory_space<vmem>>
    tpu.wait_dma2 semaphore(%arg16 : memref<!tpu.dma_semaphore, #tpu.memory_space<semaphore_mem>>) src(%dma_wait3A_266 : memref<64x128xf32, #tpu.memory_space<vmem>>) dst(%dma_wait3A_262 : memref<64x128xf32, #tpu.memory_space<vmem_shared>>)
    %dma_wait3A_267 = arith.constant 0 : i32
    %dma_wait3A_268 = arith.constant 0 : i32
    %dma_wait3A_269 = arith.constant 0 : i32
    %dma_wait3A_270 = tpu.memref_slice %arg10[%dma_wait3A_267, %dma_wait3A_268, %dma_wait3A_269] : memref<4x64x128xf32, #tpu.memory_space<vmem>> -> memref<1x64x128xf32, #tpu.memory_space<vmem>>
    %dma_wait3A_271 = tpu.memref_squeeze %dma_wait3A_270 : memref<1x64x128xf32, #tpu.memory_space<vmem>> -> memref<64x128xf32, #tpu.memory_space<vmem>>
    %dma_wait3A_272 = arith.constant 0 : i32
    %dma_wait3A_273 = tpu.memref_slice %arg11[%add3A_129, %dma_wait3A_272] : memref<10240x128xf32, #tpu.memory_space<vmem_shared>> -> memref<64x128xf32, #tpu.memory_space<vmem_shared>>
    %dma_wait3A_274 = arith.constant 0 : i32
    %dma_wait3A_275 = tpu.memref_slice %arg11[%add3A_129, %dma_wait3A_274] : memref<10240x128xf32, #tpu.memory_space<vmem_shared>> -> memref<64x128xf32, #tpu.memory_space<vmem_shared>>
    %dma_wait3A_276 = arith.constant 0 : i32
    %dma_wait3A_277 = arith.constant 0 : i32
    %dma_wait3A_278 = tpu.memref_slice %arg10[%dma_wait3A_267, %dma_wait3A_276, %dma_wait3A_277] : memref<4x64x128xf32, #tpu.memory_space<vmem>> -> memref<1x64x128xf32, #tpu.memory_space<vmem>>
    %dma_wait3A_279 = tpu.memref_squeeze %dma_wait3A_278 : memref<1x64x128xf32, #tpu.memory_space<vmem>> -> memref<64x128xf32, #tpu.memory_space<vmem>>
    tpu.wait_dma2 semaphore(%arg17 : memref<!tpu.dma_semaphore, #tpu.memory_space<semaphore_mem>>) src(%dma_wait3A_279 : memref<64x128xf32, #tpu.memory_space<vmem>>) dst(%dma_wait3A_275 : memref<64x128xf32, #tpu.memory_space<vmem_shared>>)
    %dma_wait3A_280 = arith.constant 0 : i32
    %dma_wait3A_281 = arith.constant 0 : i32
    %dma_wait3A_282 = arith.constant 0 : i32
    %dma_wait3A_283 = tpu.memref_slice %arg10[%dma_wait3A_280, %dma_wait3A_281, %dma_wait3A_282] : memref<4x64x128xf32, #tpu.memory_space<vmem>> -> memref<1x64x128xf32, #tpu.memory_space<vmem>>
    %dma_wait3A_284 = tpu.memref_squeeze %dma_wait3A_283 : memref<1x64x128xf32, #tpu.memory_space<vmem>> -> memref<64x128xf32, #tpu.memory_space<vmem>>
    %dma_wait3A_285 = arith.constant 0 : i32
    %dma_wait3A_286 = tpu.memref_slice %arg11[%add3A_146, %dma_wait3A_285] : memref<10240x128xf32, #tpu.memory_space<vmem_shared>> -> memref<64x128xf32, #tpu.memory_space<vmem_shared>>
    %dma_wait3A_287 = arith.constant 0 : i32
    %dma_wait3A_288 = tpu.memref_slice %arg11[%add3A_146, %dma_wait3A_287] : memref<10240x128xf32, #tpu.memory_space<vmem_shared>> -> memref<64x128xf32, #tpu.memory_space<vmem_shared>>
    %dma_wait3A_289 = arith.constant 0 : i32
    %dma_wait3A_290 = arith.constant 0 : i32
    %dma_wait3A_291 = tpu.memref_slice %arg10[%dma_wait3A_280, %dma_wait3A_289, %dma_wait3A_290] : memref<4x64x128xf32, #tpu.memory_space<vmem>> -> memref<1x64x128xf32, #tpu.memory_space<vmem>>
    %dma_wait3A_292 = tpu.memref_squeeze %dma_wait3A_291 : memref<1x64x128xf32, #tpu.memory_space<vmem>> -> memref<64x128xf32, #tpu.memory_space<vmem>>
    tpu.wait_dma2 semaphore(%arg14 : memref<!tpu.dma_semaphore, #tpu.memory_space<semaphore_mem>>) src(%dma_wait3A_292 : memref<64x128xf32, #tpu.memory_space<vmem>>) dst(%dma_wait3A_288 : memref<64x128xf32, #tpu.memory_space<vmem_shared>>)
    %dma_wait3A_293 = arith.constant 0 : i32
    %dma_wait3A_294 = arith.constant 0 : i32
    %dma_wait3A_295 = arith.constant 0 : i32
    %dma_wait3A_296 = tpu.memref_slice %arg10[%dma_wait3A_293, %dma_wait3A_294, %dma_wait3A_295] : memref<4x64x128xf32, #tpu.memory_space<vmem>> -> memref<1x64x128xf32, #tpu.memory_space<vmem>>
    %dma_wait3A_297 = tpu.memref_squeeze %dma_wait3A_296 : memref<1x64x128xf32, #tpu.memory_space<vmem>> -> memref<64x128xf32, #tpu.memory_space<vmem>>
    %dma_wait3A_298 = arith.constant 0 : i32
    %dma_wait3A_299 = tpu.memref_slice %arg11[%add3A_163, %dma_wait3A_298] : memref<10240x128xf32, #tpu.memory_space<vmem_shared>> -> memref<64x128xf32, #tpu.memory_space<vmem_shared>>
    %dma_wait3A_300 = arith.constant 0 : i32
    %dma_wait3A_301 = tpu.memref_slice %arg11[%add3A_163, %dma_wait3A_300] : memref<10240x128xf32, #tpu.memory_space<vmem_shared>> -> memref<64x128xf32, #tpu.memory_space<vmem_shared>>
    %dma_wait3A_302 = arith.constant 0 : i32
    %dma_wait3A_303 = arith.constant 0 : i32
    %dma_wait3A_304 = tpu.memref_slice %arg10[%dma_wait3A_293, %dma_wait3A_302, %dma_wait3A_303] : memref<4x64x128xf32, #tpu.memory_space<vmem>> -> memref<1x64x128xf32, #tpu.memory_space<vmem>>
    %dma_wait3A_305 = tpu.memref_squeeze %dma_wait3A_304 : memref<1x64x128xf32, #tpu.memory_space<vmem>> -> memref<64x128xf32, #tpu.memory_space<vmem>>
    tpu.wait_dma2 semaphore(%arg15 : memref<!tpu.dma_semaphore, #tpu.memory_space<semaphore_mem>>) src(%dma_wait3A_305 : memref<64x128xf32, #tpu.memory_space<vmem>>) dst(%dma_wait3A_301 : memref<64x128xf32, #tpu.memory_space<vmem_shared>>)
    %iota3A = tpu.iota {dimensions = array<i32: 0>} : vector<16xi32>
    %add3A_306 = arith.constant 10000 : i32
    %add3A_307 = vector.broadcast %add3A_306 : i32 to vector<16xi32>
    %add3A_308 = arith.addi %iota3A, %add3A_307 : vector<16xi32>
    %swap3A = arith.constant 0 : i32
    %swap3A_309 = arith.index_cast %swap3A : i32 to index
    %swap3A_310 = arith.constant 0 : index
    %swap3A_311 = tpu.vector_load %arg9[%swap3A_309, %swap3A_310] {strides = array<i32>} : memref<4x64xi32, #tpu.memory_space<vmem>>, vector<1x16xi32>,
    %swap3A_312 = vector.shape_cast %swap3A_311 : vector<1x16xi32> to vector<16xi32>
    %swap3A_313 = vector.shape_cast %add3A_308 : vector<16xi32> to vector<1x16xi32>
    tpu.vector_store %arg9[%swap3A_309, %swap3A_310], %swap3A_313 {strides = array<i32>} : memref<4x64xi32, #tpu.memory_space<vmem>>, vector<1x16xi32>,
    %add3A_314 = arith.constant 10016 : i32
    %add3A_315 = vector.broadcast %add3A_314 : i32 to vector<16xi32>
    %add3A_316 = arith.addi %iota3A, %add3A_315 : vector<16xi32>
    %swap3A_317 = arith.constant 0 : i32
    %swap3A_318 = arith.index_cast %swap3A_317 : i32 to index
    %swap3A_319 = arith.constant 16 : index
    %swap3A_320 = tpu.vector_load %arg9[%swap3A_318, %swap3A_319] {strides = array<i32>} : memref<4x64xi32, #tpu.memory_space<vmem>>, vector<1x16xi32>,
    %swap3A_321 = vector.shape_cast %swap3A_320 : vector<1x16xi32> to vector<16xi32>
    %swap3A_322 = vector.shape_cast %add3A_316 : vector<16xi32> to vector<1x16xi32>
    tpu.vector_store %arg9[%swap3A_318, %swap3A_319], %swap3A_322 {strides = array<i32>} : memref<4x64xi32, #tpu.memory_space<vmem>>, vector<1x16xi32>,
    %add3A_323 = arith.constant 10032 : i32
    %add3A_324 = vector.broadcast %add3A_323 : i32 to vector<16xi32>
    %add3A_325 = arith.addi %iota3A, %add3A_324 : vector<16xi32>
    %swap3A_326 = arith.constant 0 : i32
    %swap3A_327 = arith.index_cast %swap3A_326 : i32 to index
    %swap3A_328 = arith.constant 32 : index
    %swap3A_329 = tpu.vector_load %arg9[%swap3A_327, %swap3A_328] {strides = array<i32>} : memref<4x64xi32, #tpu.memory_space<vmem>>, vector<1x16xi32>,
    %swap3A_330 = vector.shape_cast %swap3A_329 : vector<1x16xi32> to vector<16xi32>
    %swap3A_331 = vector.shape_cast %add3A_325 : vector<16xi32> to vector<1x16xi32>
    tpu.vector_store %arg9[%swap3A_327, %swap3A_328], %swap3A_331 {strides = array<i32>} : memref<4x64xi32, #tpu.memory_space<vmem>>, vector<1x16xi32>,
    %add3A_332 = arith.constant 10048 : i32
    %add3A_333 = vector.broadcast %add3A_332 : i32 to vector<16xi32>
    %add3A_334 = arith.addi %iota3A, %add3A_333 : vector<16xi32>
    %swap3A_335 = arith.constant 0 : i32
    %swap3A_336 = arith.index_cast %swap3A_335 : i32 to index
    %swap3A_337 = arith.constant 48 : index
    %swap3A_338 = tpu.vector_load %arg9[%swap3A_336, %swap3A_337] {strides = array<i32>} : memref<4x64xi32, #tpu.memory_space<vmem>>, vector<1x16xi32>,
    %swap3A_339 = vector.shape_cast %swap3A_338 : vector<1x16xi32> to vector<16xi32>
    %swap3A_340 = vector.shape_cast %add3A_334 : vector<16xi32> to vector<1x16xi32>
    tpu.vector_store %arg9[%swap3A_336, %swap3A_337], %swap3A_340 {strides = array<i32>} : memref<4x64xi32, #tpu.memory_space<vmem>>, vector<1x16xi32>,
    %barrier3A = arith.constant 0 : index
    tpu.barrier barrier_id(%barrier3A)
    %dma_start3A_341 = arith.constant 0 : i32
    %dma_start3A_342 = arith.constant 0 : i32
    %dma_start3A_343 = arith.constant 0 : i32
    %dma_start3A_344 = arith.constant 0 : i32
    %dma_start3A_345 = tpu.memref_slice %arg10[%dma_start3A_341, %dma_start3A_343, %dma_start3A_344] : memref<4x64x128xf32, #tpu.memory_space<vmem>> -> memref<1x64x128xf32, #tpu.memory_space<vmem>>
    %dma_start3A_346 = tpu.memref_squeeze %dma_start3A_345 : memref<1x64x128xf32, #tpu.memory_space<vmem>> -> memref<64x128xf32, #tpu.memory_space<vmem>>
    %dma_start3A_347 = arith.constant 0 : i32
    %dma_start3A_348 = tpu.memref_slice %arg9[%dma_start3A_342, %dma_start3A_347] : memref<4x64xi32, #tpu.memory_space<vmem>> -> memref<1x64xi32, #tpu.memory_space<vmem>>
    %dma_start3A_349 = tpu.memref_squeeze %dma_start3A_348 : memref<1x64xi32, #tpu.memory_space<vmem>> -> memref<64xi32, #tpu.memory_space<vmem>>
    %dma_start3A_350 = arith.constant 0 : i32
    %dma_start3A_351 = arith.constant 0 : i32
    %dma_start3A_352 = tpu.memref_slice %arg11[%dma_start3A_350, %dma_start3A_351] : memref<10240x128xf32, #tpu.memory_space<vmem_shared>> -> memref<10240x128xf32, #tpu.memory_space<vmem_shared>>
    tpu.enqueue_indirect_dma source(%dma_start3A_346 : memref<64x128xf32, #tpu.memory_space<vmem>>) target(%dma_start3A_352 : memref<10240x128xf32, #tpu.memory_space<vmem_shared>>) offsets(%dma_start3A_349 : memref<64xi32, #tpu.memory_space<vmem>>) semaphore(%arg18 : memref<!tpu.dma_semaphore, #tpu.memory_space<semaphore_mem>>) {add = true}
    %dma_start3A_353 = arith.constant 1 : i32
    %dma_start3A_354 = arith.constant 0 : i32
    %dma_start3A_355 = arith.constant 0 : i32
    %dma_start3A_356 = arith.constant 0 : i32
    %dma_start3A_357 = tpu.memref_slice %arg10[%dma_start3A_353, %dma_start3A_355, %dma_start3A_356] : memref<4x64x128xf32, #tpu.memory_space<vmem>> -> memref<1x64x128xf32, #tpu.memory_space<vmem>>
    %dma_start3A_358 = tpu.memref_squeeze %dma_start3A_357 : memref<1x64x128xf32, #tpu.memory_space<vmem>> -> memref<64x128xf32, #tpu.memory_space<vmem>>
    %dma_start3A_359 = arith.constant 0 : i32
    %dma_start3A_360 = tpu.memref_slice %arg9[%dma_start3A_354, %dma_start3A_359] : memref<4x64xi32, #tpu.memory_space<vmem>> -> memref<1x64xi32, #tpu.memory_space<vmem>>
    %dma_start3A_361 = tpu.memref_squeeze %dma_start3A_360 : memref<1x64xi32, #tpu.memory_space<vmem>> -> memref<64xi32, #tpu.memory_space<vmem>>
    %dma_start3A_362 = arith.constant 0 : i32
    %dma_start3A_363 = arith.constant 0 : i32
    %dma_start3A_364 = tpu.memref_slice %arg11[%dma_start3A_362, %dma_start3A_363] : memref<10240x128xf32, #tpu.memory_space<vmem_shared>> -> memref<10240x128xf32, #tpu.memory_space<vmem_shared>>
    tpu.enqueue_indirect_dma source(%dma_start3A_358 : memref<64x128xf32, #tpu.memory_space<vmem>>) target(%dma_start3A_364 : memref<10240x128xf32, #tpu.memory_space<vmem_shared>>) offsets(%dma_start3A_361 : memref<64xi32, #tpu.memory_space<vmem>>) semaphore(%arg19 : memref<!tpu.dma_semaphore, #tpu.memory_space<semaphore_mem>>) {add = true}
    %dma_start3A_365 = arith.constant 2 : i32
    %dma_start3A_366 = arith.constant 0 : i32
    %dma_start3A_367 = arith.constant 0 : i32
    %dma_start3A_368 = arith.constant 0 : i32
    %dma_start3A_369 = tpu.memref_slice %arg10[%dma_start3A_365, %dma_start3A_367, %dma_start3A_368] : memref<4x64x128xf32, #tpu.memory_space<vmem>> -> memref<1x64x128xf32, #tpu.memory_space<vmem>>
    %dma_start3A_370 = tpu.memref_squeeze %dma_start3A_369 : memref<1x64x128xf32, #tpu.memory_space<vmem>> -> memref<64x128xf32, #tpu.memory_space<vmem>>
    %dma_start3A_371 = arith.constant 0 : i32
    %dma_start3A_372 = tpu.memref_slice %arg9[%dma_start3A_366, %dma_start3A_371] : memref<4x64xi32, #tpu.memory_space<vmem>> -> memref<1x64xi32, #tpu.memory_space<vmem>>
    %dma_start3A_373 = tpu.memref_squeeze %dma_start3A_372 : memref<1x64xi32, #tpu.memory_space<vmem>> -> memref<64xi32, #tpu.memory_space<vmem>>
    %dma_start3A_374 = arith.constant 0 : i32
    %dma_start3A_375 = arith.constant 0 : i32
    %dma_start3A_376 = tpu.memref_slice %arg11[%dma_start3A_374, %dma_start3A_375] : memref<10240x128xf32, #tpu.memory_space<vmem_shared>> -> memref<10240x128xf32, #tpu.memory_space<vmem_shared>>
    tpu.enqueue_indirect_dma source(%dma_start3A_370 : memref<64x128xf32, #tpu.memory_space<vmem>>) target(%dma_start3A_376 : memref<10240x128xf32, #tpu.memory_space<vmem_shared>>) offsets(%dma_start3A_373 : memref<64xi32, #tpu.memory_space<vmem>>) semaphore(%arg20 : memref<!tpu.dma_semaphore, #tpu.memory_space<semaphore_mem>>) {add = true}
    %dma_start3A_377 = arith.constant 3 : i32
    %dma_start3A_378 = arith.constant 0 : i32
    %dma_start3A_379 = arith.constant 0 : i32
    %dma_start3A_380 = arith.constant 0 : i32
    %dma_start3A_381 = tpu.memref_slice %arg10[%dma_start3A_377, %dma_start3A_379, %dma_start3A_380] : memref<4x64x128xf32, #tpu.memory_space<vmem>> -> memref<1x64x128xf32, #tpu.memory_space<vmem>>
    %dma_start3A_382 = tpu.memref_squeeze %dma_start3A_381 : memref<1x64x128xf32, #tpu.memory_space<vmem>> -> memref<64x128xf32, #tpu.memory_space<vmem>>
    %dma_start3A_383 = arith.constant 0 : i32
    %dma_start3A_384 = tpu.memref_slice %arg9[%dma_start3A_378, %dma_start3A_383] : memref<4x64xi32, #tpu.memory_space<vmem>> -> memref<1x64xi32, #tpu.memory_space<vmem>>
    %dma_start3A_385 = tpu.memref_squeeze %dma_start3A_384 : memref<1x64xi32, #tpu.memory_space<vmem>> -> memref<64xi32, #tpu.memory_space<vmem>>
    %dma_start3A_386 = arith.constant 0 : i32
    %dma_start3A_387 = arith.constant 0 : i32
    %dma_start3A_388 = tpu.memref_slice %arg11[%dma_start3A_386, %dma_start3A_387] : memref<10240x128xf32, #tpu.memory_space<vmem_shared>> -> memref<10240x128xf32, #tpu.memory_space<vmem_shared>>
    tpu.enqueue_indirect_dma source(%dma_start3A_382 : memref<64x128xf32, #tpu.memory_space<vmem>>) target(%dma_start3A_388 : memref<10240x128xf32, #tpu.memory_space<vmem_shared>>) offsets(%dma_start3A_385 : memref<64xi32, #tpu.memory_space<vmem>>) semaphore(%arg21 : memref<!tpu.dma_semaphore, #tpu.memory_space<semaphore_mem>>) {add = true}
    %mul3A_389 = arith.constant 160 : i32
    %mul3A_390 = arith.muli %add3A, %mul3A_389 : i32
    %dma_start3A_391 = arith.constant 0 : i32
    %dma_start3A_392 = tpu.memref_slice %arg3[%mul3A_390, %dma_start3A_391] : memref<5120x64xi32, #tpu.memory_space<hbm>> -> memref<4x64xi32, #tpu.memory_space<hbm>>
    %dma_start3A_393 = arith.constant 0 : i32
    %dma_start3A_394 = tpu.memref_slice %arg3[%mul3A_390, %dma_start3A_393] : memref<5120x64xi32, #tpu.memory_space<hbm>> -> memref<4x64xi32, #tpu.memory_space<hbm>>
    tpu.enqueue_dma source(%dma_start3A_394 : memref<4x64xi32, #tpu.memory_space<hbm>>) target(%arg6 : memref<4x64xi32, #tpu.memory_space<vmem>>) target_semaphore(%arg12 : memref<!tpu.dma_semaphore, #tpu.memory_space<semaphore_mem>>)
    %dma_start3A_395 = arith.constant 0 : i32
    %dma_start3A_396 = tpu.memref_slice %arg4[%mul3A_390, %dma_start3A_395] : memref<5120x64xi32, #tpu.memory_space<hbm>> -> memref<4x64xi32, #tpu.memory_space<hbm>>
    %dma_start3A_397 = arith.constant 0 : i32
    %dma_start3A_398 = tpu.memref_slice %arg4[%mul3A_390, %dma_start3A_397] : memref<5120x64xi32, #tpu.memory_space<hbm>> -> memref<4x64xi32, #tpu.memory_space<hbm>>
    tpu.enqueue_dma source(%dma_start3A_398 : memref<4x64xi32, #tpu.memory_space<hbm>>) target(%arg8 : memref<4x64xi32, #tpu.memory_space<vmem>>) target_semaphore(%arg12 : memref<!tpu.dma_semaphore, #tpu.memory_space<semaphore_mem>>)
    %dma_wait3A_399 = arith.constant 0 : i32
    %dma_wait3A_400 = tpu.memref_slice %arg3[%mul3A_390, %dma_wait3A_399] : memref<5120x64xi32, #tpu.memory_space<hbm>> -> memref<4x64xi32, #tpu.memory_space<hbm>>
    %dma_wait3A_401 = arith.constant 0 : i32
    %dma_wait3A_402 = tpu.memref_slice %arg3[%mul3A_390, %dma_wait3A_401] : memref<5120x64xi32, #tpu.memory_space<hbm>> -> memref<4x64xi32, #tpu.memory_space<hbm>>
    tpu.wait_dma2 semaphore(%arg12 : memref<!tpu.dma_semaphore, #tpu.memory_space<semaphore_mem>>) src(%dma_wait3A_402 : memref<4x64xi32, #tpu.memory_space<hbm>>) dst(%arg6 : memref<4x64xi32, #tpu.memory_space<vmem>>)
    %dma_wait3A_403 = arith.constant 0 : i32
    %dma_wait3A_404 = tpu.memref_slice %arg4[%mul3A_390, %dma_wait3A_403] : memref<5120x64xi32, #tpu.memory_space<hbm>> -> memref<4x64xi32, #tpu.memory_space<hbm>>
    %dma_wait3A_405 = arith.constant 0 : i32
    %dma_wait3A_406 = tpu.memref_slice %arg4[%mul3A_390, %dma_wait3A_405] : memref<5120x64xi32, #tpu.memory_space<hbm>> -> memref<4x64xi32, #tpu.memory_space<hbm>>
    tpu.wait_dma2 semaphore(%arg12 : memref<!tpu.dma_semaphore, #tpu.memory_space<semaphore_mem>>) src(%dma_wait3A_406 : memref<4x64xi32, #tpu.memory_space<hbm>>) dst(%arg8 : memref<4x64xi32, #tpu.memory_space<vmem>>)
    %scan3A_407 = arith.constant 0 : i32
    %scan3A_408 = arith.constant 0 : i32
    %scan3A_409 = arith.constant 20 : i32
    %scan3A_410 = arith.addi %scan3A_408, %scan3A_409 : i32
    %scan3A_411 = arith.constant 1 : i32
    %scan3A_412 = scf.for %scan3A_467 = %scan3A_408 to %scan3A_410 step %scan3A_411 iter_args(%scan3A_468 = %scan3A_407) -> (i32)  : i32 {
      %dma_wait3A_469 = arith.constant 0 : i32
      %dma_wait3A_470 = arith.constant 0 : i32
      %dma_wait3A_471 = arith.constant 0 : i32
      %dma_wait3A_472 = arith.constant 0 : i32
      %dma_wait3A_473 = tpu.memref_slice %arg10[%dma_wait3A_469, %dma_wait3A_471, %dma_wait3A_472] : memref<4x64x128xf32, #tpu.memory_space<vmem>> -> memref<1x64x128xf32, #tpu.memory_space<vmem>>
      %dma_wait3A_474 = tpu.memref_squeeze %dma_wait3A_473 : memref<1x64x128xf32, #tpu.memory_space<vmem>> -> memref<64x128xf32, #tpu.memory_space<vmem>>
      %dma_wait3A_475 = arith.constant 0 : i32
      %dma_wait3A_476 = tpu.memref_slice %arg9[%dma_wait3A_470, %dma_wait3A_475] : memref<4x64xi32, #tpu.memory_space<vmem>> -> memref<1x64xi32, #tpu.memory_space<vmem>>
      %dma_wait3A_477 = tpu.memref_squeeze %dma_wait3A_476 : memref<1x64xi32, #tpu.memory_space<vmem>> -> memref<64xi32, #tpu.memory_space<vmem>>
      %dma_wait3A_478 = arith.constant 0 : i32
      %dma_wait3A_479 = arith.constant 0 : i32
      %dma_wait3A_480 = tpu.memref_slice %arg11[%dma_wait3A_478, %dma_wait3A_479] : memref<10240x128xf32, #tpu.memory_space<vmem_shared>> -> memref<10240x128xf32, #tpu.memory_space<vmem_shared>>
      tpu.wait_indirect_dma semaphore(%arg18 : memref<!tpu.dma_semaphore, #tpu.memory_space<semaphore_mem>>) src(%dma_wait3A_474 : memref<64x128xf32, #tpu.memory_space<vmem>>) dst(%dma_wait3A_480 : memref<10240x128xf32, #tpu.memory_space<vmem_shared>>)
      %dma_start3A_481 = arith.constant 0 : i32
      %dma_start3A_482 = arith.constant 0 : i32
      %dma_start3A_483 = arith.constant 0 : i32
      %dma_start3A_484 = arith.constant 0 : i32
      %dma_start3A_485 = tpu.memref_slice %arg10[%dma_start3A_482, %dma_start3A_483, %dma_start3A_484] : memref<4x64x128xf32, #tpu.memory_space<vmem>> -> memref<1x64x128xf32, #tpu.memory_space<vmem>>
      %dma_start3A_486 = tpu.memref_squeeze %dma_start3A_485 : memref<1x64x128xf32, #tpu.memory_space<vmem>> -> memref<64x128xf32, #tpu.memory_space<vmem>>
      %dma_start3A_487 = arith.constant 0 : i32
      %dma_start3A_488 = tpu.memref_slice %arg6[%dma_start3A_481, %dma_start3A_487] : memref<4x64xi32, #tpu.memory_space<vmem>> -> memref<1x64xi32, #tpu.memory_space<vmem>>
      %dma_start3A_489 = tpu.memref_squeeze %dma_start3A_488 : memref<1x64xi32, #tpu.memory_space<vmem>> -> memref<64xi32, #tpu.memory_space<vmem>>
      %dma_start3A_490 = arith.constant 0 : i32
      %dma_start3A_491 = arith.constant 0 : i32
      %dma_start3A_492 = tpu.memref_slice %arg2[%dma_start3A_490, %dma_start3A_491] : memref<10240x128xf32, #tpu.memory_space<hbm>> -> memref<10240x128xf32, #tpu.memory_space<hbm>>
      tpu.enqueue_indirect_dma source(%dma_start3A_492 : memref<10240x128xf32, #tpu.memory_space<hbm>>) target(%dma_start3A_486 : memref<64x128xf32, #tpu.memory_space<vmem>>) offsets(%dma_start3A_489 : memref<64xi32, #tpu.memory_space<vmem>>) semaphore(%arg14 : memref<!tpu.dma_semaphore, #tpu.memory_space<semaphore_mem>>)
      %dma_wait3A_493 = arith.constant 1 : i32
      %dma_wait3A_494 = arith.constant 0 : i32
      %dma_wait3A_495 = arith.constant 0 : i32
      %dma_wait3A_496 = arith.constant 0 : i32
      %dma_wait3A_497 = tpu.memref_slice %arg10[%dma_wait3A_493, %dma_wait3A_495, %dma_wait3A_496] : memref<4x64x128xf32, #tpu.memory_space<vmem>> -> memref<1x64x128xf32, #tpu.memory_space<vmem>>
      %dma_wait3A_498 = tpu.memref_squeeze %dma_wait3A_497 : memref<1x64x128xf32, #tpu.memory_space<vmem>> -> memref<64x128xf32, #tpu.memory_space<vmem>>
      %dma_wait3A_499 = arith.constant 0 : i32
      %dma_wait3A_500 = tpu.memref_slice %arg9[%dma_wait3A_494, %dma_wait3A_499] : memref<4x64xi32, #tpu.memory_space<vmem>> -> memref<1x64xi32, #tpu.memory_space<vmem>>
      %dma_wait3A_501 = tpu.memref_squeeze %dma_wait3A_500 : memref<1x64xi32, #tpu.memory_space<vmem>> -> memref<64xi32, #tpu.memory_space<vmem>>
      %dma_wait3A_502 = arith.constant 0 : i32
      %dma_wait3A_503 = arith.constant 0 : i32
      %dma_wait3A_504 = tpu.memref_slice %arg11[%dma_wait3A_502, %dma_wait3A_503] : memref<10240x128xf32, #tpu.memory_space<vmem_shared>> -> memref<10240x128xf32, #tpu.memory_space<vmem_shared>>
      tpu.wait_indirect_dma semaphore(%arg19 : memref<!tpu.dma_semaphore, #tpu.memory_space<semaphore_mem>>) src(%dma_wait3A_498 : memref<64x128xf32, #tpu.memory_space<vmem>>) dst(%dma_wait3A_504 : memref<10240x128xf32, #tpu.memory_space<vmem_shared>>)
      %dma_start3A_505 = arith.constant 1 : i32
      %dma_start3A_506 = arith.constant 1 : i32
      %dma_start3A_507 = arith.constant 0 : i32
      %dma_start3A_508 = arith.constant 0 : i32
      %dma_start3A_509 = tpu.memref_slice %arg10[%dma_start3A_506, %dma_start3A_507, %dma_start3A_508] : memref<4x64x128xf32, #tpu.memory_space<vmem>> -> memref<1x64x128xf32, #tpu.memory_space<vmem>>
      %dma_start3A_510 = tpu.memref_squeeze %dma_start3A_509 : memref<1x64x128xf32, #tpu.memory_space<vmem>> -> memref<64x128xf32, #tpu.memory_space<vmem>>
      %dma_start3A_511 = arith.constant 0 : i32
      %dma_start3A_512 = tpu.memref_slice %arg6[%dma_start3A_505, %dma_start3A_511] : memref<4x64xi32, #tpu.memory_space<vmem>> -> memref<1x64xi32, #tpu.memory_space<vmem>>
      %dma_start3A_513 = tpu.memref_squeeze %dma_start3A_512 : memref<1x64xi32, #tpu.memory_space<vmem>> -> memref<64xi32, #tpu.memory_space<vmem>>
      %dma_start3A_514 = arith.constant 0 : i32
      %dma_start3A_515 = arith.constant 0 : i32
      %dma_start3A_516 = tpu.memref_slice %arg2[%dma_start3A_514, %dma_start3A_515] : memref<10240x128xf32, #tpu.memory_space<hbm>> -> memref<10240x128xf32, #tpu.memory_space<hbm>>
      tpu.enqueue_indirect_dma source(%dma_start3A_516 : memref<10240x128xf32, #tpu.memory_space<hbm>>) target(%dma_start3A_510 : memref<64x128xf32, #tpu.memory_space<vmem>>) offsets(%dma_start3A_513 : memref<64xi32, #tpu.memory_space<vmem>>) semaphore(%arg15 : memref<!tpu.dma_semaphore, #tpu.memory_space<semaphore_mem>>)
      %dma_wait3A_517 = arith.constant 2 : i32
      %dma_wait3A_518 = arith.constant 0 : i32
      %dma_wait3A_519 = arith.constant 0 : i32
      %dma_wait3A_520 = arith.constant 0 : i32
      %dma_wait3A_521 = tpu.memref_slice %arg10[%dma_wait3A_517, %dma_wait3A_519, %dma_wait3A_520] : memref<4x64x128xf32, #tpu.memory_space<vmem>> -> memref<1x64x128xf32, #tpu.memory_space<vmem>>
      %dma_wait3A_522 = tpu.memref_squeeze %dma_wait3A_521 : memref<1x64x128xf32, #tpu.memory_space<vmem>> -> memref<64x128xf32, #tpu.memory_space<vmem>>
      %dma_wait3A_523 = arith.constant 0 : i32
      %dma_wait3A_524 = tpu.memref_slice %arg9[%dma_wait3A_518, %dma_wait3A_523] : memref<4x64xi32, #tpu.memory_space<vmem>> -> memref<1x64xi32, #tpu.memory_space<vmem>>
      %dma_wait3A_525 = tpu.memref_squeeze %dma_wait3A_524 : memref<1x64xi32, #tpu.memory_space<vmem>> -> memref<64xi32, #tpu.memory_space<vmem>>
      %dma_wait3A_526 = arith.constant 0 : i32
      %dma_wait3A_527 = arith.constant 0 : i32
      %dma_wait3A_528 = tpu.memref_slice %arg11[%dma_wait3A_526, %dma_wait3A_527] : memref<10240x128xf32, #tpu.memory_space<vmem_shared>> -> memref<10240x128xf32, #tpu.memory_space<vmem_shared>>
      tpu.wait_indirect_dma semaphore(%arg20 : memref<!tpu.dma_semaphore, #tpu.memory_space<semaphore_mem>>) src(%dma_wait3A_522 : memref<64x128xf32, #tpu.memory_space<vmem>>) dst(%dma_wait3A_528 : memref<10240x128xf32, #tpu.memory_space<vmem_shared>>)
      %dma_start3A_529 = arith.constant 2 : i32
      %dma_start3A_530 = arith.constant 2 : i32
      %dma_start3A_531 = arith.constant 0 : i32
      %dma_start3A_532 = arith.constant 0 : i32
      %dma_start3A_533 = tpu.memref_slice %arg10[%dma_start3A_530, %dma_start3A_531, %dma_start3A_532] : memref<4x64x128xf32, #tpu.memory_space<vmem>> -> memref<1x64x128xf32, #tpu.memory_space<vmem>>
      %dma_start3A_534 = tpu.memref_squeeze %dma_start3A_533 : memref<1x64x128xf32, #tpu.memory_space<vmem>> -> memref<64x128xf32, #tpu.memory_space<vmem>>
      %dma_start3A_535 = arith.constant 0 : i32
      %dma_start3A_536 = tpu.memref_slice %arg6[%dma_start3A_529, %dma_start3A_535] : memref<4x64xi32, #tpu.memory_space<vmem>> -> memref<1x64xi32, #tpu.memory_space<vmem>>
      %dma_start3A_537 = tpu.memref_squeeze %dma_start3A_536 : memref<1x64xi32, #tpu.memory_space<vmem>> -> memref<64xi32, #tpu.memory_space<vmem>>
      %dma_start3A_538 = arith.constant 0 : i32
      %dma_start3A_539 = arith.constant 0 : i32
      %dma_start3A_540 = tpu.memref_slice %arg2[%dma_start3A_538, %dma_start3A_539] : memref<10240x128xf32, #tpu.memory_space<hbm>> -> memref<10240x128xf32, #tpu.memory_space<hbm>>
      tpu.enqueue_indirect_dma source(%dma_start3A_540 : memref<10240x128xf32, #tpu.memory_space<hbm>>) target(%dma_start3A_534 : memref<64x128xf32, #tpu.memory_space<vmem>>) offsets(%dma_start3A_537 : memref<64xi32, #tpu.memory_space<vmem>>) semaphore(%arg16 : memref<!tpu.dma_semaphore, #tpu.memory_space<semaphore_mem>>)
      %dma_wait3A_541 = arith.constant 3 : i32
      %dma_wait3A_542 = arith.constant 0 : i32
      %dma_wait3A_543 = arith.constant 0 : i32
      %dma_wait3A_544 = arith.constant 0 : i32
      %dma_wait3A_545 = tpu.memref_slice %arg10[%dma_wait3A_541, %dma_wait3A_543, %dma_wait3A_544] : memref<4x64x128xf32, #tpu.memory_space<vmem>> -> memref<1x64x128xf32, #tpu.memory_space<vmem>>
      %dma_wait3A_546 = tpu.memref_squeeze %dma_wait3A_545 : memref<1x64x128xf32, #tpu.memory_space<vmem>> -> memref<64x128xf32, #tpu.memory_space<vmem>>
      %dma_wait3A_547 = arith.constant 0 : i32
      %dma_wait3A_548 = tpu.memref_slice %arg9[%dma_wait3A_542, %dma_wait3A_547] : memref<4x64xi32, #tpu.memory_space<vmem>> -> memref<1x64xi32, #tpu.memory_space<vmem>>
      %dma_wait3A_549 = tpu.memref_squeeze %dma_wait3A_548 : memref<1x64xi32, #tpu.memory_space<vmem>> -> memref<64xi32, #tpu.memory_space<vmem>>
      %dma_wait3A_550 = arith.constant 0 : i32
      %dma_wait3A_551 = arith.constant 0 : i32
      %dma_wait3A_552 = tpu.memref_slice %arg11[%dma_wait3A_550, %dma_wait3A_551] : memref<10240x128xf32, #tpu.memory_space<vmem_shared>> -> memref<10240x128xf32, #tpu.memory_space<vmem_shared>>
      tpu.wait_indirect_dma semaphore(%arg21 : memref<!tpu.dma_semaphore, #tpu.memory_space<semaphore_mem>>) src(%dma_wait3A_546 : memref<64x128xf32, #tpu.memory_space<vmem>>) dst(%dma_wait3A_552 : memref<10240x128xf32, #tpu.memory_space<vmem_shared>>)
      %dma_start3A_553 = arith.constant 3 : i32
      %dma_start3A_554 = arith.constant 3 : i32
      %dma_start3A_555 = arith.constant 0 : i32
      %dma_start3A_556 = arith.constant 0 : i32
      %dma_start3A_557 = tpu.memref_slice %arg10[%dma_start3A_554, %dma_start3A_555, %dma_start3A_556] : memref<4x64x128xf32, #tpu.memory_space<vmem>> -> memref<1x64x128xf32, #tpu.memory_space<vmem>>
      %dma_start3A_558 = tpu.memref_squeeze %dma_start3A_557 : memref<1x64x128xf32, #tpu.memory_space<vmem>> -> memref<64x128xf32, #tpu.memory_space<vmem>>
      %dma_start3A_559 = arith.constant 0 : i32
      %dma_start3A_560 = tpu.memref_slice %arg6[%dma_start3A_553, %dma_start3A_559] : memref<4x64xi32, #tpu.memory_space<vmem>> -> memref<1x64xi32, #tpu.memory_space<vmem>>
      %dma_start3A_561 = tpu.memref_squeeze %dma_start3A_560 : memref<1x64xi32, #tpu.memory_space<vmem>> -> memref<64xi32, #tpu.memory_space<vmem>>
      %dma_start3A_562 = arith.constant 0 : i32
      %dma_start3A_563 = arith.constant 0 : i32
      %dma_start3A_564 = tpu.memref_slice %arg2[%dma_start3A_562, %dma_start3A_563] : memref<10240x128xf32, #tpu.memory_space<hbm>> -> memref<10240x128xf32, #tpu.memory_space<hbm>>
      tpu.enqueue_indirect_dma source(%dma_start3A_564 : memref<10240x128xf32, #tpu.memory_space<hbm>>) target(%dma_start3A_558 : memref<64x128xf32, #tpu.memory_space<vmem>>) offsets(%dma_start3A_561 : memref<64xi32, #tpu.memory_space<vmem>>) semaphore(%arg17 : memref<!tpu.dma_semaphore, #tpu.memory_space<semaphore_mem>>)
      %mul3A_565 = arith.constant 2 : i32
      %mul3A_566 = arith.muli %mul3A_565, %scan3A_467 : i32
      %add3A_567 = arith.constant 1 : i32
      %add3A_568 = arith.addi %mul3A_566, %add3A_567 : i32
      %mul3A_569 = arith.constant 4 : i32
      %mul3A_570 = arith.muli %add3A_568, %mul3A_569 : i32
      %add3A_571 = arith.addi %mul3A_390, %mul3A_570 : i32
      %dma_start3A_572 = arith.constant 0 : i32
      %dma_start3A_573 = tpu.memref_slice %arg3[%add3A_571, %dma_start3A_572] : memref<5120x64xi32, #tpu.memory_space<hbm>> -> memref<4x64xi32, #tpu.memory_space<hbm>>
      %dma_start3A_574 = arith.constant 0 : i32
      %dma_start3A_575 = tpu.memref_slice %arg3[%add3A_571, %dma_start3A_574] : memref<5120x64xi32, #tpu.memory_space<hbm>> -> memref<4x64xi32, #tpu.memory_space<hbm>>
      tpu.enqueue_dma source(%dma_start3A_575 : memref<4x64xi32, #tpu.memory_space<hbm>>) target(%arg7 : memref<4x64xi32, #tpu.memory_space<vmem>>) target_semaphore(%arg13 : memref<!tpu.dma_semaphore, #tpu.memory_space<semaphore_mem>>)
      %dma_start3A_576 = arith.constant 0 : i32
      %dma_start3A_577 = tpu.memref_slice %arg4[%add3A_571, %dma_start3A_576] : memref<5120x64xi32, #tpu.memory_space<hbm>> -> memref<4x64xi32, #tpu.memory_space<hbm>>
      %dma_start3A_578 = arith.constant 0 : i32
      %dma_start3A_579 = tpu.memref_slice %arg4[%add3A_571, %dma_start3A_578] : memref<5120x64xi32, #tpu.memory_space<hbm>> -> memref<4x64xi32, #tpu.memory_space<hbm>>
      tpu.enqueue_dma source(%dma_start3A_579 : memref<4x64xi32, #tpu.memory_space<hbm>>) target(%arg9 : memref<4x64xi32, #tpu.memory_space<vmem>>) target_semaphore(%arg13 : memref<!tpu.dma_semaphore, #tpu.memory_space<semaphore_mem>>)
      %dma_wait3A_580 = arith.constant 0 : i32
      %dma_wait3A_581 = arith.constant 0 : i32
      %dma_wait3A_582 = arith.constant 0 : i32
      %dma_wait3A_583 = arith.constant 0 : i32
      %dma_wait3A_584 = tpu.memref_slice %arg10[%dma_wait3A_581, %dma_wait3A_582, %dma_wait3A_583] : memref<4x64x128xf32, #tpu.memory_space<vmem>> -> memref<1x64x128xf32, #tpu.memory_space<vmem>>
      %dma_wait3A_585 = tpu.memref_squeeze %dma_wait3A_584 : memref<1x64x128xf32, #tpu.memory_space<vmem>> -> memref<64x128xf32, #tpu.memory_space<vmem>>
      %dma_wait3A_586 = arith.constant 0 : i32
      %dma_wait3A_587 = tpu.memref_slice %arg6[%dma_wait3A_580, %dma_wait3A_586] : memref<4x64xi32, #tpu.memory_space<vmem>> -> memref<1x64xi32, #tpu.memory_space<vmem>>
      %dma_wait3A_588 = tpu.memref_squeeze %dma_wait3A_587 : memref<1x64xi32, #tpu.memory_space<vmem>> -> memref<64xi32, #tpu.memory_space<vmem>>
      %dma_wait3A_589 = arith.constant 0 : i32
      %dma_wait3A_590 = arith.constant 0 : i32
      %dma_wait3A_591 = tpu.memref_slice %arg2[%dma_wait3A_589, %dma_wait3A_590] : memref<10240x128xf32, #tpu.memory_space<hbm>> -> memref<10240x128xf32, #tpu.memory_space<hbm>>
      tpu.wait_indirect_dma semaphore(%arg14 : memref<!tpu.dma_semaphore, #tpu.memory_space<semaphore_mem>>) src(%dma_wait3A_591 : memref<10240x128xf32, #tpu.memory_space<hbm>>) dst(%dma_wait3A_585 : memref<64x128xf32, #tpu.memory_space<vmem>>)
      %dma_start3A_592 = arith.constant 0 : i32
      %dma_start3A_593 = arith.constant 0 : i32
      %dma_start3A_594 = arith.constant 0 : i32
      %dma_start3A_595 = arith.constant 0 : i32
      %dma_start3A_596 = tpu.memref_slice %arg10[%dma_start3A_592, %dma_start3A_594, %dma_start3A_595] : memref<4x64x128xf32, #tpu.memory_space<vmem>> -> memref<1x64x128xf32, #tpu.memory_space<vmem>>
      %dma_start3A_597 = tpu.memref_squeeze %dma_start3A_596 : memref<1x64x128xf32, #tpu.memory_space<vmem>> -> memref<64x128xf32, #tpu.memory_space<vmem>>
      %dma_start3A_598 = arith.constant 0 : i32
      %dma_start3A_599 = tpu.memref_slice %arg8[%dma_start3A_593, %dma_start3A_598] : memref<4x64xi32, #tpu.memory_space<vmem>> -> memref<1x64xi32, #tpu.memory_space<vmem>>
      %dma_start3A_600 = tpu.memref_squeeze %dma_start3A_599 : memref<1x64xi32, #tpu.memory_space<vmem>> -> memref<64xi32, #tpu.memory_space<vmem>>
      %dma_start3A_601 = arith.constant 0 : i32
      %dma_start3A_602 = arith.constant 0 : i32
      %dma_start3A_603 = tpu.memref_slice %arg11[%dma_start3A_601, %dma_start3A_602] : memref<10240x128xf32, #tpu.memory_space<vmem_shared>> -> memref<10240x128xf32, #tpu.memory_space<vmem_shared>>
      tpu.enqueue_indirect_dma source(%dma_start3A_597 : memref<64x128xf32, #tpu.memory_space<vmem>>) target(%dma_start3A_603 : memref<10240x128xf32, #tpu.memory_space<vmem_shared>>) offsets(%dma_start3A_600 : memref<64xi32, #tpu.memory_space<vmem>>) semaphore(%arg18 : memref<!tpu.dma_semaphore, #tpu.memory_space<semaphore_mem>>) {add = true}
      %dma_wait3A_604 = arith.constant 1 : i32
      %dma_wait3A_605 = arith.constant 1 : i32
      %dma_wait3A_606 = arith.constant 0 : i32
      %dma_wait3A_607 = arith.constant 0 : i32
      %dma_wait3A_608 = tpu.memref_slice %arg10[%dma_wait3A_605, %dma_wait3A_606, %dma_wait3A_607] : memref<4x64x128xf32, #tpu.memory_space<vmem>> -> memref<1x64x128xf32, #tpu.memory_space<vmem>>
      %dma_wait3A_609 = tpu.memref_squeeze %dma_wait3A_608 : memref<1x64x128xf32, #tpu.memory_space<vmem>> -> memref<64x128xf32, #tpu.memory_space<vmem>>
      %dma_wait3A_610 = arith.constant 0 : i32
      %dma_wait3A_611 = tpu.memref_slice %arg6[%dma_wait3A_604, %dma_wait3A_610] : memref<4x64xi32, #tpu.memory_space<vmem>> -> memref<1x64xi32, #tpu.memory_space<vmem>>
      %dma_wait3A_612 = tpu.memref_squeeze %dma_wait3A_611 : memref<1x64xi32, #tpu.memory_space<vmem>> -> memref<64xi32, #tpu.memory_space<vmem>>
      %dma_wait3A_613 = arith.constant 0 : i32
      %dma_wait3A_614 = arith.constant 0 : i32
      %dma_wait3A_615 = tpu.memref_slice %arg2[%dma_wait3A_613, %dma_wait3A_614] : memref<10240x128xf32, #tpu.memory_space<hbm>> -> memref<10240x128xf32, #tpu.memory_space<hbm>>
      tpu.wait_indirect_dma semaphore(%arg15 : memref<!tpu.dma_semaphore, #tpu.memory_space<semaphore_mem>>) src(%dma_wait3A_615 : memref<10240x128xf32, #tpu.memory_space<hbm>>) dst(%dma_wait3A_609 : memref<64x128xf32, #tpu.memory_space<vmem>>)
      %dma_start3A_616 = arith.constant 1 : i32
      %dma_start3A_617 = arith.constant 1 : i32
      %dma_start3A_618 = arith.constant 0 : i32
      %dma_start3A_619 = arith.constant 0 : i32
      %dma_start3A_620 = tpu.memref_slice %arg10[%dma_start3A_616, %dma_start3A_618, %dma_start3A_619] : memref<4x64x128xf32, #tpu.memory_space<vmem>> -> memref<1x64x128xf32, #tpu.memory_space<vmem>>
      %dma_start3A_621 = tpu.memref_squeeze %dma_start3A_620 : memref<1x64x128xf32, #tpu.memory_space<vmem>> -> memref<64x128xf32, #tpu.memory_space<vmem>>
      %dma_start3A_622 = arith.constant 0 : i32
      %dma_start3A_623 = tpu.memref_slice %arg8[%dma_start3A_617, %dma_start3A_622] : memref<4x64xi32, #tpu.memory_space<vmem>> -> memref<1x64xi32, #tpu.memory_space<vmem>>
      %dma_start3A_624 = tpu.memref_squeeze %dma_start3A_623 : memref<1x64xi32, #tpu.memory_space<vmem>> -> memref<64xi32, #tpu.memory_space<vmem>>
      %dma_start3A_625 = arith.constant 0 : i32
      %dma_start3A_626 = arith.constant 0 : i32
      %dma_start3A_627 = tpu.memref_slice %arg11[%dma_start3A_625, %dma_start3A_626] : memref<10240x128xf32, #tpu.memory_space<vmem_shared>> -> memref<10240x128xf32, #tpu.memory_space<vmem_shared>>
      tpu.enqueue_indirect_dma source(%dma_start3A_621 : memref<64x128xf32, #tpu.memory_space<vmem>>) target(%dma_start3A_627 : memref<10240x128xf32, #tpu.memory_space<vmem_shared>>) offsets(%dma_start3A_624 : memref<64xi32, #tpu.memory_space<vmem>>) semaphore(%arg19 : memref<!tpu.dma_semaphore, #tpu.memory_space<semaphore_mem>>) {add = true}
      %dma_wait3A_628 = arith.constant 2 : i32
      %dma_wait3A_629 = arith.constant 2 : i32
      %dma_wait3A_630 = arith.constant 0 : i32
      %dma_wait3A_631 = arith.constant 0 : i32
      %dma_wait3A_632 = tpu.memref_slice %arg10[%dma_wait3A_629, %dma_wait3A_630, %dma_wait3A_631] : memref<4x64x128xf32, #tpu.memory_space<vmem>> -> memref<1x64x128xf32, #tpu.memory_space<vmem>>
      %dma_wait3A_633 = tpu.memref_squeeze %dma_wait3A_632 : memref<1x64x128xf32, #tpu.memory_space<vmem>> -> memref<64x128xf32, #tpu.memory_space<vmem>>
      %dma_wait3A_634 = arith.constant 0 : i32
      %dma_wait3A_635 = tpu.memref_slice %arg6[%dma_wait3A_628, %dma_wait3A_634] : memref<4x64xi32, #tpu.memory_space<vmem>> -> memref<1x64xi32, #tpu.memory_space<vmem>>
      %dma_wait3A_636 = tpu.memref_squeeze %dma_wait3A_635 : memref<1x64xi32, #tpu.memory_space<vmem>> -> memref<64xi32, #tpu.memory_space<vmem>>
      %dma_wait3A_637 = arith.constant 0 : i32
      %dma_wait3A_638 = arith.constant 0 : i32
      %dma_wait3A_639 = tpu.memref_slice %arg2[%dma_wait3A_637, %dma_wait3A_638] : memref<10240x128xf32, #tpu.memory_space<hbm>> -> memref<10240x128xf32, #tpu.memory_space<hbm>>
      tpu.wait_indirect_dma semaphore(%arg16 : memref<!tpu.dma_semaphore, #tpu.memory_space<semaphore_mem>>) src(%dma_wait3A_639 : memref<10240x128xf32, #tpu.memory_space<hbm>>) dst(%dma_wait3A_633 : memref<64x128xf32, #tpu.memory_space<vmem>>)
      %dma_start3A_640 = arith.constant 2 : i32
      %dma_start3A_641 = arith.constant 2 : i32
      %dma_start3A_642 = arith.constant 0 : i32
      %dma_start3A_643 = arith.constant 0 : i32
      %dma_start3A_644 = tpu.memref_slice %arg10[%dma_start3A_640, %dma_start3A_642, %dma_start3A_643] : memref<4x64x128xf32, #tpu.memory_space<vmem>> -> memref<1x64x128xf32, #tpu.memory_space<vmem>>
      %dma_start3A_645 = tpu.memref_squeeze %dma_start3A_644 : memref<1x64x128xf32, #tpu.memory_space<vmem>> -> memref<64x128xf32, #tpu.memory_space<vmem>>
      %dma_start3A_646 = arith.constant 0 : i32
      %dma_start3A_647 = tpu.memref_slice %arg8[%dma_start3A_641, %dma_start3A_646] : memref<4x64xi32, #tpu.memory_space<vmem>> -> memref<1x64xi32, #tpu.memory_space<vmem>>
      %dma_start3A_648 = tpu.memref_squeeze %dma_start3A_647 : memref<1x64xi32, #tpu.memory_space<vmem>> -> memref<64xi32, #tpu.memory_space<vmem>>
      %dma_start3A_649 = arith.constant 0 : i32
      %dma_start3A_650 = arith.constant 0 : i32
      %dma_start3A_651 = tpu.memref_slice %arg11[%dma_start3A_649, %dma_start3A_650] : memref<10240x128xf32, #tpu.memory_space<vmem_shared>> -> memref<10240x128xf32, #tpu.memory_space<vmem_shared>>
      tpu.enqueue_indirect_dma source(%dma_start3A_645 : memref<64x128xf32, #tpu.memory_space<vmem>>) target(%dma_start3A_651 : memref<10240x128xf32, #tpu.memory_space<vmem_shared>>) offsets(%dma_start3A_648 : memref<64xi32, #tpu.memory_space<vmem>>) semaphore(%arg20 : memref<!tpu.dma_semaphore, #tpu.memory_space<semaphore_mem>>) {add = true}
      %dma_wait3A_652 = arith.constant 3 : i32
      %dma_wait3A_653 = arith.constant 3 : i32
      %dma_wait3A_654 = arith.constant 0 : i32
      %dma_wait3A_655 = arith.constant 0 : i32
      %dma_wait3A_656 = tpu.memref_slice %arg10[%dma_wait3A_653, %dma_wait3A_654, %dma_wait3A_655] : memref<4x64x128xf32, #tpu.memory_space<vmem>> -> memref<1x64x128xf32, #tpu.memory_space<vmem>>
      %dma_wait3A_657 = tpu.memref_squeeze %dma_wait3A_656 : memref<1x64x128xf32, #tpu.memory_space<vmem>> -> memref<64x128xf32, #tpu.memory_space<vmem>>
      %dma_wait3A_658 = arith.constant 0 : i32
      %dma_wait3A_659 = tpu.memref_slice %arg6[%dma_wait3A_652, %dma_wait3A_658] : memref<4x64xi32, #tpu.memory_space<vmem>> -> memref<1x64xi32, #tpu.memory_space<vmem>>
      %dma_wait3A_660 = tpu.memref_squeeze %dma_wait3A_659 : memref<1x64xi32, #tpu.memory_space<vmem>> -> memref<64xi32, #tpu.memory_space<vmem>>
      %dma_wait3A_661 = arith.constant 0 : i32
      %dma_wait3A_662 = arith.constant 0 : i32
      %dma_wait3A_663 = tpu.memref_slice %arg2[%dma_wait3A_661, %dma_wait3A_662] : memref<10240x128xf32, #tpu.memory_space<hbm>> -> memref<10240x128xf32, #tpu.memory_space<hbm>>
      tpu.wait_indirect_dma semaphore(%arg17 : memref<!tpu.dma_semaphore, #tpu.memory_space<semaphore_mem>>) src(%dma_wait3A_663 : memref<10240x128xf32, #tpu.memory_space<hbm>>) dst(%dma_wait3A_657 : memref<64x128xf32, #tpu.memory_space<vmem>>)
      %dma_start3A_664 = arith.constant 3 : i32
      %dma_start3A_665 = arith.constant 3 : i32
      %dma_start3A_666 = arith.constant 0 : i32
      %dma_start3A_667 = arith.constant 0 : i32
      %dma_start3A_668 = tpu.memref_slice %arg10[%dma_start3A_664, %dma_start3A_666, %dma_start3A_667] : memref<4x64x128xf32, #tpu.memory_space<vmem>> -> memref<1x64x128xf32, #tpu.memory_space<vmem>>
      %dma_start3A_669 = tpu.memref_squeeze %dma_start3A_668 : memref<1x64x128xf32, #tpu.memory_space<vmem>> -> memref<64x128xf32, #tpu.memory_space<vmem>>
      %dma_start3A_670 = arith.constant 0 : i32
      %dma_start3A_671 = tpu.memref_slice %arg8[%dma_start3A_665, %dma_start3A_670] : memref<4x64xi32, #tpu.memory_space<vmem>> -> memref<1x64xi32, #tpu.memory_space<vmem>>
      %dma_start3A_672 = tpu.memref_squeeze %dma_start3A_671 : memref<1x64xi32, #tpu.memory_space<vmem>> -> memref<64xi32, #tpu.memory_space<vmem>>
      %dma_start3A_673 = arith.constant 0 : i32
      %dma_start3A_674 = arith.constant 0 : i32
      %dma_start3A_675 = tpu.memref_slice %arg11[%dma_start3A_673, %dma_start3A_674] : memref<10240x128xf32, #tpu.memory_space<vmem_shared>> -> memref<10240x128xf32, #tpu.memory_space<vmem_shared>>
      tpu.enqueue_indirect_dma source(%dma_start3A_669 : memref<64x128xf32, #tpu.memory_space<vmem>>) target(%dma_start3A_675 : memref<10240x128xf32, #tpu.memory_space<vmem_shared>>) offsets(%dma_start3A_672 : memref<64xi32, #tpu.memory_space<vmem>>) semaphore(%arg21 : memref<!tpu.dma_semaphore, #tpu.memory_space<semaphore_mem>>) {add = true}
      %dma_wait3A_676 = arith.constant 0 : i32
      %dma_wait3A_677 = tpu.memref_slice %arg3[%add3A_571, %dma_wait3A_676] : memref<5120x64xi32, #tpu.memory_space<hbm>> -> memref<4x64xi32, #tpu.memory_space<hbm>>
      %dma_wait3A_678 = arith.constant 0 : i32
      %dma_wait3A_679 = tpu.memref_slice %arg3[%add3A_571, %dma_wait3A_678] : memref<5120x64xi32, #tpu.memory_space<hbm>> -> memref<4x64xi32, #tpu.memory_space<hbm>>
      tpu.wait_dma2 semaphore(%arg13 : memref<!tpu.dma_semaphore, #tpu.memory_space<semaphore_mem>>) src(%dma_wait3A_679 : memref<4x64xi32, #tpu.memory_space<hbm>>) dst(%arg7 : memref<4x64xi32, #tpu.memory_space<vmem>>)
      %dma_wait3A_680 = arith.constant 0 : i32
      %dma_wait3A_681 = tpu.memref_slice %arg4[%add3A_571, %dma_wait3A_680] : memref<5120x64xi32, #tpu.memory_space<hbm>> -> memref<4x64xi32, #tpu.memory_space<hbm>>
      %dma_wait3A_682 = arith.constant 0 : i32
      %dma_wait3A_683 = tpu.memref_slice %arg4[%add3A_571, %dma_wait3A_682] : memref<5120x64xi32, #tpu.memory_space<hbm>> -> memref<4x64xi32, #tpu.memory_space<hbm>>
      tpu.wait_dma2 semaphore(%arg13 : memref<!tpu.dma_semaphore, #tpu.memory_space<semaphore_mem>>) src(%dma_wait3A_683 : memref<4x64xi32, #tpu.memory_space<hbm>>) dst(%arg9 : memref<4x64xi32, #tpu.memory_space<vmem>>)
      %dma_wait3A_684 = arith.constant 0 : i32
      %dma_wait3A_685 = arith.constant 0 : i32
      %dma_wait3A_686 = arith.constant 0 : i32
      %dma_wait3A_687 = arith.constant 0 : i32
      %dma_wait3A_688 = tpu.memref_slice %arg10[%dma_wait3A_684, %dma_wait3A_686, %dma_wait3A_687] : memref<4x64x128xf32, #tpu.memory_space<vmem>> -> memref<1x64x128xf32, #tpu.memory_space<vmem>>
      %dma_wait3A_689 = tpu.memref_squeeze %dma_wait3A_688 : memref<1x64x128xf32, #tpu.memory_space<vmem>> -> memref<64x128xf32, #tpu.memory_space<vmem>>
      %dma_wait3A_690 = arith.constant 0 : i32
      %dma_wait3A_691 = tpu.memref_slice %arg9[%dma_wait3A_685, %dma_wait3A_690] : memref<4x64xi32, #tpu.memory_space<vmem>> -> memref<1x64xi32, #tpu.memory_space<vmem>>
      %dma_wait3A_692 = tpu.memref_squeeze %dma_wait3A_691 : memref<1x64xi32, #tpu.memory_space<vmem>> -> memref<64xi32, #tpu.memory_space<vmem>>
      %dma_wait3A_693 = arith.constant 0 : i32
      %dma_wait3A_694 = arith.constant 0 : i32
      %dma_wait3A_695 = tpu.memref_slice %arg11[%dma_wait3A_693, %dma_wait3A_694] : memref<10240x128xf32, #tpu.memory_space<vmem_shared>> -> memref<10240x128xf32, #tpu.memory_space<vmem_shared>>
      tpu.wait_indirect_dma semaphore(%arg18 : memref<!tpu.dma_semaphore, #tpu.memory_space<semaphore_mem>>) src(%dma_wait3A_689 : memref<64x128xf32, #tpu.memory_space<vmem>>) dst(%dma_wait3A_695 : memref<10240x128xf32, #tpu.memory_space<vmem_shared>>)
      %dma_start3A_696 = arith.constant 0 : i32
      %dma_start3A_697 = arith.constant 0 : i32
      %dma_start3A_698 = arith.constant 0 : i32
      %dma_start3A_699 = arith.constant 0 : i32
      %dma_start3A_700 = tpu.memref_slice %arg10[%dma_start3A_697, %dma_start3A_698, %dma_start3A_699] : memref<4x64x128xf32, #tpu.memory_space<vmem>> -> memref<1x64x128xf32, #tpu.memory_space<vmem>>
      %dma_start3A_701 = tpu.memref_squeeze %dma_start3A_700 : memref<1x64x128xf32, #tpu.memory_space<vmem>> -> memref<64x128xf32, #tpu.memory_space<vmem>>
      %dma_start3A_702 = arith.constant 0 : i32
      %dma_start3A_703 = tpu.memref_slice %arg7[%dma_start3A_696, %dma_start3A_702] : memref<4x64xi32, #tpu.memory_space<vmem>> -> memref<1x64xi32, #tpu.memory_space<vmem>>
      %dma_start3A_704 = tpu.memref_squeeze %dma_start3A_703 : memref<1x64xi32, #tpu.memory_space<vmem>> -> memref<64xi32, #tpu.memory_space<vmem>>
      %dma_start3A_705 = arith.constant 0 : i32
      %dma_start3A_706 = arith.constant 0 : i32
      %dma_start3A_707 = tpu.memref_slice %arg2[%dma_start3A_705, %dma_start3A_706] : memref<10240x128xf32, #tpu.memory_space<hbm>> -> memref<10240x128xf32, #tpu.memory_space<hbm>>
      tpu.enqueue_indirect_dma source(%dma_start3A_707 : memref<10240x128xf32, #tpu.memory_space<hbm>>) target(%dma_start3A_701 : memref<64x128xf32, #tpu.memory_space<vmem>>) offsets(%dma_start3A_704 : memref<64xi32, #tpu.memory_space<vmem>>) semaphore(%arg14 : memref<!tpu.dma_semaphore, #tpu.memory_space<semaphore_mem>>)
      %dma_wait3A_708 = arith.constant 1 : i32
      %dma_wait3A_709 = arith.constant 0 : i32
      %dma_wait3A_710 = arith.constant 0 : i32
      %dma_wait3A_711 = arith.constant 0 : i32
      %dma_wait3A_712 = tpu.memref_slice %arg10[%dma_wait3A_708, %dma_wait3A_710, %dma_wait3A_711] : memref<4x64x128xf32, #tpu.memory_space<vmem>> -> memref<1x64x128xf32, #tpu.memory_space<vmem>>
      %dma_wait3A_713 = tpu.memref_squeeze %dma_wait3A_712 : memref<1x64x128xf32, #tpu.memory_space<vmem>> -> memref<64x128xf32, #tpu.memory_space<vmem>>
      %dma_wait3A_714 = arith.constant 0 : i32
      %dma_wait3A_715 = tpu.memref_slice %arg9[%dma_wait3A_709, %dma_wait3A_714] : memref<4x64xi32, #tpu.memory_space<vmem>> -> memref<1x64xi32, #tpu.memory_space<vmem>>
      %dma_wait3A_716 = tpu.memref_squeeze %dma_wait3A_715 : memref<1x64xi32, #tpu.memory_space<vmem>> -> memref<64xi32, #tpu.memory_space<vmem>>
      %dma_wait3A_717 = arith.constant 0 : i32
      %dma_wait3A_718 = arith.constant 0 : i32
      %dma_wait3A_719 = tpu.memref_slice %arg11[%dma_wait3A_717, %dma_wait3A_718] : memref<10240x128xf32, #tpu.memory_space<vmem_shared>> -> memref<10240x128xf32, #tpu.memory_space<vmem_shared>>
      tpu.wait_indirect_dma semaphore(%arg19 : memref<!tpu.dma_semaphore, #tpu.memory_space<semaphore_mem>>) src(%dma_wait3A_713 : memref<64x128xf32, #tpu.memory_space<vmem>>) dst(%dma_wait3A_719 : memref<10240x128xf32, #tpu.memory_space<vmem_shared>>)
      %dma_start3A_720 = arith.constant 1 : i32
      %dma_start3A_721 = arith.constant 1 : i32
      %dma_start3A_722 = arith.constant 0 : i32
      %dma_start3A_723 = arith.constant 0 : i32
      %dma_start3A_724 = tpu.memref_slice %arg10[%dma_start3A_721, %dma_start3A_722, %dma_start3A_723] : memref<4x64x128xf32, #tpu.memory_space<vmem>> -> memref<1x64x128xf32, #tpu.memory_space<vmem>>
      %dma_start3A_725 = tpu.memref_squeeze %dma_start3A_724 : memref<1x64x128xf32, #tpu.memory_space<vmem>> -> memref<64x128xf32, #tpu.memory_space<vmem>>
      %dma_start3A_726 = arith.constant 0 : i32
      %dma_start3A_727 = tpu.memref_slice %arg7[%dma_start3A_720, %dma_start3A_726] : memref<4x64xi32, #tpu.memory_space<vmem>> -> memref<1x64xi32, #tpu.memory_space<vmem>>
      %dma_start3A_728 = tpu.memref_squeeze %dma_start3A_727 : memref<1x64xi32, #tpu.memory_space<vmem>> -> memref<64xi32, #tpu.memory_space<vmem>>
      %dma_start3A_729 = arith.constant 0 : i32
      %dma_start3A_730 = arith.constant 0 : i32
      %dma_start3A_731 = tpu.memref_slice %arg2[%dma_start3A_729, %dma_start3A_730] : memref<10240x128xf32, #tpu.memory_space<hbm>> -> memref<10240x128xf32, #tpu.memory_space<hbm>>
      tpu.enqueue_indirect_dma source(%dma_start3A_731 : memref<10240x128xf32, #tpu.memory_space<hbm>>) target(%dma_start3A_725 : memref<64x128xf32, #tpu.memory_space<vmem>>) offsets(%dma_start3A_728 : memref<64xi32, #tpu.memory_space<vmem>>) semaphore(%arg15 : memref<!tpu.dma_semaphore, #tpu.memory_space<semaphore_mem>>)
      %dma_wait3A_732 = arith.constant 2 : i32
      %dma_wait3A_733 = arith.constant 0 : i32
      %dma_wait3A_734 = arith.constant 0 : i32
      %dma_wait3A_735 = arith.constant 0 : i32
      %dma_wait3A_736 = tpu.memref_slice %arg10[%dma_wait3A_732, %dma_wait3A_734, %dma_wait3A_735] : memref<4x64x128xf32, #tpu.memory_space<vmem>> -> memref<1x64x128xf32, #tpu.memory_space<vmem>>
      %dma_wait3A_737 = tpu.memref_squeeze %dma_wait3A_736 : memref<1x64x128xf32, #tpu.memory_space<vmem>> -> memref<64x128xf32, #tpu.memory_space<vmem>>
      %dma_wait3A_738 = arith.constant 0 : i32
      %dma_wait3A_739 = tpu.memref_slice %arg9[%dma_wait3A_733, %dma_wait3A_738] : memref<4x64xi32, #tpu.memory_space<vmem>> -> memref<1x64xi32, #tpu.memory_space<vmem>>
      %dma_wait3A_740 = tpu.memref_squeeze %dma_wait3A_739 : memref<1x64xi32, #tpu.memory_space<vmem>> -> memref<64xi32, #tpu.memory_space<vmem>>
      %dma_wait3A_741 = arith.constant 0 : i32
      %dma_wait3A_742 = arith.constant 0 : i32
      %dma_wait3A_743 = tpu.memref_slice %arg11[%dma_wait3A_741, %dma_wait3A_742] : memref<10240x128xf32, #tpu.memory_space<vmem_shared>> -> memref<10240x128xf32, #tpu.memory_space<vmem_shared>>
      tpu.wait_indirect_dma semaphore(%arg20 : memref<!tpu.dma_semaphore, #tpu.memory_space<semaphore_mem>>) src(%dma_wait3A_737 : memref<64x128xf32, #tpu.memory_space<vmem>>) dst(%dma_wait3A_743 : memref<10240x128xf32, #tpu.memory_space<vmem_shared>>)
      %dma_start3A_744 = arith.constant 2 : i32
      %dma_start3A_745 = arith.constant 2 : i32
      %dma_start3A_746 = arith.constant 0 : i32
      %dma_start3A_747 = arith.constant 0 : i32
      %dma_start3A_748 = tpu.memref_slice %arg10[%dma_start3A_745, %dma_start3A_746, %dma_start3A_747] : memref<4x64x128xf32, #tpu.memory_space<vmem>> -> memref<1x64x128xf32, #tpu.memory_space<vmem>>
      %dma_start3A_749 = tpu.memref_squeeze %dma_start3A_748 : memref<1x64x128xf32, #tpu.memory_space<vmem>> -> memref<64x128xf32, #tpu.memory_space<vmem>>
      %dma_start3A_750 = arith.constant 0 : i32
      %dma_start3A_751 = tpu.memref_slice %arg7[%dma_start3A_744, %dma_start3A_750] : memref<4x64xi32, #tpu.memory_space<vmem>> -> memref<1x64xi32, #tpu.memory_space<vmem>>
      %dma_start3A_752 = tpu.memref_squeeze %dma_start3A_751 : memref<1x64xi32, #tpu.memory_space<vmem>> -> memref<64xi32, #tpu.memory_space<vmem>>
      %dma_start3A_753 = arith.constant 0 : i32
      %dma_start3A_754 = arith.constant 0 : i32
      %dma_start3A_755 = tpu.memref_slice %arg2[%dma_start3A_753, %dma_start3A_754] : memref<10240x128xf32, #tpu.memory_space<hbm>> -> memref<10240x128xf32, #tpu.memory_space<hbm>>
      tpu.enqueue_indirect_dma source(%dma_start3A_755 : memref<10240x128xf32, #tpu.memory_space<hbm>>) target(%dma_start3A_749 : memref<64x128xf32, #tpu.memory_space<vmem>>) offsets(%dma_start3A_752 : memref<64xi32, #tpu.memory_space<vmem>>) semaphore(%arg16 : memref<!tpu.dma_semaphore, #tpu.memory_space<semaphore_mem>>)
      %dma_wait3A_756 = arith.constant 3 : i32
      %dma_wait3A_757 = arith.constant 0 : i32
      %dma_wait3A_758 = arith.constant 0 : i32
      %dma_wait3A_759 = arith.constant 0 : i32
      %dma_wait3A_760 = tpu.memref_slice %arg10[%dma_wait3A_756, %dma_wait3A_758, %dma_wait3A_759] : memref<4x64x128xf32, #tpu.memory_space<vmem>> -> memref<1x64x128xf32, #tpu.memory_space<vmem>>
      %dma_wait3A_761 = tpu.memref_squeeze %dma_wait3A_760 : memref<1x64x128xf32, #tpu.memory_space<vmem>> -> memref<64x128xf32, #tpu.memory_space<vmem>>
      %dma_wait3A_762 = arith.constant 0 : i32
      %dma_wait3A_763 = tpu.memref_slice %arg9[%dma_wait3A_757, %dma_wait3A_762] : memref<4x64xi32, #tpu.memory_space<vmem>> -> memref<1x64xi32, #tpu.memory_space<vmem>>
      %dma_wait3A_764 = tpu.memref_squeeze %dma_wait3A_763 : memref<1x64xi32, #tpu.memory_space<vmem>> -> memref<64xi32, #tpu.memory_space<vmem>>
      %dma_wait3A_765 = arith.constant 0 : i32
      %dma_wait3A_766 = arith.constant 0 : i32
      %dma_wait3A_767 = tpu.memref_slice %arg11[%dma_wait3A_765, %dma_wait3A_766] : memref<10240x128xf32, #tpu.memory_space<vmem_shared>> -> memref<10240x128xf32, #tpu.memory_space<vmem_shared>>
      tpu.wait_indirect_dma semaphore(%arg21 : memref<!tpu.dma_semaphore, #tpu.memory_space<semaphore_mem>>) src(%dma_wait3A_761 : memref<64x128xf32, #tpu.memory_space<vmem>>) dst(%dma_wait3A_767 : memref<10240x128xf32, #tpu.memory_space<vmem_shared>>)
      %dma_start3A_768 = arith.constant 3 : i32
      %dma_start3A_769 = arith.constant 3 : i32
      %dma_start3A_770 = arith.constant 0 : i32
      %dma_start3A_771 = arith.constant 0 : i32
      %dma_start3A_772 = tpu.memref_slice %arg10[%dma_start3A_769, %dma_start3A_770, %dma_start3A_771] : memref<4x64x128xf32, #tpu.memory_space<vmem>> -> memref<1x64x128xf32, #tpu.memory_space<vmem>>
      %dma_start3A_773 = tpu.memref_squeeze %dma_start3A_772 : memref<1x64x128xf32, #tpu.memory_space<vmem>> -> memref<64x128xf32, #tpu.memory_space<vmem>>
      %dma_start3A_774 = arith.constant 0 : i32
      %dma_start3A_775 = tpu.memref_slice %arg7[%dma_start3A_768, %dma_start3A_774] : memref<4x64xi32, #tpu.memory_space<vmem>> -> memref<1x64xi32, #tpu.memory_space<vmem>>
      %dma_start3A_776 = tpu.memref_squeeze %dma_start3A_775 : memref<1x64xi32, #tpu.memory_space<vmem>> -> memref<64xi32, #tpu.memory_space<vmem>>
      %dma_start3A_777 = arith.constant 0 : i32
      %dma_start3A_778 = arith.constant 0 : i32
      %dma_start3A_779 = tpu.memref_slice %arg2[%dma_start3A_777, %dma_start3A_778] : memref<10240x128xf32, #tpu.memory_space<hbm>> -> memref<10240x128xf32, #tpu.memory_space<hbm>>
      tpu.enqueue_indirect_dma source(%dma_start3A_779 : memref<10240x128xf32, #tpu.memory_space<hbm>>) target(%dma_start3A_773 : memref<64x128xf32, #tpu.memory_space<vmem>>) offsets(%dma_start3A_776 : memref<64xi32, #tpu.memory_space<vmem>>) semaphore(%arg17 : memref<!tpu.dma_semaphore, #tpu.memory_space<semaphore_mem>>)
      %mul3A_780 = arith.constant 2 : i32
      %mul3A_781 = arith.muli %mul3A_780, %scan3A_467 : i32
      %add3A_782 = arith.constant 2 : i32
      %add3A_783 = arith.addi %mul3A_781, %add3A_782 : i32
      %mul3A_784 = arith.constant 4 : i32
      %mul3A_785 = arith.muli %add3A_783, %mul3A_784 : i32
      %add3A_786 = arith.addi %mul3A_390, %mul3A_785 : i32
      %min3A = arith.constant 5116 : i32
      %min3A_787 = arith.minsi %add3A_786, %min3A : i32
      %dma_start3A_788 = arith.constant 0 : i32
      %dma_start3A_789 = tpu.memref_slice %arg3[%min3A_787, %dma_start3A_788] : memref<5120x64xi32, #tpu.memory_space<hbm>> -> memref<4x64xi32, #tpu.memory_space<hbm>>
      %dma_start3A_790 = arith.constant 0 : i32
      %dma_start3A_791 = tpu.memref_slice %arg3[%min3A_787, %dma_start3A_790] : memref<5120x64xi32, #tpu.memory_space<hbm>> -> memref<4x64xi32, #tpu.memory_space<hbm>>
      tpu.enqueue_dma source(%dma_start3A_791 : memref<4x64xi32, #tpu.memory_space<hbm>>) target(%arg6 : memref<4x64xi32, #tpu.memory_space<vmem>>) target_semaphore(%arg12 : memref<!tpu.dma_semaphore, #tpu.memory_space<semaphore_mem>>)
      %dma_start3A_792 = arith.constant 0 : i32
      %dma_start3A_793 = tpu.memref_slice %arg4[%min3A_787, %dma_start3A_792] : memref<5120x64xi32, #tpu.memory_space<hbm>> -> memref<4x64xi32, #tpu.memory_space<hbm>>
      %dma_start3A_794 = arith.constant 0 : i32
      %dma_start3A_795 = tpu.memref_slice %arg4[%min3A_787, %dma_start3A_794] : memref<5120x64xi32, #tpu.memory_space<hbm>> -> memref<4x64xi32, #tpu.memory_space<hbm>>
      tpu.enqueue_dma source(%dma_start3A_795 : memref<4x64xi32, #tpu.memory_space<hbm>>) target(%arg8 : memref<4x64xi32, #tpu.memory_space<vmem>>) target_semaphore(%arg12 : memref<!tpu.dma_semaphore, #tpu.memory_space<semaphore_mem>>)
      %dma_wait3A_796 = arith.constant 0 : i32
      %dma_wait3A_797 = arith.constant 0 : i32
      %dma_wait3A_798 = arith.constant 0 : i32
      %dma_wait3A_799 = arith.constant 0 : i32
      %dma_wait3A_800 = tpu.memref_slice %arg10[%dma_wait3A_797, %dma_wait3A_798, %dma_wait3A_799] : memref<4x64x128xf32, #tpu.memory_space<vmem>> -> memref<1x64x128xf32, #tpu.memory_space<vmem>>
      %dma_wait3A_801 = tpu.memref_squeeze %dma_wait3A_800 : memref<1x64x128xf32, #tpu.memory_space<vmem>> -> memref<64x128xf32, #tpu.memory_space<vmem>>
      %dma_wait3A_802 = arith.constant 0 : i32
      %dma_wait3A_803 = tpu.memref_slice %arg7[%dma_wait3A_796, %dma_wait3A_802] : memref<4x64xi32, #tpu.memory_space<vmem>> -> memref<1x64xi32, #tpu.memory_space<vmem>>
      %dma_wait3A_804 = tpu.memref_squeeze %dma_wait3A_803 : memref<1x64xi32, #tpu.memory_space<vmem>> -> memref<64xi32, #tpu.memory_space<vmem>>
      %dma_wait3A_805 = arith.constant 0 : i32
      %dma_wait3A_806 = arith.constant 0 : i32
      %dma_wait3A_807 = tpu.memref_slice %arg2[%dma_wait3A_805, %dma_wait3A_806] : memref<10240x128xf32, #tpu.memory_space<hbm>> -> memref<10240x128xf32, #tpu.memory_space<hbm>>
      tpu.wait_indirect_dma semaphore(%arg14 : memref<!tpu.dma_semaphore, #tpu.memory_space<semaphore_mem>>) src(%dma_wait3A_807 : memref<10240x128xf32, #tpu.memory_space<hbm>>) dst(%dma_wait3A_801 : memref<64x128xf32, #tpu.memory_space<vmem>>)
      %dma_start3A_808 = arith.constant 0 : i32
      %dma_start3A_809 = arith.constant 0 : i32
      %dma_start3A_810 = arith.constant 0 : i32
      %dma_start3A_811 = arith.constant 0 : i32
      %dma_start3A_812 = tpu.memref_slice %arg10[%dma_start3A_808, %dma_start3A_810, %dma_start3A_811] : memref<4x64x128xf32, #tpu.memory_space<vmem>> -> memref<1x64x128xf32, #tpu.memory_space<vmem>>
      %dma_start3A_813 = tpu.memref_squeeze %dma_start3A_812 : memref<1x64x128xf32, #tpu.memory_space<vmem>> -> memref<64x128xf32, #tpu.memory_space<vmem>>
      %dma_start3A_814 = arith.constant 0 : i32
      %dma_start3A_815 = tpu.memref_slice %arg9[%dma_start3A_809, %dma_start3A_814] : memref<4x64xi32, #tpu.memory_space<vmem>> -> memref<1x64xi32, #tpu.memory_space<vmem>>
      %dma_start3A_816 = tpu.memref_squeeze %dma_start3A_815 : memref<1x64xi32, #tpu.memory_space<vmem>> -> memref<64xi32, #tpu.memory_space<vmem>>
      %dma_start3A_817 = arith.constant 0 : i32
      %dma_start3A_818 = arith.constant 0 : i32
      %dma_start3A_819 = tpu.memref_slice %arg11[%dma_start3A_817, %dma_start3A_818] : memref<10240x128xf32, #tpu.memory_space<vmem_shared>> -> memref<10240x128xf32, #tpu.memory_space<vmem_shared>>
      tpu.enqueue_indirect_dma source(%dma_start3A_813 : memref<64x128xf32, #tpu.memory_space<vmem>>) target(%dma_start3A_819 : memref<10240x128xf32, #tpu.memory_space<vmem_shared>>) offsets(%dma_start3A_816 : memref<64xi32, #tpu.memory_space<vmem>>) semaphore(%arg18 : memref<!tpu.dma_semaphore, #tpu.memory_space<semaphore_mem>>) {add = true}
      %dma_wait3A_820 = arith.constant 1 : i32
      %dma_wait3A_821 = arith.constant 1 : i32
      %dma_wait3A_822 = arith.constant 0 : i32
      %dma_wait3A_823 = arith.constant 0 : i32
      %dma_wait3A_824 = tpu.memref_slice %arg10[%dma_wait3A_821, %dma_wait3A_822, %dma_wait3A_823] : memref<4x64x128xf32, #tpu.memory_space<vmem>> -> memref<1x64x128xf32, #tpu.memory_space<vmem>>
      %dma_wait3A_825 = tpu.memref_squeeze %dma_wait3A_824 : memref<1x64x128xf32, #tpu.memory_space<vmem>> -> memref<64x128xf32, #tpu.memory_space<vmem>>
      %dma_wait3A_826 = arith.constant 0 : i32
      %dma_wait3A_827 = tpu.memref_slice %arg7[%dma_wait3A_820, %dma_wait3A_826] : memref<4x64xi32, #tpu.memory_space<vmem>> -> memref<1x64xi32, #tpu.memory_space<vmem>>
      %dma_wait3A_828 = tpu.memref_squeeze %dma_wait3A_827 : memref<1x64xi32, #tpu.memory_space<vmem>> -> memref<64xi32, #tpu.memory_space<vmem>>
      %dma_wait3A_829 = arith.constant 0 : i32
      %dma_wait3A_830 = arith.constant 0 : i32
      %dma_wait3A_831 = tpu.memref_slice %arg2[%dma_wait3A_829, %dma_wait3A_830] : memref<10240x128xf32, #tpu.memory_space<hbm>> -> memref<10240x128xf32, #tpu.memory_space<hbm>>
      tpu.wait_indirect_dma semaphore(%arg15 : memref<!tpu.dma_semaphore, #tpu.memory_space<semaphore_mem>>) src(%dma_wait3A_831 : memref<10240x128xf32, #tpu.memory_space<hbm>>) dst(%dma_wait3A_825 : memref<64x128xf32, #tpu.memory_space<vmem>>)
      %dma_start3A_832 = arith.constant 1 : i32
      %dma_start3A_833 = arith.constant 1 : i32
      %dma_start3A_834 = arith.constant 0 : i32
      %dma_start3A_835 = arith.constant 0 : i32
      %dma_start3A_836 = tpu.memref_slice %arg10[%dma_start3A_832, %dma_start3A_834, %dma_start3A_835] : memref<4x64x128xf32, #tpu.memory_space<vmem>> -> memref<1x64x128xf32, #tpu.memory_space<vmem>>
      %dma_start3A_837 = tpu.memref_squeeze %dma_start3A_836 : memref<1x64x128xf32, #tpu.memory_space<vmem>> -> memref<64x128xf32, #tpu.memory_space<vmem>>
      %dma_start3A_838 = arith.constant 0 : i32
      %dma_start3A_839 = tpu.memref_slice %arg9[%dma_start3A_833, %dma_start3A_838] : memref<4x64xi32, #tpu.memory_space<vmem>> -> memref<1x64xi32, #tpu.memory_space<vmem>>
      %dma_start3A_840 = tpu.memref_squeeze %dma_start3A_839 : memref<1x64xi32, #tpu.memory_space<vmem>> -> memref<64xi32, #tpu.memory_space<vmem>>
      %dma_start3A_841 = arith.constant 0 : i32
      %dma_start3A_842 = arith.constant 0 : i32
      %dma_start3A_843 = tpu.memref_slice %arg11[%dma_start3A_841, %dma_start3A_842] : memref<10240x128xf32, #tpu.memory_space<vmem_shared>> -> memref<10240x128xf32, #tpu.memory_space<vmem_shared>>
      tpu.enqueue_indirect_dma source(%dma_start3A_837 : memref<64x128xf32, #tpu.memory_space<vmem>>) target(%dma_start3A_843 : memref<10240x128xf32, #tpu.memory_space<vmem_shared>>) offsets(%dma_start3A_840 : memref<64xi32, #tpu.memory_space<vmem>>) semaphore(%arg19 : memref<!tpu.dma_semaphore, #tpu.memory_space<semaphore_mem>>) {add = true}
      %dma_wait3A_844 = arith.constant 2 : i32
      %dma_wait3A_845 = arith.constant 2 : i32
      %dma_wait3A_846 = arith.constant 0 : i32
      %dma_wait3A_847 = arith.constant 0 : i32
      %dma_wait3A_848 = tpu.memref_slice %arg10[%dma_wait3A_845, %dma_wait3A_846, %dma_wait3A_847] : memref<4x64x128xf32, #tpu.memory_space<vmem>> -> memref<1x64x128xf32, #tpu.memory_space<vmem>>
      %dma_wait3A_849 = tpu.memref_squeeze %dma_wait3A_848 : memref<1x64x128xf32, #tpu.memory_space<vmem>> -> memref<64x128xf32, #tpu.memory_space<vmem>>
      %dma_wait3A_850 = arith.constant 0 : i32
      %dma_wait3A_851 = tpu.memref_slice %arg7[%dma_wait3A_844, %dma_wait3A_850] : memref<4x64xi32, #tpu.memory_space<vmem>> -> memref<1x64xi32, #tpu.memory_space<vmem>>
      %dma_wait3A_852 = tpu.memref_squeeze %dma_wait3A_851 : memref<1x64xi32, #tpu.memory_space<vmem>> -> memref<64xi32, #tpu.memory_space<vmem>>
      %dma_wait3A_853 = arith.constant 0 : i32
      %dma_wait3A_854 = arith.constant 0 : i32
      %dma_wait3A_855 = tpu.memref_slice %arg2[%dma_wait3A_853, %dma_wait3A_854] : memref<10240x128xf32, #tpu.memory_space<hbm>> -> memref<10240x128xf32, #tpu.memory_space<hbm>>
      tpu.wait_indirect_dma semaphore(%arg16 : memref<!tpu.dma_semaphore, #tpu.memory_space<semaphore_mem>>) src(%dma_wait3A_855 : memref<10240x128xf32, #tpu.memory_space<hbm>>) dst(%dma_wait3A_849 : memref<64x128xf32, #tpu.memory_space<vmem>>)
      %dma_start3A_856 = arith.constant 2 : i32
      %dma_start3A_857 = arith.constant 2 : i32
      %dma_start3A_858 = arith.constant 0 : i32
      %dma_start3A_859 = arith.constant 0 : i32
      %dma_start3A_860 = tpu.memref_slice %arg10[%dma_start3A_856, %dma_start3A_858, %dma_start3A_859] : memref<4x64x128xf32, #tpu.memory_space<vmem>> -> memref<1x64x128xf32, #tpu.memory_space<vmem>>
      %dma_start3A_861 = tpu.memref_squeeze %dma_start3A_860 : memref<1x64x128xf32, #tpu.memory_space<vmem>> -> memref<64x128xf32, #tpu.memory_space<vmem>>
      %dma_start3A_862 = arith.constant 0 : i32
      %dma_start3A_863 = tpu.memref_slice %arg9[%dma_start3A_857, %dma_start3A_862] : memref<4x64xi32, #tpu.memory_space<vmem>> -> memref<1x64xi32, #tpu.memory_space<vmem>>
      %dma_start3A_864 = tpu.memref_squeeze %dma_start3A_863 : memref<1x64xi32, #tpu.memory_space<vmem>> -> memref<64xi32, #tpu.memory_space<vmem>>
      %dma_start3A_865 = arith.constant 0 : i32
      %dma_start3A_866 = arith.constant 0 : i32
      %dma_start3A_867 = tpu.memref_slice %arg11[%dma_start3A_865, %dma_start3A_866] : memref<10240x128xf32, #tpu.memory_space<vmem_shared>> -> memref<10240x128xf32, #tpu.memory_space<vmem_shared>>
      tpu.enqueue_indirect_dma source(%dma_start3A_861 : memref<64x128xf32, #tpu.memory_space<vmem>>) target(%dma_start3A_867 : memref<10240x128xf32, #tpu.memory_space<vmem_shared>>) offsets(%dma_start3A_864 : memref<64xi32, #tpu.memory_space<vmem>>) semaphore(%arg20 : memref<!tpu.dma_semaphore, #tpu.memory_space<semaphore_mem>>) {add = true}
      %dma_wait3A_868 = arith.constant 3 : i32
      %dma_wait3A_869 = arith.constant 3 : i32
      %dma_wait3A_870 = arith.constant 0 : i32
      %dma_wait3A_871 = arith.constant 0 : i32
      %dma_wait3A_872 = tpu.memref_slice %arg10[%dma_wait3A_869, %dma_wait3A_870, %dma_wait3A_871] : memref<4x64x128xf32, #tpu.memory_space<vmem>> -> memref<1x64x128xf32, #tpu.memory_space<vmem>>
      %dma_wait3A_873 = tpu.memref_squeeze %dma_wait3A_872 : memref<1x64x128xf32, #tpu.memory_space<vmem>> -> memref<64x128xf32, #tpu.memory_space<vmem>>
      %dma_wait3A_874 = arith.constant 0 : i32
      %dma_wait3A_875 = tpu.memref_slice %arg7[%dma_wait3A_868, %dma_wait3A_874] : memref<4x64xi32, #tpu.memory_space<vmem>> -> memref<1x64xi32, #tpu.memory_space<vmem>>
      %dma_wait3A_876 = tpu.memref_squeeze %dma_wait3A_875 : memref<1x64xi32, #tpu.memory_space<vmem>> -> memref<64xi32, #tpu.memory_space<vmem>>
      %dma_wait3A_877 = arith.constant 0 : i32
      %dma_wait3A_878 = arith.constant 0 : i32
      %dma_wait3A_879 = tpu.memref_slice %arg2[%dma_wait3A_877, %dma_wait3A_878] : memref<10240x128xf32, #tpu.memory_space<hbm>> -> memref<10240x128xf32, #tpu.memory_space<hbm>>
      tpu.wait_indirect_dma semaphore(%arg17 : memref<!tpu.dma_semaphore, #tpu.memory_space<semaphore_mem>>) src(%dma_wait3A_879 : memref<10240x128xf32, #tpu.memory_space<hbm>>) dst(%dma_wait3A_873 : memref<64x128xf32, #tpu.memory_space<vmem>>)
      %dma_start3A_880 = arith.constant 3 : i32
      %dma_start3A_881 = arith.constant 3 : i32
      %dma_start3A_882 = arith.constant 0 : i32
      %dma_start3A_883 = arith.constant 0 : i32
      %dma_start3A_884 = tpu.memref_slice %arg10[%dma_start3A_880, %dma_start3A_882, %dma_start3A_883] : memref<4x64x128xf32, #tpu.memory_space<vmem>> -> memref<1x64x128xf32, #tpu.memory_space<vmem>>
      %dma_start3A_885 = tpu.memref_squeeze %dma_start3A_884 : memref<1x64x128xf32, #tpu.memory_space<vmem>> -> memref<64x128xf32, #tpu.memory_space<vmem>>
      %dma_start3A_886 = arith.constant 0 : i32
      %dma_start3A_887 = tpu.memref_slice %arg9[%dma_start3A_881, %dma_start3A_886] : memref<4x64xi32, #tpu.memory_space<vmem>> -> memref<1x64xi32, #tpu.memory_space<vmem>>
      %dma_start3A_888 = tpu.memref_squeeze %dma_start3A_887 : memref<1x64xi32, #tpu.memory_space<vmem>> -> memref<64xi32, #tpu.memory_space<vmem>>
      %dma_start3A_889 = arith.constant 0 : i32
      %dma_start3A_890 = arith.constant 0 : i32
      %dma_start3A_891 = tpu.memref_slice %arg11[%dma_start3A_889, %dma_start3A_890] : memref<10240x128xf32, #tpu.memory_space<vmem_shared>> -> memref<10240x128xf32, #tpu.memory_space<vmem_shared>>
      tpu.enqueue_indirect_dma source(%dma_start3A_885 : memref<64x128xf32, #tpu.memory_space<vmem>>) target(%dma_start3A_891 : memref<10240x128xf32, #tpu.memory_space<vmem_shared>>) offsets(%dma_start3A_888 : memref<64xi32, #tpu.memory_space<vmem>>) semaphore(%arg21 : memref<!tpu.dma_semaphore, #tpu.memory_space<semaphore_mem>>) {add = true}
      %dma_wait3A_892 = arith.constant 0 : i32
      %dma_wait3A_893 = tpu.memref_slice %arg3[%min3A_787, %dma_wait3A_892] : memref<5120x64xi32, #tpu.memory_space<hbm>> -> memref<4x64xi32, #tpu.memory_space<hbm>>
      %dma_wait3A_894 = arith.constant 0 : i32
      %dma_wait3A_895 = tpu.memref_slice %arg3[%min3A_787, %dma_wait3A_894] : memref<5120x64xi32, #tpu.memory_space<hbm>> -> memref<4x64xi32, #tpu.memory_space<hbm>>
      tpu.wait_dma2 semaphore(%arg12 : memref<!tpu.dma_semaphore, #tpu.memory_space<semaphore_mem>>) src(%dma_wait3A_895 : memref<4x64xi32, #tpu.memory_space<hbm>>) dst(%arg6 : memref<4x64xi32, #tpu.memory_space<vmem>>)
      %dma_wait3A_896 = arith.constant 0 : i32
      %dma_wait3A_897 = tpu.memref_slice %arg4[%min3A_787, %dma_wait3A_896] : memref<5120x64xi32, #tpu.memory_space<hbm>> -> memref<4x64xi32, #tpu.memory_space<hbm>>
      %dma_wait3A_898 = arith.constant 0 : i32
      %dma_wait3A_899 = tpu.memref_slice %arg4[%min3A_787, %dma_wait3A_898] : memref<5120x64xi32, #tpu.memory_space<hbm>> -> memref<4x64xi32, #tpu.memory_space<hbm>>
      tpu.wait_dma2 semaphore(%arg12 : memref<!tpu.dma_semaphore, #tpu.memory_space<semaphore_mem>>) src(%dma_wait3A_899 : memref<4x64xi32, #tpu.memory_space<hbm>>) dst(%arg8 : memref<4x64xi32, #tpu.memory_space<vmem>>)
      %scan3A_900 = arith.constant 0 : i32
      scf.yield %scan3A_900 : i32
    }
    %scan3A_413 = arith.constant 20 : i32
    %dma_wait3A_414 = arith.constant 0 : i32
    %dma_wait3A_415 = arith.constant 0 : i32
    %dma_wait3A_416 = arith.constant 0 : i32
    %dma_wait3A_417 = arith.constant 0 : i32
    %dma_wait3A_418 = tpu.memref_slice %arg10[%dma_wait3A_414, %dma_wait3A_416, %dma_wait3A_417] : memref<4x64x128xf32, #tpu.memory_space<vmem>> -> memref<1x64x128xf32, #tpu.memory_space<vmem>>
    %dma_wait3A_419 = tpu.memref_squeeze %dma_wait3A_418 : memref<1x64x128xf32, #tpu.memory_space<vmem>> -> memref<64x128xf32, #tpu.memory_space<vmem>>
    %dma_wait3A_420 = arith.constant 0 : i32
    %dma_wait3A_421 = tpu.memref_slice %arg9[%dma_wait3A_415, %dma_wait3A_420] : memref<4x64xi32, #tpu.memory_space<vmem>> -> memref<1x64xi32, #tpu.memory_space<vmem>>
    %dma_wait3A_422 = tpu.memref_squeeze %dma_wait3A_421 : memref<1x64xi32, #tpu.memory_space<vmem>> -> memref<64xi32, #tpu.memory_space<vmem>>
    %dma_wait3A_423 = arith.constant 0 : i32
    %dma_wait3A_424 = arith.constant 0 : i32
    %dma_wait3A_425 = tpu.memref_slice %arg11[%dma_wait3A_423, %dma_wait3A_424] : memref<10240x128xf32, #tpu.memory_space<vmem_shared>> -> memref<10240x128xf32, #tpu.memory_space<vmem_shared>>
    tpu.wait_indirect_dma semaphore(%arg18 : memref<!tpu.dma_semaphore, #tpu.memory_space<semaphore_mem>>) src(%dma_wait3A_419 : memref<64x128xf32, #tpu.memory_space<vmem>>) dst(%dma_wait3A_425 : memref<10240x128xf32, #tpu.memory_space<vmem_shared>>)
    %dma_wait3A_426 = arith.constant 1 : i32
    %dma_wait3A_427 = arith.constant 0 : i32
    %dma_wait3A_428 = arith.constant 0 : i32
    %dma_wait3A_429 = arith.constant 0 : i32
    %dma_wait3A_430 = tpu.memref_slice %arg10[%dma_wait3A_426, %dma_wait3A_428, %dma_wait3A_429] : memref<4x64x128xf32, #tpu.memory_space<vmem>> -> memref<1x64x128xf32, #tpu.memory_space<vmem>>
    %dma_wait3A_431 = tpu.memref_squeeze %dma_wait3A_430 : memref<1x64x128xf32, #tpu.memory_space<vmem>> -> memref<64x128xf32, #tpu.memory_space<vmem>>
    %dma_wait3A_432 = arith.constant 0 : i32
    %dma_wait3A_433 = tpu.memref_slice %arg9[%dma_wait3A_427, %dma_wait3A_432] : memref<4x64xi32, #tpu.memory_space<vmem>> -> memref<1x64xi32, #tpu.memory_space<vmem>>
    %dma_wait3A_434 = tpu.memref_squeeze %dma_wait3A_433 : memref<1x64xi32, #tpu.memory_space<vmem>> -> memref<64xi32, #tpu.memory_space<vmem>>
    %dma_wait3A_435 = arith.constant 0 : i32
    %dma_wait3A_436 = arith.constant 0 : i32
    %dma_wait3A_437 = tpu.memref_slice %arg11[%dma_wait3A_435, %dma_wait3A_436] : memref<10240x128xf32, #tpu.memory_space<vmem_shared>> -> memref<10240x128xf32, #tpu.memory_space<vmem_shared>>
    tpu.wait_indirect_dma semaphore(%arg19 : memref<!tpu.dma_semaphore, #tpu.memory_space<semaphore_mem>>) src(%dma_wait3A_431 : memref<64x128xf32, #tpu.memory_space<vmem>>) dst(%dma_wait3A_437 : memref<10240x128xf32, #tpu.memory_space<vmem_shared>>)
    %dma_wait3A_438 = arith.constant 2 : i32
    %dma_wait3A_439 = arith.constant 0 : i32
    %dma_wait3A_440 = arith.constant 0 : i32
    %dma_wait3A_441 = arith.constant 0 : i32
    %dma_wait3A_442 = tpu.memref_slice %arg10[%dma_wait3A_438, %dma_wait3A_440, %dma_wait3A_441] : memref<4x64x128xf32, #tpu.memory_space<vmem>> -> memref<1x64x128xf32, #tpu.memory_space<vmem>>
    %dma_wait3A_443 = tpu.memref_squeeze %dma_wait3A_442 : memref<1x64x128xf32, #tpu.memory_space<vmem>> -> memref<64x128xf32, #tpu.memory_space<vmem>>
    %dma_wait3A_444 = arith.constant 0 : i32
    %dma_wait3A_445 = tpu.memref_slice %arg9[%dma_wait3A_439, %dma_wait3A_444] : memref<4x64xi32, #tpu.memory_space<vmem>> -> memref<1x64xi32, #tpu.memory_space<vmem>>
    %dma_wait3A_446 = tpu.memref_squeeze %dma_wait3A_445 : memref<1x64xi32, #tpu.memory_space<vmem>> -> memref<64xi32, #tpu.memory_space<vmem>>
    %dma_wait3A_447 = arith.constant 0 : i32
    %dma_wait3A_448 = arith.constant 0 : i32
    %dma_wait3A_449 = tpu.memref_slice %arg11[%dma_wait3A_447, %dma_wait3A_448] : memref<10240x128xf32, #tpu.memory_space<vmem_shared>> -> memref<10240x128xf32, #tpu.memory_space<vmem_shared>>
    tpu.wait_indirect_dma semaphore(%arg20 : memref<!tpu.dma_semaphore, #tpu.memory_space<semaphore_mem>>) src(%dma_wait3A_443 : memref<64x128xf32, #tpu.memory_space<vmem>>) dst(%dma_wait3A_449 : memref<10240x128xf32, #tpu.memory_space<vmem_shared>>)
    %dma_wait3A_450 = arith.constant 3 : i32
    %dma_wait3A_451 = arith.constant 0 : i32
    %dma_wait3A_452 = arith.constant 0 : i32
    %dma_wait3A_453 = arith.constant 0 : i32
    %dma_wait3A_454 = tpu.memref_slice %arg10[%dma_wait3A_450, %dma_wait3A_452, %dma_wait3A_453] : memref<4x64x128xf32, #tpu.memory_space<vmem>> -> memref<1x64x128xf32, #tpu.memory_space<vmem>>
    %dma_wait3A_455 = tpu.memref_squeeze %dma_wait3A_454 : memref<1x64x128xf32, #tpu.memory_space<vmem>> -> memref<64x128xf32, #tpu.memory_space<vmem>>
    %dma_wait3A_456 = arith.constant 0 : i32
    %dma_wait3A_457 = tpu.memref_slice %arg9[%dma_wait3A_451, %dma_wait3A_456] : memref<4x64xi32, #tpu.memory_space<vmem>> -> memref<1x64xi32, #tpu.memory_space<vmem>>
    %dma_wait3A_458 = tpu.memref_squeeze %dma_wait3A_457 : memref<1x64xi32, #tpu.memory_space<vmem>> -> memref<64xi32, #tpu.memory_space<vmem>>
    %dma_wait3A_459 = arith.constant 0 : i32
    %dma_wait3A_460 = arith.constant 0 : i32
    %dma_wait3A_461 = tpu.memref_slice %arg11[%dma_wait3A_459, %dma_wait3A_460] : memref<10240x128xf32, #tpu.memory_space<vmem_shared>> -> memref<10240x128xf32, #tpu.memory_space<vmem_shared>>
    tpu.wait_indirect_dma semaphore(%arg21 : memref<!tpu.dma_semaphore, #tpu.memory_space<semaphore_mem>>) src(%dma_wait3A_455 : memref<64x128xf32, #tpu.memory_space<vmem>>) dst(%dma_wait3A_461 : memref<10240x128xf32, #tpu.memory_space<vmem_shared>>)
    %barrier3A_462 = arith.constant 0 : index
    tpu.barrier barrier_id(%barrier3A_462)
    %mul3A_463 = arith.constant 640 : i32
    %mul3A_464 = arith.muli %arg1, %mul3A_463 : i32
    %mul3A_465 = arith.constant 640 : i32
    %mul3A_466 = arith.muli %arg1, %mul3A_465 : i32
    "tpu.region"() ({
      %run_scoped3A = tpu.sem_alloc : memref<!tpu.dma_semaphore, #tpu.memory_space<semaphore_mem>>
      %dma_start3A_467 = arith.constant 0 : i32
      %dma_start3A_468 = tpu.memref_slice %arg5[%arg0, %mul3A_466, %dma_start3A_467] : memref<2x10240x128xf32, #tpu.memory_space<hbm>> -> memref<1x640x128xf32, #tpu.memory_space<hbm>>
      %dma_start3A_469 = tpu.memref_squeeze %dma_start3A_468 : memref<1x640x128xf32, #tpu.memory_space<hbm>> -> memref<640x128xf32, #tpu.memory_space<hbm>>
      %dma_start3A_470 = arith.constant 0 : i32
      %dma_start3A_471 = tpu.memref_slice %arg11[%mul3A_464, %dma_start3A_470] : memref<10240x128xf32, #tpu.memory_space<vmem_shared>> -> memref<640x128xf32, #tpu.memory_space<vmem_shared>>
      tpu.enqueue_dma source(%dma_start3A_471 : memref<640x128xf32, #tpu.memory_space<vmem_shared>>) target(%dma_start3A_469 : memref<640x128xf32, #tpu.memory_space<hbm>>) target_semaphore(%run_scoped3A : memref<!tpu.dma_semaphore, #tpu.memory_space<semaphore_mem>>)
      %dma_wait3A_472 = arith.constant 0 : i32
      %dma_wait3A_473 = tpu.memref_slice %arg5[%arg0, %mul3A_466, %dma_wait3A_472] : memref<2x10240x128xf32, #tpu.memory_space<hbm>> -> memref<1x640x128xf32, #tpu.memory_space<hbm>>
      %dma_wait3A_474 = tpu.memref_squeeze %dma_wait3A_473 : memref<1x640x128xf32, #tpu.memory_space<hbm>> -> memref<640x128xf32, #tpu.memory_space<hbm>>
      %dma_wait3A_475 = arith.constant 0 : i32
      %dma_wait3A_476 = tpu.memref_slice %arg11[%mul3A_464, %dma_wait3A_475] : memref<10240x128xf32, #tpu.memory_space<vmem_shared>> -> memref<640x128xf32, #tpu.memory_space<vmem_shared>>
      tpu.wait_dma2 semaphore(%run_scoped3A : memref<!tpu.dma_semaphore, #tpu.memory_space<semaphore_mem>>) src(%dma_wait3A_476 : memref<640x128xf32, #tpu.memory_space<vmem_shared>>) dst(%dma_wait3A_474 : memref<640x128xf32, #tpu.memory_space<hbm>>)
      tpu.yield
    }) : () -> ()
    return
  }
}

#map = affine_map<(d0, d1) -> (0, 0)>
module attributes {stable_mosaic.version = 14 : i64} {
  func.func @deg_kernel(%arg0: i32, %arg1: i32, %arg2: memref<5120x64xi32, #tpu.memory_space<hbm>>, %arg3: memref<2x10240xf32, #tpu.memory_space<hbm>>, %arg4: memref<16x64xi32, #tpu.memory_space<vmem>>, %arg5: memref<16x64xi32, #tpu.memory_space<vmem>>, %arg6: memref<64xf32, #tpu.memory_space<vmem>>, %arg7: memref<640xf32, #tpu.memory_space<vmem>>, %arg8: memref<10240xf32, #tpu.memory_space<vmem_shared>>, %arg9: memref<!tpu.dma_semaphore, #tpu.memory_space<semaphore_mem>>, %arg10: memref<!tpu.dma_semaphore, #tpu.memory_space<semaphore_mem>>, %arg11: memref<!tpu.dma_semaphore, #tpu.memory_space<semaphore_mem>>, %arg12: memref<!tpu.dma_semaphore, #tpu.memory_space<semaphore_mem>>, %arg13: memref<!tpu.dma_semaphore, #tpu.memory_space<semaphore_mem>>, %arg14: memref<!tpu.dma_semaphore, #tpu.memory_space<semaphore_mem>>) attributes {dimension_semantics = [#tpu.dimension_semantics<core_parallel>, #tpu.dimension_semantics<subcore_parallel>], iteration_bounds = array<i64: 2, 16>, scalar_prefetch = 0 : i64, scratch_operands = 11 : i64, tpu.core_type = #tpu.core_type<sc_vector_subcore>, window_params = [{transform_indices = #map}, {transform_indices = #map}]} {
    %mul3A = arith.constant 2 : i32
    %mul3A_0 = arith.muli %arg1, %mul3A : i32
    %add3A = arith.addi %mul3A_0, %arg0 : i32
    %broadcast_in_dim3A = arith.constant 1.000000e+00 : f32
    %broadcast_in_dim3A_1 = vector.broadcast %broadcast_in_dim3A : f32 to vector<16xf32>
    %broadcast_in_dim3A_2 = arith.constant 0.000000e+00 : f32
    %broadcast_in_dim3A_3 = vector.broadcast %broadcast_in_dim3A_2 : f32 to vector<16xf32>
    %scan3A = arith.constant 0 : i32
    %scan3A_4 = arith.constant 0 : i32
    %scan3A_5 = arith.constant 4 : i32
    %scan3A_6 = arith.addi %scan3A_4, %scan3A_5 : i32
    %scan3A_7 = arith.constant 1 : i32
    %scan3A_8 = scf.for %scan3A_39 = %scan3A_4 to %scan3A_6 step %scan3A_7 iter_args(%scan3A_40 = %scan3A) -> (i32)  : i32 {
      %mul3A_41 = arith.constant 16 : i32
      %mul3A_42 = arith.muli %scan3A_39, %mul3A_41 : i32
      %swap3A = arith.index_cast %mul3A_42 : i32 to index
      %swap3A_43 = tpu.vector_load %arg6[%swap3A] {strides = array<i32>} : memref<64xf32, #tpu.memory_space<vmem>>, vector<16xf32>,
      %swap3A_44 = vector.shape_cast %swap3A_43 : vector<16xf32> to vector<16xf32>
      %swap3A_45 = vector.shape_cast %broadcast_in_dim3A_1 : vector<16xf32> to vector<16xf32>
      tpu.vector_store %arg6[%swap3A], %swap3A_45 {strides = array<i32>} : memref<64xf32, #tpu.memory_space<vmem>>, vector<16xf32>,
      %scan3A_46 = arith.constant 0 : i32
      scf.yield %scan3A_46 : i32
    }
    %scan3A_9 = arith.constant 4 : i32
    %scan3A_10 = arith.constant 0 : i32
    %scan3A_11 = arith.constant 0 : i32
    %scan3A_12 = arith.constant 40 : i32
    %scan3A_13 = arith.addi %scan3A_11, %scan3A_12 : i32
    %scan3A_14 = arith.constant 1 : i32
    %scan3A_15 = scf.for %scan3A_39 = %scan3A_11 to %scan3A_13 step %scan3A_14 iter_args(%scan3A_40 = %scan3A_10) -> (i32)  : i32 {
      %mul3A_41 = arith.constant 16 : i32
      %mul3A_42 = arith.muli %scan3A_39, %mul3A_41 : i32
      %swap3A = arith.index_cast %mul3A_42 : i32 to index
      %swap3A_43 = tpu.vector_load %arg7[%swap3A] {strides = array<i32>} : memref<640xf32, #tpu.memory_space<vmem>>, vector<16xf32>,
      %swap3A_44 = vector.shape_cast %swap3A_43 : vector<16xf32> to vector<16xf32>
      %swap3A_45 = vector.shape_cast %broadcast_in_dim3A_3 : vector<16xf32> to vector<16xf32>
      tpu.vector_store %arg7[%swap3A], %swap3A_45 {strides = array<i32>} : memref<640xf32, #tpu.memory_space<vmem>>, vector<16xf32>,
      %scan3A_46 = arith.constant 0 : i32
      scf.yield %scan3A_46 : i32
    }
    %scan3A_16 = arith.constant 40 : i32
    %mul3A_17 = arith.constant 640 : i32
    %mul3A_18 = arith.muli %arg1, %mul3A_17 : i32
    "tpu.region"() ({
      %run_scoped3A = tpu.sem_alloc : memref<!tpu.dma_semaphore, #tpu.memory_space<semaphore_mem>>
      %dma_start3A_39 = tpu.memref_slice %arg8[%mul3A_18] : memref<10240xf32, #tpu.memory_space<vmem_shared>> -> memref<640xf32, #tpu.memory_space<vmem_shared>>
      %dma_start3A_40 = tpu.memref_slice %arg8[%mul3A_18] : memref<10240xf32, #tpu.memory_space<vmem_shared>> -> memref<640xf32, #tpu.memory_space<vmem_shared>>
      tpu.enqueue_dma source(%arg7 : memref<640xf32, #tpu.memory_space<vmem>>) target(%dma_start3A_40 : memref<640xf32, #tpu.memory_space<vmem_shared>>) target_semaphore(%run_scoped3A : memref<!tpu.dma_semaphore, #tpu.memory_space<semaphore_mem>>)
      %dma_wait3A_41 = tpu.memref_slice %arg8[%mul3A_18] : memref<10240xf32, #tpu.memory_space<vmem_shared>> -> memref<640xf32, #tpu.memory_space<vmem_shared>>
      %dma_wait3A_42 = tpu.memref_slice %arg8[%mul3A_18] : memref<10240xf32, #tpu.memory_space<vmem_shared>> -> memref<640xf32, #tpu.memory_space<vmem_shared>>
      tpu.wait_dma2 semaphore(%run_scoped3A : memref<!tpu.dma_semaphore, #tpu.memory_space<semaphore_mem>>) src(%arg7 : memref<640xf32, #tpu.memory_space<vmem>>) dst(%dma_wait3A_42 : memref<640xf32, #tpu.memory_space<vmem_shared>>)
      tpu.yield
    }) : () -> ()
    %barrier3A = arith.constant 0 : index
    tpu.barrier barrier_id(%barrier3A)
    %mul3A_19 = arith.constant 160 : i32
    %mul3A_20 = arith.muli %add3A, %mul3A_19 : i32
    %dma_start3A = arith.constant 0 : i32
    %dma_start3A_21 = tpu.memref_slice %arg2[%mul3A_20, %dma_start3A] : memref<5120x64xi32, #tpu.memory_space<hbm>> -> memref<16x64xi32, #tpu.memory_space<hbm>>
    %dma_start3A_22 = arith.constant 0 : i32
    %dma_start3A_23 = tpu.memref_slice %arg2[%mul3A_20, %dma_start3A_22] : memref<5120x64xi32, #tpu.memory_space<hbm>> -> memref<16x64xi32, #tpu.memory_space<hbm>>
    tpu.enqueue_dma source(%dma_start3A_23 : memref<16x64xi32, #tpu.memory_space<hbm>>) target(%arg4 : memref<16x64xi32, #tpu.memory_space<vmem>>) target_semaphore(%arg9 : memref<!tpu.dma_semaphore, #tpu.memory_space<semaphore_mem>>)
    %dma_wait3A = arith.constant 0 : i32
    %dma_wait3A_24 = tpu.memref_slice %arg2[%mul3A_20, %dma_wait3A] : memref<5120x64xi32, #tpu.memory_space<hbm>> -> memref<16x64xi32, #tpu.memory_space<hbm>>
    %dma_wait3A_25 = arith.constant 0 : i32
    %dma_wait3A_26 = tpu.memref_slice %arg2[%mul3A_20, %dma_wait3A_25] : memref<5120x64xi32, #tpu.memory_space<hbm>> -> memref<16x64xi32, #tpu.memory_space<hbm>>
    tpu.wait_dma2 semaphore(%arg9 : memref<!tpu.dma_semaphore, #tpu.memory_space<semaphore_mem>>) src(%dma_wait3A_26 : memref<16x64xi32, #tpu.memory_space<hbm>>) dst(%arg4 : memref<16x64xi32, #tpu.memory_space<vmem>>)
    %scan3A_27 = arith.constant 0 : i32
    %scan3A_28 = arith.constant 0 : i32
    %scan3A_29 = arith.constant 5 : i32
    %scan3A_30 = arith.addi %scan3A_28, %scan3A_29 : i32
    %scan3A_31 = arith.constant 1 : i32
    %scan3A_32 = scf.for %scan3A_39 = %scan3A_28 to %scan3A_30 step %scan3A_31 iter_args(%scan3A_40 = %scan3A_27) -> (i32)  : i32 {
      %mul3A_41 = arith.constant 2 : i32
      %mul3A_42 = arith.muli %mul3A_41, %scan3A_39 : i32
      %add3A_43 = arith.constant 1 : i32
      %add3A_44 = arith.addi %mul3A_42, %add3A_43 : i32
      %mul3A_45 = arith.constant 16 : i32
      %mul3A_46 = arith.muli %add3A_44, %mul3A_45 : i32
      %add3A_47 = arith.addi %mul3A_20, %mul3A_46 : i32
      %dma_start3A_48 = arith.constant 0 : i32
      %dma_start3A_49 = tpu.memref_slice %arg2[%add3A_47, %dma_start3A_48] : memref<5120x64xi32, #tpu.memory_space<hbm>> -> memref<16x64xi32, #tpu.memory_space<hbm>>
      %dma_start3A_50 = arith.constant 0 : i32
      %dma_start3A_51 = tpu.memref_slice %arg2[%add3A_47, %dma_start3A_50] : memref<5120x64xi32, #tpu.memory_space<hbm>> -> memref<16x64xi32, #tpu.memory_space<hbm>>
      tpu.enqueue_dma source(%dma_start3A_51 : memref<16x64xi32, #tpu.memory_space<hbm>>) target(%arg5 : memref<16x64xi32, #tpu.memory_space<vmem>>) target_semaphore(%arg10 : memref<!tpu.dma_semaphore, #tpu.memory_space<semaphore_mem>>)
      %dma_start3A_52 = arith.constant 0 : i32
      %dma_start3A_53 = arith.constant 0 : i32
      %dma_start3A_54 = tpu.memref_slice %arg4[%dma_start3A_52, %dma_start3A_53] : memref<16x64xi32, #tpu.memory_space<vmem>> -> memref<1x64xi32, #tpu.memory_space<vmem>>
      %dma_start3A_55 = tpu.memref_squeeze %dma_start3A_54 : memref<1x64xi32, #tpu.memory_space<vmem>> -> memref<64xi32, #tpu.memory_space<vmem>>
      %dma_start3A_56 = arith.constant 0 : i32
      %dma_start3A_57 = tpu.memref_slice %arg8[%dma_start3A_56] : memref<10240xf32, #tpu.memory_space<vmem_shared>> -> memref<10240xf32, #tpu.memory_space<vmem_shared>>
      tpu.enqueue_indirect_dma source(%arg6 : memref<64xf32, #tpu.memory_space<vmem>>) target(%dma_start3A_57 : memref<10240xf32, #tpu.memory_space<vmem_shared>>) offsets(%dma_start3A_55 : memref<64xi32, #tpu.memory_space<vmem>>) semaphore(%arg11 : memref<!tpu.dma_semaphore, #tpu.memory_space<semaphore_mem>>) {add = true}
      %dma_start3A_58 = arith.constant 1 : i32
      %dma_start3A_59 = arith.constant 0 : i32
      %dma_start3A_60 = tpu.memref_slice %arg4[%dma_start3A_58, %dma_start3A_59] : memref<16x64xi32, #tpu.memory_space<vmem>> -> memref<1x64xi32, #tpu.memory_space<vmem>>
      %dma_start3A_61 = tpu.memref_squeeze %dma_start3A_60 : memref<1x64xi32, #tpu.memory_space<vmem>> -> memref<64xi32, #tpu.memory_space<vmem>>
      %dma_start3A_62 = arith.constant 0 : i32
      %dma_start3A_63 = tpu.memref_slice %arg8[%dma_start3A_62] : memref<10240xf32, #tpu.memory_space<vmem_shared>> -> memref<10240xf32, #tpu.memory_space<vmem_shared>>
      tpu.enqueue_indirect_dma source(%arg6 : memref<64xf32, #tpu.memory_space<vmem>>) target(%dma_start3A_63 : memref<10240xf32, #tpu.memory_space<vmem_shared>>) offsets(%dma_start3A_61 : memref<64xi32, #tpu.memory_space<vmem>>) semaphore(%arg12 : memref<!tpu.dma_semaphore, #tpu.memory_space<semaphore_mem>>) {add = true}
      %dma_start3A_64 = arith.constant 2 : i32
      %dma_start3A_65 = arith.constant 0 : i32
      %dma_start3A_66 = tpu.memref_slice %arg4[%dma_start3A_64, %dma_start3A_65] : memref<16x64xi32, #tpu.memory_space<vmem>> -> memref<1x64xi32, #tpu.memory_space<vmem>>
      %dma_start3A_67 = tpu.memref_squeeze %dma_start3A_66 : memref<1x64xi32, #tpu.memory_space<vmem>> -> memref<64xi32, #tpu.memory_space<vmem>>
      %dma_start3A_68 = arith.constant 0 : i32
      %dma_start3A_69 = tpu.memref_slice %arg8[%dma_start3A_68] : memref<10240xf32, #tpu.memory_space<vmem_shared>> -> memref<10240xf32, #tpu.memory_space<vmem_shared>>
      tpu.enqueue_indirect_dma source(%arg6 : memref<64xf32, #tpu.memory_space<vmem>>) target(%dma_start3A_69 : memref<10240xf32, #tpu.memory_space<vmem_shared>>) offsets(%dma_start3A_67 : memref<64xi32, #tpu.memory_space<vmem>>) semaphore(%arg13 : memref<!tpu.dma_semaphore, #tpu.memory_space<semaphore_mem>>) {add = true}
      %dma_start3A_70 = arith.constant 3 : i32
      %dma_start3A_71 = arith.constant 0 : i32
      %dma_start3A_72 = tpu.memref_slice %arg4[%dma_start3A_70, %dma_start3A_71] : memref<16x64xi32, #tpu.memory_space<vmem>> -> memref<1x64xi32, #tpu.memory_space<vmem>>
      %dma_start3A_73 = tpu.memref_squeeze %dma_start3A_72 : memref<1x64xi32, #tpu.memory_space<vmem>> -> memref<64xi32, #tpu.memory_space<vmem>>
      %dma_start3A_74 = arith.constant 0 : i32
      %dma_start3A_75 = tpu.memref_slice %arg8[%dma_start3A_74] : memref<10240xf32, #tpu.memory_space<vmem_shared>> -> memref<10240xf32, #tpu.memory_space<vmem_shared>>
      tpu.enqueue_indirect_dma source(%arg6 : memref<64xf32, #tpu.memory_space<vmem>>) target(%dma_start3A_75 : memref<10240xf32, #tpu.memory_space<vmem_shared>>) offsets(%dma_start3A_73 : memref<64xi32, #tpu.memory_space<vmem>>) semaphore(%arg14 : memref<!tpu.dma_semaphore, #tpu.memory_space<semaphore_mem>>) {add = true}
      %dma_start3A_76 = arith.constant 4 : i32
      %dma_start3A_77 = arith.constant 0 : i32
      %dma_start3A_78 = tpu.memref_slice %arg4[%dma_start3A_76, %dma_start3A_77] : memref<16x64xi32, #tpu.memory_space<vmem>> -> memref<1x64xi32, #tpu.memory_space<vmem>>
      %dma_start3A_79 = tpu.memref_squeeze %dma_start3A_78 : memref<1x64xi32, #tpu.memory_space<vmem>> -> memref<64xi32, #tpu.memory_space<vmem>>
      %dma_start3A_80 = arith.constant 0 : i32
      %dma_start3A_81 = tpu.memref_slice %arg8[%dma_start3A_80] : memref<10240xf32, #tpu.memory_space<vmem_shared>> -> memref<10240xf32, #tpu.memory_space<vmem_shared>>
      tpu.enqueue_indirect_dma source(%arg6 : memref<64xf32, #tpu.memory_space<vmem>>) target(%dma_start3A_81 : memref<10240xf32, #tpu.memory_space<vmem_shared>>) offsets(%dma_start3A_79 : memref<64xi32, #tpu.memory_space<vmem>>) semaphore(%arg11 : memref<!tpu.dma_semaphore, #tpu.memory_space<semaphore_mem>>) {add = true}
      %dma_start3A_82 = arith.constant 5 : i32
      %dma_start3A_83 = arith.constant 0 : i32
      %dma_start3A_84 = tpu.memref_slice %arg4[%dma_start3A_82, %dma_start3A_83] : memref<16x64xi32, #tpu.memory_space<vmem>> -> memref<1x64xi32, #tpu.memory_space<vmem>>
      %dma_start3A_85 = tpu.memref_squeeze %dma_start3A_84 : memref<1x64xi32, #tpu.memory_space<vmem>> -> memref<64xi32, #tpu.memory_space<vmem>>
      %dma_start3A_86 = arith.constant 0 : i32
      %dma_start3A_87 = tpu.memref_slice %arg8[%dma_start3A_86] : memref<10240xf32, #tpu.memory_space<vmem_shared>> -> memref<10240xf32, #tpu.memory_space<vmem_shared>>
      tpu.enqueue_indirect_dma source(%arg6 : memref<64xf32, #tpu.memory_space<vmem>>) target(%dma_start3A_87 : memref<10240xf32, #tpu.memory_space<vmem_shared>>) offsets(%dma_start3A_85 : memref<64xi32, #tpu.memory_space<vmem>>) semaphore(%arg12 : memref<!tpu.dma_semaphore, #tpu.memory_space<semaphore_mem>>) {add = true}
      %dma_start3A_88 = arith.constant 6 : i32
      %dma_start3A_89 = arith.constant 0 : i32
      %dma_start3A_90 = tpu.memref_slice %arg4[%dma_start3A_88, %dma_start3A_89] : memref<16x64xi32, #tpu.memory_space<vmem>> -> memref<1x64xi32, #tpu.memory_space<vmem>>
      %dma_start3A_91 = tpu.memref_squeeze %dma_start3A_90 : memref<1x64xi32, #tpu.memory_space<vmem>> -> memref<64xi32, #tpu.memory_space<vmem>>
      %dma_start3A_92 = arith.constant 0 : i32
      %dma_start3A_93 = tpu.memref_slice %arg8[%dma_start3A_92] : memref<10240xf32, #tpu.memory_space<vmem_shared>> -> memref<10240xf32, #tpu.memory_space<vmem_shared>>
      tpu.enqueue_indirect_dma source(%arg6 : memref<64xf32, #tpu.memory_space<vmem>>) target(%dma_start3A_93 : memref<10240xf32, #tpu.memory_space<vmem_shared>>) offsets(%dma_start3A_91 : memref<64xi32, #tpu.memory_space<vmem>>) semaphore(%arg13 : memref<!tpu.dma_semaphore, #tpu.memory_space<semaphore_mem>>) {add = true}
      %dma_start3A_94 = arith.constant 7 : i32
      %dma_start3A_95 = arith.constant 0 : i32
      %dma_start3A_96 = tpu.memref_slice %arg4[%dma_start3A_94, %dma_start3A_95] : memref<16x64xi32, #tpu.memory_space<vmem>> -> memref<1x64xi32, #tpu.memory_space<vmem>>
      %dma_start3A_97 = tpu.memref_squeeze %dma_start3A_96 : memref<1x64xi32, #tpu.memory_space<vmem>> -> memref<64xi32, #tpu.memory_space<vmem>>
      %dma_start3A_98 = arith.constant 0 : i32
      %dma_start3A_99 = tpu.memref_slice %arg8[%dma_start3A_98] : memref<10240xf32, #tpu.memory_space<vmem_shared>> -> memref<10240xf32, #tpu.memory_space<vmem_shared>>
      tpu.enqueue_indirect_dma source(%arg6 : memref<64xf32, #tpu.memory_space<vmem>>) target(%dma_start3A_99 : memref<10240xf32, #tpu.memory_space<vmem_shared>>) offsets(%dma_start3A_97 : memref<64xi32, #tpu.memory_space<vmem>>) semaphore(%arg14 : memref<!tpu.dma_semaphore, #tpu.memory_space<semaphore_mem>>) {add = true}
      %dma_start3A_100 = arith.constant 8 : i32
      %dma_start3A_101 = arith.constant 0 : i32
      %dma_start3A_102 = tpu.memref_slice %arg4[%dma_start3A_100, %dma_start3A_101] : memref<16x64xi32, #tpu.memory_space<vmem>> -> memref<1x64xi32, #tpu.memory_space<vmem>>
      %dma_start3A_103 = tpu.memref_squeeze %dma_start3A_102 : memref<1x64xi32, #tpu.memory_space<vmem>> -> memref<64xi32, #tpu.memory_space<vmem>>
      %dma_start3A_104 = arith.constant 0 : i32
      %dma_start3A_105 = tpu.memref_slice %arg8[%dma_start3A_104] : memref<10240xf32, #tpu.memory_space<vmem_shared>> -> memref<10240xf32, #tpu.memory_space<vmem_shared>>
      tpu.enqueue_indirect_dma source(%arg6 : memref<64xf32, #tpu.memory_space<vmem>>) target(%dma_start3A_105 : memref<10240xf32, #tpu.memory_space<vmem_shared>>) offsets(%dma_start3A_103 : memref<64xi32, #tpu.memory_space<vmem>>) semaphore(%arg11 : memref<!tpu.dma_semaphore, #tpu.memory_space<semaphore_mem>>) {add = true}
      %dma_start3A_106 = arith.constant 9 : i32
      %dma_start3A_107 = arith.constant 0 : i32
      %dma_start3A_108 = tpu.memref_slice %arg4[%dma_start3A_106, %dma_start3A_107] : memref<16x64xi32, #tpu.memory_space<vmem>> -> memref<1x64xi32, #tpu.memory_space<vmem>>
      %dma_start3A_109 = tpu.memref_squeeze %dma_start3A_108 : memref<1x64xi32, #tpu.memory_space<vmem>> -> memref<64xi32, #tpu.memory_space<vmem>>
      %dma_start3A_110 = arith.constant 0 : i32
      %dma_start3A_111 = tpu.memref_slice %arg8[%dma_start3A_110] : memref<10240xf32, #tpu.memory_space<vmem_shared>> -> memref<10240xf32, #tpu.memory_space<vmem_shared>>
      tpu.enqueue_indirect_dma source(%arg6 : memref<64xf32, #tpu.memory_space<vmem>>) target(%dma_start3A_111 : memref<10240xf32, #tpu.memory_space<vmem_shared>>) offsets(%dma_start3A_109 : memref<64xi32, #tpu.memory_space<vmem>>) semaphore(%arg12 : memref<!tpu.dma_semaphore, #tpu.memory_space<semaphore_mem>>) {add = true}
      %dma_start3A_112 = arith.constant 10 : i32
      %dma_start3A_113 = arith.constant 0 : i32
      %dma_start3A_114 = tpu.memref_slice %arg4[%dma_start3A_112, %dma_start3A_113] : memref<16x64xi32, #tpu.memory_space<vmem>> -> memref<1x64xi32, #tpu.memory_space<vmem>>
      %dma_start3A_115 = tpu.memref_squeeze %dma_start3A_114 : memref<1x64xi32, #tpu.memory_space<vmem>> -> memref<64xi32, #tpu.memory_space<vmem>>
      %dma_start3A_116 = arith.constant 0 : i32
      %dma_start3A_117 = tpu.memref_slice %arg8[%dma_start3A_116] : memref<10240xf32, #tpu.memory_space<vmem_shared>> -> memref<10240xf32, #tpu.memory_space<vmem_shared>>
      tpu.enqueue_indirect_dma source(%arg6 : memref<64xf32, #tpu.memory_space<vmem>>) target(%dma_start3A_117 : memref<10240xf32, #tpu.memory_space<vmem_shared>>) offsets(%dma_start3A_115 : memref<64xi32, #tpu.memory_space<vmem>>) semaphore(%arg13 : memref<!tpu.dma_semaphore, #tpu.memory_space<semaphore_mem>>) {add = true}
      %dma_start3A_118 = arith.constant 11 : i32
      %dma_start3A_119 = arith.constant 0 : i32
      %dma_start3A_120 = tpu.memref_slice %arg4[%dma_start3A_118, %dma_start3A_119] : memref<16x64xi32, #tpu.memory_space<vmem>> -> memref<1x64xi32, #tpu.memory_space<vmem>>
      %dma_start3A_121 = tpu.memref_squeeze %dma_start3A_120 : memref<1x64xi32, #tpu.memory_space<vmem>> -> memref<64xi32, #tpu.memory_space<vmem>>
      %dma_start3A_122 = arith.constant 0 : i32
      %dma_start3A_123 = tpu.memref_slice %arg8[%dma_start3A_122] : memref<10240xf32, #tpu.memory_space<vmem_shared>> -> memref<10240xf32, #tpu.memory_space<vmem_shared>>
      tpu.enqueue_indirect_dma source(%arg6 : memref<64xf32, #tpu.memory_space<vmem>>) target(%dma_start3A_123 : memref<10240xf32, #tpu.memory_space<vmem_shared>>) offsets(%dma_start3A_121 : memref<64xi32, #tpu.memory_space<vmem>>) semaphore(%arg14 : memref<!tpu.dma_semaphore, #tpu.memory_space<semaphore_mem>>) {add = true}
      %dma_start3A_124 = arith.constant 12 : i32
      %dma_start3A_125 = arith.constant 0 : i32
      %dma_start3A_126 = tpu.memref_slice %arg4[%dma_start3A_124, %dma_start3A_125] : memref<16x64xi32, #tpu.memory_space<vmem>> -> memref<1x64xi32, #tpu.memory_space<vmem>>
      %dma_start3A_127 = tpu.memref_squeeze %dma_start3A_126 : memref<1x64xi32, #tpu.memory_space<vmem>> -> memref<64xi32, #tpu.memory_space<vmem>>
      %dma_start3A_128 = arith.constant 0 : i32
      %dma_start3A_129 = tpu.memref_slice %arg8[%dma_start3A_128] : memref<10240xf32, #tpu.memory_space<vmem_shared>> -> memref<10240xf32, #tpu.memory_space<vmem_shared>>
      tpu.enqueue_indirect_dma source(%arg6 : memref<64xf32, #tpu.memory_space<vmem>>) target(%dma_start3A_129 : memref<10240xf32, #tpu.memory_space<vmem_shared>>) offsets(%dma_start3A_127 : memref<64xi32, #tpu.memory_space<vmem>>) semaphore(%arg11 : memref<!tpu.dma_semaphore, #tpu.memory_space<semaphore_mem>>) {add = true}
      %dma_start3A_130 = arith.constant 13 : i32
      %dma_start3A_131 = arith.constant 0 : i32
      %dma_start3A_132 = tpu.memref_slice %arg4[%dma_start3A_130, %dma_start3A_131] : memref<16x64xi32, #tpu.memory_space<vmem>> -> memref<1x64xi32, #tpu.memory_space<vmem>>
      %dma_start3A_133 = tpu.memref_squeeze %dma_start3A_132 : memref<1x64xi32, #tpu.memory_space<vmem>> -> memref<64xi32, #tpu.memory_space<vmem>>
      %dma_start3A_134 = arith.constant 0 : i32
      %dma_start3A_135 = tpu.memref_slice %arg8[%dma_start3A_134] : memref<10240xf32, #tpu.memory_space<vmem_shared>> -> memref<10240xf32, #tpu.memory_space<vmem_shared>>
      tpu.enqueue_indirect_dma source(%arg6 : memref<64xf32, #tpu.memory_space<vmem>>) target(%dma_start3A_135 : memref<10240xf32, #tpu.memory_space<vmem_shared>>) offsets(%dma_start3A_133 : memref<64xi32, #tpu.memory_space<vmem>>) semaphore(%arg12 : memref<!tpu.dma_semaphore, #tpu.memory_space<semaphore_mem>>) {add = true}
      %dma_start3A_136 = arith.constant 14 : i32
      %dma_start3A_137 = arith.constant 0 : i32
      %dma_start3A_138 = tpu.memref_slice %arg4[%dma_start3A_136, %dma_start3A_137] : memref<16x64xi32, #tpu.memory_space<vmem>> -> memref<1x64xi32, #tpu.memory_space<vmem>>
      %dma_start3A_139 = tpu.memref_squeeze %dma_start3A_138 : memref<1x64xi32, #tpu.memory_space<vmem>> -> memref<64xi32, #tpu.memory_space<vmem>>
      %dma_start3A_140 = arith.constant 0 : i32
      %dma_start3A_141 = tpu.memref_slice %arg8[%dma_start3A_140] : memref<10240xf32, #tpu.memory_space<vmem_shared>> -> memref<10240xf32, #tpu.memory_space<vmem_shared>>
      tpu.enqueue_indirect_dma source(%arg6 : memref<64xf32, #tpu.memory_space<vmem>>) target(%dma_start3A_141 : memref<10240xf32, #tpu.memory_space<vmem_shared>>) offsets(%dma_start3A_139 : memref<64xi32, #tpu.memory_space<vmem>>) semaphore(%arg13 : memref<!tpu.dma_semaphore, #tpu.memory_space<semaphore_mem>>) {add = true}
      %dma_start3A_142 = arith.constant 15 : i32
      %dma_start3A_143 = arith.constant 0 : i32
      %dma_start3A_144 = tpu.memref_slice %arg4[%dma_start3A_142, %dma_start3A_143] : memref<16x64xi32, #tpu.memory_space<vmem>> -> memref<1x64xi32, #tpu.memory_space<vmem>>
      %dma_start3A_145 = tpu.memref_squeeze %dma_start3A_144 : memref<1x64xi32, #tpu.memory_space<vmem>> -> memref<64xi32, #tpu.memory_space<vmem>>
      %dma_start3A_146 = arith.constant 0 : i32
      %dma_start3A_147 = tpu.memref_slice %arg8[%dma_start3A_146] : memref<10240xf32, #tpu.memory_space<vmem_shared>> -> memref<10240xf32, #tpu.memory_space<vmem_shared>>
      tpu.enqueue_indirect_dma source(%arg6 : memref<64xf32, #tpu.memory_space<vmem>>) target(%dma_start3A_147 : memref<10240xf32, #tpu.memory_space<vmem_shared>>) offsets(%dma_start3A_145 : memref<64xi32, #tpu.memory_space<vmem>>) semaphore(%arg14 : memref<!tpu.dma_semaphore, #tpu.memory_space<semaphore_mem>>) {add = true}
      %dma_wait3A_148 = arith.constant 0 : i32
      %dma_wait3A_149 = tpu.memref_slice %arg2[%add3A_47, %dma_wait3A_148] : memref<5120x64xi32, #tpu.memory_space<hbm>> -> memref<16x64xi32, #tpu.memory_space<hbm>>
      %dma_wait3A_150 = arith.constant 0 : i32
      %dma_wait3A_151 = tpu.memref_slice %arg2[%add3A_47, %dma_wait3A_150] : memref<5120x64xi32, #tpu.memory_space<hbm>> -> memref<16x64xi32, #tpu.memory_space<hbm>>
      tpu.wait_dma2 semaphore(%arg10 : memref<!tpu.dma_semaphore, #tpu.memory_space<semaphore_mem>>) src(%dma_wait3A_151 : memref<16x64xi32, #tpu.memory_space<hbm>>) dst(%arg5 : memref<16x64xi32, #tpu.memory_space<vmem>>)
      %dma_wait3A_152 = arith.constant 0 : i32
      %dma_wait3A_153 = arith.constant 0 : i32
      %dma_wait3A_154 = tpu.memref_slice %arg4[%dma_wait3A_152, %dma_wait3A_153] : memref<16x64xi32, #tpu.memory_space<vmem>> -> memref<1x64xi32, #tpu.memory_space<vmem>>
      %dma_wait3A_155 = tpu.memref_squeeze %dma_wait3A_154 : memref<1x64xi32, #tpu.memory_space<vmem>> -> memref<64xi32, #tpu.memory_space<vmem>>
      %dma_wait3A_156 = arith.constant 0 : i32
      %dma_wait3A_157 = tpu.memref_slice %arg8[%dma_wait3A_156] : memref<10240xf32, #tpu.memory_space<vmem_shared>> -> memref<10240xf32, #tpu.memory_space<vmem_shared>>
      tpu.wait_indirect_dma semaphore(%arg11 : memref<!tpu.dma_semaphore, #tpu.memory_space<semaphore_mem>>) src(%arg6 : memref<64xf32, #tpu.memory_space<vmem>>) dst(%dma_wait3A_157 : memref<10240xf32, #tpu.memory_space<vmem_shared>>)
      %dma_wait3A_158 = arith.constant 1 : i32
      %dma_wait3A_159 = arith.constant 0 : i32
      %dma_wait3A_160 = tpu.memref_slice %arg4[%dma_wait3A_158, %dma_wait3A_159] : memref<16x64xi32, #tpu.memory_space<vmem>> -> memref<1x64xi32, #tpu.memory_space<vmem>>
      %dma_wait3A_161 = tpu.memref_squeeze %dma_wait3A_160 : memref<1x64xi32, #tpu.memory_space<vmem>> -> memref<64xi32, #tpu.memory_space<vmem>>
      %dma_wait3A_162 = arith.constant 0 : i32
      %dma_wait3A_163 = tpu.memref_slice %arg8[%dma_wait3A_162] : memref<10240xf32, #tpu.memory_space<vmem_shared>> -> memref<10240xf32, #tpu.memory_space<vmem_shared>>
      tpu.wait_indirect_dma semaphore(%arg12 : memref<!tpu.dma_semaphore, #tpu.memory_space<semaphore_mem>>) src(%arg6 : memref<64xf32, #tpu.memory_space<vmem>>) dst(%dma_wait3A_163 : memref<10240xf32, #tpu.memory_space<vmem_shared>>)
      %dma_wait3A_164 = arith.constant 2 : i32
      %dma_wait3A_165 = arith.constant 0 : i32
      %dma_wait3A_166 = tpu.memref_slice %arg4[%dma_wait3A_164, %dma_wait3A_165] : memref<16x64xi32, #tpu.memory_space<vmem>> -> memref<1x64xi32, #tpu.memory_space<vmem>>
      %dma_wait3A_167 = tpu.memref_squeeze %dma_wait3A_166 : memref<1x64xi32, #tpu.memory_space<vmem>> -> memref<64xi32, #tpu.memory_space<vmem>>
      %dma_wait3A_168 = arith.constant 0 : i32
      %dma_wait3A_169 = tpu.memref_slice %arg8[%dma_wait3A_168] : memref<10240xf32, #tpu.memory_space<vmem_shared>> -> memref<10240xf32, #tpu.memory_space<vmem_shared>>
      tpu.wait_indirect_dma semaphore(%arg13 : memref<!tpu.dma_semaphore, #tpu.memory_space<semaphore_mem>>) src(%arg6 : memref<64xf32, #tpu.memory_space<vmem>>) dst(%dma_wait3A_169 : memref<10240xf32, #tpu.memory_space<vmem_shared>>)
      %dma_wait3A_170 = arith.constant 3 : i32
      %dma_wait3A_171 = arith.constant 0 : i32
      %dma_wait3A_172 = tpu.memref_slice %arg4[%dma_wait3A_170, %dma_wait3A_171] : memref<16x64xi32, #tpu.memory_space<vmem>> -> memref<1x64xi32, #tpu.memory_space<vmem>>
      %dma_wait3A_173 = tpu.memref_squeeze %dma_wait3A_172 : memref<1x64xi32, #tpu.memory_space<vmem>> -> memref<64xi32, #tpu.memory_space<vmem>>
      %dma_wait3A_174 = arith.constant 0 : i32
      %dma_wait3A_175 = tpu.memref_slice %arg8[%dma_wait3A_174] : memref<10240xf32, #tpu.memory_space<vmem_shared>> -> memref<10240xf32, #tpu.memory_space<vmem_shared>>
      tpu.wait_indirect_dma semaphore(%arg14 : memref<!tpu.dma_semaphore, #tpu.memory_space<semaphore_mem>>) src(%arg6 : memref<64xf32, #tpu.memory_space<vmem>>) dst(%dma_wait3A_175 : memref<10240xf32, #tpu.memory_space<vmem_shared>>)
      %dma_wait3A_176 = arith.constant 4 : i32
      %dma_wait3A_177 = arith.constant 0 : i32
      %dma_wait3A_178 = tpu.memref_slice %arg4[%dma_wait3A_176, %dma_wait3A_177] : memref<16x64xi32, #tpu.memory_space<vmem>> -> memref<1x64xi32, #tpu.memory_space<vmem>>
      %dma_wait3A_179 = tpu.memref_squeeze %dma_wait3A_178 : memref<1x64xi32, #tpu.memory_space<vmem>> -> memref<64xi32, #tpu.memory_space<vmem>>
      %dma_wait3A_180 = arith.constant 0 : i32
      %dma_wait3A_181 = tpu.memref_slice %arg8[%dma_wait3A_180] : memref<10240xf32, #tpu.memory_space<vmem_shared>> -> memref<10240xf32, #tpu.memory_space<vmem_shared>>
      tpu.wait_indirect_dma semaphore(%arg11 : memref<!tpu.dma_semaphore, #tpu.memory_space<semaphore_mem>>) src(%arg6 : memref<64xf32, #tpu.memory_space<vmem>>) dst(%dma_wait3A_181 : memref<10240xf32, #tpu.memory_space<vmem_shared>>)
      %dma_wait3A_182 = arith.constant 5 : i32
      %dma_wait3A_183 = arith.constant 0 : i32
      %dma_wait3A_184 = tpu.memref_slice %arg4[%dma_wait3A_182, %dma_wait3A_183] : memref<16x64xi32, #tpu.memory_space<vmem>> -> memref<1x64xi32, #tpu.memory_space<vmem>>
      %dma_wait3A_185 = tpu.memref_squeeze %dma_wait3A_184 : memref<1x64xi32, #tpu.memory_space<vmem>> -> memref<64xi32, #tpu.memory_space<vmem>>
      %dma_wait3A_186 = arith.constant 0 : i32
      %dma_wait3A_187 = tpu.memref_slice %arg8[%dma_wait3A_186] : memref<10240xf32, #tpu.memory_space<vmem_shared>> -> memref<10240xf32, #tpu.memory_space<vmem_shared>>
      tpu.wait_indirect_dma semaphore(%arg12 : memref<!tpu.dma_semaphore, #tpu.memory_space<semaphore_mem>>) src(%arg6 : memref<64xf32, #tpu.memory_space<vmem>>) dst(%dma_wait3A_187 : memref<10240xf32, #tpu.memory_space<vmem_shared>>)
      %dma_wait3A_188 = arith.constant 6 : i32
      %dma_wait3A_189 = arith.constant 0 : i32
      %dma_wait3A_190 = tpu.memref_slice %arg4[%dma_wait3A_188, %dma_wait3A_189] : memref<16x64xi32, #tpu.memory_space<vmem>> -> memref<1x64xi32, #tpu.memory_space<vmem>>
      %dma_wait3A_191 = tpu.memref_squeeze %dma_wait3A_190 : memref<1x64xi32, #tpu.memory_space<vmem>> -> memref<64xi32, #tpu.memory_space<vmem>>
      %dma_wait3A_192 = arith.constant 0 : i32
      %dma_wait3A_193 = tpu.memref_slice %arg8[%dma_wait3A_192] : memref<10240xf32, #tpu.memory_space<vmem_shared>> -> memref<10240xf32, #tpu.memory_space<vmem_shared>>
      tpu.wait_indirect_dma semaphore(%arg13 : memref<!tpu.dma_semaphore, #tpu.memory_space<semaphore_mem>>) src(%arg6 : memref<64xf32, #tpu.memory_space<vmem>>) dst(%dma_wait3A_193 : memref<10240xf32, #tpu.memory_space<vmem_shared>>)
      %dma_wait3A_194 = arith.constant 7 : i32
      %dma_wait3A_195 = arith.constant 0 : i32
      %dma_wait3A_196 = tpu.memref_slice %arg4[%dma_wait3A_194, %dma_wait3A_195] : memref<16x64xi32, #tpu.memory_space<vmem>> -> memref<1x64xi32, #tpu.memory_space<vmem>>
      %dma_wait3A_197 = tpu.memref_squeeze %dma_wait3A_196 : memref<1x64xi32, #tpu.memory_space<vmem>> -> memref<64xi32, #tpu.memory_space<vmem>>
      %dma_wait3A_198 = arith.constant 0 : i32
      %dma_wait3A_199 = tpu.memref_slice %arg8[%dma_wait3A_198] : memref<10240xf32, #tpu.memory_space<vmem_shared>> -> memref<10240xf32, #tpu.memory_space<vmem_shared>>
      tpu.wait_indirect_dma semaphore(%arg14 : memref<!tpu.dma_semaphore, #tpu.memory_space<semaphore_mem>>) src(%arg6 : memref<64xf32, #tpu.memory_space<vmem>>) dst(%dma_wait3A_199 : memref<10240xf32, #tpu.memory_space<vmem_shared>>)
      %dma_wait3A_200 = arith.constant 8 : i32
      %dma_wait3A_201 = arith.constant 0 : i32
      %dma_wait3A_202 = tpu.memref_slice %arg4[%dma_wait3A_200, %dma_wait3A_201] : memref<16x64xi32, #tpu.memory_space<vmem>> -> memref<1x64xi32, #tpu.memory_space<vmem>>
      %dma_wait3A_203 = tpu.memref_squeeze %dma_wait3A_202 : memref<1x64xi32, #tpu.memory_space<vmem>> -> memref<64xi32, #tpu.memory_space<vmem>>
      %dma_wait3A_204 = arith.constant 0 : i32
      %dma_wait3A_205 = tpu.memref_slice %arg8[%dma_wait3A_204] : memref<10240xf32, #tpu.memory_space<vmem_shared>> -> memref<10240xf32, #tpu.memory_space<vmem_shared>>
      tpu.wait_indirect_dma semaphore(%arg11 : memref<!tpu.dma_semaphore, #tpu.memory_space<semaphore_mem>>) src(%arg6 : memref<64xf32, #tpu.memory_space<vmem>>) dst(%dma_wait3A_205 : memref<10240xf32, #tpu.memory_space<vmem_shared>>)
      %dma_wait3A_206 = arith.constant 9 : i32
      %dma_wait3A_207 = arith.constant 0 : i32
      %dma_wait3A_208 = tpu.memref_slice %arg4[%dma_wait3A_206, %dma_wait3A_207] : memref<16x64xi32, #tpu.memory_space<vmem>> -> memref<1x64xi32, #tpu.memory_space<vmem>>
      %dma_wait3A_209 = tpu.memref_squeeze %dma_wait3A_208 : memref<1x64xi32, #tpu.memory_space<vmem>> -> memref<64xi32, #tpu.memory_space<vmem>>
      %dma_wait3A_210 = arith.constant 0 : i32
      %dma_wait3A_211 = tpu.memref_slice %arg8[%dma_wait3A_210] : memref<10240xf32, #tpu.memory_space<vmem_shared>> -> memref<10240xf32, #tpu.memory_space<vmem_shared>>
      tpu.wait_indirect_dma semaphore(%arg12 : memref<!tpu.dma_semaphore, #tpu.memory_space<semaphore_mem>>) src(%arg6 : memref<64xf32, #tpu.memory_space<vmem>>) dst(%dma_wait3A_211 : memref<10240xf32, #tpu.memory_space<vmem_shared>>)
      %dma_wait3A_212 = arith.constant 10 : i32
      %dma_wait3A_213 = arith.constant 0 : i32
      %dma_wait3A_214 = tpu.memref_slice %arg4[%dma_wait3A_212, %dma_wait3A_213] : memref<16x64xi32, #tpu.memory_space<vmem>> -> memref<1x64xi32, #tpu.memory_space<vmem>>
      %dma_wait3A_215 = tpu.memref_squeeze %dma_wait3A_214 : memref<1x64xi32, #tpu.memory_space<vmem>> -> memref<64xi32, #tpu.memory_space<vmem>>
      %dma_wait3A_216 = arith.constant 0 : i32
      %dma_wait3A_217 = tpu.memref_slice %arg8[%dma_wait3A_216] : memref<10240xf32, #tpu.memory_space<vmem_shared>> -> memref<10240xf32, #tpu.memory_space<vmem_shared>>
      tpu.wait_indirect_dma semaphore(%arg13 : memref<!tpu.dma_semaphore, #tpu.memory_space<semaphore_mem>>) src(%arg6 : memref<64xf32, #tpu.memory_space<vmem>>) dst(%dma_wait3A_217 : memref<10240xf32, #tpu.memory_space<vmem_shared>>)
      %dma_wait3A_218 = arith.constant 11 : i32
      %dma_wait3A_219 = arith.constant 0 : i32
      %dma_wait3A_220 = tpu.memref_slice %arg4[%dma_wait3A_218, %dma_wait3A_219] : memref<16x64xi32, #tpu.memory_space<vmem>> -> memref<1x64xi32, #tpu.memory_space<vmem>>
      %dma_wait3A_221 = tpu.memref_squeeze %dma_wait3A_220 : memref<1x64xi32, #tpu.memory_space<vmem>> -> memref<64xi32, #tpu.memory_space<vmem>>
      %dma_wait3A_222 = arith.constant 0 : i32
      %dma_wait3A_223 = tpu.memref_slice %arg8[%dma_wait3A_222] : memref<10240xf32, #tpu.memory_space<vmem_shared>> -> memref<10240xf32, #tpu.memory_space<vmem_shared>>
      tpu.wait_indirect_dma semaphore(%arg14 : memref<!tpu.dma_semaphore, #tpu.memory_space<semaphore_mem>>) src(%arg6 : memref<64xf32, #tpu.memory_space<vmem>>) dst(%dma_wait3A_223 : memref<10240xf32, #tpu.memory_space<vmem_shared>>)
      %dma_wait3A_224 = arith.constant 12 : i32
      %dma_wait3A_225 = arith.constant 0 : i32
      %dma_wait3A_226 = tpu.memref_slice %arg4[%dma_wait3A_224, %dma_wait3A_225] : memref<16x64xi32, #tpu.memory_space<vmem>> -> memref<1x64xi32, #tpu.memory_space<vmem>>
      %dma_wait3A_227 = tpu.memref_squeeze %dma_wait3A_226 : memref<1x64xi32, #tpu.memory_space<vmem>> -> memref<64xi32, #tpu.memory_space<vmem>>
      %dma_wait3A_228 = arith.constant 0 : i32
      %dma_wait3A_229 = tpu.memref_slice %arg8[%dma_wait3A_228] : memref<10240xf32, #tpu.memory_space<vmem_shared>> -> memref<10240xf32, #tpu.memory_space<vmem_shared>>
      tpu.wait_indirect_dma semaphore(%arg11 : memref<!tpu.dma_semaphore, #tpu.memory_space<semaphore_mem>>) src(%arg6 : memref<64xf32, #tpu.memory_space<vmem>>) dst(%dma_wait3A_229 : memref<10240xf32, #tpu.memory_space<vmem_shared>>)
      %dma_wait3A_230 = arith.constant 13 : i32
      %dma_wait3A_231 = arith.constant 0 : i32
      %dma_wait3A_232 = tpu.memref_slice %arg4[%dma_wait3A_230, %dma_wait3A_231] : memref<16x64xi32, #tpu.memory_space<vmem>> -> memref<1x64xi32, #tpu.memory_space<vmem>>
      %dma_wait3A_233 = tpu.memref_squeeze %dma_wait3A_232 : memref<1x64xi32, #tpu.memory_space<vmem>> -> memref<64xi32, #tpu.memory_space<vmem>>
      %dma_wait3A_234 = arith.constant 0 : i32
      %dma_wait3A_235 = tpu.memref_slice %arg8[%dma_wait3A_234] : memref<10240xf32, #tpu.memory_space<vmem_shared>> -> memref<10240xf32, #tpu.memory_space<vmem_shared>>
      tpu.wait_indirect_dma semaphore(%arg12 : memref<!tpu.dma_semaphore, #tpu.memory_space<semaphore_mem>>) src(%arg6 : memref<64xf32, #tpu.memory_space<vmem>>) dst(%dma_wait3A_235 : memref<10240xf32, #tpu.memory_space<vmem_shared>>)
      %dma_wait3A_236 = arith.constant 14 : i32
      %dma_wait3A_237 = arith.constant 0 : i32
      %dma_wait3A_238 = tpu.memref_slice %arg4[%dma_wait3A_236, %dma_wait3A_237] : memref<16x64xi32, #tpu.memory_space<vmem>> -> memref<1x64xi32, #tpu.memory_space<vmem>>
      %dma_wait3A_239 = tpu.memref_squeeze %dma_wait3A_238 : memref<1x64xi32, #tpu.memory_space<vmem>> -> memref<64xi32, #tpu.memory_space<vmem>>
      %dma_wait3A_240 = arith.constant 0 : i32
      %dma_wait3A_241 = tpu.memref_slice %arg8[%dma_wait3A_240] : memref<10240xf32, #tpu.memory_space<vmem_shared>> -> memref<10240xf32, #tpu.memory_space<vmem_shared>>
      tpu.wait_indirect_dma semaphore(%arg13 : memref<!tpu.dma_semaphore, #tpu.memory_space<semaphore_mem>>) src(%arg6 : memref<64xf32, #tpu.memory_space<vmem>>) dst(%dma_wait3A_241 : memref<10240xf32, #tpu.memory_space<vmem_shared>>)
      %dma_wait3A_242 = arith.constant 15 : i32
      %dma_wait3A_243 = arith.constant 0 : i32
      %dma_wait3A_244 = tpu.memref_slice %arg4[%dma_wait3A_242, %dma_wait3A_243] : memref<16x64xi32, #tpu.memory_space<vmem>> -> memref<1x64xi32, #tpu.memory_space<vmem>>
      %dma_wait3A_245 = tpu.memref_squeeze %dma_wait3A_244 : memref<1x64xi32, #tpu.memory_space<vmem>> -> memref<64xi32, #tpu.memory_space<vmem>>
      %dma_wait3A_246 = arith.constant 0 : i32
      %dma_wait3A_247 = tpu.memref_slice %arg8[%dma_wait3A_246] : memref<10240xf32, #tpu.memory_space<vmem_shared>> -> memref<10240xf32, #tpu.memory_space<vmem_shared>>
      tpu.wait_indirect_dma semaphore(%arg14 : memref<!tpu.dma_semaphore, #tpu.memory_space<semaphore_mem>>) src(%arg6 : memref<64xf32, #tpu.memory_space<vmem>>) dst(%dma_wait3A_247 : memref<10240xf32, #tpu.memory_space<vmem_shared>>)
      %mul3A_248 = arith.constant 2 : i32
      %mul3A_249 = arith.muli %mul3A_248, %scan3A_39 : i32
      %add3A_250 = arith.constant 2 : i32
      %add3A_251 = arith.addi %mul3A_249, %add3A_250 : i32
      %mul3A_252 = arith.constant 16 : i32
      %mul3A_253 = arith.muli %add3A_251, %mul3A_252 : i32
      %add3A_254 = arith.addi %mul3A_20, %mul3A_253 : i32
      %min3A = arith.constant 5104 : i32
      %min3A_255 = arith.minsi %add3A_254, %min3A : i32
      %dma_start3A_256 = arith.constant 0 : i32
      %dma_start3A_257 = tpu.memref_slice %arg2[%min3A_255, %dma_start3A_256] : memref<5120x64xi32, #tpu.memory_space<hbm>> -> memref<16x64xi32, #tpu.memory_space<hbm>>
      %dma_start3A_258 = arith.constant 0 : i32
      %dma_start3A_259 = tpu.memref_slice %arg2[%min3A_255, %dma_start3A_258] : memref<5120x64xi32, #tpu.memory_space<hbm>> -> memref<16x64xi32, #tpu.memory_space<hbm>>
      tpu.enqueue_dma source(%dma_start3A_259 : memref<16x64xi32, #tpu.memory_space<hbm>>) target(%arg4 : memref<16x64xi32, #tpu.memory_space<vmem>>) target_semaphore(%arg9 : memref<!tpu.dma_semaphore, #tpu.memory_space<semaphore_mem>>)
      %dma_start3A_260 = arith.constant 0 : i32
      %dma_start3A_261 = arith.constant 0 : i32
      %dma_start3A_262 = tpu.memref_slice %arg5[%dma_start3A_260, %dma_start3A_261] : memref<16x64xi32, #tpu.memory_space<vmem>> -> memref<1x64xi32, #tpu.memory_space<vmem>>
      %dma_start3A_263 = tpu.memref_squeeze %dma_start3A_262 : memref<1x64xi32, #tpu.memory_space<vmem>> -> memref<64xi32, #tpu.memory_space<vmem>>
      %dma_start3A_264 = arith.constant 0 : i32
      %dma_start3A_265 = tpu.memref_slice %arg8[%dma_start3A_264] : memref<10240xf32, #tpu.memory_space<vmem_shared>> -> memref<10240xf32, #tpu.memory_space<vmem_shared>>
      tpu.enqueue_indirect_dma source(%arg6 : memref<64xf32, #tpu.memory_space<vmem>>) target(%dma_start3A_265 : memref<10240xf32, #tpu.memory_space<vmem_shared>>) offsets(%dma_start3A_263 : memref<64xi32, #tpu.memory_space<vmem>>) semaphore(%arg11 : memref<!tpu.dma_semaphore, #tpu.memory_space<semaphore_mem>>) {add = true}
      %dma_start3A_266 = arith.constant 1 : i32
      %dma_start3A_267 = arith.constant 0 : i32
      %dma_start3A_268 = tpu.memref_slice %arg5[%dma_start3A_266, %dma_start3A_267] : memref<16x64xi32, #tpu.memory_space<vmem>> -> memref<1x64xi32, #tpu.memory_space<vmem>>
      %dma_start3A_269 = tpu.memref_squeeze %dma_start3A_268 : memref<1x64xi32, #tpu.memory_space<vmem>> -> memref<64xi32, #tpu.memory_space<vmem>>
      %dma_start3A_270 = arith.constant 0 : i32
      %dma_start3A_271 = tpu.memref_slice %arg8[%dma_start3A_270] : memref<10240xf32, #tpu.memory_space<vmem_shared>> -> memref<10240xf32, #tpu.memory_space<vmem_shared>>
      tpu.enqueue_indirect_dma source(%arg6 : memref<64xf32, #tpu.memory_space<vmem>>) target(%dma_start3A_271 : memref<10240xf32, #tpu.memory_space<vmem_shared>>) offsets(%dma_start3A_269 : memref<64xi32, #tpu.memory_space<vmem>>) semaphore(%arg12 : memref<!tpu.dma_semaphore, #tpu.memory_space<semaphore_mem>>) {add = true}
      %dma_start3A_272 = arith.constant 2 : i32
      %dma_start3A_273 = arith.constant 0 : i32
      %dma_start3A_274 = tpu.memref_slice %arg5[%dma_start3A_272, %dma_start3A_273] : memref<16x64xi32, #tpu.memory_space<vmem>> -> memref<1x64xi32, #tpu.memory_space<vmem>>
      %dma_start3A_275 = tpu.memref_squeeze %dma_start3A_274 : memref<1x64xi32, #tpu.memory_space<vmem>> -> memref<64xi32, #tpu.memory_space<vmem>>
      %dma_start3A_276 = arith.constant 0 : i32
      %dma_start3A_277 = tpu.memref_slice %arg8[%dma_start3A_276] : memref<10240xf32, #tpu.memory_space<vmem_shared>> -> memref<10240xf32, #tpu.memory_space<vmem_shared>>
      tpu.enqueue_indirect_dma source(%arg6 : memref<64xf32, #tpu.memory_space<vmem>>) target(%dma_start3A_277 : memref<10240xf32, #tpu.memory_space<vmem_shared>>) offsets(%dma_start3A_275 : memref<64xi32, #tpu.memory_space<vmem>>) semaphore(%arg13 : memref<!tpu.dma_semaphore, #tpu.memory_space<semaphore_mem>>) {add = true}
      %dma_start3A_278 = arith.constant 3 : i32
      %dma_start3A_279 = arith.constant 0 : i32
      %dma_start3A_280 = tpu.memref_slice %arg5[%dma_start3A_278, %dma_start3A_279] : memref<16x64xi32, #tpu.memory_space<vmem>> -> memref<1x64xi32, #tpu.memory_space<vmem>>
      %dma_start3A_281 = tpu.memref_squeeze %dma_start3A_280 : memref<1x64xi32, #tpu.memory_space<vmem>> -> memref<64xi32, #tpu.memory_space<vmem>>
      %dma_start3A_282 = arith.constant 0 : i32
      %dma_start3A_283 = tpu.memref_slice %arg8[%dma_start3A_282] : memref<10240xf32, #tpu.memory_space<vmem_shared>> -> memref<10240xf32, #tpu.memory_space<vmem_shared>>
      tpu.enqueue_indirect_dma source(%arg6 : memref<64xf32, #tpu.memory_space<vmem>>) target(%dma_start3A_283 : memref<10240xf32, #tpu.memory_space<vmem_shared>>) offsets(%dma_start3A_281 : memref<64xi32, #tpu.memory_space<vmem>>) semaphore(%arg14 : memref<!tpu.dma_semaphore, #tpu.memory_space<semaphore_mem>>) {add = true}
      %dma_start3A_284 = arith.constant 4 : i32
      %dma_start3A_285 = arith.constant 0 : i32
      %dma_start3A_286 = tpu.memref_slice %arg5[%dma_start3A_284, %dma_start3A_285] : memref<16x64xi32, #tpu.memory_space<vmem>> -> memref<1x64xi32, #tpu.memory_space<vmem>>
      %dma_start3A_287 = tpu.memref_squeeze %dma_start3A_286 : memref<1x64xi32, #tpu.memory_space<vmem>> -> memref<64xi32, #tpu.memory_space<vmem>>
      %dma_start3A_288 = arith.constant 0 : i32
      %dma_start3A_289 = tpu.memref_slice %arg8[%dma_start3A_288] : memref<10240xf32, #tpu.memory_space<vmem_shared>> -> memref<10240xf32, #tpu.memory_space<vmem_shared>>
      tpu.enqueue_indirect_dma source(%arg6 : memref<64xf32, #tpu.memory_space<vmem>>) target(%dma_start3A_289 : memref<10240xf32, #tpu.memory_space<vmem_shared>>) offsets(%dma_start3A_287 : memref<64xi32, #tpu.memory_space<vmem>>) semaphore(%arg11 : memref<!tpu.dma_semaphore, #tpu.memory_space<semaphore_mem>>) {add = true}
      %dma_start3A_290 = arith.constant 5 : i32
      %dma_start3A_291 = arith.constant 0 : i32
      %dma_start3A_292 = tpu.memref_slice %arg5[%dma_start3A_290, %dma_start3A_291] : memref<16x64xi32, #tpu.memory_space<vmem>> -> memref<1x64xi32, #tpu.memory_space<vmem>>
      %dma_start3A_293 = tpu.memref_squeeze %dma_start3A_292 : memref<1x64xi32, #tpu.memory_space<vmem>> -> memref<64xi32, #tpu.memory_space<vmem>>
      %dma_start3A_294 = arith.constant 0 : i32
      %dma_start3A_295 = tpu.memref_slice %arg8[%dma_start3A_294] : memref<10240xf32, #tpu.memory_space<vmem_shared>> -> memref<10240xf32, #tpu.memory_space<vmem_shared>>
      tpu.enqueue_indirect_dma source(%arg6 : memref<64xf32, #tpu.memory_space<vmem>>) target(%dma_start3A_295 : memref<10240xf32, #tpu.memory_space<vmem_shared>>) offsets(%dma_start3A_293 : memref<64xi32, #tpu.memory_space<vmem>>) semaphore(%arg12 : memref<!tpu.dma_semaphore, #tpu.memory_space<semaphore_mem>>) {add = true}
      %dma_start3A_296 = arith.constant 6 : i32
      %dma_start3A_297 = arith.constant 0 : i32
      %dma_start3A_298 = tpu.memref_slice %arg5[%dma_start3A_296, %dma_start3A_297] : memref<16x64xi32, #tpu.memory_space<vmem>> -> memref<1x64xi32, #tpu.memory_space<vmem>>
      %dma_start3A_299 = tpu.memref_squeeze %dma_start3A_298 : memref<1x64xi32, #tpu.memory_space<vmem>> -> memref<64xi32, #tpu.memory_space<vmem>>
      %dma_start3A_300 = arith.constant 0 : i32
      %dma_start3A_301 = tpu.memref_slice %arg8[%dma_start3A_300] : memref<10240xf32, #tpu.memory_space<vmem_shared>> -> memref<10240xf32, #tpu.memory_space<vmem_shared>>
      tpu.enqueue_indirect_dma source(%arg6 : memref<64xf32, #tpu.memory_space<vmem>>) target(%dma_start3A_301 : memref<10240xf32, #tpu.memory_space<vmem_shared>>) offsets(%dma_start3A_299 : memref<64xi32, #tpu.memory_space<vmem>>) semaphore(%arg13 : memref<!tpu.dma_semaphore, #tpu.memory_space<semaphore_mem>>) {add = true}
      %dma_start3A_302 = arith.constant 7 : i32
      %dma_start3A_303 = arith.constant 0 : i32
      %dma_start3A_304 = tpu.memref_slice %arg5[%dma_start3A_302, %dma_start3A_303] : memref<16x64xi32, #tpu.memory_space<vmem>> -> memref<1x64xi32, #tpu.memory_space<vmem>>
      %dma_start3A_305 = tpu.memref_squeeze %dma_start3A_304 : memref<1x64xi32, #tpu.memory_space<vmem>> -> memref<64xi32, #tpu.memory_space<vmem>>
      %dma_start3A_306 = arith.constant 0 : i32
      %dma_start3A_307 = tpu.memref_slice %arg8[%dma_start3A_306] : memref<10240xf32, #tpu.memory_space<vmem_shared>> -> memref<10240xf32, #tpu.memory_space<vmem_shared>>
      tpu.enqueue_indirect_dma source(%arg6 : memref<64xf32, #tpu.memory_space<vmem>>) target(%dma_start3A_307 : memref<10240xf32, #tpu.memory_space<vmem_shared>>) offsets(%dma_start3A_305 : memref<64xi32, #tpu.memory_space<vmem>>) semaphore(%arg14 : memref<!tpu.dma_semaphore, #tpu.memory_space<semaphore_mem>>) {add = true}
      %dma_start3A_308 = arith.constant 8 : i32
      %dma_start3A_309 = arith.constant 0 : i32
      %dma_start3A_310 = tpu.memref_slice %arg5[%dma_start3A_308, %dma_start3A_309] : memref<16x64xi32, #tpu.memory_space<vmem>> -> memref<1x64xi32, #tpu.memory_space<vmem>>
      %dma_start3A_311 = tpu.memref_squeeze %dma_start3A_310 : memref<1x64xi32, #tpu.memory_space<vmem>> -> memref<64xi32, #tpu.memory_space<vmem>>
      %dma_start3A_312 = arith.constant 0 : i32
      %dma_start3A_313 = tpu.memref_slice %arg8[%dma_start3A_312] : memref<10240xf32, #tpu.memory_space<vmem_shared>> -> memref<10240xf32, #tpu.memory_space<vmem_shared>>
      tpu.enqueue_indirect_dma source(%arg6 : memref<64xf32, #tpu.memory_space<vmem>>) target(%dma_start3A_313 : memref<10240xf32, #tpu.memory_space<vmem_shared>>) offsets(%dma_start3A_311 : memref<64xi32, #tpu.memory_space<vmem>>) semaphore(%arg11 : memref<!tpu.dma_semaphore, #tpu.memory_space<semaphore_mem>>) {add = true}
      %dma_start3A_314 = arith.constant 9 : i32
      %dma_start3A_315 = arith.constant 0 : i32
      %dma_start3A_316 = tpu.memref_slice %arg5[%dma_start3A_314, %dma_start3A_315] : memref<16x64xi32, #tpu.memory_space<vmem>> -> memref<1x64xi32, #tpu.memory_space<vmem>>
      %dma_start3A_317 = tpu.memref_squeeze %dma_start3A_316 : memref<1x64xi32, #tpu.memory_space<vmem>> -> memref<64xi32, #tpu.memory_space<vmem>>
      %dma_start3A_318 = arith.constant 0 : i32
      %dma_start3A_319 = tpu.memref_slice %arg8[%dma_start3A_318] : memref<10240xf32, #tpu.memory_space<vmem_shared>> -> memref<10240xf32, #tpu.memory_space<vmem_shared>>
      tpu.enqueue_indirect_dma source(%arg6 : memref<64xf32, #tpu.memory_space<vmem>>) target(%dma_start3A_319 : memref<10240xf32, #tpu.memory_space<vmem_shared>>) offsets(%dma_start3A_317 : memref<64xi32, #tpu.memory_space<vmem>>) semaphore(%arg12 : memref<!tpu.dma_semaphore, #tpu.memory_space<semaphore_mem>>) {add = true}
      %dma_start3A_320 = arith.constant 10 : i32
      %dma_start3A_321 = arith.constant 0 : i32
      %dma_start3A_322 = tpu.memref_slice %arg5[%dma_start3A_320, %dma_start3A_321] : memref<16x64xi32, #tpu.memory_space<vmem>> -> memref<1x64xi32, #tpu.memory_space<vmem>>
      %dma_start3A_323 = tpu.memref_squeeze %dma_start3A_322 : memref<1x64xi32, #tpu.memory_space<vmem>> -> memref<64xi32, #tpu.memory_space<vmem>>
      %dma_start3A_324 = arith.constant 0 : i32
      %dma_start3A_325 = tpu.memref_slice %arg8[%dma_start3A_324] : memref<10240xf32, #tpu.memory_space<vmem_shared>> -> memref<10240xf32, #tpu.memory_space<vmem_shared>>
      tpu.enqueue_indirect_dma source(%arg6 : memref<64xf32, #tpu.memory_space<vmem>>) target(%dma_start3A_325 : memref<10240xf32, #tpu.memory_space<vmem_shared>>) offsets(%dma_start3A_323 : memref<64xi32, #tpu.memory_space<vmem>>) semaphore(%arg13 : memref<!tpu.dma_semaphore, #tpu.memory_space<semaphore_mem>>) {add = true}
      %dma_start3A_326 = arith.constant 11 : i32
      %dma_start3A_327 = arith.constant 0 : i32
      %dma_start3A_328 = tpu.memref_slice %arg5[%dma_start3A_326, %dma_start3A_327] : memref<16x64xi32, #tpu.memory_space<vmem>> -> memref<1x64xi32, #tpu.memory_space<vmem>>
      %dma_start3A_329 = tpu.memref_squeeze %dma_start3A_328 : memref<1x64xi32, #tpu.memory_space<vmem>> -> memref<64xi32, #tpu.memory_space<vmem>>
      %dma_start3A_330 = arith.constant 0 : i32
      %dma_start3A_331 = tpu.memref_slice %arg8[%dma_start3A_330] : memref<10240xf32, #tpu.memory_space<vmem_shared>> -> memref<10240xf32, #tpu.memory_space<vmem_shared>>
      tpu.enqueue_indirect_dma source(%arg6 : memref<64xf32, #tpu.memory_space<vmem>>) target(%dma_start3A_331 : memref<10240xf32, #tpu.memory_space<vmem_shared>>) offsets(%dma_start3A_329 : memref<64xi32, #tpu.memory_space<vmem>>) semaphore(%arg14 : memref<!tpu.dma_semaphore, #tpu.memory_space<semaphore_mem>>) {add = true}
      %dma_start3A_332 = arith.constant 12 : i32
      %dma_start3A_333 = arith.constant 0 : i32
      %dma_start3A_334 = tpu.memref_slice %arg5[%dma_start3A_332, %dma_start3A_333] : memref<16x64xi32, #tpu.memory_space<vmem>> -> memref<1x64xi32, #tpu.memory_space<vmem>>
      %dma_start3A_335 = tpu.memref_squeeze %dma_start3A_334 : memref<1x64xi32, #tpu.memory_space<vmem>> -> memref<64xi32, #tpu.memory_space<vmem>>
      %dma_start3A_336 = arith.constant 0 : i32
      %dma_start3A_337 = tpu.memref_slice %arg8[%dma_start3A_336] : memref<10240xf32, #tpu.memory_space<vmem_shared>> -> memref<10240xf32, #tpu.memory_space<vmem_shared>>
      tpu.enqueue_indirect_dma source(%arg6 : memref<64xf32, #tpu.memory_space<vmem>>) target(%dma_start3A_337 : memref<10240xf32, #tpu.memory_space<vmem_shared>>) offsets(%dma_start3A_335 : memref<64xi32, #tpu.memory_space<vmem>>) semaphore(%arg11 : memref<!tpu.dma_semaphore, #tpu.memory_space<semaphore_mem>>) {add = true}
      %dma_start3A_338 = arith.constant 13 : i32
      %dma_start3A_339 = arith.constant 0 : i32
      %dma_start3A_340 = tpu.memref_slice %arg5[%dma_start3A_338, %dma_start3A_339] : memref<16x64xi32, #tpu.memory_space<vmem>> -> memref<1x64xi32, #tpu.memory_space<vmem>>
      %dma_start3A_341 = tpu.memref_squeeze %dma_start3A_340 : memref<1x64xi32, #tpu.memory_space<vmem>> -> memref<64xi32, #tpu.memory_space<vmem>>
      %dma_start3A_342 = arith.constant 0 : i32
      %dma_start3A_343 = tpu.memref_slice %arg8[%dma_start3A_342] : memref<10240xf32, #tpu.memory_space<vmem_shared>> -> memref<10240xf32, #tpu.memory_space<vmem_shared>>
      tpu.enqueue_indirect_dma source(%arg6 : memref<64xf32, #tpu.memory_space<vmem>>) target(%dma_start3A_343 : memref<10240xf32, #tpu.memory_space<vmem_shared>>) offsets(%dma_start3A_341 : memref<64xi32, #tpu.memory_space<vmem>>) semaphore(%arg12 : memref<!tpu.dma_semaphore, #tpu.memory_space<semaphore_mem>>) {add = true}
      %dma_start3A_344 = arith.constant 14 : i32
      %dma_start3A_345 = arith.constant 0 : i32
      %dma_start3A_346 = tpu.memref_slice %arg5[%dma_start3A_344, %dma_start3A_345] : memref<16x64xi32, #tpu.memory_space<vmem>> -> memref<1x64xi32, #tpu.memory_space<vmem>>
      %dma_start3A_347 = tpu.memref_squeeze %dma_start3A_346 : memref<1x64xi32, #tpu.memory_space<vmem>> -> memref<64xi32, #tpu.memory_space<vmem>>
      %dma_start3A_348 = arith.constant 0 : i32
      %dma_start3A_349 = tpu.memref_slice %arg8[%dma_start3A_348] : memref<10240xf32, #tpu.memory_space<vmem_shared>> -> memref<10240xf32, #tpu.memory_space<vmem_shared>>
      tpu.enqueue_indirect_dma source(%arg6 : memref<64xf32, #tpu.memory_space<vmem>>) target(%dma_start3A_349 : memref<10240xf32, #tpu.memory_space<vmem_shared>>) offsets(%dma_start3A_347 : memref<64xi32, #tpu.memory_space<vmem>>) semaphore(%arg13 : memref<!tpu.dma_semaphore, #tpu.memory_space<semaphore_mem>>) {add = true}
      %dma_start3A_350 = arith.constant 15 : i32
      %dma_start3A_351 = arith.constant 0 : i32
      %dma_start3A_352 = tpu.memref_slice %arg5[%dma_start3A_350, %dma_start3A_351] : memref<16x64xi32, #tpu.memory_space<vmem>> -> memref<1x64xi32, #tpu.memory_space<vmem>>
      %dma_start3A_353 = tpu.memref_squeeze %dma_start3A_352 : memref<1x64xi32, #tpu.memory_space<vmem>> -> memref<64xi32, #tpu.memory_space<vmem>>
      %dma_start3A_354 = arith.constant 0 : i32
      %dma_start3A_355 = tpu.memref_slice %arg8[%dma_start3A_354] : memref<10240xf32, #tpu.memory_space<vmem_shared>> -> memref<10240xf32, #tpu.memory_space<vmem_shared>>
      tpu.enqueue_indirect_dma source(%arg6 : memref<64xf32, #tpu.memory_space<vmem>>) target(%dma_start3A_355 : memref<10240xf32, #tpu.memory_space<vmem_shared>>) offsets(%dma_start3A_353 : memref<64xi32, #tpu.memory_space<vmem>>) semaphore(%arg14 : memref<!tpu.dma_semaphore, #tpu.memory_space<semaphore_mem>>) {add = true}
      %dma_wait3A_356 = arith.constant 0 : i32
      %dma_wait3A_357 = tpu.memref_slice %arg2[%min3A_255, %dma_wait3A_356] : memref<5120x64xi32, #tpu.memory_space<hbm>> -> memref<16x64xi32, #tpu.memory_space<hbm>>
      %dma_wait3A_358 = arith.constant 0 : i32
      %dma_wait3A_359 = tpu.memref_slice %arg2[%min3A_255, %dma_wait3A_358] : memref<5120x64xi32, #tpu.memory_space<hbm>> -> memref<16x64xi32, #tpu.memory_space<hbm>>
      tpu.wait_dma2 semaphore(%arg9 : memref<!tpu.dma_semaphore, #tpu.memory_space<semaphore_mem>>) src(%dma_wait3A_359 : memref<16x64xi32, #tpu.memory_space<hbm>>) dst(%arg4 : memref<16x64xi32, #tpu.memory_space<vmem>>)
      %dma_wait3A_360 = arith.constant 0 : i32
      %dma_wait3A_361 = arith.constant 0 : i32
      %dma_wait3A_362 = tpu.memref_slice %arg5[%dma_wait3A_360, %dma_wait3A_361] : memref<16x64xi32, #tpu.memory_space<vmem>> -> memref<1x64xi32, #tpu.memory_space<vmem>>
      %dma_wait3A_363 = tpu.memref_squeeze %dma_wait3A_362 : memref<1x64xi32, #tpu.memory_space<vmem>> -> memref<64xi32, #tpu.memory_space<vmem>>
      %dma_wait3A_364 = arith.constant 0 : i32
      %dma_wait3A_365 = tpu.memref_slice %arg8[%dma_wait3A_364] : memref<10240xf32, #tpu.memory_space<vmem_shared>> -> memref<10240xf32, #tpu.memory_space<vmem_shared>>
      tpu.wait_indirect_dma semaphore(%arg11 : memref<!tpu.dma_semaphore, #tpu.memory_space<semaphore_mem>>) src(%arg6 : memref<64xf32, #tpu.memory_space<vmem>>) dst(%dma_wait3A_365 : memref<10240xf32, #tpu.memory_space<vmem_shared>>)
      %dma_wait3A_366 = arith.constant 1 : i32
      %dma_wait3A_367 = arith.constant 0 : i32
      %dma_wait3A_368 = tpu.memref_slice %arg5[%dma_wait3A_366, %dma_wait3A_367] : memref<16x64xi32, #tpu.memory_space<vmem>> -> memref<1x64xi32, #tpu.memory_space<vmem>>
      %dma_wait3A_369 = tpu.memref_squeeze %dma_wait3A_368 : memref<1x64xi32, #tpu.memory_space<vmem>> -> memref<64xi32, #tpu.memory_space<vmem>>
      %dma_wait3A_370 = arith.constant 0 : i32
      %dma_wait3A_371 = tpu.memref_slice %arg8[%dma_wait3A_370] : memref<10240xf32, #tpu.memory_space<vmem_shared>> -> memref<10240xf32, #tpu.memory_space<vmem_shared>>
      tpu.wait_indirect_dma semaphore(%arg12 : memref<!tpu.dma_semaphore, #tpu.memory_space<semaphore_mem>>) src(%arg6 : memref<64xf32, #tpu.memory_space<vmem>>) dst(%dma_wait3A_371 : memref<10240xf32, #tpu.memory_space<vmem_shared>>)
      %dma_wait3A_372 = arith.constant 2 : i32
      %dma_wait3A_373 = arith.constant 0 : i32
      %dma_wait3A_374 = tpu.memref_slice %arg5[%dma_wait3A_372, %dma_wait3A_373] : memref<16x64xi32, #tpu.memory_space<vmem>> -> memref<1x64xi32, #tpu.memory_space<vmem>>
      %dma_wait3A_375 = tpu.memref_squeeze %dma_wait3A_374 : memref<1x64xi32, #tpu.memory_space<vmem>> -> memref<64xi32, #tpu.memory_space<vmem>>
      %dma_wait3A_376 = arith.constant 0 : i32
      %dma_wait3A_377 = tpu.memref_slice %arg8[%dma_wait3A_376] : memref<10240xf32, #tpu.memory_space<vmem_shared>> -> memref<10240xf32, #tpu.memory_space<vmem_shared>>
      tpu.wait_indirect_dma semaphore(%arg13 : memref<!tpu.dma_semaphore, #tpu.memory_space<semaphore_mem>>) src(%arg6 : memref<64xf32, #tpu.memory_space<vmem>>) dst(%dma_wait3A_377 : memref<10240xf32, #tpu.memory_space<vmem_shared>>)
      %dma_wait3A_378 = arith.constant 3 : i32
      %dma_wait3A_379 = arith.constant 0 : i32
      %dma_wait3A_380 = tpu.memref_slice %arg5[%dma_wait3A_378, %dma_wait3A_379] : memref<16x64xi32, #tpu.memory_space<vmem>> -> memref<1x64xi32, #tpu.memory_space<vmem>>
      %dma_wait3A_381 = tpu.memref_squeeze %dma_wait3A_380 : memref<1x64xi32, #tpu.memory_space<vmem>> -> memref<64xi32, #tpu.memory_space<vmem>>
      %dma_wait3A_382 = arith.constant 0 : i32
      %dma_wait3A_383 = tpu.memref_slice %arg8[%dma_wait3A_382] : memref<10240xf32, #tpu.memory_space<vmem_shared>> -> memref<10240xf32, #tpu.memory_space<vmem_shared>>
      tpu.wait_indirect_dma semaphore(%arg14 : memref<!tpu.dma_semaphore, #tpu.memory_space<semaphore_mem>>) src(%arg6 : memref<64xf32, #tpu.memory_space<vmem>>) dst(%dma_wait3A_383 : memref<10240xf32, #tpu.memory_space<vmem_shared>>)
      %dma_wait3A_384 = arith.constant 4 : i32
      %dma_wait3A_385 = arith.constant 0 : i32
      %dma_wait3A_386 = tpu.memref_slice %arg5[%dma_wait3A_384, %dma_wait3A_385] : memref<16x64xi32, #tpu.memory_space<vmem>> -> memref<1x64xi32, #tpu.memory_space<vmem>>
      %dma_wait3A_387 = tpu.memref_squeeze %dma_wait3A_386 : memref<1x64xi32, #tpu.memory_space<vmem>> -> memref<64xi32, #tpu.memory_space<vmem>>
      %dma_wait3A_388 = arith.constant 0 : i32
      %dma_wait3A_389 = tpu.memref_slice %arg8[%dma_wait3A_388] : memref<10240xf32, #tpu.memory_space<vmem_shared>> -> memref<10240xf32, #tpu.memory_space<vmem_shared>>
      tpu.wait_indirect_dma semaphore(%arg11 : memref<!tpu.dma_semaphore, #tpu.memory_space<semaphore_mem>>) src(%arg6 : memref<64xf32, #tpu.memory_space<vmem>>) dst(%dma_wait3A_389 : memref<10240xf32, #tpu.memory_space<vmem_shared>>)
      %dma_wait3A_390 = arith.constant 5 : i32
      %dma_wait3A_391 = arith.constant 0 : i32
      %dma_wait3A_392 = tpu.memref_slice %arg5[%dma_wait3A_390, %dma_wait3A_391] : memref<16x64xi32, #tpu.memory_space<vmem>> -> memref<1x64xi32, #tpu.memory_space<vmem>>
      %dma_wait3A_393 = tpu.memref_squeeze %dma_wait3A_392 : memref<1x64xi32, #tpu.memory_space<vmem>> -> memref<64xi32, #tpu.memory_space<vmem>>
      %dma_wait3A_394 = arith.constant 0 : i32
      %dma_wait3A_395 = tpu.memref_slice %arg8[%dma_wait3A_394] : memref<10240xf32, #tpu.memory_space<vmem_shared>> -> memref<10240xf32, #tpu.memory_space<vmem_shared>>
      tpu.wait_indirect_dma semaphore(%arg12 : memref<!tpu.dma_semaphore, #tpu.memory_space<semaphore_mem>>) src(%arg6 : memref<64xf32, #tpu.memory_space<vmem>>) dst(%dma_wait3A_395 : memref<10240xf32, #tpu.memory_space<vmem_shared>>)
      %dma_wait3A_396 = arith.constant 6 : i32
      %dma_wait3A_397 = arith.constant 0 : i32
      %dma_wait3A_398 = tpu.memref_slice %arg5[%dma_wait3A_396, %dma_wait3A_397] : memref<16x64xi32, #tpu.memory_space<vmem>> -> memref<1x64xi32, #tpu.memory_space<vmem>>
      %dma_wait3A_399 = tpu.memref_squeeze %dma_wait3A_398 : memref<1x64xi32, #tpu.memory_space<vmem>> -> memref<64xi32, #tpu.memory_space<vmem>>
      %dma_wait3A_400 = arith.constant 0 : i32
      %dma_wait3A_401 = tpu.memref_slice %arg8[%dma_wait3A_400] : memref<10240xf32, #tpu.memory_space<vmem_shared>> -> memref<10240xf32, #tpu.memory_space<vmem_shared>>
      tpu.wait_indirect_dma semaphore(%arg13 : memref<!tpu.dma_semaphore, #tpu.memory_space<semaphore_mem>>) src(%arg6 : memref<64xf32, #tpu.memory_space<vmem>>) dst(%dma_wait3A_401 : memref<10240xf32, #tpu.memory_space<vmem_shared>>)
      %dma_wait3A_402 = arith.constant 7 : i32
      %dma_wait3A_403 = arith.constant 0 : i32
      %dma_wait3A_404 = tpu.memref_slice %arg5[%dma_wait3A_402, %dma_wait3A_403] : memref<16x64xi32, #tpu.memory_space<vmem>> -> memref<1x64xi32, #tpu.memory_space<vmem>>
      %dma_wait3A_405 = tpu.memref_squeeze %dma_wait3A_404 : memref<1x64xi32, #tpu.memory_space<vmem>> -> memref<64xi32, #tpu.memory_space<vmem>>
      %dma_wait3A_406 = arith.constant 0 : i32
      %dma_wait3A_407 = tpu.memref_slice %arg8[%dma_wait3A_406] : memref<10240xf32, #tpu.memory_space<vmem_shared>> -> memref<10240xf32, #tpu.memory_space<vmem_shared>>
      tpu.wait_indirect_dma semaphore(%arg14 : memref<!tpu.dma_semaphore, #tpu.memory_space<semaphore_mem>>) src(%arg6 : memref<64xf32, #tpu.memory_space<vmem>>) dst(%dma_wait3A_407 : memref<10240xf32, #tpu.memory_space<vmem_shared>>)
      %dma_wait3A_408 = arith.constant 8 : i32
      %dma_wait3A_409 = arith.constant 0 : i32
      %dma_wait3A_410 = tpu.memref_slice %arg5[%dma_wait3A_408, %dma_wait3A_409] : memref<16x64xi32, #tpu.memory_space<vmem>> -> memref<1x64xi32, #tpu.memory_space<vmem>>
      %dma_wait3A_411 = tpu.memref_squeeze %dma_wait3A_410 : memref<1x64xi32, #tpu.memory_space<vmem>> -> memref<64xi32, #tpu.memory_space<vmem>>
      %dma_wait3A_412 = arith.constant 0 : i32
      %dma_wait3A_413 = tpu.memref_slice %arg8[%dma_wait3A_412] : memref<10240xf32, #tpu.memory_space<vmem_shared>> -> memref<10240xf32, #tpu.memory_space<vmem_shared>>
      tpu.wait_indirect_dma semaphore(%arg11 : memref<!tpu.dma_semaphore, #tpu.memory_space<semaphore_mem>>) src(%arg6 : memref<64xf32, #tpu.memory_space<vmem>>) dst(%dma_wait3A_413 : memref<10240xf32, #tpu.memory_space<vmem_shared>>)
      %dma_wait3A_414 = arith.constant 9 : i32
      %dma_wait3A_415 = arith.constant 0 : i32
      %dma_wait3A_416 = tpu.memref_slice %arg5[%dma_wait3A_414, %dma_wait3A_415] : memref<16x64xi32, #tpu.memory_space<vmem>> -> memref<1x64xi32, #tpu.memory_space<vmem>>
      %dma_wait3A_417 = tpu.memref_squeeze %dma_wait3A_416 : memref<1x64xi32, #tpu.memory_space<vmem>> -> memref<64xi32, #tpu.memory_space<vmem>>
      %dma_wait3A_418 = arith.constant 0 : i32
      %dma_wait3A_419 = tpu.memref_slice %arg8[%dma_wait3A_418] : memref<10240xf32, #tpu.memory_space<vmem_shared>> -> memref<10240xf32, #tpu.memory_space<vmem_shared>>
      tpu.wait_indirect_dma semaphore(%arg12 : memref<!tpu.dma_semaphore, #tpu.memory_space<semaphore_mem>>) src(%arg6 : memref<64xf32, #tpu.memory_space<vmem>>) dst(%dma_wait3A_419 : memref<10240xf32, #tpu.memory_space<vmem_shared>>)
      %dma_wait3A_420 = arith.constant 10 : i32
      %dma_wait3A_421 = arith.constant 0 : i32
      %dma_wait3A_422 = tpu.memref_slice %arg5[%dma_wait3A_420, %dma_wait3A_421] : memref<16x64xi32, #tpu.memory_space<vmem>> -> memref<1x64xi32, #tpu.memory_space<vmem>>
      %dma_wait3A_423 = tpu.memref_squeeze %dma_wait3A_422 : memref<1x64xi32, #tpu.memory_space<vmem>> -> memref<64xi32, #tpu.memory_space<vmem>>
      %dma_wait3A_424 = arith.constant 0 : i32
      %dma_wait3A_425 = tpu.memref_slice %arg8[%dma_wait3A_424] : memref<10240xf32, #tpu.memory_space<vmem_shared>> -> memref<10240xf32, #tpu.memory_space<vmem_shared>>
      tpu.wait_indirect_dma semaphore(%arg13 : memref<!tpu.dma_semaphore, #tpu.memory_space<semaphore_mem>>) src(%arg6 : memref<64xf32, #tpu.memory_space<vmem>>) dst(%dma_wait3A_425 : memref<10240xf32, #tpu.memory_space<vmem_shared>>)
      %dma_wait3A_426 = arith.constant 11 : i32
      %dma_wait3A_427 = arith.constant 0 : i32
      %dma_wait3A_428 = tpu.memref_slice %arg5[%dma_wait3A_426, %dma_wait3A_427] : memref<16x64xi32, #tpu.memory_space<vmem>> -> memref<1x64xi32, #tpu.memory_space<vmem>>
      %dma_wait3A_429 = tpu.memref_squeeze %dma_wait3A_428 : memref<1x64xi32, #tpu.memory_space<vmem>> -> memref<64xi32, #tpu.memory_space<vmem>>
      %dma_wait3A_430 = arith.constant 0 : i32
      %dma_wait3A_431 = tpu.memref_slice %arg8[%dma_wait3A_430] : memref<10240xf32, #tpu.memory_space<vmem_shared>> -> memref<10240xf32, #tpu.memory_space<vmem_shared>>
      tpu.wait_indirect_dma semaphore(%arg14 : memref<!tpu.dma_semaphore, #tpu.memory_space<semaphore_mem>>) src(%arg6 : memref<64xf32, #tpu.memory_space<vmem>>) dst(%dma_wait3A_431 : memref<10240xf32, #tpu.memory_space<vmem_shared>>)
      %dma_wait3A_432 = arith.constant 12 : i32
      %dma_wait3A_433 = arith.constant 0 : i32
      %dma_wait3A_434 = tpu.memref_slice %arg5[%dma_wait3A_432, %dma_wait3A_433] : memref<16x64xi32, #tpu.memory_space<vmem>> -> memref<1x64xi32, #tpu.memory_space<vmem>>
      %dma_wait3A_435 = tpu.memref_squeeze %dma_wait3A_434 : memref<1x64xi32, #tpu.memory_space<vmem>> -> memref<64xi32, #tpu.memory_space<vmem>>
      %dma_wait3A_436 = arith.constant 0 : i32
      %dma_wait3A_437 = tpu.memref_slice %arg8[%dma_wait3A_436] : memref<10240xf32, #tpu.memory_space<vmem_shared>> -> memref<10240xf32, #tpu.memory_space<vmem_shared>>
      tpu.wait_indirect_dma semaphore(%arg11 : memref<!tpu.dma_semaphore, #tpu.memory_space<semaphore_mem>>) src(%arg6 : memref<64xf32, #tpu.memory_space<vmem>>) dst(%dma_wait3A_437 : memref<10240xf32, #tpu.memory_space<vmem_shared>>)
      %dma_wait3A_438 = arith.constant 13 : i32
      %dma_wait3A_439 = arith.constant 0 : i32
      %dma_wait3A_440 = tpu.memref_slice %arg5[%dma_wait3A_438, %dma_wait3A_439] : memref<16x64xi32, #tpu.memory_space<vmem>> -> memref<1x64xi32, #tpu.memory_space<vmem>>
      %dma_wait3A_441 = tpu.memref_squeeze %dma_wait3A_440 : memref<1x64xi32, #tpu.memory_space<vmem>> -> memref<64xi32, #tpu.memory_space<vmem>>
      %dma_wait3A_442 = arith.constant 0 : i32
      %dma_wait3A_443 = tpu.memref_slice %arg8[%dma_wait3A_442] : memref<10240xf32, #tpu.memory_space<vmem_shared>> -> memref<10240xf32, #tpu.memory_space<vmem_shared>>
      tpu.wait_indirect_dma semaphore(%arg12 : memref<!tpu.dma_semaphore, #tpu.memory_space<semaphore_mem>>) src(%arg6 : memref<64xf32, #tpu.memory_space<vmem>>) dst(%dma_wait3A_443 : memref<10240xf32, #tpu.memory_space<vmem_shared>>)
      %dma_wait3A_444 = arith.constant 14 : i32
      %dma_wait3A_445 = arith.constant 0 : i32
      %dma_wait3A_446 = tpu.memref_slice %arg5[%dma_wait3A_444, %dma_wait3A_445] : memref<16x64xi32, #tpu.memory_space<vmem>> -> memref<1x64xi32, #tpu.memory_space<vmem>>
      %dma_wait3A_447 = tpu.memref_squeeze %dma_wait3A_446 : memref<1x64xi32, #tpu.memory_space<vmem>> -> memref<64xi32, #tpu.memory_space<vmem>>
      %dma_wait3A_448 = arith.constant 0 : i32
      %dma_wait3A_449 = tpu.memref_slice %arg8[%dma_wait3A_448] : memref<10240xf32, #tpu.memory_space<vmem_shared>> -> memref<10240xf32, #tpu.memory_space<vmem_shared>>
      tpu.wait_indirect_dma semaphore(%arg13 : memref<!tpu.dma_semaphore, #tpu.memory_space<semaphore_mem>>) src(%arg6 : memref<64xf32, #tpu.memory_space<vmem>>) dst(%dma_wait3A_449 : memref<10240xf32, #tpu.memory_space<vmem_shared>>)
      %dma_wait3A_450 = arith.constant 15 : i32
      %dma_wait3A_451 = arith.constant 0 : i32
      %dma_wait3A_452 = tpu.memref_slice %arg5[%dma_wait3A_450, %dma_wait3A_451] : memref<16x64xi32, #tpu.memory_space<vmem>> -> memref<1x64xi32, #tpu.memory_space<vmem>>
      %dma_wait3A_453 = tpu.memref_squeeze %dma_wait3A_452 : memref<1x64xi32, #tpu.memory_space<vmem>> -> memref<64xi32, #tpu.memory_space<vmem>>
      %dma_wait3A_454 = arith.constant 0 : i32
      %dma_wait3A_455 = tpu.memref_slice %arg8[%dma_wait3A_454] : memref<10240xf32, #tpu.memory_space<vmem_shared>> -> memref<10240xf32, #tpu.memory_space<vmem_shared>>
      tpu.wait_indirect_dma semaphore(%arg14 : memref<!tpu.dma_semaphore, #tpu.memory_space<semaphore_mem>>) src(%arg6 : memref<64xf32, #tpu.memory_space<vmem>>) dst(%dma_wait3A_455 : memref<10240xf32, #tpu.memory_space<vmem_shared>>)
      %scan3A_456 = arith.constant 0 : i32
      scf.yield %scan3A_456 : i32
    }
    %scan3A_33 = arith.constant 5 : i32
    %barrier3A_34 = arith.constant 0 : index
    tpu.barrier barrier_id(%barrier3A_34)
    %mul3A_35 = arith.constant 640 : i32
    %mul3A_36 = arith.muli %arg1, %mul3A_35 : i32
    %mul3A_37 = arith.constant 640 : i32
    %mul3A_38 = arith.muli %arg1, %mul3A_37 : i32
    "tpu.region"() ({
      %run_scoped3A = tpu.sem_alloc : memref<!tpu.dma_semaphore, #tpu.memory_space<semaphore_mem>>
      %dma_start3A_39 = tpu.memref_slice %arg3[%arg0, %mul3A_38] : memref<2x10240xf32, #tpu.memory_space<hbm>> -> memref<1x640xf32, #tpu.memory_space<hbm>>
      %dma_start3A_40 = tpu.memref_squeeze %dma_start3A_39 : memref<1x640xf32, #tpu.memory_space<hbm>> -> memref<640xf32, #tpu.memory_space<hbm>>
      %dma_start3A_41 = tpu.memref_slice %arg8[%mul3A_36] : memref<10240xf32, #tpu.memory_space<vmem_shared>> -> memref<640xf32, #tpu.memory_space<vmem_shared>>
      tpu.enqueue_dma source(%dma_start3A_41 : memref<640xf32, #tpu.memory_space<vmem_shared>>) target(%dma_start3A_40 : memref<640xf32, #tpu.memory_space<hbm>>) target_semaphore(%run_scoped3A : memref<!tpu.dma_semaphore, #tpu.memory_space<semaphore_mem>>)
      %dma_wait3A_42 = tpu.memref_slice %arg3[%arg0, %mul3A_38] : memref<2x10240xf32, #tpu.memory_space<hbm>> -> memref<1x640xf32, #tpu.memory_space<hbm>>
      %dma_wait3A_43 = tpu.memref_squeeze %dma_wait3A_42 : memref<1x640xf32, #tpu.memory_space<hbm>> -> memref<640xf32, #tpu.memory_space<hbm>>
      %dma_wait3A_44 = tpu.memref_slice %arg8[%mul3A_36] : memref<10240xf32, #tpu.memory_space<vmem_shared>> -> memref<640xf32, #tpu.memory_space<vmem_shared>>
      tpu.wait_dma2 semaphore(%run_scoped3A : memref<!tpu.dma_semaphore, #tpu.memory_space<semaphore_mem>>) src(%dma_wait3A_44 : memref<640xf32, #tpu.memory_space<vmem_shared>>) dst(%dma_wait3A_43 : memref<640xf32, #tpu.memory_space<hbm>>)
      tpu.yield
    }) : () -> ()
    return
  }
}

#map = affine_map<(d0, d1) -> (0, 0)>
#map1 = affine_map<(d0, d1) -> (0, 0, 0)>
module attributes {stable_mosaic.version = 14 : i64} {
  func.func @agg_kernel(%arg0: i32, %arg1: i32, %arg2: memref<10240x128xf32, #tpu.memory_space<hbm>>, %arg3: memref<5120x64xi32, #tpu.memory_space<hbm>>, %arg4: memref<5120x64xi32, #tpu.memory_space<hbm>>, %arg5: memref<2x10240x128xf32, #tpu.memory_space<hbm>>, %arg6: memref<4x64xi32, #tpu.memory_space<vmem>>, %arg7: memref<4x64xi32, #tpu.memory_space<vmem>>, %arg8: memref<4x64xi32, #tpu.memory_space<vmem>>, %arg9: memref<4x64xi32, #tpu.memory_space<vmem>>, %arg10: memref<4x64x128xf32, #tpu.memory_space<vmem>>, %arg11: memref<10240x128xf32, #tpu.memory_space<vmem_shared>>, %arg12: memref<!tpu.dma_semaphore, #tpu.memory_space<semaphore_mem>>, %arg13: memref<!tpu.dma_semaphore, #tpu.memory_space<semaphore_mem>>, %arg14: memref<!tpu.dma_semaphore, #tpu.memory_space<semaphore_mem>>, %arg15: memref<!tpu.dma_semaphore, #tpu.memory_space<semaphore_mem>>, %arg16: memref<!tpu.dma_semaphore, #tpu.memory_space<semaphore_mem>>, %arg17: memref<!tpu.dma_semaphore, #tpu.memory_space<semaphore_mem>>, %arg18: memref<!tpu.dma_semaphore, #tpu.memory_space<semaphore_mem>>, %arg19: memref<!tpu.dma_semaphore, #tpu.memory_space<semaphore_mem>>, %arg20: memref<!tpu.dma_semaphore, #tpu.memory_space<semaphore_mem>>, %arg21: memref<!tpu.dma_semaphore, #tpu.memory_space<semaphore_mem>>) attributes {dimension_semantics = [#tpu.dimension_semantics<core_parallel>, #tpu.dimension_semantics<subcore_parallel>], iteration_bounds = array<i64: 2, 16>, scalar_prefetch = 0 : i64, scratch_operands = 16 : i64, tpu.core_type = #tpu.core_type<sc_vector_subcore>, window_params = [{transform_indices = #map}, {transform_indices = #map}, {transform_indices = #map}, {transform_indices = #map1}]} {
    %mul3A = arith.constant 2 : i32
    %mul3A_0 = arith.muli %arg1, %mul3A : i32
    %add3A = arith.addi %mul3A_0, %arg0 : i32
    %broadcast_in_dim3A = arith.constant 0.000000e+00 : f32
    %broadcast_in_dim3A_1 = vector.broadcast %broadcast_in_dim3A : f32 to vector<16xf32>
    %scan3A = arith.constant 0 : i32
    %scan3A_2 = arith.constant 0 : i32
    %scan3A_3 = arith.constant 512 : i32
    %scan3A_4 = arith.addi %scan3A_2, %scan3A_3 : i32
    %scan3A_5 = arith.constant 1 : i32
    %scan3A_6 = scf.for %scan3A_467 = %scan3A_2 to %scan3A_4 step %scan3A_5 iter_args(%scan3A_468 = %scan3A) -> (i32)  : i32 {
      %jit3A = arith.constant 8 : i32
      %div3A = arith.divsi %scan3A_467, %jit3A : i32
      %sign3A = arith.constant 0 : i32
      %sign3A_469 = arith.cmpi sgt, %scan3A_467, %sign3A : i32
      %sign3A_470 = arith.extui %sign3A_469 : i1 to i32
      %sign3A_471 = arith.constant 0 : i32
      %sign3A_472 = arith.cmpi slt, %scan3A_467, %sign3A_471 : i32
      %sign3A_473 = arith.extui %sign3A_472 : i1 to i32
      %sign3A_474 = arith.subi %sign3A_470, %sign3A_473 : i32
      %sign3A_475 = arith.constant 0 : i32
      %sign3A_476 = arith.cmpi sgt, %jit3A, %sign3A_475 : i32
      %sign3A_477 = arith.extui %sign3A_476 : i1 to i32
      %sign3A_478 = arith.constant 0 : i32
      %sign3A_479 = arith.cmpi slt, %jit3A, %sign3A_478 : i32
      %sign3A_480 = arith.extui %sign3A_479 : i1 to i32
      %sign3A_481 = arith.subi %sign3A_477, %sign3A_480 : i32
      %ne3A = arith.cmpi ne, %sign3A_474, %sign3A_481 : i32
      %rem3A = arith.remsi %scan3A_467, %jit3A : i32
      %ne3A_482 = arith.constant 0 : i32
      %ne3A_483 = arith.cmpi ne, %rem3A, %ne3A_482 : i32
      %and3A = arith.andi %ne3A, %ne3A_483 : i1
      %sub3A = arith.constant 1 : i32
      %sub3A_484 = arith.subi %div3A, %sub3A : i32
      %select_n3A = arith.select %and3A, %sub3A_484, %div3A : i32
      %jit3A_485 = arith.constant 8 : i32
      %eq3A = arith.constant 0 : i32
      %eq3A_486 = arith.cmpi eq, %jit3A_485, %eq3A : i32
      %jit3A_487 = arith.constant 1 : i32
      %select_n3A_488 = arith.select %eq3A_486, %jit3A_487, %jit3A_485 : i32
      %rem3A_489 = arith.remsi %scan3A_467, %select_n3A_488 : i32
      %ne3A_490 = arith.constant 0 : i32
      %ne3A_491 = arith.cmpi ne, %rem3A_489, %ne3A_490 : i32
      %lt3A = arith.constant 0 : i32
      %lt3A_492 = arith.cmpi slt, %rem3A_489, %lt3A : i32
      %lt3A_493 = arith.constant 0 : i32
      %lt3A_494 = arith.cmpi slt, %select_n3A_488, %lt3A_493 : i32
      %ne3A_495 = arith.xori %lt3A_492, %lt3A_494 : i1
      %and3A_496 = arith.andi %ne3A_495, %ne3A_491 : i1
      %add3A_497 = arith.addi %rem3A_489, %select_n3A_488 : i32
      %select_n3A_498 = arith.select %and3A_496, %add3A_497, %rem3A_489 : i32
      %mul3A_499 = arith.constant 16 : i32
      %mul3A_500 = arith.muli %select_n3A_498, %mul3A_499 : i32
      %swap3A_501 = arith.constant 0 : i32
      %swap3A_502 = arith.index_cast %swap3A_501 : i32 to index
      %swap3A_503 = arith.index_cast %select_n3A : i32 to index
      %swap3A_504 = arith.index_cast %mul3A_500 : i32 to index
      %swap3A_505 = tpu.vector_load %arg10[%swap3A_502, %swap3A_503, %swap3A_504] {strides = array<i32>} : memref<4x64x128xf32, #tpu.memory_space<vmem>>, vector<1x1x16xf32>,
      %swap3A_506 = vector.shape_cast %swap3A_505 : vector<1x1x16xf32> to vector<16xf32>
      %swap3A_507 = vector.shape_cast %broadcast_in_dim3A_1 : vector<16xf32> to vector<1x1x16xf32>
      tpu.vector_store %arg10[%swap3A_502, %swap3A_503, %swap3A_504], %swap3A_507 {strides = array<i32>} : memref<4x64x128xf32, #tpu.memory_space<vmem>>, vector<1x1x16xf32>,
      %scan3A_508 = arith.constant 0 : i32
      scf.yield %scan3A_508 : i32
    }
    %scan3A_7 = arith.constant 512 : i32
    %mul3A_8 = arith.constant 640 : i32
    %mul3A_9 = arith.muli %arg1, %mul3A_8 : i32
    %add3A_10 = arith.constant 0 : i32
    %add3A_11 = arith.addi %mul3A_9, %add3A_10 : i32
    %dma_start3A = arith.constant 0 : i32
    %dma_start3A_12 = arith.constant 0 : i32
    %dma_start3A_13 = arith.constant 0 : i32
    %dma_start3A_14 = tpu.memref_slice %arg10[%dma_start3A, %dma_start3A_12, %dma_start3A_13] : memref<4x64x128xf32, #tpu.memory_space<vmem>> -> memref<1x64x128xf32, #tpu.memory_space<vmem>>
    %dma_start3A_15 = tpu.memref_squeeze %dma_start3A_14 : memref<1x64x128xf32, #tpu.memory_space<vmem>> -> memref<64x128xf32, #tpu.memory_space<vmem>>
    %dma_start3A_16 = arith.constant 0 : i32
    %dma_start3A_17 = tpu.memref_slice %arg11[%add3A_11, %dma_start3A_16] : memref<10240x128xf32, #tpu.memory_space<vmem_shared>> -> memref<64x128xf32, #tpu.memory_space<vmem_shared>>
    %dma_start3A_18 = arith.constant 0 : i32
    %dma_start3A_19 = tpu.memref_slice %arg11[%add3A_11, %dma_start3A_18] : memref<10240x128xf32, #tpu.memory_space<vmem_shared>> -> memref<64x128xf32, #tpu.memory_space<vmem_shared>>
    %dma_start3A_20 = arith.constant 0 : i32
    %dma_start3A_21 = arith.constant 0 : i32
    %dma_start3A_22 = tpu.memref_slice %arg10[%dma_start3A, %dma_start3A_20, %dma_start3A_21] : memref<4x64x128xf32, #tpu.memory_space<vmem>> -> memref<1x64x128xf32, #tpu.memory_space<vmem>>
    %dma_start3A_23 = tpu.memref_squeeze %dma_start3A_22 : memref<1x64x128xf32, #tpu.memory_space<vmem>> -> memref<64x128xf32, #tpu.memory_space<vmem>>
    tpu.enqueue_dma source(%dma_start3A_23 : memref<64x128xf32, #tpu.memory_space<vmem>>) target(%dma_start3A_19 : memref<64x128xf32, #tpu.memory_space<vmem_shared>>) target_semaphore(%arg14 : memref<!tpu.dma_semaphore, #tpu.memory_space<semaphore_mem>>)
    %mul3A_24 = arith.constant 640 : i32
    %mul3A_25 = arith.muli %arg1, %mul3A_24 : i32
    %add3A_26 = arith.constant 64 : i32
    %add3A_27 = arith.addi %mul3A_25, %add3A_26 : i32
    %dma_start3A_28 = arith.constant 0 : i32
    %dma_start3A_29 = arith.constant 0 : i32
    %dma_start3A_30 = arith.constant 0 : i32
    %dma_start3A_31 = tpu.memref_slice %arg10[%dma_start3A_28, %dma_start3A_29, %dma_start3A_30] : memref<4x64x128xf32, #tpu.memory_space<vmem>> -> memref<1x64x128xf32, #tpu.memory_space<vmem>>
    %dma_start3A_32 = tpu.memref_squeeze %dma_start3A_31 : memref<1x64x128xf32, #tpu.memory_space<vmem>> -> memref<64x128xf32, #tpu.memory_space<vmem>>
    %dma_start3A_33 = arith.constant 0 : i32
    %dma_start3A_34 = tpu.memref_slice %arg11[%add3A_27, %dma_start3A_33] : memref<10240x128xf32, #tpu.memory_space<vmem_shared>> -> memref<64x128xf32, #tpu.memory_space<vmem_shared>>
    %dma_start3A_35 = arith.constant 0 : i32
    %dma_start3A_36 = tpu.memref_slice %arg11[%add3A_27, %dma_start3A_35] : memref<10240x128xf32, #tpu.memory_space<vmem_shared>> -> memref<64x128xf32, #tpu.memory_space<vmem_shared>>
    %dma_start3A_37 = arith.constant 0 : i32
    %dma_start3A_38 = arith.constant 0 : i32
    %dma_start3A_39 = tpu.memref_slice %arg10[%dma_start3A_28, %dma_start3A_37, %dma_start3A_38] : memref<4x64x128xf32, #tpu.memory_space<vmem>> -> memref<1x64x128xf32, #tpu.memory_space<vmem>>
    %dma_start3A_40 = tpu.memref_squeeze %dma_start3A_39 : memref<1x64x128xf32, #tpu.memory_space<vmem>> -> memref<64x128xf32, #tpu.memory_space<vmem>>
    tpu.enqueue_dma source(%dma_start3A_40 : memref<64x128xf32, #tpu.memory_space<vmem>>) target(%dma_start3A_36 : memref<64x128xf32, #tpu.memory_space<vmem_shared>>) target_semaphore(%arg15 : memref<!tpu.dma_semaphore, #tpu.memory_space<semaphore_mem>>)
    %mul3A_41 = arith.constant 640 : i32
    %mul3A_42 = arith.muli %arg1, %mul3A_41 : i32
    %add3A_43 = arith.constant 128 : i32
    %add3A_44 = arith.addi %mul3A_42, %add3A_43 : i32
    %dma_start3A_45 = arith.constant 0 : i32
    %dma_start3A_46 = arith.constant 0 : i32
    %dma_start3A_47 = arith.constant 0 : i32
    %dma_start3A_48 = tpu.memref_slice %arg10[%dma_start3A_45, %dma_start3A_46, %dma_start3A_47] : memref<4x64x128xf32, #tpu.memory_space<vmem>> -> memref<1x64x128xf32, #tpu.memory_space<vmem>>
    %dma_start3A_49 = tpu.memref_squeeze %dma_start3A_48 : memref<1x64x128xf32, #tpu.memory_space<vmem>> -> memref<64x128xf32, #tpu.memory_space<vmem>>
    %dma_start3A_50 = arith.constant 0 : i32
    %dma_start3A_51 = tpu.memref_slice %arg11[%add3A_44, %dma_start3A_50] : memref<10240x128xf32, #tpu.memory_space<vmem_shared>> -> memref<64x128xf32, #tpu.memory_space<vmem_shared>>
    %dma_start3A_52 = arith.constant 0 : i32
    %dma_start3A_53 = tpu.memref_slice %arg11[%add3A_44, %dma_start3A_52] : memref<10240x128xf32, #tpu.memory_space<vmem_shared>> -> memref<64x128xf32, #tpu.memory_space<vmem_shared>>
    %dma_start3A_54 = arith.constant 0 : i32
    %dma_start3A_55 = arith.constant 0 : i32
    %dma_start3A_56 = tpu.memref_slice %arg10[%dma_start3A_45, %dma_start3A_54, %dma_start3A_55] : memref<4x64x128xf32, #tpu.memory_space<vmem>> -> memref<1x64x128xf32, #tpu.memory_space<vmem>>
    %dma_start3A_57 = tpu.memref_squeeze %dma_start3A_56 : memref<1x64x128xf32, #tpu.memory_space<vmem>> -> memref<64x128xf32, #tpu.memory_space<vmem>>
    tpu.enqueue_dma source(%dma_start3A_57 : memref<64x128xf32, #tpu.memory_space<vmem>>) target(%dma_start3A_53 : memref<64x128xf32, #tpu.memory_space<vmem_shared>>) target_semaphore(%arg16 : memref<!tpu.dma_semaphore, #tpu.memory_space<semaphore_mem>>)
    %mul3A_58 = arith.constant 640 : i32
    %mul3A_59 = arith.muli %arg1, %mul3A_58 : i32
    %add3A_60 = arith.constant 192 : i32
    %add3A_61 = arith.addi %mul3A_59, %add3A_60 : i32
    %dma_start3A_62 = arith.constant 0 : i32
    %dma_start3A_63 = arith.constant 0 : i32
    %dma_start3A_64 = arith.constant 0 : i32
    %dma_start3A_65 = tpu.memref_slice %arg10[%dma_start3A_62, %dma_start3A_63, %dma_start3A_64] : memref<4x64x128xf32, #tpu.memory_space<vmem>> -> memref<1x64x128xf32, #tpu.memory_space<vmem>>
    %dma_start3A_66 = tpu.memref_squeeze %dma_start3A_65 : memref<1x64x128xf32, #tpu.memory_space<vmem>> -> memref<64x128xf32, #tpu.memory_space<vmem>>
    %dma_start3A_67 = arith.constant 0 : i32
    %dma_start3A_68 = tpu.memref_slice %arg11[%add3A_61, %dma_start3A_67] : memref<10240x128xf32, #tpu.memory_space<vmem_shared>> -> memref<64x128xf32, #tpu.memory_space<vmem_shared>>
    %dma_start3A_69 = arith.constant 0 : i32
    %dma_start3A_70 = tpu.memref_slice %arg11[%add3A_61, %dma_start3A_69] : memref<10240x128xf32, #tpu.memory_space<vmem_shared>> -> memref<64x128xf32, #tpu.memory_space<vmem_shared>>
    %dma_start3A_71 = arith.constant 0 : i32
    %dma_start3A_72 = arith.constant 0 : i32
    %dma_start3A_73 = tpu.memref_slice %arg10[%dma_start3A_62, %dma_start3A_71, %dma_start3A_72] : memref<4x64x128xf32, #tpu.memory_space<vmem>> -> memref<1x64x128xf32, #tpu.memory_space<vmem>>
    %dma_start3A_74 = tpu.memref_squeeze %dma_start3A_73 : memref<1x64x128xf32, #tpu.memory_space<vmem>> -> memref<64x128xf32, #tpu.memory_space<vmem>>
    tpu.enqueue_dma source(%dma_start3A_74 : memref<64x128xf32, #tpu.memory_space<vmem>>) target(%dma_start3A_70 : memref<64x128xf32, #tpu.memory_space<vmem_shared>>) target_semaphore(%arg17 : memref<!tpu.dma_semaphore, #tpu.memory_space<semaphore_mem>>)
    %mul3A_75 = arith.constant 640 : i32
    %mul3A_76 = arith.muli %arg1, %mul3A_75 : i32
    %add3A_77 = arith.constant 256 : i32
    %add3A_78 = arith.addi %mul3A_76, %add3A_77 : i32
    %dma_start3A_79 = arith.constant 0 : i32
    %dma_start3A_80 = arith.constant 0 : i32
    %dma_start3A_81 = arith.constant 0 : i32
    %dma_start3A_82 = tpu.memref_slice %arg10[%dma_start3A_79, %dma_start3A_80, %dma_start3A_81] : memref<4x64x128xf32, #tpu.memory_space<vmem>> -> memref<1x64x128xf32, #tpu.memory_space<vmem>>
    %dma_start3A_83 = tpu.memref_squeeze %dma_start3A_82 : memref<1x64x128xf32, #tpu.memory_space<vmem>> -> memref<64x128xf32, #tpu.memory_space<vmem>>
    %dma_start3A_84 = arith.constant 0 : i32
    %dma_start3A_85 = tpu.memref_slice %arg11[%add3A_78, %dma_start3A_84] : memref<10240x128xf32, #tpu.memory_space<vmem_shared>> -> memref<64x128xf32, #tpu.memory_space<vmem_shared>>
    %dma_start3A_86 = arith.constant 0 : i32
    %dma_start3A_87 = tpu.memref_slice %arg11[%add3A_78, %dma_start3A_86] : memref<10240x128xf32, #tpu.memory_space<vmem_shared>> -> memref<64x128xf32, #tpu.memory_space<vmem_shared>>
    %dma_start3A_88 = arith.constant 0 : i32
    %dma_start3A_89 = arith.constant 0 : i32
    %dma_start3A_90 = tpu.memref_slice %arg10[%dma_start3A_79, %dma_start3A_88, %dma_start3A_89] : memref<4x64x128xf32, #tpu.memory_space<vmem>> -> memref<1x64x128xf32, #tpu.memory_space<vmem>>
    %dma_start3A_91 = tpu.memref_squeeze %dma_start3A_90 : memref<1x64x128xf32, #tpu.memory_space<vmem>> -> memref<64x128xf32, #tpu.memory_space<vmem>>
    tpu.enqueue_dma source(%dma_start3A_91 : memref<64x128xf32, #tpu.memory_space<vmem>>) target(%dma_start3A_87 : memref<64x128xf32, #tpu.memory_space<vmem_shared>>) target_semaphore(%arg14 : memref<!tpu.dma_semaphore, #tpu.memory_space<semaphore_mem>>)
    %mul3A_92 = arith.constant 640 : i32
    %mul3A_93 = arith.muli %arg1, %mul3A_92 : i32
    %add3A_94 = arith.constant 320 : i32
    %add3A_95 = arith.addi %mul3A_93, %add3A_94 : i32
    %dma_start3A_96 = arith.constant 0 : i32
    %dma_start3A_97 = arith.constant 0 : i32
    %dma_start3A_98 = arith.constant 0 : i32
    %dma_start3A_99 = tpu.memref_slice %arg10[%dma_start3A_96, %dma_start3A_97, %dma_start3A_98] : memref<4x64x128xf32, #tpu.memory_space<vmem>> -> memref<1x64x128xf32, #tpu.memory_space<vmem>>
    %dma_start3A_100 = tpu.memref_squeeze %dma_start3A_99 : memref<1x64x128xf32, #tpu.memory_space<vmem>> -> memref<64x128xf32, #tpu.memory_space<vmem>>
    %dma_start3A_101 = arith.constant 0 : i32
    %dma_start3A_102 = tpu.memref_slice %arg11[%add3A_95, %dma_start3A_101] : memref<10240x128xf32, #tpu.memory_space<vmem_shared>> -> memref<64x128xf32, #tpu.memory_space<vmem_shared>>
    %dma_start3A_103 = arith.constant 0 : i32
    %dma_start3A_104 = tpu.memref_slice %arg11[%add3A_95, %dma_start3A_103] : memref<10240x128xf32, #tpu.memory_space<vmem_shared>> -> memref<64x128xf32, #tpu.memory_space<vmem_shared>>
    %dma_start3A_105 = arith.constant 0 : i32
    %dma_start3A_106 = arith.constant 0 : i32
    %dma_start3A_107 = tpu.memref_slice %arg10[%dma_start3A_96, %dma_start3A_105, %dma_start3A_106] : memref<4x64x128xf32, #tpu.memory_space<vmem>> -> memref<1x64x128xf32, #tpu.memory_space<vmem>>
    %dma_start3A_108 = tpu.memref_squeeze %dma_start3A_107 : memref<1x64x128xf32, #tpu.memory_space<vmem>> -> memref<64x128xf32, #tpu.memory_space<vmem>>
    tpu.enqueue_dma source(%dma_start3A_108 : memref<64x128xf32, #tpu.memory_space<vmem>>) target(%dma_start3A_104 : memref<64x128xf32, #tpu.memory_space<vmem_shared>>) target_semaphore(%arg15 : memref<!tpu.dma_semaphore, #tpu.memory_space<semaphore_mem>>)
    %mul3A_109 = arith.constant 640 : i32
    %mul3A_110 = arith.muli %arg1, %mul3A_109 : i32
    %add3A_111 = arith.constant 384 : i32
    %add3A_112 = arith.addi %mul3A_110, %add3A_111 : i32
    %dma_start3A_113 = arith.constant 0 : i32
    %dma_start3A_114 = arith.constant 0 : i32
    %dma_start3A_115 = arith.constant 0 : i32
    %dma_start3A_116 = tpu.memref_slice %arg10[%dma_start3A_113, %dma_start3A_114, %dma_start3A_115] : memref<4x64x128xf32, #tpu.memory_space<vmem>> -> memref<1x64x128xf32, #tpu.memory_space<vmem>>
    %dma_start3A_117 = tpu.memref_squeeze %dma_start3A_116 : memref<1x64x128xf32, #tpu.memory_space<vmem>> -> memref<64x128xf32, #tpu.memory_space<vmem>>
    %dma_start3A_118 = arith.constant 0 : i32
    %dma_start3A_119 = tpu.memref_slice %arg11[%add3A_112, %dma_start3A_118] : memref<10240x128xf32, #tpu.memory_space<vmem_shared>> -> memref<64x128xf32, #tpu.memory_space<vmem_shared>>
    %dma_start3A_120 = arith.constant 0 : i32
    %dma_start3A_121 = tpu.memref_slice %arg11[%add3A_112, %dma_start3A_120] : memref<10240x128xf32, #tpu.memory_space<vmem_shared>> -> memref<64x128xf32, #tpu.memory_space<vmem_shared>>
    %dma_start3A_122 = arith.constant 0 : i32
    %dma_start3A_123 = arith.constant 0 : i32
    %dma_start3A_124 = tpu.memref_slice %arg10[%dma_start3A_113, %dma_start3A_122, %dma_start3A_123] : memref<4x64x128xf32, #tpu.memory_space<vmem>> -> memref<1x64x128xf32, #tpu.memory_space<vmem>>
    %dma_start3A_125 = tpu.memref_squeeze %dma_start3A_124 : memref<1x64x128xf32, #tpu.memory_space<vmem>> -> memref<64x128xf32, #tpu.memory_space<vmem>>
    tpu.enqueue_dma source(%dma_start3A_125 : memref<64x128xf32, #tpu.memory_space<vmem>>) target(%dma_start3A_121 : memref<64x128xf32, #tpu.memory_space<vmem_shared>>) target_semaphore(%arg16 : memref<!tpu.dma_semaphore, #tpu.memory_space<semaphore_mem>>)
    %mul3A_126 = arith.constant 640 : i32
    %mul3A_127 = arith.muli %arg1, %mul3A_126 : i32
    %add3A_128 = arith.constant 448 : i32
    %add3A_129 = arith.addi %mul3A_127, %add3A_128 : i32
    %dma_start3A_130 = arith.constant 0 : i32
    %dma_start3A_131 = arith.constant 0 : i32
    %dma_start3A_132 = arith.constant 0 : i32
    %dma_start3A_133 = tpu.memref_slice %arg10[%dma_start3A_130, %dma_start3A_131, %dma_start3A_132] : memref<4x64x128xf32, #tpu.memory_space<vmem>> -> memref<1x64x128xf32, #tpu.memory_space<vmem>>
    %dma_start3A_134 = tpu.memref_squeeze %dma_start3A_133 : memref<1x64x128xf32, #tpu.memory_space<vmem>> -> memref<64x128xf32, #tpu.memory_space<vmem>>
    %dma_start3A_135 = arith.constant 0 : i32
    %dma_start3A_136 = tpu.memref_slice %arg11[%add3A_129, %dma_start3A_135] : memref<10240x128xf32, #tpu.memory_space<vmem_shared>> -> memref<64x128xf32, #tpu.memory_space<vmem_shared>>
    %dma_start3A_137 = arith.constant 0 : i32
    %dma_start3A_138 = tpu.memref_slice %arg11[%add3A_129, %dma_start3A_137] : memref<10240x128xf32, #tpu.memory_space<vmem_shared>> -> memref<64x128xf32, #tpu.memory_space<vmem_shared>>
    %dma_start3A_139 = arith.constant 0 : i32
    %dma_start3A_140 = arith.constant 0 : i32
    %dma_start3A_141 = tpu.memref_slice %arg10[%dma_start3A_130, %dma_start3A_139, %dma_start3A_140] : memref<4x64x128xf32, #tpu.memory_space<vmem>> -> memref<1x64x128xf32, #tpu.memory_space<vmem>>
    %dma_start3A_142 = tpu.memref_squeeze %dma_start3A_141 : memref<1x64x128xf32, #tpu.memory_space<vmem>> -> memref<64x128xf32, #tpu.memory_space<vmem>>
    tpu.enqueue_dma source(%dma_start3A_142 : memref<64x128xf32, #tpu.memory_space<vmem>>) target(%dma_start3A_138 : memref<64x128xf32, #tpu.memory_space<vmem_shared>>) target_semaphore(%arg17 : memref<!tpu.dma_semaphore, #tpu.memory_space<semaphore_mem>>)
    %mul3A_143 = arith.constant 640 : i32
    %mul3A_144 = arith.muli %arg1, %mul3A_143 : i32
    %add3A_145 = arith.constant 512 : i32
    %add3A_146 = arith.addi %mul3A_144, %add3A_145 : i32
    %dma_start3A_147 = arith.constant 0 : i32
    %dma_start3A_148 = arith.constant 0 : i32
    %dma_start3A_149 = arith.constant 0 : i32
    %dma_start3A_150 = tpu.memref_slice %arg10[%dma_start3A_147, %dma_start3A_148, %dma_start3A_149] : memref<4x64x128xf32, #tpu.memory_space<vmem>> -> memref<1x64x128xf32, #tpu.memory_space<vmem>>
    %dma_start3A_151 = tpu.memref_squeeze %dma_start3A_150 : memref<1x64x128xf32, #tpu.memory_space<vmem>> -> memref<64x128xf32, #tpu.memory_space<vmem>>
    %dma_start3A_152 = arith.constant 0 : i32
    %dma_start3A_153 = tpu.memref_slice %arg11[%add3A_146, %dma_start3A_152] : memref<10240x128xf32, #tpu.memory_space<vmem_shared>> -> memref<64x128xf32, #tpu.memory_space<vmem_shared>>
    %dma_start3A_154 = arith.constant 0 : i32
    %dma_start3A_155 = tpu.memref_slice %arg11[%add3A_146, %dma_start3A_154] : memref<10240x128xf32, #tpu.memory_space<vmem_shared>> -> memref<64x128xf32, #tpu.memory_space<vmem_shared>>
    %dma_start3A_156 = arith.constant 0 : i32
    %dma_start3A_157 = arith.constant 0 : i32
    %dma_start3A_158 = tpu.memref_slice %arg10[%dma_start3A_147, %dma_start3A_156, %dma_start3A_157] : memref<4x64x128xf32, #tpu.memory_space<vmem>> -> memref<1x64x128xf32, #tpu.memory_space<vmem>>
    %dma_start3A_159 = tpu.memref_squeeze %dma_start3A_158 : memref<1x64x128xf32, #tpu.memory_space<vmem>> -> memref<64x128xf32, #tpu.memory_space<vmem>>
    tpu.enqueue_dma source(%dma_start3A_159 : memref<64x128xf32, #tpu.memory_space<vmem>>) target(%dma_start3A_155 : memref<64x128xf32, #tpu.memory_space<vmem_shared>>) target_semaphore(%arg14 : memref<!tpu.dma_semaphore, #tpu.memory_space<semaphore_mem>>)
    %mul3A_160 = arith.constant 640 : i32
    %mul3A_161 = arith.muli %arg1, %mul3A_160 : i32
    %add3A_162 = arith.constant 576 : i32
    %add3A_163 = arith.addi %mul3A_161, %add3A_162 : i32
    %dma_start3A_164 = arith.constant 0 : i32
    %dma_start3A_165 = arith.constant 0 : i32
    %dma_start3A_166 = arith.constant 0 : i32
    %dma_start3A_167 = tpu.memref_slice %arg10[%dma_start3A_164, %dma_start3A_165, %dma_start3A_166] : memref<4x64x128xf32, #tpu.memory_space<vmem>> -> memref<1x64x128xf32, #tpu.memory_space<vmem>>
    %dma_start3A_168 = tpu.memref_squeeze %dma_start3A_167 : memref<1x64x128xf32, #tpu.memory_space<vmem>> -> memref<64x128xf32, #tpu.memory_space<vmem>>
    %dma_start3A_169 = arith.constant 0 : i32
    %dma_start3A_170 = tpu.memref_slice %arg11[%add3A_163, %dma_start3A_169] : memref<10240x128xf32, #tpu.memory_space<vmem_shared>> -> memref<64x128xf32, #tpu.memory_space<vmem_shared>>
    %dma_start3A_171 = arith.constant 0 : i32
    %dma_start3A_172 = tpu.memref_slice %arg11[%add3A_163, %dma_start3A_171] : memref<10240x128xf32, #tpu.memory_space<vmem_shared>> -> memref<64x128xf32, #tpu.memory_space<vmem_shared>>
    %dma_start3A_173 = arith.constant 0 : i32
    %dma_start3A_174 = arith.constant 0 : i32
    %dma_start3A_175 = tpu.memref_slice %arg10[%dma_start3A_164, %dma_start3A_173, %dma_start3A_174] : memref<4x64x128xf32, #tpu.memory_space<vmem>> -> memref<1x64x128xf32, #tpu.memory_space<vmem>>
    %dma_start3A_176 = tpu.memref_squeeze %dma_start3A_175 : memref<1x64x128xf32, #tpu.memory_space<vmem>> -> memref<64x128xf32, #tpu.memory_space<vmem>>
    tpu.enqueue_dma source(%dma_start3A_176 : memref<64x128xf32, #tpu.memory_space<vmem>>) target(%dma_start3A_172 : memref<64x128xf32, #tpu.memory_space<vmem_shared>>) target_semaphore(%arg15 : memref<!tpu.dma_semaphore, #tpu.memory_space<semaphore_mem>>)
    %dma_wait3A = arith.constant 0 : i32
    %dma_wait3A_177 = arith.constant 0 : i32
    %dma_wait3A_178 = arith.constant 0 : i32
    %dma_wait3A_179 = tpu.memref_slice %arg10[%dma_wait3A, %dma_wait3A_177, %dma_wait3A_178] : memref<4x64x128xf32, #tpu.memory_space<vmem>> -> memref<1x64x128xf32, #tpu.memory_space<vmem>>
    %dma_wait3A_180 = tpu.memref_squeeze %dma_wait3A_179 : memref<1x64x128xf32, #tpu.memory_space<vmem>> -> memref<64x128xf32, #tpu.memory_space<vmem>>
    %dma_wait3A_181 = arith.constant 0 : i32
    %dma_wait3A_182 = tpu.memref_slice %arg11[%add3A_11, %dma_wait3A_181] : memref<10240x128xf32, #tpu.memory_space<vmem_shared>> -> memref<64x128xf32, #tpu.memory_space<vmem_shared>>
    %dma_wait3A_183 = arith.constant 0 : i32
    %dma_wait3A_184 = tpu.memref_slice %arg11[%add3A_11, %dma_wait3A_183] : memref<10240x128xf32, #tpu.memory_space<vmem_shared>> -> memref<64x128xf32, #tpu.memory_space<vmem_shared>>
    %dma_wait3A_185 = arith.constant 0 : i32
    %dma_wait3A_186 = arith.constant 0 : i32
    %dma_wait3A_187 = tpu.memref_slice %arg10[%dma_wait3A, %dma_wait3A_185, %dma_wait3A_186] : memref<4x64x128xf32, #tpu.memory_space<vmem>> -> memref<1x64x128xf32, #tpu.memory_space<vmem>>
    %dma_wait3A_188 = tpu.memref_squeeze %dma_wait3A_187 : memref<1x64x128xf32, #tpu.memory_space<vmem>> -> memref<64x128xf32, #tpu.memory_space<vmem>>
    tpu.wait_dma2 semaphore(%arg14 : memref<!tpu.dma_semaphore, #tpu.memory_space<semaphore_mem>>) src(%dma_wait3A_188 : memref<64x128xf32, #tpu.memory_space<vmem>>) dst(%dma_wait3A_184 : memref<64x128xf32, #tpu.memory_space<vmem_shared>>)
    %dma_wait3A_189 = arith.constant 0 : i32
    %dma_wait3A_190 = arith.constant 0 : i32
    %dma_wait3A_191 = arith.constant 0 : i32
    %dma_wait3A_192 = tpu.memref_slice %arg10[%dma_wait3A_189, %dma_wait3A_190, %dma_wait3A_191] : memref<4x64x128xf32, #tpu.memory_space<vmem>> -> memref<1x64x128xf32, #tpu.memory_space<vmem>>
    %dma_wait3A_193 = tpu.memref_squeeze %dma_wait3A_192 : memref<1x64x128xf32, #tpu.memory_space<vmem>> -> memref<64x128xf32, #tpu.memory_space<vmem>>
    %dma_wait3A_194 = arith.constant 0 : i32
    %dma_wait3A_195 = tpu.memref_slice %arg11[%add3A_27, %dma_wait3A_194] : memref<10240x128xf32, #tpu.memory_space<vmem_shared>> -> memref<64x128xf32, #tpu.memory_space<vmem_shared>>
    %dma_wait3A_196 = arith.constant 0 : i32
    %dma_wait3A_197 = tpu.memref_slice %arg11[%add3A_27, %dma_wait3A_196] : memref<10240x128xf32, #tpu.memory_space<vmem_shared>> -> memref<64x128xf32, #tpu.memory_space<vmem_shared>>
    %dma_wait3A_198 = arith.constant 0 : i32
    %dma_wait3A_199 = arith.constant 0 : i32
    %dma_wait3A_200 = tpu.memref_slice %arg10[%dma_wait3A_189, %dma_wait3A_198, %dma_wait3A_199] : memref<4x64x128xf32, #tpu.memory_space<vmem>> -> memref<1x64x128xf32, #tpu.memory_space<vmem>>
    %dma_wait3A_201 = tpu.memref_squeeze %dma_wait3A_200 : memref<1x64x128xf32, #tpu.memory_space<vmem>> -> memref<64x128xf32, #tpu.memory_space<vmem>>
    tpu.wait_dma2 semaphore(%arg15 : memref<!tpu.dma_semaphore, #tpu.memory_space<semaphore_mem>>) src(%dma_wait3A_201 : memref<64x128xf32, #tpu.memory_space<vmem>>) dst(%dma_wait3A_197 : memref<64x128xf32, #tpu.memory_space<vmem_shared>>)
    %dma_wait3A_202 = arith.constant 0 : i32
    %dma_wait3A_203 = arith.constant 0 : i32
    %dma_wait3A_204 = arith.constant 0 : i32
    %dma_wait3A_205 = tpu.memref_slice %arg10[%dma_wait3A_202, %dma_wait3A_203, %dma_wait3A_204] : memref<4x64x128xf32, #tpu.memory_space<vmem>> -> memref<1x64x128xf32, #tpu.memory_space<vmem>>
    %dma_wait3A_206 = tpu.memref_squeeze %dma_wait3A_205 : memref<1x64x128xf32, #tpu.memory_space<vmem>> -> memref<64x128xf32, #tpu.memory_space<vmem>>
    %dma_wait3A_207 = arith.constant 0 : i32
    %dma_wait3A_208 = tpu.memref_slice %arg11[%add3A_44, %dma_wait3A_207] : memref<10240x128xf32, #tpu.memory_space<vmem_shared>> -> memref<64x128xf32, #tpu.memory_space<vmem_shared>>
    %dma_wait3A_209 = arith.constant 0 : i32
    %dma_wait3A_210 = tpu.memref_slice %arg11[%add3A_44, %dma_wait3A_209] : memref<10240x128xf32, #tpu.memory_space<vmem_shared>> -> memref<64x128xf32, #tpu.memory_space<vmem_shared>>
    %dma_wait3A_211 = arith.constant 0 : i32
    %dma_wait3A_212 = arith.constant 0 : i32
    %dma_wait3A_213 = tpu.memref_slice %arg10[%dma_wait3A_202, %dma_wait3A_211, %dma_wait3A_212] : memref<4x64x128xf32, #tpu.memory_space<vmem>> -> memref<1x64x128xf32, #tpu.memory_space<vmem>>
    %dma_wait3A_214 = tpu.memref_squeeze %dma_wait3A_213 : memref<1x64x128xf32, #tpu.memory_space<vmem>> -> memref<64x128xf32, #tpu.memory_space<vmem>>
    tpu.wait_dma2 semaphore(%arg16 : memref<!tpu.dma_semaphore, #tpu.memory_space<semaphore_mem>>) src(%dma_wait3A_214 : memref<64x128xf32, #tpu.memory_space<vmem>>) dst(%dma_wait3A_210 : memref<64x128xf32, #tpu.memory_space<vmem_shared>>)
    %dma_wait3A_215 = arith.constant 0 : i32
    %dma_wait3A_216 = arith.constant 0 : i32
    %dma_wait3A_217 = arith.constant 0 : i32
    %dma_wait3A_218 = tpu.memref_slice %arg10[%dma_wait3A_215, %dma_wait3A_216, %dma_wait3A_217] : memref<4x64x128xf32, #tpu.memory_space<vmem>> -> memref<1x64x128xf32, #tpu.memory_space<vmem>>
    %dma_wait3A_219 = tpu.memref_squeeze %dma_wait3A_218 : memref<1x64x128xf32, #tpu.memory_space<vmem>> -> memref<64x128xf32, #tpu.memory_space<vmem>>
    %dma_wait3A_220 = arith.constant 0 : i32
    %dma_wait3A_221 = tpu.memref_slice %arg11[%add3A_61, %dma_wait3A_220] : memref<10240x128xf32, #tpu.memory_space<vmem_shared>> -> memref<64x128xf32, #tpu.memory_space<vmem_shared>>
    %dma_wait3A_222 = arith.constant 0 : i32
    %dma_wait3A_223 = tpu.memref_slice %arg11[%add3A_61, %dma_wait3A_222] : memref<10240x128xf32, #tpu.memory_space<vmem_shared>> -> memref<64x128xf32, #tpu.memory_space<vmem_shared>>
    %dma_wait3A_224 = arith.constant 0 : i32
    %dma_wait3A_225 = arith.constant 0 : i32
    %dma_wait3A_226 = tpu.memref_slice %arg10[%dma_wait3A_215, %dma_wait3A_224, %dma_wait3A_225] : memref<4x64x128xf32, #tpu.memory_space<vmem>> -> memref<1x64x128xf32, #tpu.memory_space<vmem>>
    %dma_wait3A_227 = tpu.memref_squeeze %dma_wait3A_226 : memref<1x64x128xf32, #tpu.memory_space<vmem>> -> memref<64x128xf32, #tpu.memory_space<vmem>>
    tpu.wait_dma2 semaphore(%arg17 : memref<!tpu.dma_semaphore, #tpu.memory_space<semaphore_mem>>) src(%dma_wait3A_227 : memref<64x128xf32, #tpu.memory_space<vmem>>) dst(%dma_wait3A_223 : memref<64x128xf32, #tpu.memory_space<vmem_shared>>)
    %dma_wait3A_228 = arith.constant 0 : i32
    %dma_wait3A_229 = arith.constant 0 : i32
    %dma_wait3A_230 = arith.constant 0 : i32
    %dma_wait3A_231 = tpu.memref_slice %arg10[%dma_wait3A_228, %dma_wait3A_229, %dma_wait3A_230] : memref<4x64x128xf32, #tpu.memory_space<vmem>> -> memref<1x64x128xf32, #tpu.memory_space<vmem>>
    %dma_wait3A_232 = tpu.memref_squeeze %dma_wait3A_231 : memref<1x64x128xf32, #tpu.memory_space<vmem>> -> memref<64x128xf32, #tpu.memory_space<vmem>>
    %dma_wait3A_233 = arith.constant 0 : i32
    %dma_wait3A_234 = tpu.memref_slice %arg11[%add3A_78, %dma_wait3A_233] : memref<10240x128xf32, #tpu.memory_space<vmem_shared>> -> memref<64x128xf32, #tpu.memory_space<vmem_shared>>
    %dma_wait3A_235 = arith.constant 0 : i32
    %dma_wait3A_236 = tpu.memref_slice %arg11[%add3A_78, %dma_wait3A_235] : memref<10240x128xf32, #tpu.memory_space<vmem_shared>> -> memref<64x128xf32, #tpu.memory_space<vmem_shared>>
    %dma_wait3A_237 = arith.constant 0 : i32
    %dma_wait3A_238 = arith.constant 0 : i32
    %dma_wait3A_239 = tpu.memref_slice %arg10[%dma_wait3A_228, %dma_wait3A_237, %dma_wait3A_238] : memref<4x64x128xf32, #tpu.memory_space<vmem>> -> memref<1x64x128xf32, #tpu.memory_space<vmem>>
    %dma_wait3A_240 = tpu.memref_squeeze %dma_wait3A_239 : memref<1x64x128xf32, #tpu.memory_space<vmem>> -> memref<64x128xf32, #tpu.memory_space<vmem>>
    tpu.wait_dma2 semaphore(%arg14 : memref<!tpu.dma_semaphore, #tpu.memory_space<semaphore_mem>>) src(%dma_wait3A_240 : memref<64x128xf32, #tpu.memory_space<vmem>>) dst(%dma_wait3A_236 : memref<64x128xf32, #tpu.memory_space<vmem_shared>>)
    %dma_wait3A_241 = arith.constant 0 : i32
    %dma_wait3A_242 = arith.constant 0 : i32
    %dma_wait3A_243 = arith.constant 0 : i32
    %dma_wait3A_244 = tpu.memref_slice %arg10[%dma_wait3A_241, %dma_wait3A_242, %dma_wait3A_243] : memref<4x64x128xf32, #tpu.memory_space<vmem>> -> memref<1x64x128xf32, #tpu.memory_space<vmem>>
    %dma_wait3A_245 = tpu.memref_squeeze %dma_wait3A_244 : memref<1x64x128xf32, #tpu.memory_space<vmem>> -> memref<64x128xf32, #tpu.memory_space<vmem>>
    %dma_wait3A_246 = arith.constant 0 : i32
    %dma_wait3A_247 = tpu.memref_slice %arg11[%add3A_95, %dma_wait3A_246] : memref<10240x128xf32, #tpu.memory_space<vmem_shared>> -> memref<64x128xf32, #tpu.memory_space<vmem_shared>>
    %dma_wait3A_248 = arith.constant 0 : i32
    %dma_wait3A_249 = tpu.memref_slice %arg11[%add3A_95, %dma_wait3A_248] : memref<10240x128xf32, #tpu.memory_space<vmem_shared>> -> memref<64x128xf32, #tpu.memory_space<vmem_shared>>
    %dma_wait3A_250 = arith.constant 0 : i32
    %dma_wait3A_251 = arith.constant 0 : i32
    %dma_wait3A_252 = tpu.memref_slice %arg10[%dma_wait3A_241, %dma_wait3A_250, %dma_wait3A_251] : memref<4x64x128xf32, #tpu.memory_space<vmem>> -> memref<1x64x128xf32, #tpu.memory_space<vmem>>
    %dma_wait3A_253 = tpu.memref_squeeze %dma_wait3A_252 : memref<1x64x128xf32, #tpu.memory_space<vmem>> -> memref<64x128xf32, #tpu.memory_space<vmem>>
    tpu.wait_dma2 semaphore(%arg15 : memref<!tpu.dma_semaphore, #tpu.memory_space<semaphore_mem>>) src(%dma_wait3A_253 : memref<64x128xf32, #tpu.memory_space<vmem>>) dst(%dma_wait3A_249 : memref<64x128xf32, #tpu.memory_space<vmem_shared>>)
    %dma_wait3A_254 = arith.constant 0 : i32
    %dma_wait3A_255 = arith.constant 0 : i32
    %dma_wait3A_256 = arith.constant 0 : i32
    %dma_wait3A_257 = tpu.memref_slice %arg10[%dma_wait3A_254, %dma_wait3A_255, %dma_wait3A_256] : memref<4x64x128xf32, #tpu.memory_space<vmem>> -> memref<1x64x128xf32, #tpu.memory_space<vmem>>
    %dma_wait3A_258 = tpu.memref_squeeze %dma_wait3A_257 : memref<1x64x128xf32, #tpu.memory_space<vmem>> -> memref<64x128xf32, #tpu.memory_space<vmem>>
    %dma_wait3A_259 = arith.constant 0 : i32
    %dma_wait3A_260 = tpu.memref_slice %arg11[%add3A_112, %dma_wait3A_259] : memref<10240x128xf32, #tpu.memory_space<vmem_shared>> -> memref<64x128xf32, #tpu.memory_space<vmem_shared>>
    %dma_wait3A_261 = arith.constant 0 : i32
    %dma_wait3A_262 = tpu.memref_slice %arg11[%add3A_112, %dma_wait3A_261] : memref<10240x128xf32, #tpu.memory_space<vmem_shared>> -> memref<64x128xf32, #tpu.memory_space<vmem_shared>>
    %dma_wait3A_263 = arith.constant 0 : i32
    %dma_wait3A_264 = arith.constant 0 : i32
    %dma_wait3A_265 = tpu.memref_slice %arg10[%dma_wait3A_254, %dma_wait3A_263, %dma_wait3A_264] : memref<4x64x128xf32, #tpu.memory_space<vmem>> -> memref<1x64x128xf32, #tpu.memory_space<vmem>>
    %dma_wait3A_266 = tpu.memref_squeeze %dma_wait3A_265 : memref<1x64x128xf32, #tpu.memory_space<vmem>> -> memref<64x128xf32, #tpu.memory_space<vmem>>
    tpu.wait_dma2 semaphore(%arg16 : memref<!tpu.dma_semaphore, #tpu.memory_space<semaphore_mem>>) src(%dma_wait3A_266 : memref<64x128xf32, #tpu.memory_space<vmem>>) dst(%dma_wait3A_262 : memref<64x128xf32, #tpu.memory_space<vmem_shared>>)
    %dma_wait3A_267 = arith.constant 0 : i32
    %dma_wait3A_268 = arith.constant 0 : i32
    %dma_wait3A_269 = arith.constant 0 : i32
    %dma_wait3A_270 = tpu.memref_slice %arg10[%dma_wait3A_267, %dma_wait3A_268, %dma_wait3A_269] : memref<4x64x128xf32, #tpu.memory_space<vmem>> -> memref<1x64x128xf32, #tpu.memory_space<vmem>>
    %dma_wait3A_271 = tpu.memref_squeeze %dma_wait3A_270 : memref<1x64x128xf32, #tpu.memory_space<vmem>> -> memref<64x128xf32, #tpu.memory_space<vmem>>
    %dma_wait3A_272 = arith.constant 0 : i32
    %dma_wait3A_273 = tpu.memref_slice %arg11[%add3A_129, %dma_wait3A_272] : memref<10240x128xf32, #tpu.memory_space<vmem_shared>> -> memref<64x128xf32, #tpu.memory_space<vmem_shared>>
    %dma_wait3A_274 = arith.constant 0 : i32
    %dma_wait3A_275 = tpu.memref_slice %arg11[%add3A_129, %dma_wait3A_274] : memref<10240x128xf32, #tpu.memory_space<vmem_shared>> -> memref<64x128xf32, #tpu.memory_space<vmem_shared>>
    %dma_wait3A_276 = arith.constant 0 : i32
    %dma_wait3A_277 = arith.constant 0 : i32
    %dma_wait3A_278 = tpu.memref_slice %arg10[%dma_wait3A_267, %dma_wait3A_276, %dma_wait3A_277] : memref<4x64x128xf32, #tpu.memory_space<vmem>> -> memref<1x64x128xf32, #tpu.memory_space<vmem>>
    %dma_wait3A_279 = tpu.memref_squeeze %dma_wait3A_278 : memref<1x64x128xf32, #tpu.memory_space<vmem>> -> memref<64x128xf32, #tpu.memory_space<vmem>>
    tpu.wait_dma2 semaphore(%arg17 : memref<!tpu.dma_semaphore, #tpu.memory_space<semaphore_mem>>) src(%dma_wait3A_279 : memref<64x128xf32, #tpu.memory_space<vmem>>) dst(%dma_wait3A_275 : memref<64x128xf32, #tpu.memory_space<vmem_shared>>)
    %dma_wait3A_280 = arith.constant 0 : i32
    %dma_wait3A_281 = arith.constant 0 : i32
    %dma_wait3A_282 = arith.constant 0 : i32
    %dma_wait3A_283 = tpu.memref_slice %arg10[%dma_wait3A_280, %dma_wait3A_281, %dma_wait3A_282] : memref<4x64x128xf32, #tpu.memory_space<vmem>> -> memref<1x64x128xf32, #tpu.memory_space<vmem>>
    %dma_wait3A_284 = tpu.memref_squeeze %dma_wait3A_283 : memref<1x64x128xf32, #tpu.memory_space<vmem>> -> memref<64x128xf32, #tpu.memory_space<vmem>>
    %dma_wait3A_285 = arith.constant 0 : i32
    %dma_wait3A_286 = tpu.memref_slice %arg11[%add3A_146, %dma_wait3A_285] : memref<10240x128xf32, #tpu.memory_space<vmem_shared>> -> memref<64x128xf32, #tpu.memory_space<vmem_shared>>
    %dma_wait3A_287 = arith.constant 0 : i32
    %dma_wait3A_288 = tpu.memref_slice %arg11[%add3A_146, %dma_wait3A_287] : memref<10240x128xf32, #tpu.memory_space<vmem_shared>> -> memref<64x128xf32, #tpu.memory_space<vmem_shared>>
    %dma_wait3A_289 = arith.constant 0 : i32
    %dma_wait3A_290 = arith.constant 0 : i32
    %dma_wait3A_291 = tpu.memref_slice %arg10[%dma_wait3A_280, %dma_wait3A_289, %dma_wait3A_290] : memref<4x64x128xf32, #tpu.memory_space<vmem>> -> memref<1x64x128xf32, #tpu.memory_space<vmem>>
    %dma_wait3A_292 = tpu.memref_squeeze %dma_wait3A_291 : memref<1x64x128xf32, #tpu.memory_space<vmem>> -> memref<64x128xf32, #tpu.memory_space<vmem>>
    tpu.wait_dma2 semaphore(%arg14 : memref<!tpu.dma_semaphore, #tpu.memory_space<semaphore_mem>>) src(%dma_wait3A_292 : memref<64x128xf32, #tpu.memory_space<vmem>>) dst(%dma_wait3A_288 : memref<64x128xf32, #tpu.memory_space<vmem_shared>>)
    %dma_wait3A_293 = arith.constant 0 : i32
    %dma_wait3A_294 = arith.constant 0 : i32
    %dma_wait3A_295 = arith.constant 0 : i32
    %dma_wait3A_296 = tpu.memref_slice %arg10[%dma_wait3A_293, %dma_wait3A_294, %dma_wait3A_295] : memref<4x64x128xf32, #tpu.memory_space<vmem>> -> memref<1x64x128xf32, #tpu.memory_space<vmem>>
    %dma_wait3A_297 = tpu.memref_squeeze %dma_wait3A_296 : memref<1x64x128xf32, #tpu.memory_space<vmem>> -> memref<64x128xf32, #tpu.memory_space<vmem>>
    %dma_wait3A_298 = arith.constant 0 : i32
    %dma_wait3A_299 = tpu.memref_slice %arg11[%add3A_163, %dma_wait3A_298] : memref<10240x128xf32, #tpu.memory_space<vmem_shared>> -> memref<64x128xf32, #tpu.memory_space<vmem_shared>>
    %dma_wait3A_300 = arith.constant 0 : i32
    %dma_wait3A_301 = tpu.memref_slice %arg11[%add3A_163, %dma_wait3A_300] : memref<10240x128xf32, #tpu.memory_space<vmem_shared>> -> memref<64x128xf32, #tpu.memory_space<vmem_shared>>
    %dma_wait3A_302 = arith.constant 0 : i32
    %dma_wait3A_303 = arith.constant 0 : i32
    %dma_wait3A_304 = tpu.memref_slice %arg10[%dma_wait3A_293, %dma_wait3A_302, %dma_wait3A_303] : memref<4x64x128xf32, #tpu.memory_space<vmem>> -> memref<1x64x128xf32, #tpu.memory_space<vmem>>
    %dma_wait3A_305 = tpu.memref_squeeze %dma_wait3A_304 : memref<1x64x128xf32, #tpu.memory_space<vmem>> -> memref<64x128xf32, #tpu.memory_space<vmem>>
    tpu.wait_dma2 semaphore(%arg15 : memref<!tpu.dma_semaphore, #tpu.memory_space<semaphore_mem>>) src(%dma_wait3A_305 : memref<64x128xf32, #tpu.memory_space<vmem>>) dst(%dma_wait3A_301 : memref<64x128xf32, #tpu.memory_space<vmem_shared>>)
    %iota3A = tpu.iota {dimensions = array<i32: 0>} : vector<16xi32>
    %add3A_306 = arith.constant 10000 : i32
    %add3A_307 = vector.broadcast %add3A_306 : i32 to vector<16xi32>
    %add3A_308 = arith.addi %iota3A, %add3A_307 : vector<16xi32>
    %swap3A = arith.constant 0 : i32
    %swap3A_309 = arith.index_cast %swap3A : i32 to index
    %swap3A_310 = arith.constant 0 : index
    %swap3A_311 = tpu.vector_load %arg9[%swap3A_309, %swap3A_310] {strides = array<i32>} : memref<4x64xi32, #tpu.memory_space<vmem>>, vector<1x16xi32>,
    %swap3A_312 = vector.shape_cast %swap3A_311 : vector<1x16xi32> to vector<16xi32>
    %swap3A_313 = vector.shape_cast %add3A_308 : vector<16xi32> to vector<1x16xi32>
    tpu.vector_store %arg9[%swap3A_309, %swap3A_310], %swap3A_313 {strides = array<i32>} : memref<4x64xi32, #tpu.memory_space<vmem>>, vector<1x16xi32>,
    %add3A_314 = arith.constant 10016 : i32
    %add3A_315 = vector.broadcast %add3A_314 : i32 to vector<16xi32>
    %add3A_316 = arith.addi %iota3A, %add3A_315 : vector<16xi32>
    %swap3A_317 = arith.constant 0 : i32
    %swap3A_318 = arith.index_cast %swap3A_317 : i32 to index
    %swap3A_319 = arith.constant 16 : index
    %swap3A_320 = tpu.vector_load %arg9[%swap3A_318, %swap3A_319] {strides = array<i32>} : memref<4x64xi32, #tpu.memory_space<vmem>>, vector<1x16xi32>,
    %swap3A_321 = vector.shape_cast %swap3A_320 : vector<1x16xi32> to vector<16xi32>
    %swap3A_322 = vector.shape_cast %add3A_316 : vector<16xi32> to vector<1x16xi32>
    tpu.vector_store %arg9[%swap3A_318, %swap3A_319], %swap3A_322 {strides = array<i32>} : memref<4x64xi32, #tpu.memory_space<vmem>>, vector<1x16xi32>,
    %add3A_323 = arith.constant 10032 : i32
    %add3A_324 = vector.broadcast %add3A_323 : i32 to vector<16xi32>
    %add3A_325 = arith.addi %iota3A, %add3A_324 : vector<16xi32>
    %swap3A_326 = arith.constant 0 : i32
    %swap3A_327 = arith.index_cast %swap3A_326 : i32 to index
    %swap3A_328 = arith.constant 32 : index
    %swap3A_329 = tpu.vector_load %arg9[%swap3A_327, %swap3A_328] {strides = array<i32>} : memref<4x64xi32, #tpu.memory_space<vmem>>, vector<1x16xi32>,
    %swap3A_330 = vector.shape_cast %swap3A_329 : vector<1x16xi32> to vector<16xi32>
    %swap3A_331 = vector.shape_cast %add3A_325 : vector<16xi32> to vector<1x16xi32>
    tpu.vector_store %arg9[%swap3A_327, %swap3A_328], %swap3A_331 {strides = array<i32>} : memref<4x64xi32, #tpu.memory_space<vmem>>, vector<1x16xi32>,
    %add3A_332 = arith.constant 10048 : i32
    %add3A_333 = vector.broadcast %add3A_332 : i32 to vector<16xi32>
    %add3A_334 = arith.addi %iota3A, %add3A_333 : vector<16xi32>
    %swap3A_335 = arith.constant 0 : i32
    %swap3A_336 = arith.index_cast %swap3A_335 : i32 to index
    %swap3A_337 = arith.constant 48 : index
    %swap3A_338 = tpu.vector_load %arg9[%swap3A_336, %swap3A_337] {strides = array<i32>} : memref<4x64xi32, #tpu.memory_space<vmem>>, vector<1x16xi32>,
    %swap3A_339 = vector.shape_cast %swap3A_338 : vector<1x16xi32> to vector<16xi32>
    %swap3A_340 = vector.shape_cast %add3A_334 : vector<16xi32> to vector<1x16xi32>
    tpu.vector_store %arg9[%swap3A_336, %swap3A_337], %swap3A_340 {strides = array<i32>} : memref<4x64xi32, #tpu.memory_space<vmem>>, vector<1x16xi32>,
    %barrier3A = arith.constant 0 : index
    tpu.barrier barrier_id(%barrier3A)
    %dma_start3A_341 = arith.constant 0 : i32
    %dma_start3A_342 = arith.constant 0 : i32
    %dma_start3A_343 = arith.constant 0 : i32
    %dma_start3A_344 = arith.constant 0 : i32
    %dma_start3A_345 = tpu.memref_slice %arg10[%dma_start3A_341, %dma_start3A_343, %dma_start3A_344] : memref<4x64x128xf32, #tpu.memory_space<vmem>> -> memref<1x64x128xf32, #tpu.memory_space<vmem>>
    %dma_start3A_346 = tpu.memref_squeeze %dma_start3A_345 : memref<1x64x128xf32, #tpu.memory_space<vmem>> -> memref<64x128xf32, #tpu.memory_space<vmem>>
    %dma_start3A_347 = arith.constant 0 : i32
    %dma_start3A_348 = tpu.memref_slice %arg9[%dma_start3A_342, %dma_start3A_347] : memref<4x64xi32, #tpu.memory_space<vmem>> -> memref<1x64xi32, #tpu.memory_space<vmem>>
    %dma_start3A_349 = tpu.memref_squeeze %dma_start3A_348 : memref<1x64xi32, #tpu.memory_space<vmem>> -> memref<64xi32, #tpu.memory_space<vmem>>
    %dma_start3A_350 = arith.constant 0 : i32
    %dma_start3A_351 = arith.constant 0 : i32
    %dma_start3A_352 = tpu.memref_slice %arg11[%dma_start3A_350, %dma_start3A_351] : memref<10240x128xf32, #tpu.memory_space<vmem_shared>> -> memref<10240x128xf32, #tpu.memory_space<vmem_shared>>
    tpu.enqueue_indirect_dma source(%dma_start3A_346 : memref<64x128xf32, #tpu.memory_space<vmem>>) target(%dma_start3A_352 : memref<10240x128xf32, #tpu.memory_space<vmem_shared>>) offsets(%dma_start3A_349 : memref<64xi32, #tpu.memory_space<vmem>>) semaphore(%arg18 : memref<!tpu.dma_semaphore, #tpu.memory_space<semaphore_mem>>) {add = true}
    %dma_start3A_353 = arith.constant 1 : i32
    %dma_start3A_354 = arith.constant 0 : i32
    %dma_start3A_355 = arith.constant 0 : i32
    %dma_start3A_356 = arith.constant 0 : i32
    %dma_start3A_357 = tpu.memref_slice %arg10[%dma_start3A_353, %dma_start3A_355, %dma_start3A_356] : memref<4x64x128xf32, #tpu.memory_space<vmem>> -> memref<1x64x128xf32, #tpu.memory_space<vmem>>
    %dma_start3A_358 = tpu.memref_squeeze %dma_start3A_357 : memref<1x64x128xf32, #tpu.memory_space<vmem>> -> memref<64x128xf32, #tpu.memory_space<vmem>>
    %dma_start3A_359 = arith.constant 0 : i32
    %dma_start3A_360 = tpu.memref_slice %arg9[%dma_start3A_354, %dma_start3A_359] : memref<4x64xi32, #tpu.memory_space<vmem>> -> memref<1x64xi32, #tpu.memory_space<vmem>>
    %dma_start3A_361 = tpu.memref_squeeze %dma_start3A_360 : memref<1x64xi32, #tpu.memory_space<vmem>> -> memref<64xi32, #tpu.memory_space<vmem>>
    %dma_start3A_362 = arith.constant 0 : i32
    %dma_start3A_363 = arith.constant 0 : i32
    %dma_start3A_364 = tpu.memref_slice %arg11[%dma_start3A_362, %dma_start3A_363] : memref<10240x128xf32, #tpu.memory_space<vmem_shared>> -> memref<10240x128xf32, #tpu.memory_space<vmem_shared>>
    tpu.enqueue_indirect_dma source(%dma_start3A_358 : memref<64x128xf32, #tpu.memory_space<vmem>>) target(%dma_start3A_364 : memref<10240x128xf32, #tpu.memory_space<vmem_shared>>) offsets(%dma_start3A_361 : memref<64xi32, #tpu.memory_space<vmem>>) semaphore(%arg19 : memref<!tpu.dma_semaphore, #tpu.memory_space<semaphore_mem>>) {add = true}
    %dma_start3A_365 = arith.constant 2 : i32
    %dma_start3A_366 = arith.constant 0 : i32
    %dma_start3A_367 = arith.constant 0 : i32
    %dma_start3A_368 = arith.constant 0 : i32
    %dma_start3A_369 = tpu.memref_slice %arg10[%dma_start3A_365, %dma_start3A_367, %dma_start3A_368] : memref<4x64x128xf32, #tpu.memory_space<vmem>> -> memref<1x64x128xf32, #tpu.memory_space<vmem>>
    %dma_start3A_370 = tpu.memref_squeeze %dma_start3A_369 : memref<1x64x128xf32, #tpu.memory_space<vmem>> -> memref<64x128xf32, #tpu.memory_space<vmem>>
    %dma_start3A_371 = arith.constant 0 : i32
    %dma_start3A_372 = tpu.memref_slice %arg9[%dma_start3A_366, %dma_start3A_371] : memref<4x64xi32, #tpu.memory_space<vmem>> -> memref<1x64xi32, #tpu.memory_space<vmem>>
    %dma_start3A_373 = tpu.memref_squeeze %dma_start3A_372 : memref<1x64xi32, #tpu.memory_space<vmem>> -> memref<64xi32, #tpu.memory_space<vmem>>
    %dma_start3A_374 = arith.constant 0 : i32
    %dma_start3A_375 = arith.constant 0 : i32
    %dma_start3A_376 = tpu.memref_slice %arg11[%dma_start3A_374, %dma_start3A_375] : memref<10240x128xf32, #tpu.memory_space<vmem_shared>> -> memref<10240x128xf32, #tpu.memory_space<vmem_shared>>
    tpu.enqueue_indirect_dma source(%dma_start3A_370 : memref<64x128xf32, #tpu.memory_space<vmem>>) target(%dma_start3A_376 : memref<10240x128xf32, #tpu.memory_space<vmem_shared>>) offsets(%dma_start3A_373 : memref<64xi32, #tpu.memory_space<vmem>>) semaphore(%arg20 : memref<!tpu.dma_semaphore, #tpu.memory_space<semaphore_mem>>) {add = true}
    %dma_start3A_377 = arith.constant 3 : i32
    %dma_start3A_378 = arith.constant 0 : i32
    %dma_start3A_379 = arith.constant 0 : i32
    %dma_start3A_380 = arith.constant 0 : i32
    %dma_start3A_381 = tpu.memref_slice %arg10[%dma_start3A_377, %dma_start3A_379, %dma_start3A_380] : memref<4x64x128xf32, #tpu.memory_space<vmem>> -> memref<1x64x128xf32, #tpu.memory_space<vmem>>
    %dma_start3A_382 = tpu.memref_squeeze %dma_start3A_381 : memref<1x64x128xf32, #tpu.memory_space<vmem>> -> memref<64x128xf32, #tpu.memory_space<vmem>>
    %dma_start3A_383 = arith.constant 0 : i32
    %dma_start3A_384 = tpu.memref_slice %arg9[%dma_start3A_378, %dma_start3A_383] : memref<4x64xi32, #tpu.memory_space<vmem>> -> memref<1x64xi32, #tpu.memory_space<vmem>>
    %dma_start3A_385 = tpu.memref_squeeze %dma_start3A_384 : memref<1x64xi32, #tpu.memory_space<vmem>> -> memref<64xi32, #tpu.memory_space<vmem>>
    %dma_start3A_386 = arith.constant 0 : i32
    %dma_start3A_387 = arith.constant 0 : i32
    %dma_start3A_388 = tpu.memref_slice %arg11[%dma_start3A_386, %dma_start3A_387] : memref<10240x128xf32, #tpu.memory_space<vmem_shared>> -> memref<10240x128xf32, #tpu.memory_space<vmem_shared>>
    tpu.enqueue_indirect_dma source(%dma_start3A_382 : memref<64x128xf32, #tpu.memory_space<vmem>>) target(%dma_start3A_388 : memref<10240x128xf32, #tpu.memory_space<vmem_shared>>) offsets(%dma_start3A_385 : memref<64xi32, #tpu.memory_space<vmem>>) semaphore(%arg21 : memref<!tpu.dma_semaphore, #tpu.memory_space<semaphore_mem>>) {add = true}
    %mul3A_389 = arith.constant 160 : i32
    %mul3A_390 = arith.muli %add3A, %mul3A_389 : i32
    %dma_start3A_391 = arith.constant 0 : i32
    %dma_start3A_392 = tpu.memref_slice %arg3[%mul3A_390, %dma_start3A_391] : memref<5120x64xi32, #tpu.memory_space<hbm>> -> memref<4x64xi32, #tpu.memory_space<hbm>>
    %dma_start3A_393 = arith.constant 0 : i32
    %dma_start3A_394 = tpu.memref_slice %arg3[%mul3A_390, %dma_start3A_393] : memref<5120x64xi32, #tpu.memory_space<hbm>> -> memref<4x64xi32, #tpu.memory_space<hbm>>
    tpu.enqueue_dma source(%dma_start3A_394 : memref<4x64xi32, #tpu.memory_space<hbm>>) target(%arg6 : memref<4x64xi32, #tpu.memory_space<vmem>>) target_semaphore(%arg12 : memref<!tpu.dma_semaphore, #tpu.memory_space<semaphore_mem>>)
    %dma_start3A_395 = arith.constant 0 : i32
    %dma_start3A_396 = tpu.memref_slice %arg4[%mul3A_390, %dma_start3A_395] : memref<5120x64xi32, #tpu.memory_space<hbm>> -> memref<4x64xi32, #tpu.memory_space<hbm>>
    %dma_start3A_397 = arith.constant 0 : i32
    %dma_start3A_398 = tpu.memref_slice %arg4[%mul3A_390, %dma_start3A_397] : memref<5120x64xi32, #tpu.memory_space<hbm>> -> memref<4x64xi32, #tpu.memory_space<hbm>>
    tpu.enqueue_dma source(%dma_start3A_398 : memref<4x64xi32, #tpu.memory_space<hbm>>) target(%arg8 : memref<4x64xi32, #tpu.memory_space<vmem>>) target_semaphore(%arg12 : memref<!tpu.dma_semaphore, #tpu.memory_space<semaphore_mem>>)
    %dma_wait3A_399 = arith.constant 0 : i32
    %dma_wait3A_400 = tpu.memref_slice %arg3[%mul3A_390, %dma_wait3A_399] : memref<5120x64xi32, #tpu.memory_space<hbm>> -> memref<4x64xi32, #tpu.memory_space<hbm>>
    %dma_wait3A_401 = arith.constant 0 : i32
    %dma_wait3A_402 = tpu.memref_slice %arg3[%mul3A_390, %dma_wait3A_401] : memref<5120x64xi32, #tpu.memory_space<hbm>> -> memref<4x64xi32, #tpu.memory_space<hbm>>
    tpu.wait_dma2 semaphore(%arg12 : memref<!tpu.dma_semaphore, #tpu.memory_space<semaphore_mem>>) src(%dma_wait3A_402 : memref<4x64xi32, #tpu.memory_space<hbm>>) dst(%arg6 : memref<4x64xi32, #tpu.memory_space<vmem>>)
    %dma_wait3A_403 = arith.constant 0 : i32
    %dma_wait3A_404 = tpu.memref_slice %arg4[%mul3A_390, %dma_wait3A_403] : memref<5120x64xi32, #tpu.memory_space<hbm>> -> memref<4x64xi32, #tpu.memory_space<hbm>>
    %dma_wait3A_405 = arith.constant 0 : i32
    %dma_wait3A_406 = tpu.memref_slice %arg4[%mul3A_390, %dma_wait3A_405] : memref<5120x64xi32, #tpu.memory_space<hbm>> -> memref<4x64xi32, #tpu.memory_space<hbm>>
    tpu.wait_dma2 semaphore(%arg12 : memref<!tpu.dma_semaphore, #tpu.memory_space<semaphore_mem>>) src(%dma_wait3A_406 : memref<4x64xi32, #tpu.memory_space<hbm>>) dst(%arg8 : memref<4x64xi32, #tpu.memory_space<vmem>>)
    %scan3A_407 = arith.constant 0 : i32
    %scan3A_408 = arith.constant 0 : i32
    %scan3A_409 = arith.constant 20 : i32
    %scan3A_410 = arith.addi %scan3A_408, %scan3A_409 : i32
    %scan3A_411 = arith.constant 1 : i32
    %scan3A_412 = scf.for %scan3A_467 = %scan3A_408 to %scan3A_410 step %scan3A_411 iter_args(%scan3A_468 = %scan3A_407) -> (i32)  : i32 {
      %dma_wait3A_469 = arith.constant 0 : i32
      %dma_wait3A_470 = arith.constant 0 : i32
      %dma_wait3A_471 = arith.constant 0 : i32
      %dma_wait3A_472 = arith.constant 0 : i32
      %dma_wait3A_473 = tpu.memref_slice %arg10[%dma_wait3A_469, %dma_wait3A_471, %dma_wait3A_472] : memref<4x64x128xf32, #tpu.memory_space<vmem>> -> memref<1x64x128xf32, #tpu.memory_space<vmem>>
      %dma_wait3A_474 = tpu.memref_squeeze %dma_wait3A_473 : memref<1x64x128xf32, #tpu.memory_space<vmem>> -> memref<64x128xf32, #tpu.memory_space<vmem>>
      %dma_wait3A_475 = arith.constant 0 : i32
      %dma_wait3A_476 = tpu.memref_slice %arg9[%dma_wait3A_470, %dma_wait3A_475] : memref<4x64xi32, #tpu.memory_space<vmem>> -> memref<1x64xi32, #tpu.memory_space<vmem>>
      %dma_wait3A_477 = tpu.memref_squeeze %dma_wait3A_476 : memref<1x64xi32, #tpu.memory_space<vmem>> -> memref<64xi32, #tpu.memory_space<vmem>>
      %dma_wait3A_478 = arith.constant 0 : i32
      %dma_wait3A_479 = arith.constant 0 : i32
      %dma_wait3A_480 = tpu.memref_slice %arg11[%dma_wait3A_478, %dma_wait3A_479] : memref<10240x128xf32, #tpu.memory_space<vmem_shared>> -> memref<10240x128xf32, #tpu.memory_space<vmem_shared>>
      tpu.wait_indirect_dma semaphore(%arg18 : memref<!tpu.dma_semaphore, #tpu.memory_space<semaphore_mem>>) src(%dma_wait3A_474 : memref<64x128xf32, #tpu.memory_space<vmem>>) dst(%dma_wait3A_480 : memref<10240x128xf32, #tpu.memory_space<vmem_shared>>)
      %dma_start3A_481 = arith.constant 0 : i32
      %dma_start3A_482 = arith.constant 0 : i32
      %dma_start3A_483 = arith.constant 0 : i32
      %dma_start3A_484 = arith.constant 0 : i32
      %dma_start3A_485 = tpu.memref_slice %arg10[%dma_start3A_482, %dma_start3A_483, %dma_start3A_484] : memref<4x64x128xf32, #tpu.memory_space<vmem>> -> memref<1x64x128xf32, #tpu.memory_space<vmem>>
      %dma_start3A_486 = tpu.memref_squeeze %dma_start3A_485 : memref<1x64x128xf32, #tpu.memory_space<vmem>> -> memref<64x128xf32, #tpu.memory_space<vmem>>
      %dma_start3A_487 = arith.constant 0 : i32
      %dma_start3A_488 = tpu.memref_slice %arg6[%dma_start3A_481, %dma_start3A_487] : memref<4x64xi32, #tpu.memory_space<vmem>> -> memref<1x64xi32, #tpu.memory_space<vmem>>
      %dma_start3A_489 = tpu.memref_squeeze %dma_start3A_488 : memref<1x64xi32, #tpu.memory_space<vmem>> -> memref<64xi32, #tpu.memory_space<vmem>>
      %dma_start3A_490 = arith.constant 0 : i32
      %dma_start3A_491 = arith.constant 0 : i32
      %dma_start3A_492 = tpu.memref_slice %arg2[%dma_start3A_490, %dma_start3A_491] : memref<10240x128xf32, #tpu.memory_space<hbm>> -> memref<10240x128xf32, #tpu.memory_space<hbm>>
      tpu.enqueue_indirect_dma source(%dma_start3A_492 : memref<10240x128xf32, #tpu.memory_space<hbm>>) target(%dma_start3A_486 : memref<64x128xf32, #tpu.memory_space<vmem>>) offsets(%dma_start3A_489 : memref<64xi32, #tpu.memory_space<vmem>>) semaphore(%arg14 : memref<!tpu.dma_semaphore, #tpu.memory_space<semaphore_mem>>)
      %dma_wait3A_493 = arith.constant 1 : i32
      %dma_wait3A_494 = arith.constant 0 : i32
      %dma_wait3A_495 = arith.constant 0 : i32
      %dma_wait3A_496 = arith.constant 0 : i32
      %dma_wait3A_497 = tpu.memref_slice %arg10[%dma_wait3A_493, %dma_wait3A_495, %dma_wait3A_496] : memref<4x64x128xf32, #tpu.memory_space<vmem>> -> memref<1x64x128xf32, #tpu.memory_space<vmem>>
      %dma_wait3A_498 = tpu.memref_squeeze %dma_wait3A_497 : memref<1x64x128xf32, #tpu.memory_space<vmem>> -> memref<64x128xf32, #tpu.memory_space<vmem>>
      %dma_wait3A_499 = arith.constant 0 : i32
      %dma_wait3A_500 = tpu.memref_slice %arg9[%dma_wait3A_494, %dma_wait3A_499] : memref<4x64xi32, #tpu.memory_space<vmem>> -> memref<1x64xi32, #tpu.memory_space<vmem>>
      %dma_wait3A_501 = tpu.memref_squeeze %dma_wait3A_500 : memref<1x64xi32, #tpu.memory_space<vmem>> -> memref<64xi32, #tpu.memory_space<vmem>>
      %dma_wait3A_502 = arith.constant 0 : i32
      %dma_wait3A_503 = arith.constant 0 : i32
      %dma_wait3A_504 = tpu.memref_slice %arg11[%dma_wait3A_502, %dma_wait3A_503] : memref<10240x128xf32, #tpu.memory_space<vmem_shared>> -> memref<10240x128xf32, #tpu.memory_space<vmem_shared>>
      tpu.wait_indirect_dma semaphore(%arg19 : memref<!tpu.dma_semaphore, #tpu.memory_space<semaphore_mem>>) src(%dma_wait3A_498 : memref<64x128xf32, #tpu.memory_space<vmem>>) dst(%dma_wait3A_504 : memref<10240x128xf32, #tpu.memory_space<vmem_shared>>)
      %dma_start3A_505 = arith.constant 1 : i32
      %dma_start3A_506 = arith.constant 1 : i32
      %dma_start3A_507 = arith.constant 0 : i32
      %dma_start3A_508 = arith.constant 0 : i32
      %dma_start3A_509 = tpu.memref_slice %arg10[%dma_start3A_506, %dma_start3A_507, %dma_start3A_508] : memref<4x64x128xf32, #tpu.memory_space<vmem>> -> memref<1x64x128xf32, #tpu.memory_space<vmem>>
      %dma_start3A_510 = tpu.memref_squeeze %dma_start3A_509 : memref<1x64x128xf32, #tpu.memory_space<vmem>> -> memref<64x128xf32, #tpu.memory_space<vmem>>
      %dma_start3A_511 = arith.constant 0 : i32
      %dma_start3A_512 = tpu.memref_slice %arg6[%dma_start3A_505, %dma_start3A_511] : memref<4x64xi32, #tpu.memory_space<vmem>> -> memref<1x64xi32, #tpu.memory_space<vmem>>
      %dma_start3A_513 = tpu.memref_squeeze %dma_start3A_512 : memref<1x64xi32, #tpu.memory_space<vmem>> -> memref<64xi32, #tpu.memory_space<vmem>>
      %dma_start3A_514 = arith.constant 0 : i32
      %dma_start3A_515 = arith.constant 0 : i32
      %dma_start3A_516 = tpu.memref_slice %arg2[%dma_start3A_514, %dma_start3A_515] : memref<10240x128xf32, #tpu.memory_space<hbm>> -> memref<10240x128xf32, #tpu.memory_space<hbm>>
      tpu.enqueue_indirect_dma source(%dma_start3A_516 : memref<10240x128xf32, #tpu.memory_space<hbm>>) target(%dma_start3A_510 : memref<64x128xf32, #tpu.memory_space<vmem>>) offsets(%dma_start3A_513 : memref<64xi32, #tpu.memory_space<vmem>>) semaphore(%arg15 : memref<!tpu.dma_semaphore, #tpu.memory_space<semaphore_mem>>)
      %dma_wait3A_517 = arith.constant 2 : i32
      %dma_wait3A_518 = arith.constant 0 : i32
      %dma_wait3A_519 = arith.constant 0 : i32
      %dma_wait3A_520 = arith.constant 0 : i32
      %dma_wait3A_521 = tpu.memref_slice %arg10[%dma_wait3A_517, %dma_wait3A_519, %dma_wait3A_520] : memref<4x64x128xf32, #tpu.memory_space<vmem>> -> memref<1x64x128xf32, #tpu.memory_space<vmem>>
      %dma_wait3A_522 = tpu.memref_squeeze %dma_wait3A_521 : memref<1x64x128xf32, #tpu.memory_space<vmem>> -> memref<64x128xf32, #tpu.memory_space<vmem>>
      %dma_wait3A_523 = arith.constant 0 : i32
      %dma_wait3A_524 = tpu.memref_slice %arg9[%dma_wait3A_518, %dma_wait3A_523] : memref<4x64xi32, #tpu.memory_space<vmem>> -> memref<1x64xi32, #tpu.memory_space<vmem>>
      %dma_wait3A_525 = tpu.memref_squeeze %dma_wait3A_524 : memref<1x64xi32, #tpu.memory_space<vmem>> -> memref<64xi32, #tpu.memory_space<vmem>>
      %dma_wait3A_526 = arith.constant 0 : i32
      %dma_wait3A_527 = arith.constant 0 : i32
      %dma_wait3A_528 = tpu.memref_slice %arg11[%dma_wait3A_526, %dma_wait3A_527] : memref<10240x128xf32, #tpu.memory_space<vmem_shared>> -> memref<10240x128xf32, #tpu.memory_space<vmem_shared>>
      tpu.wait_indirect_dma semaphore(%arg20 : memref<!tpu.dma_semaphore, #tpu.memory_space<semaphore_mem>>) src(%dma_wait3A_522 : memref<64x128xf32, #tpu.memory_space<vmem>>) dst(%dma_wait3A_528 : memref<10240x128xf32, #tpu.memory_space<vmem_shared>>)
      %dma_start3A_529 = arith.constant 2 : i32
      %dma_start3A_530 = arith.constant 2 : i32
      %dma_start3A_531 = arith.constant 0 : i32
      %dma_start3A_532 = arith.constant 0 : i32
      %dma_start3A_533 = tpu.memref_slice %arg10[%dma_start3A_530, %dma_start3A_531, %dma_start3A_532] : memref<4x64x128xf32, #tpu.memory_space<vmem>> -> memref<1x64x128xf32, #tpu.memory_space<vmem>>
      %dma_start3A_534 = tpu.memref_squeeze %dma_start3A_533 : memref<1x64x128xf32, #tpu.memory_space<vmem>> -> memref<64x128xf32, #tpu.memory_space<vmem>>
      %dma_start3A_535 = arith.constant 0 : i32
      %dma_start3A_536 = tpu.memref_slice %arg6[%dma_start3A_529, %dma_start3A_535] : memref<4x64xi32, #tpu.memory_space<vmem>> -> memref<1x64xi32, #tpu.memory_space<vmem>>
      %dma_start3A_537 = tpu.memref_squeeze %dma_start3A_536 : memref<1x64xi32, #tpu.memory_space<vmem>> -> memref<64xi32, #tpu.memory_space<vmem>>
      %dma_start3A_538 = arith.constant 0 : i32
      %dma_start3A_539 = arith.constant 0 : i32
      %dma_start3A_540 = tpu.memref_slice %arg2[%dma_start3A_538, %dma_start3A_539] : memref<10240x128xf32, #tpu.memory_space<hbm>> -> memref<10240x128xf32, #tpu.memory_space<hbm>>
      tpu.enqueue_indirect_dma source(%dma_start3A_540 : memref<10240x128xf32, #tpu.memory_space<hbm>>) target(%dma_start3A_534 : memref<64x128xf32, #tpu.memory_space<vmem>>) offsets(%dma_start3A_537 : memref<64xi32, #tpu.memory_space<vmem>>) semaphore(%arg16 : memref<!tpu.dma_semaphore, #tpu.memory_space<semaphore_mem>>)
      %dma_wait3A_541 = arith.constant 3 : i32
      %dma_wait3A_542 = arith.constant 0 : i32
      %dma_wait3A_543 = arith.constant 0 : i32
      %dma_wait3A_544 = arith.constant 0 : i32
      %dma_wait3A_545 = tpu.memref_slice %arg10[%dma_wait3A_541, %dma_wait3A_543, %dma_wait3A_544] : memref<4x64x128xf32, #tpu.memory_space<vmem>> -> memref<1x64x128xf32, #tpu.memory_space<vmem>>
      %dma_wait3A_546 = tpu.memref_squeeze %dma_wait3A_545 : memref<1x64x128xf32, #tpu.memory_space<vmem>> -> memref<64x128xf32, #tpu.memory_space<vmem>>
      %dma_wait3A_547 = arith.constant 0 : i32
      %dma_wait3A_548 = tpu.memref_slice %arg9[%dma_wait3A_542, %dma_wait3A_547] : memref<4x64xi32, #tpu.memory_space<vmem>> -> memref<1x64xi32, #tpu.memory_space<vmem>>
      %dma_wait3A_549 = tpu.memref_squeeze %dma_wait3A_548 : memref<1x64xi32, #tpu.memory_space<vmem>> -> memref<64xi32, #tpu.memory_space<vmem>>
      %dma_wait3A_550 = arith.constant 0 : i32
      %dma_wait3A_551 = arith.constant 0 : i32
      %dma_wait3A_552 = tpu.memref_slice %arg11[%dma_wait3A_550, %dma_wait3A_551] : memref<10240x128xf32, #tpu.memory_space<vmem_shared>> -> memref<10240x128xf32, #tpu.memory_space<vmem_shared>>
      tpu.wait_indirect_dma semaphore(%arg21 : memref<!tpu.dma_semaphore, #tpu.memory_space<semaphore_mem>>) src(%dma_wait3A_546 : memref<64x128xf32, #tpu.memory_space<vmem>>) dst(%dma_wait3A_552 : memref<10240x128xf32, #tpu.memory_space<vmem_shared>>)
      %dma_start3A_553 = arith.constant 3 : i32
      %dma_start3A_554 = arith.constant 3 : i32
      %dma_start3A_555 = arith.constant 0 : i32
      %dma_start3A_556 = arith.constant 0 : i32
      %dma_start3A_557 = tpu.memref_slice %arg10[%dma_start3A_554, %dma_start3A_555, %dma_start3A_556] : memref<4x64x128xf32, #tpu.memory_space<vmem>> -> memref<1x64x128xf32, #tpu.memory_space<vmem>>
      %dma_start3A_558 = tpu.memref_squeeze %dma_start3A_557 : memref<1x64x128xf32, #tpu.memory_space<vmem>> -> memref<64x128xf32, #tpu.memory_space<vmem>>
      %dma_start3A_559 = arith.constant 0 : i32
      %dma_start3A_560 = tpu.memref_slice %arg6[%dma_start3A_553, %dma_start3A_559] : memref<4x64xi32, #tpu.memory_space<vmem>> -> memref<1x64xi32, #tpu.memory_space<vmem>>
      %dma_start3A_561 = tpu.memref_squeeze %dma_start3A_560 : memref<1x64xi32, #tpu.memory_space<vmem>> -> memref<64xi32, #tpu.memory_space<vmem>>
      %dma_start3A_562 = arith.constant 0 : i32
      %dma_start3A_563 = arith.constant 0 : i32
      %dma_start3A_564 = tpu.memref_slice %arg2[%dma_start3A_562, %dma_start3A_563] : memref<10240x128xf32, #tpu.memory_space<hbm>> -> memref<10240x128xf32, #tpu.memory_space<hbm>>
      tpu.enqueue_indirect_dma source(%dma_start3A_564 : memref<10240x128xf32, #tpu.memory_space<hbm>>) target(%dma_start3A_558 : memref<64x128xf32, #tpu.memory_space<vmem>>) offsets(%dma_start3A_561 : memref<64xi32, #tpu.memory_space<vmem>>) semaphore(%arg17 : memref<!tpu.dma_semaphore, #tpu.memory_space<semaphore_mem>>)
      %mul3A_565 = arith.constant 2 : i32
      %mul3A_566 = arith.muli %mul3A_565, %scan3A_467 : i32
      %add3A_567 = arith.constant 1 : i32
      %add3A_568 = arith.addi %mul3A_566, %add3A_567 : i32
      %mul3A_569 = arith.constant 4 : i32
      %mul3A_570 = arith.muli %add3A_568, %mul3A_569 : i32
      %add3A_571 = arith.addi %mul3A_390, %mul3A_570 : i32
      %dma_start3A_572 = arith.constant 0 : i32
      %dma_start3A_573 = tpu.memref_slice %arg3[%add3A_571, %dma_start3A_572] : memref<5120x64xi32, #tpu.memory_space<hbm>> -> memref<4x64xi32, #tpu.memory_space<hbm>>
      %dma_start3A_574 = arith.constant 0 : i32
      %dma_start3A_575 = tpu.memref_slice %arg3[%add3A_571, %dma_start3A_574] : memref<5120x64xi32, #tpu.memory_space<hbm>> -> memref<4x64xi32, #tpu.memory_space<hbm>>
      tpu.enqueue_dma source(%dma_start3A_575 : memref<4x64xi32, #tpu.memory_space<hbm>>) target(%arg7 : memref<4x64xi32, #tpu.memory_space<vmem>>) target_semaphore(%arg13 : memref<!tpu.dma_semaphore, #tpu.memory_space<semaphore_mem>>)
      %dma_start3A_576 = arith.constant 0 : i32
      %dma_start3A_577 = tpu.memref_slice %arg4[%add3A_571, %dma_start3A_576] : memref<5120x64xi32, #tpu.memory_space<hbm>> -> memref<4x64xi32, #tpu.memory_space<hbm>>
      %dma_start3A_578 = arith.constant 0 : i32
      %dma_start3A_579 = tpu.memref_slice %arg4[%add3A_571, %dma_start3A_578] : memref<5120x64xi32, #tpu.memory_space<hbm>> -> memref<4x64xi32, #tpu.memory_space<hbm>>
      tpu.enqueue_dma source(%dma_start3A_579 : memref<4x64xi32, #tpu.memory_space<hbm>>) target(%arg9 : memref<4x64xi32, #tpu.memory_space<vmem>>) target_semaphore(%arg13 : memref<!tpu.dma_semaphore, #tpu.memory_space<semaphore_mem>>)
      %dma_wait3A_580 = arith.constant 0 : i32
      %dma_wait3A_581 = arith.constant 0 : i32
      %dma_wait3A_582 = arith.constant 0 : i32
      %dma_wait3A_583 = arith.constant 0 : i32
      %dma_wait3A_584 = tpu.memref_slice %arg10[%dma_wait3A_581, %dma_wait3A_582, %dma_wait3A_583] : memref<4x64x128xf32, #tpu.memory_space<vmem>> -> memref<1x64x128xf32, #tpu.memory_space<vmem>>
      %dma_wait3A_585 = tpu.memref_squeeze %dma_wait3A_584 : memref<1x64x128xf32, #tpu.memory_space<vmem>> -> memref<64x128xf32, #tpu.memory_space<vmem>>
      %dma_wait3A_586 = arith.constant 0 : i32
      %dma_wait3A_587 = tpu.memref_slice %arg6[%dma_wait3A_580, %dma_wait3A_586] : memref<4x64xi32, #tpu.memory_space<vmem>> -> memref<1x64xi32, #tpu.memory_space<vmem>>
      %dma_wait3A_588 = tpu.memref_squeeze %dma_wait3A_587 : memref<1x64xi32, #tpu.memory_space<vmem>> -> memref<64xi32, #tpu.memory_space<vmem>>
      %dma_wait3A_589 = arith.constant 0 : i32
      %dma_wait3A_590 = arith.constant 0 : i32
      %dma_wait3A_591 = tpu.memref_slice %arg2[%dma_wait3A_589, %dma_wait3A_590] : memref<10240x128xf32, #tpu.memory_space<hbm>> -> memref<10240x128xf32, #tpu.memory_space<hbm>>
      tpu.wait_indirect_dma semaphore(%arg14 : memref<!tpu.dma_semaphore, #tpu.memory_space<semaphore_mem>>) src(%dma_wait3A_591 : memref<10240x128xf32, #tpu.memory_space<hbm>>) dst(%dma_wait3A_585 : memref<64x128xf32, #tpu.memory_space<vmem>>)
      %dma_start3A_592 = arith.constant 0 : i32
      %dma_start3A_593 = arith.constant 0 : i32
      %dma_start3A_594 = arith.constant 0 : i32
      %dma_start3A_595 = arith.constant 0 : i32
      %dma_start3A_596 = tpu.memref_slice %arg10[%dma_start3A_592, %dma_start3A_594, %dma_start3A_595] : memref<4x64x128xf32, #tpu.memory_space<vmem>> -> memref<1x64x128xf32, #tpu.memory_space<vmem>>
      %dma_start3A_597 = tpu.memref_squeeze %dma_start3A_596 : memref<1x64x128xf32, #tpu.memory_space<vmem>> -> memref<64x128xf32, #tpu.memory_space<vmem>>
      %dma_start3A_598 = arith.constant 0 : i32
      %dma_start3A_599 = tpu.memref_slice %arg8[%dma_start3A_593, %dma_start3A_598] : memref<4x64xi32, #tpu.memory_space<vmem>> -> memref<1x64xi32, #tpu.memory_space<vmem>>
      %dma_start3A_600 = tpu.memref_squeeze %dma_start3A_599 : memref<1x64xi32, #tpu.memory_space<vmem>> -> memref<64xi32, #tpu.memory_space<vmem>>
      %dma_start3A_601 = arith.constant 0 : i32
      %dma_start3A_602 = arith.constant 0 : i32
      %dma_start3A_603 = tpu.memref_slice %arg11[%dma_start3A_601, %dma_start3A_602] : memref<10240x128xf32, #tpu.memory_space<vmem_shared>> -> memref<10240x128xf32, #tpu.memory_space<vmem_shared>>
      tpu.enqueue_indirect_dma source(%dma_start3A_597 : memref<64x128xf32, #tpu.memory_space<vmem>>) target(%dma_start3A_603 : memref<10240x128xf32, #tpu.memory_space<vmem_shared>>) offsets(%dma_start3A_600 : memref<64xi32, #tpu.memory_space<vmem>>) semaphore(%arg18 : memref<!tpu.dma_semaphore, #tpu.memory_space<semaphore_mem>>) {add = true}
      %dma_wait3A_604 = arith.constant 1 : i32
      %dma_wait3A_605 = arith.constant 1 : i32
      %dma_wait3A_606 = arith.constant 0 : i32
      %dma_wait3A_607 = arith.constant 0 : i32
      %dma_wait3A_608 = tpu.memref_slice %arg10[%dma_wait3A_605, %dma_wait3A_606, %dma_wait3A_607] : memref<4x64x128xf32, #tpu.memory_space<vmem>> -> memref<1x64x128xf32, #tpu.memory_space<vmem>>
      %dma_wait3A_609 = tpu.memref_squeeze %dma_wait3A_608 : memref<1x64x128xf32, #tpu.memory_space<vmem>> -> memref<64x128xf32, #tpu.memory_space<vmem>>
      %dma_wait3A_610 = arith.constant 0 : i32
      %dma_wait3A_611 = tpu.memref_slice %arg6[%dma_wait3A_604, %dma_wait3A_610] : memref<4x64xi32, #tpu.memory_space<vmem>> -> memref<1x64xi32, #tpu.memory_space<vmem>>
      %dma_wait3A_612 = tpu.memref_squeeze %dma_wait3A_611 : memref<1x64xi32, #tpu.memory_space<vmem>> -> memref<64xi32, #tpu.memory_space<vmem>>
      %dma_wait3A_613 = arith.constant 0 : i32
      %dma_wait3A_614 = arith.constant 0 : i32
      %dma_wait3A_615 = tpu.memref_slice %arg2[%dma_wait3A_613, %dma_wait3A_614] : memref<10240x128xf32, #tpu.memory_space<hbm>> -> memref<10240x128xf32, #tpu.memory_space<hbm>>
      tpu.wait_indirect_dma semaphore(%arg15 : memref<!tpu.dma_semaphore, #tpu.memory_space<semaphore_mem>>) src(%dma_wait3A_615 : memref<10240x128xf32, #tpu.memory_space<hbm>>) dst(%dma_wait3A_609 : memref<64x128xf32, #tpu.memory_space<vmem>>)
      %dma_start3A_616 = arith.constant 1 : i32
      %dma_start3A_617 = arith.constant 1 : i32
      %dma_start3A_618 = arith.constant 0 : i32
      %dma_start3A_619 = arith.constant 0 : i32
      %dma_start3A_620 = tpu.memref_slice %arg10[%dma_start3A_616, %dma_start3A_618, %dma_start3A_619] : memref<4x64x128xf32, #tpu.memory_space<vmem>> -> memref<1x64x128xf32, #tpu.memory_space<vmem>>
      %dma_start3A_621 = tpu.memref_squeeze %dma_start3A_620 : memref<1x64x128xf32, #tpu.memory_space<vmem>> -> memref<64x128xf32, #tpu.memory_space<vmem>>
      %dma_start3A_622 = arith.constant 0 : i32
      %dma_start3A_623 = tpu.memref_slice %arg8[%dma_start3A_617, %dma_start3A_622] : memref<4x64xi32, #tpu.memory_space<vmem>> -> memref<1x64xi32, #tpu.memory_space<vmem>>
      %dma_start3A_624 = tpu.memref_squeeze %dma_start3A_623 : memref<1x64xi32, #tpu.memory_space<vmem>> -> memref<64xi32, #tpu.memory_space<vmem>>
      %dma_start3A_625 = arith.constant 0 : i32
      %dma_start3A_626 = arith.constant 0 : i32
      %dma_start3A_627 = tpu.memref_slice %arg11[%dma_start3A_625, %dma_start3A_626] : memref<10240x128xf32, #tpu.memory_space<vmem_shared>> -> memref<10240x128xf32, #tpu.memory_space<vmem_shared>>
      tpu.enqueue_indirect_dma source(%dma_start3A_621 : memref<64x128xf32, #tpu.memory_space<vmem>>) target(%dma_start3A_627 : memref<10240x128xf32, #tpu.memory_space<vmem_shared>>) offsets(%dma_start3A_624 : memref<64xi32, #tpu.memory_space<vmem>>) semaphore(%arg19 : memref<!tpu.dma_semaphore, #tpu.memory_space<semaphore_mem>>) {add = true}
      %dma_wait3A_628 = arith.constant 2 : i32
      %dma_wait3A_629 = arith.constant 2 : i32
      %dma_wait3A_630 = arith.constant 0 : i32
      %dma_wait3A_631 = arith.constant 0 : i32
      %dma_wait3A_632 = tpu.memref_slice %arg10[%dma_wait3A_629, %dma_wait3A_630, %dma_wait3A_631] : memref<4x64x128xf32, #tpu.memory_space<vmem>> -> memref<1x64x128xf32, #tpu.memory_space<vmem>>
      %dma_wait3A_633 = tpu.memref_squeeze %dma_wait3A_632 : memref<1x64x128xf32, #tpu.memory_space<vmem>> -> memref<64x128xf32, #tpu.memory_space<vmem>>
      %dma_wait3A_634 = arith.constant 0 : i32
      %dma_wait3A_635 = tpu.memref_slice %arg6[%dma_wait3A_628, %dma_wait3A_634] : memref<4x64xi32, #tpu.memory_space<vmem>> -> memref<1x64xi32, #tpu.memory_space<vmem>>
      %dma_wait3A_636 = tpu.memref_squeeze %dma_wait3A_635 : memref<1x64xi32, #tpu.memory_space<vmem>> -> memref<64xi32, #tpu.memory_space<vmem>>
      %dma_wait3A_637 = arith.constant 0 : i32
      %dma_wait3A_638 = arith.constant 0 : i32
      %dma_wait3A_639 = tpu.memref_slice %arg2[%dma_wait3A_637, %dma_wait3A_638] : memref<10240x128xf32, #tpu.memory_space<hbm>> -> memref<10240x128xf32, #tpu.memory_space<hbm>>
      tpu.wait_indirect_dma semaphore(%arg16 : memref<!tpu.dma_semaphore, #tpu.memory_space<semaphore_mem>>) src(%dma_wait3A_639 : memref<10240x128xf32, #tpu.memory_space<hbm>>) dst(%dma_wait3A_633 : memref<64x128xf32, #tpu.memory_space<vmem>>)
      %dma_start3A_640 = arith.constant 2 : i32
      %dma_start3A_641 = arith.constant 2 : i32
      %dma_start3A_642 = arith.constant 0 : i32
      %dma_start3A_643 = arith.constant 0 : i32
      %dma_start3A_644 = tpu.memref_slice %arg10[%dma_start3A_640, %dma_start3A_642, %dma_start3A_643] : memref<4x64x128xf32, #tpu.memory_space<vmem>> -> memref<1x64x128xf32, #tpu.memory_space<vmem>>
      %dma_start3A_645 = tpu.memref_squeeze %dma_start3A_644 : memref<1x64x128xf32, #tpu.memory_space<vmem>> -> memref<64x128xf32, #tpu.memory_space<vmem>>
      %dma_start3A_646 = arith.constant 0 : i32
      %dma_start3A_647 = tpu.memref_slice %arg8[%dma_start3A_641, %dma_start3A_646] : memref<4x64xi32, #tpu.memory_space<vmem>> -> memref<1x64xi32, #tpu.memory_space<vmem>>
      %dma_start3A_648 = tpu.memref_squeeze %dma_start3A_647 : memref<1x64xi32, #tpu.memory_space<vmem>> -> memref<64xi32, #tpu.memory_space<vmem>>
      %dma_start3A_649 = arith.constant 0 : i32
      %dma_start3A_650 = arith.constant 0 : i32
      %dma_start3A_651 = tpu.memref_slice %arg11[%dma_start3A_649, %dma_start3A_650] : memref<10240x128xf32, #tpu.memory_space<vmem_shared>> -> memref<10240x128xf32, #tpu.memory_space<vmem_shared>>
      tpu.enqueue_indirect_dma source(%dma_start3A_645 : memref<64x128xf32, #tpu.memory_space<vmem>>) target(%dma_start3A_651 : memref<10240x128xf32, #tpu.memory_space<vmem_shared>>) offsets(%dma_start3A_648 : memref<64xi32, #tpu.memory_space<vmem>>) semaphore(%arg20 : memref<!tpu.dma_semaphore, #tpu.memory_space<semaphore_mem>>) {add = true}
      %dma_wait3A_652 = arith.constant 3 : i32
      %dma_wait3A_653 = arith.constant 3 : i32
      %dma_wait3A_654 = arith.constant 0 : i32
      %dma_wait3A_655 = arith.constant 0 : i32
      %dma_wait3A_656 = tpu.memref_slice %arg10[%dma_wait3A_653, %dma_wait3A_654, %dma_wait3A_655] : memref<4x64x128xf32, #tpu.memory_space<vmem>> -> memref<1x64x128xf32, #tpu.memory_space<vmem>>
      %dma_wait3A_657 = tpu.memref_squeeze %dma_wait3A_656 : memref<1x64x128xf32, #tpu.memory_space<vmem>> -> memref<64x128xf32, #tpu.memory_space<vmem>>
      %dma_wait3A_658 = arith.constant 0 : i32
      %dma_wait3A_659 = tpu.memref_slice %arg6[%dma_wait3A_652, %dma_wait3A_658] : memref<4x64xi32, #tpu.memory_space<vmem>> -> memref<1x64xi32, #tpu.memory_space<vmem>>
      %dma_wait3A_660 = tpu.memref_squeeze %dma_wait3A_659 : memref<1x64xi32, #tpu.memory_space<vmem>> -> memref<64xi32, #tpu.memory_space<vmem>>
      %dma_wait3A_661 = arith.constant 0 : i32
      %dma_wait3A_662 = arith.constant 0 : i32
      %dma_wait3A_663 = tpu.memref_slice %arg2[%dma_wait3A_661, %dma_wait3A_662] : memref<10240x128xf32, #tpu.memory_space<hbm>> -> memref<10240x128xf32, #tpu.memory_space<hbm>>
      tpu.wait_indirect_dma semaphore(%arg17 : memref<!tpu.dma_semaphore, #tpu.memory_space<semaphore_mem>>) src(%dma_wait3A_663 : memref<10240x128xf32, #tpu.memory_space<hbm>>) dst(%dma_wait3A_657 : memref<64x128xf32, #tpu.memory_space<vmem>>)
      %dma_start3A_664 = arith.constant 3 : i32
      %dma_start3A_665 = arith.constant 3 : i32
      %dma_start3A_666 = arith.constant 0 : i32
      %dma_start3A_667 = arith.constant 0 : i32
      %dma_start3A_668 = tpu.memref_slice %arg10[%dma_start3A_664, %dma_start3A_666, %dma_start3A_667] : memref<4x64x128xf32, #tpu.memory_space<vmem>> -> memref<1x64x128xf32, #tpu.memory_space<vmem>>
      %dma_start3A_669 = tpu.memref_squeeze %dma_start3A_668 : memref<1x64x128xf32, #tpu.memory_space<vmem>> -> memref<64x128xf32, #tpu.memory_space<vmem>>
      %dma_start3A_670 = arith.constant 0 : i32
      %dma_start3A_671 = tpu.memref_slice %arg8[%dma_start3A_665, %dma_start3A_670] : memref<4x64xi32, #tpu.memory_space<vmem>> -> memref<1x64xi32, #tpu.memory_space<vmem>>
      %dma_start3A_672 = tpu.memref_squeeze %dma_start3A_671 : memref<1x64xi32, #tpu.memory_space<vmem>> -> memref<64xi32, #tpu.memory_space<vmem>>
      %dma_start3A_673 = arith.constant 0 : i32
      %dma_start3A_674 = arith.constant 0 : i32
      %dma_start3A_675 = tpu.memref_slice %arg11[%dma_start3A_673, %dma_start3A_674] : memref<10240x128xf32, #tpu.memory_space<vmem_shared>> -> memref<10240x128xf32, #tpu.memory_space<vmem_shared>>
      tpu.enqueue_indirect_dma source(%dma_start3A_669 : memref<64x128xf32, #tpu.memory_space<vmem>>) target(%dma_start3A_675 : memref<10240x128xf32, #tpu.memory_space<vmem_shared>>) offsets(%dma_start3A_672 : memref<64xi32, #tpu.memory_space<vmem>>) semaphore(%arg21 : memref<!tpu.dma_semaphore, #tpu.memory_space<semaphore_mem>>) {add = true}
      %dma_wait3A_676 = arith.constant 0 : i32
      %dma_wait3A_677 = tpu.memref_slice %arg3[%add3A_571, %dma_wait3A_676] : memref<5120x64xi32, #tpu.memory_space<hbm>> -> memref<4x64xi32, #tpu.memory_space<hbm>>
      %dma_wait3A_678 = arith.constant 0 : i32
      %dma_wait3A_679 = tpu.memref_slice %arg3[%add3A_571, %dma_wait3A_678] : memref<5120x64xi32, #tpu.memory_space<hbm>> -> memref<4x64xi32, #tpu.memory_space<hbm>>
      tpu.wait_dma2 semaphore(%arg13 : memref<!tpu.dma_semaphore, #tpu.memory_space<semaphore_mem>>) src(%dma_wait3A_679 : memref<4x64xi32, #tpu.memory_space<hbm>>) dst(%arg7 : memref<4x64xi32, #tpu.memory_space<vmem>>)
      %dma_wait3A_680 = arith.constant 0 : i32
      %dma_wait3A_681 = tpu.memref_slice %arg4[%add3A_571, %dma_wait3A_680] : memref<5120x64xi32, #tpu.memory_space<hbm>> -> memref<4x64xi32, #tpu.memory_space<hbm>>
      %dma_wait3A_682 = arith.constant 0 : i32
      %dma_wait3A_683 = tpu.memref_slice %arg4[%add3A_571, %dma_wait3A_682] : memref<5120x64xi32, #tpu.memory_space<hbm>> -> memref<4x64xi32, #tpu.memory_space<hbm>>
      tpu.wait_dma2 semaphore(%arg13 : memref<!tpu.dma_semaphore, #tpu.memory_space<semaphore_mem>>) src(%dma_wait3A_683 : memref<4x64xi32, #tpu.memory_space<hbm>>) dst(%arg9 : memref<4x64xi32, #tpu.memory_space<vmem>>)
      %dma_wait3A_684 = arith.constant 0 : i32
      %dma_wait3A_685 = arith.constant 0 : i32
      %dma_wait3A_686 = arith.constant 0 : i32
      %dma_wait3A_687 = arith.constant 0 : i32
      %dma_wait3A_688 = tpu.memref_slice %arg10[%dma_wait3A_684, %dma_wait3A_686, %dma_wait3A_687] : memref<4x64x128xf32, #tpu.memory_space<vmem>> -> memref<1x64x128xf32, #tpu.memory_space<vmem>>
      %dma_wait3A_689 = tpu.memref_squeeze %dma_wait3A_688 : memref<1x64x128xf32, #tpu.memory_space<vmem>> -> memref<64x128xf32, #tpu.memory_space<vmem>>
      %dma_wait3A_690 = arith.constant 0 : i32
      %dma_wait3A_691 = tpu.memref_slice %arg9[%dma_wait3A_685, %dma_wait3A_690] : memref<4x64xi32, #tpu.memory_space<vmem>> -> memref<1x64xi32, #tpu.memory_space<vmem>>
      %dma_wait3A_692 = tpu.memref_squeeze %dma_wait3A_691 : memref<1x64xi32, #tpu.memory_space<vmem>> -> memref<64xi32, #tpu.memory_space<vmem>>
      %dma_wait3A_693 = arith.constant 0 : i32
      %dma_wait3A_694 = arith.constant 0 : i32
      %dma_wait3A_695 = tpu.memref_slice %arg11[%dma_wait3A_693, %dma_wait3A_694] : memref<10240x128xf32, #tpu.memory_space<vmem_shared>> -> memref<10240x128xf32, #tpu.memory_space<vmem_shared>>
      tpu.wait_indirect_dma semaphore(%arg18 : memref<!tpu.dma_semaphore, #tpu.memory_space<semaphore_mem>>) src(%dma_wait3A_689 : memref<64x128xf32, #tpu.memory_space<vmem>>) dst(%dma_wait3A_695 : memref<10240x128xf32, #tpu.memory_space<vmem_shared>>)
      %dma_start3A_696 = arith.constant 0 : i32
      %dma_start3A_697 = arith.constant 0 : i32
      %dma_start3A_698 = arith.constant 0 : i32
      %dma_start3A_699 = arith.constant 0 : i32
      %dma_start3A_700 = tpu.memref_slice %arg10[%dma_start3A_697, %dma_start3A_698, %dma_start3A_699] : memref<4x64x128xf32, #tpu.memory_space<vmem>> -> memref<1x64x128xf32, #tpu.memory_space<vmem>>
      %dma_start3A_701 = tpu.memref_squeeze %dma_start3A_700 : memref<1x64x128xf32, #tpu.memory_space<vmem>> -> memref<64x128xf32, #tpu.memory_space<vmem>>
      %dma_start3A_702 = arith.constant 0 : i32
      %dma_start3A_703 = tpu.memref_slice %arg7[%dma_start3A_696, %dma_start3A_702] : memref<4x64xi32, #tpu.memory_space<vmem>> -> memref<1x64xi32, #tpu.memory_space<vmem>>
      %dma_start3A_704 = tpu.memref_squeeze %dma_start3A_703 : memref<1x64xi32, #tpu.memory_space<vmem>> -> memref<64xi32, #tpu.memory_space<vmem>>
      %dma_start3A_705 = arith.constant 0 : i32
      %dma_start3A_706 = arith.constant 0 : i32
      %dma_start3A_707 = tpu.memref_slice %arg2[%dma_start3A_705, %dma_start3A_706] : memref<10240x128xf32, #tpu.memory_space<hbm>> -> memref<10240x128xf32, #tpu.memory_space<hbm>>
      tpu.enqueue_indirect_dma source(%dma_start3A_707 : memref<10240x128xf32, #tpu.memory_space<hbm>>) target(%dma_start3A_701 : memref<64x128xf32, #tpu.memory_space<vmem>>) offsets(%dma_start3A_704 : memref<64xi32, #tpu.memory_space<vmem>>) semaphore(%arg14 : memref<!tpu.dma_semaphore, #tpu.memory_space<semaphore_mem>>)
      %dma_wait3A_708 = arith.constant 1 : i32
      %dma_wait3A_709 = arith.constant 0 : i32
      %dma_wait3A_710 = arith.constant 0 : i32
      %dma_wait3A_711 = arith.constant 0 : i32
      %dma_wait3A_712 = tpu.memref_slice %arg10[%dma_wait3A_708, %dma_wait3A_710, %dma_wait3A_711] : memref<4x64x128xf32, #tpu.memory_space<vmem>> -> memref<1x64x128xf32, #tpu.memory_space<vmem>>
      %dma_wait3A_713 = tpu.memref_squeeze %dma_wait3A_712 : memref<1x64x128xf32, #tpu.memory_space<vmem>> -> memref<64x128xf32, #tpu.memory_space<vmem>>
      %dma_wait3A_714 = arith.constant 0 : i32
      %dma_wait3A_715 = tpu.memref_slice %arg9[%dma_wait3A_709, %dma_wait3A_714] : memref<4x64xi32, #tpu.memory_space<vmem>> -> memref<1x64xi32, #tpu.memory_space<vmem>>
      %dma_wait3A_716 = tpu.memref_squeeze %dma_wait3A_715 : memref<1x64xi32, #tpu.memory_space<vmem>> -> memref<64xi32, #tpu.memory_space<vmem>>
      %dma_wait3A_717 = arith.constant 0 : i32
      %dma_wait3A_718 = arith.constant 0 : i32
      %dma_wait3A_719 = tpu.memref_slice %arg11[%dma_wait3A_717, %dma_wait3A_718] : memref<10240x128xf32, #tpu.memory_space<vmem_shared>> -> memref<10240x128xf32, #tpu.memory_space<vmem_shared>>
      tpu.wait_indirect_dma semaphore(%arg19 : memref<!tpu.dma_semaphore, #tpu.memory_space<semaphore_mem>>) src(%dma_wait3A_713 : memref<64x128xf32, #tpu.memory_space<vmem>>) dst(%dma_wait3A_719 : memref<10240x128xf32, #tpu.memory_space<vmem_shared>>)
      %dma_start3A_720 = arith.constant 1 : i32
      %dma_start3A_721 = arith.constant 1 : i32
      %dma_start3A_722 = arith.constant 0 : i32
      %dma_start3A_723 = arith.constant 0 : i32
      %dma_start3A_724 = tpu.memref_slice %arg10[%dma_start3A_721, %dma_start3A_722, %dma_start3A_723] : memref<4x64x128xf32, #tpu.memory_space<vmem>> -> memref<1x64x128xf32, #tpu.memory_space<vmem>>
      %dma_start3A_725 = tpu.memref_squeeze %dma_start3A_724 : memref<1x64x128xf32, #tpu.memory_space<vmem>> -> memref<64x128xf32, #tpu.memory_space<vmem>>
      %dma_start3A_726 = arith.constant 0 : i32
      %dma_start3A_727 = tpu.memref_slice %arg7[%dma_start3A_720, %dma_start3A_726] : memref<4x64xi32, #tpu.memory_space<vmem>> -> memref<1x64xi32, #tpu.memory_space<vmem>>
      %dma_start3A_728 = tpu.memref_squeeze %dma_start3A_727 : memref<1x64xi32, #tpu.memory_space<vmem>> -> memref<64xi32, #tpu.memory_space<vmem>>
      %dma_start3A_729 = arith.constant 0 : i32
      %dma_start3A_730 = arith.constant 0 : i32
      %dma_start3A_731 = tpu.memref_slice %arg2[%dma_start3A_729, %dma_start3A_730] : memref<10240x128xf32, #tpu.memory_space<hbm>> -> memref<10240x128xf32, #tpu.memory_space<hbm>>
      tpu.enqueue_indirect_dma source(%dma_start3A_731 : memref<10240x128xf32, #tpu.memory_space<hbm>>) target(%dma_start3A_725 : memref<64x128xf32, #tpu.memory_space<vmem>>) offsets(%dma_start3A_728 : memref<64xi32, #tpu.memory_space<vmem>>) semaphore(%arg15 : memref<!tpu.dma_semaphore, #tpu.memory_space<semaphore_mem>>)
      %dma_wait3A_732 = arith.constant 2 : i32
      %dma_wait3A_733 = arith.constant 0 : i32
      %dma_wait3A_734 = arith.constant 0 : i32
      %dma_wait3A_735 = arith.constant 0 : i32
      %dma_wait3A_736 = tpu.memref_slice %arg10[%dma_wait3A_732, %dma_wait3A_734, %dma_wait3A_735] : memref<4x64x128xf32, #tpu.memory_space<vmem>> -> memref<1x64x128xf32, #tpu.memory_space<vmem>>
      %dma_wait3A_737 = tpu.memref_squeeze %dma_wait3A_736 : memref<1x64x128xf32, #tpu.memory_space<vmem>> -> memref<64x128xf32, #tpu.memory_space<vmem>>
      %dma_wait3A_738 = arith.constant 0 : i32
      %dma_wait3A_739 = tpu.memref_slice %arg9[%dma_wait3A_733, %dma_wait3A_738] : memref<4x64xi32, #tpu.memory_space<vmem>> -> memref<1x64xi32, #tpu.memory_space<vmem>>
      %dma_wait3A_740 = tpu.memref_squeeze %dma_wait3A_739 : memref<1x64xi32, #tpu.memory_space<vmem>> -> memref<64xi32, #tpu.memory_space<vmem>>
      %dma_wait3A_741 = arith.constant 0 : i32
      %dma_wait3A_742 = arith.constant 0 : i32
      %dma_wait3A_743 = tpu.memref_slice %arg11[%dma_wait3A_741, %dma_wait3A_742] : memref<10240x128xf32, #tpu.memory_space<vmem_shared>> -> memref<10240x128xf32, #tpu.memory_space<vmem_shared>>
      tpu.wait_indirect_dma semaphore(%arg20 : memref<!tpu.dma_semaphore, #tpu.memory_space<semaphore_mem>>) src(%dma_wait3A_737 : memref<64x128xf32, #tpu.memory_space<vmem>>) dst(%dma_wait3A_743 : memref<10240x128xf32, #tpu.memory_space<vmem_shared>>)
      %dma_start3A_744 = arith.constant 2 : i32
      %dma_start3A_745 = arith.constant 2 : i32
      %dma_start3A_746 = arith.constant 0 : i32
      %dma_start3A_747 = arith.constant 0 : i32
      %dma_start3A_748 = tpu.memref_slice %arg10[%dma_start3A_745, %dma_start3A_746, %dma_start3A_747] : memref<4x64x128xf32, #tpu.memory_space<vmem>> -> memref<1x64x128xf32, #tpu.memory_space<vmem>>
      %dma_start3A_749 = tpu.memref_squeeze %dma_start3A_748 : memref<1x64x128xf32, #tpu.memory_space<vmem>> -> memref<64x128xf32, #tpu.memory_space<vmem>>
      %dma_start3A_750 = arith.constant 0 : i32
      %dma_start3A_751 = tpu.memref_slice %arg7[%dma_start3A_744, %dma_start3A_750] : memref<4x64xi32, #tpu.memory_space<vmem>> -> memref<1x64xi32, #tpu.memory_space<vmem>>
      %dma_start3A_752 = tpu.memref_squeeze %dma_start3A_751 : memref<1x64xi32, #tpu.memory_space<vmem>> -> memref<64xi32, #tpu.memory_space<vmem>>
      %dma_start3A_753 = arith.constant 0 : i32
      %dma_start3A_754 = arith.constant 0 : i32
      %dma_start3A_755 = tpu.memref_slice %arg2[%dma_start3A_753, %dma_start3A_754] : memref<10240x128xf32, #tpu.memory_space<hbm>> -> memref<10240x128xf32, #tpu.memory_space<hbm>>
      tpu.enqueue_indirect_dma source(%dma_start3A_755 : memref<10240x128xf32, #tpu.memory_space<hbm>>) target(%dma_start3A_749 : memref<64x128xf32, #tpu.memory_space<vmem>>) offsets(%dma_start3A_752 : memref<64xi32, #tpu.memory_space<vmem>>) semaphore(%arg16 : memref<!tpu.dma_semaphore, #tpu.memory_space<semaphore_mem>>)
      %dma_wait3A_756 = arith.constant 3 : i32
      %dma_wait3A_757 = arith.constant 0 : i32
      %dma_wait3A_758 = arith.constant 0 : i32
      %dma_wait3A_759 = arith.constant 0 : i32
      %dma_wait3A_760 = tpu.memref_slice %arg10[%dma_wait3A_756, %dma_wait3A_758, %dma_wait3A_759] : memref<4x64x128xf32, #tpu.memory_space<vmem>> -> memref<1x64x128xf32, #tpu.memory_space<vmem>>
      %dma_wait3A_761 = tpu.memref_squeeze %dma_wait3A_760 : memref<1x64x128xf32, #tpu.memory_space<vmem>> -> memref<64x128xf32, #tpu.memory_space<vmem>>
      %dma_wait3A_762 = arith.constant 0 : i32
      %dma_wait3A_763 = tpu.memref_slice %arg9[%dma_wait3A_757, %dma_wait3A_762] : memref<4x64xi32, #tpu.memory_space<vmem>> -> memref<1x64xi32, #tpu.memory_space<vmem>>
      %dma_wait3A_764 = tpu.memref_squeeze %dma_wait3A_763 : memref<1x64xi32, #tpu.memory_space<vmem>> -> memref<64xi32, #tpu.memory_space<vmem>>
      %dma_wait3A_765 = arith.constant 0 : i32
      %dma_wait3A_766 = arith.constant 0 : i32
      %dma_wait3A_767 = tpu.memref_slice %arg11[%dma_wait3A_765, %dma_wait3A_766] : memref<10240x128xf32, #tpu.memory_space<vmem_shared>> -> memref<10240x128xf32, #tpu.memory_space<vmem_shared>>
      tpu.wait_indirect_dma semaphore(%arg21 : memref<!tpu.dma_semaphore, #tpu.memory_space<semaphore_mem>>) src(%dma_wait3A_761 : memref<64x128xf32, #tpu.memory_space<vmem>>) dst(%dma_wait3A_767 : memref<10240x128xf32, #tpu.memory_space<vmem_shared>>)
      %dma_start3A_768 = arith.constant 3 : i32
      %dma_start3A_769 = arith.constant 3 : i32
      %dma_start3A_770 = arith.constant 0 : i32
      %dma_start3A_771 = arith.constant 0 : i32
      %dma_start3A_772 = tpu.memref_slice %arg10[%dma_start3A_769, %dma_start3A_770, %dma_start3A_771] : memref<4x64x128xf32, #tpu.memory_space<vmem>> -> memref<1x64x128xf32, #tpu.memory_space<vmem>>
      %dma_start3A_773 = tpu.memref_squeeze %dma_start3A_772 : memref<1x64x128xf32, #tpu.memory_space<vmem>> -> memref<64x128xf32, #tpu.memory_space<vmem>>
      %dma_start3A_774 = arith.constant 0 : i32
      %dma_start3A_775 = tpu.memref_slice %arg7[%dma_start3A_768, %dma_start3A_774] : memref<4x64xi32, #tpu.memory_space<vmem>> -> memref<1x64xi32, #tpu.memory_space<vmem>>
      %dma_start3A_776 = tpu.memref_squeeze %dma_start3A_775 : memref<1x64xi32, #tpu.memory_space<vmem>> -> memref<64xi32, #tpu.memory_space<vmem>>
      %dma_start3A_777 = arith.constant 0 : i32
      %dma_start3A_778 = arith.constant 0 : i32
      %dma_start3A_779 = tpu.memref_slice %arg2[%dma_start3A_777, %dma_start3A_778] : memref<10240x128xf32, #tpu.memory_space<hbm>> -> memref<10240x128xf32, #tpu.memory_space<hbm>>
      tpu.enqueue_indirect_dma source(%dma_start3A_779 : memref<10240x128xf32, #tpu.memory_space<hbm>>) target(%dma_start3A_773 : memref<64x128xf32, #tpu.memory_space<vmem>>) offsets(%dma_start3A_776 : memref<64xi32, #tpu.memory_space<vmem>>) semaphore(%arg17 : memref<!tpu.dma_semaphore, #tpu.memory_space<semaphore_mem>>)
      %mul3A_780 = arith.constant 2 : i32
      %mul3A_781 = arith.muli %mul3A_780, %scan3A_467 : i32
      %add3A_782 = arith.constant 2 : i32
      %add3A_783 = arith.addi %mul3A_781, %add3A_782 : i32
      %mul3A_784 = arith.constant 4 : i32
      %mul3A_785 = arith.muli %add3A_783, %mul3A_784 : i32
      %add3A_786 = arith.addi %mul3A_390, %mul3A_785 : i32
      %min3A = arith.constant 5116 : i32
      %min3A_787 = arith.minsi %add3A_786, %min3A : i32
      %dma_start3A_788 = arith.constant 0 : i32
      %dma_start3A_789 = tpu.memref_slice %arg3[%min3A_787, %dma_start3A_788] : memref<5120x64xi32, #tpu.memory_space<hbm>> -> memref<4x64xi32, #tpu.memory_space<hbm>>
      %dma_start3A_790 = arith.constant 0 : i32
      %dma_start3A_791 = tpu.memref_slice %arg3[%min3A_787, %dma_start3A_790] : memref<5120x64xi32, #tpu.memory_space<hbm>> -> memref<4x64xi32, #tpu.memory_space<hbm>>
      tpu.enqueue_dma source(%dma_start3A_791 : memref<4x64xi32, #tpu.memory_space<hbm>>) target(%arg6 : memref<4x64xi32, #tpu.memory_space<vmem>>) target_semaphore(%arg12 : memref<!tpu.dma_semaphore, #tpu.memory_space<semaphore_mem>>)
      %dma_start3A_792 = arith.constant 0 : i32
      %dma_start3A_793 = tpu.memref_slice %arg4[%min3A_787, %dma_start3A_792] : memref<5120x64xi32, #tpu.memory_space<hbm>> -> memref<4x64xi32, #tpu.memory_space<hbm>>
      %dma_start3A_794 = arith.constant 0 : i32
      %dma_start3A_795 = tpu.memref_slice %arg4[%min3A_787, %dma_start3A_794] : memref<5120x64xi32, #tpu.memory_space<hbm>> -> memref<4x64xi32, #tpu.memory_space<hbm>>
      tpu.enqueue_dma source(%dma_start3A_795 : memref<4x64xi32, #tpu.memory_space<hbm>>) target(%arg8 : memref<4x64xi32, #tpu.memory_space<vmem>>) target_semaphore(%arg12 : memref<!tpu.dma_semaphore, #tpu.memory_space<semaphore_mem>>)
      %dma_wait3A_796 = arith.constant 0 : i32
      %dma_wait3A_797 = arith.constant 0 : i32
      %dma_wait3A_798 = arith.constant 0 : i32
      %dma_wait3A_799 = arith.constant 0 : i32
      %dma_wait3A_800 = tpu.memref_slice %arg10[%dma_wait3A_797, %dma_wait3A_798, %dma_wait3A_799] : memref<4x64x128xf32, #tpu.memory_space<vmem>> -> memref<1x64x128xf32, #tpu.memory_space<vmem>>
      %dma_wait3A_801 = tpu.memref_squeeze %dma_wait3A_800 : memref<1x64x128xf32, #tpu.memory_space<vmem>> -> memref<64x128xf32, #tpu.memory_space<vmem>>
      %dma_wait3A_802 = arith.constant 0 : i32
      %dma_wait3A_803 = tpu.memref_slice %arg7[%dma_wait3A_796, %dma_wait3A_802] : memref<4x64xi32, #tpu.memory_space<vmem>> -> memref<1x64xi32, #tpu.memory_space<vmem>>
      %dma_wait3A_804 = tpu.memref_squeeze %dma_wait3A_803 : memref<1x64xi32, #tpu.memory_space<vmem>> -> memref<64xi32, #tpu.memory_space<vmem>>
      %dma_wait3A_805 = arith.constant 0 : i32
      %dma_wait3A_806 = arith.constant 0 : i32
      %dma_wait3A_807 = tpu.memref_slice %arg2[%dma_wait3A_805, %dma_wait3A_806] : memref<10240x128xf32, #tpu.memory_space<hbm>> -> memref<10240x128xf32, #tpu.memory_space<hbm>>
      tpu.wait_indirect_dma semaphore(%arg14 : memref<!tpu.dma_semaphore, #tpu.memory_space<semaphore_mem>>) src(%dma_wait3A_807 : memref<10240x128xf32, #tpu.memory_space<hbm>>) dst(%dma_wait3A_801 : memref<64x128xf32, #tpu.memory_space<vmem>>)
      %dma_start3A_808 = arith.constant 0 : i32
      %dma_start3A_809 = arith.constant 0 : i32
      %dma_start3A_810 = arith.constant 0 : i32
      %dma_start3A_811 = arith.constant 0 : i32
      %dma_start3A_812 = tpu.memref_slice %arg10[%dma_start3A_808, %dma_start3A_810, %dma_start3A_811] : memref<4x64x128xf32, #tpu.memory_space<vmem>> -> memref<1x64x128xf32, #tpu.memory_space<vmem>>
      %dma_start3A_813 = tpu.memref_squeeze %dma_start3A_812 : memref<1x64x128xf32, #tpu.memory_space<vmem>> -> memref<64x128xf32, #tpu.memory_space<vmem>>
      %dma_start3A_814 = arith.constant 0 : i32
      %dma_start3A_815 = tpu.memref_slice %arg9[%dma_start3A_809, %dma_start3A_814] : memref<4x64xi32, #tpu.memory_space<vmem>> -> memref<1x64xi32, #tpu.memory_space<vmem>>
      %dma_start3A_816 = tpu.memref_squeeze %dma_start3A_815 : memref<1x64xi32, #tpu.memory_space<vmem>> -> memref<64xi32, #tpu.memory_space<vmem>>
      %dma_start3A_817 = arith.constant 0 : i32
      %dma_start3A_818 = arith.constant 0 : i32
      %dma_start3A_819 = tpu.memref_slice %arg11[%dma_start3A_817, %dma_start3A_818] : memref<10240x128xf32, #tpu.memory_space<vmem_shared>> -> memref<10240x128xf32, #tpu.memory_space<vmem_shared>>
      tpu.enqueue_indirect_dma source(%dma_start3A_813 : memref<64x128xf32, #tpu.memory_space<vmem>>) target(%dma_start3A_819 : memref<10240x128xf32, #tpu.memory_space<vmem_shared>>) offsets(%dma_start3A_816 : memref<64xi32, #tpu.memory_space<vmem>>) semaphore(%arg18 : memref<!tpu.dma_semaphore, #tpu.memory_space<semaphore_mem>>) {add = true}
      %dma_wait3A_820 = arith.constant 1 : i32
      %dma_wait3A_821 = arith.constant 1 : i32
      %dma_wait3A_822 = arith.constant 0 : i32
      %dma_wait3A_823 = arith.constant 0 : i32
      %dma_wait3A_824 = tpu.memref_slice %arg10[%dma_wait3A_821, %dma_wait3A_822, %dma_wait3A_823] : memref<4x64x128xf32, #tpu.memory_space<vmem>> -> memref<1x64x128xf32, #tpu.memory_space<vmem>>
      %dma_wait3A_825 = tpu.memref_squeeze %dma_wait3A_824 : memref<1x64x128xf32, #tpu.memory_space<vmem>> -> memref<64x128xf32, #tpu.memory_space<vmem>>
      %dma_wait3A_826 = arith.constant 0 : i32
      %dma_wait3A_827 = tpu.memref_slice %arg7[%dma_wait3A_820, %dma_wait3A_826] : memref<4x64xi32, #tpu.memory_space<vmem>> -> memref<1x64xi32, #tpu.memory_space<vmem>>
      %dma_wait3A_828 = tpu.memref_squeeze %dma_wait3A_827 : memref<1x64xi32, #tpu.memory_space<vmem>> -> memref<64xi32, #tpu.memory_space<vmem>>
      %dma_wait3A_829 = arith.constant 0 : i32
      %dma_wait3A_830 = arith.constant 0 : i32
      %dma_wait3A_831 = tpu.memref_slice %arg2[%dma_wait3A_829, %dma_wait3A_830] : memref<10240x128xf32, #tpu.memory_space<hbm>> -> memref<10240x128xf32, #tpu.memory_space<hbm>>
      tpu.wait_indirect_dma semaphore(%arg15 : memref<!tpu.dma_semaphore, #tpu.memory_space<semaphore_mem>>) src(%dma_wait3A_831 : memref<10240x128xf32, #tpu.memory_space<hbm>>) dst(%dma_wait3A_825 : memref<64x128xf32, #tpu.memory_space<vmem>>)
      %dma_start3A_832 = arith.constant 1 : i32
      %dma_start3A_833 = arith.constant 1 : i32
      %dma_start3A_834 = arith.constant 0 : i32
      %dma_start3A_835 = arith.constant 0 : i32
      %dma_start3A_836 = tpu.memref_slice %arg10[%dma_start3A_832, %dma_start3A_834, %dma_start3A_835] : memref<4x64x128xf32, #tpu.memory_space<vmem>> -> memref<1x64x128xf32, #tpu.memory_space<vmem>>
      %dma_start3A_837 = tpu.memref_squeeze %dma_start3A_836 : memref<1x64x128xf32, #tpu.memory_space<vmem>> -> memref<64x128xf32, #tpu.memory_space<vmem>>
      %dma_start3A_838 = arith.constant 0 : i32
      %dma_start3A_839 = tpu.memref_slice %arg9[%dma_start3A_833, %dma_start3A_838] : memref<4x64xi32, #tpu.memory_space<vmem>> -> memref<1x64xi32, #tpu.memory_space<vmem>>
      %dma_start3A_840 = tpu.memref_squeeze %dma_start3A_839 : memref<1x64xi32, #tpu.memory_space<vmem>> -> memref<64xi32, #tpu.memory_space<vmem>>
      %dma_start3A_841 = arith.constant 0 : i32
      %dma_start3A_842 = arith.constant 0 : i32
      %dma_start3A_843 = tpu.memref_slice %arg11[%dma_start3A_841, %dma_start3A_842] : memref<10240x128xf32, #tpu.memory_space<vmem_shared>> -> memref<10240x128xf32, #tpu.memory_space<vmem_shared>>
      tpu.enqueue_indirect_dma source(%dma_start3A_837 : memref<64x128xf32, #tpu.memory_space<vmem>>) target(%dma_start3A_843 : memref<10240x128xf32, #tpu.memory_space<vmem_shared>>) offsets(%dma_start3A_840 : memref<64xi32, #tpu.memory_space<vmem>>) semaphore(%arg19 : memref<!tpu.dma_semaphore, #tpu.memory_space<semaphore_mem>>) {add = true}
      %dma_wait3A_844 = arith.constant 2 : i32
      %dma_wait3A_845 = arith.constant 2 : i32
      %dma_wait3A_846 = arith.constant 0 : i32
      %dma_wait3A_847 = arith.constant 0 : i32
      %dma_wait3A_848 = tpu.memref_slice %arg10[%dma_wait3A_845, %dma_wait3A_846, %dma_wait3A_847] : memref<4x64x128xf32, #tpu.memory_space<vmem>> -> memref<1x64x128xf32, #tpu.memory_space<vmem>>
      %dma_wait3A_849 = tpu.memref_squeeze %dma_wait3A_848 : memref<1x64x128xf32, #tpu.memory_space<vmem>> -> memref<64x128xf32, #tpu.memory_space<vmem>>
      %dma_wait3A_850 = arith.constant 0 : i32
      %dma_wait3A_851 = tpu.memref_slice %arg7[%dma_wait3A_844, %dma_wait3A_850] : memref<4x64xi32, #tpu.memory_space<vmem>> -> memref<1x64xi32, #tpu.memory_space<vmem>>
      %dma_wait3A_852 = tpu.memref_squeeze %dma_wait3A_851 : memref<1x64xi32, #tpu.memory_space<vmem>> -> memref<64xi32, #tpu.memory_space<vmem>>
      %dma_wait3A_853 = arith.constant 0 : i32
      %dma_wait3A_854 = arith.constant 0 : i32
      %dma_wait3A_855 = tpu.memref_slice %arg2[%dma_wait3A_853, %dma_wait3A_854] : memref<10240x128xf32, #tpu.memory_space<hbm>> -> memref<10240x128xf32, #tpu.memory_space<hbm>>
      tpu.wait_indirect_dma semaphore(%arg16 : memref<!tpu.dma_semaphore, #tpu.memory_space<semaphore_mem>>) src(%dma_wait3A_855 : memref<10240x128xf32, #tpu.memory_space<hbm>>) dst(%dma_wait3A_849 : memref<64x128xf32, #tpu.memory_space<vmem>>)
      %dma_start3A_856 = arith.constant 2 : i32
      %dma_start3A_857 = arith.constant 2 : i32
      %dma_start3A_858 = arith.constant 0 : i32
      %dma_start3A_859 = arith.constant 0 : i32
      %dma_start3A_860 = tpu.memref_slice %arg10[%dma_start3A_856, %dma_start3A_858, %dma_start3A_859] : memref<4x64x128xf32, #tpu.memory_space<vmem>> -> memref<1x64x128xf32, #tpu.memory_space<vmem>>
      %dma_start3A_861 = tpu.memref_squeeze %dma_start3A_860 : memref<1x64x128xf32, #tpu.memory_space<vmem>> -> memref<64x128xf32, #tpu.memory_space<vmem>>
      %dma_start3A_862 = arith.constant 0 : i32
      %dma_start3A_863 = tpu.memref_slice %arg9[%dma_start3A_857, %dma_start3A_862] : memref<4x64xi32, #tpu.memory_space<vmem>> -> memref<1x64xi32, #tpu.memory_space<vmem>>
      %dma_start3A_864 = tpu.memref_squeeze %dma_start3A_863 : memref<1x64xi32, #tpu.memory_space<vmem>> -> memref<64xi32, #tpu.memory_space<vmem>>
      %dma_start3A_865 = arith.constant 0 : i32
      %dma_start3A_866 = arith.constant 0 : i32
      %dma_start3A_867 = tpu.memref_slice %arg11[%dma_start3A_865, %dma_start3A_866] : memref<10240x128xf32, #tpu.memory_space<vmem_shared>> -> memref<10240x128xf32, #tpu.memory_space<vmem_shared>>
      tpu.enqueue_indirect_dma source(%dma_start3A_861 : memref<64x128xf32, #tpu.memory_space<vmem>>) target(%dma_start3A_867 : memref<10240x128xf32, #tpu.memory_space<vmem_shared>>) offsets(%dma_start3A_864 : memref<64xi32, #tpu.memory_space<vmem>>) semaphore(%arg20 : memref<!tpu.dma_semaphore, #tpu.memory_space<semaphore_mem>>) {add = true}
      %dma_wait3A_868 = arith.constant 3 : i32
      %dma_wait3A_869 = arith.constant 3 : i32
      %dma_wait3A_870 = arith.constant 0 : i32
      %dma_wait3A_871 = arith.constant 0 : i32
      %dma_wait3A_872 = tpu.memref_slice %arg10[%dma_wait3A_869, %dma_wait3A_870, %dma_wait3A_871] : memref<4x64x128xf32, #tpu.memory_space<vmem>> -> memref<1x64x128xf32, #tpu.memory_space<vmem>>
      %dma_wait3A_873 = tpu.memref_squeeze %dma_wait3A_872 : memref<1x64x128xf32, #tpu.memory_space<vmem>> -> memref<64x128xf32, #tpu.memory_space<vmem>>
      %dma_wait3A_874 = arith.constant 0 : i32
      %dma_wait3A_875 = tpu.memref_slice %arg7[%dma_wait3A_868, %dma_wait3A_874] : memref<4x64xi32, #tpu.memory_space<vmem>> -> memref<1x64xi32, #tpu.memory_space<vmem>>
      %dma_wait3A_876 = tpu.memref_squeeze %dma_wait3A_875 : memref<1x64xi32, #tpu.memory_space<vmem>> -> memref<64xi32, #tpu.memory_space<vmem>>
      %dma_wait3A_877 = arith.constant 0 : i32
      %dma_wait3A_878 = arith.constant 0 : i32
      %dma_wait3A_879 = tpu.memref_slice %arg2[%dma_wait3A_877, %dma_wait3A_878] : memref<10240x128xf32, #tpu.memory_space<hbm>> -> memref<10240x128xf32, #tpu.memory_space<hbm>>
      tpu.wait_indirect_dma semaphore(%arg17 : memref<!tpu.dma_semaphore, #tpu.memory_space<semaphore_mem>>) src(%dma_wait3A_879 : memref<10240x128xf32, #tpu.memory_space<hbm>>) dst(%dma_wait3A_873 : memref<64x128xf32, #tpu.memory_space<vmem>>)
      %dma_start3A_880 = arith.constant 3 : i32
      %dma_start3A_881 = arith.constant 3 : i32
      %dma_start3A_882 = arith.constant 0 : i32
      %dma_start3A_883 = arith.constant 0 : i32
      %dma_start3A_884 = tpu.memref_slice %arg10[%dma_start3A_880, %dma_start3A_882, %dma_start3A_883] : memref<4x64x128xf32, #tpu.memory_space<vmem>> -> memref<1x64x128xf32, #tpu.memory_space<vmem>>
      %dma_start3A_885 = tpu.memref_squeeze %dma_start3A_884 : memref<1x64x128xf32, #tpu.memory_space<vmem>> -> memref<64x128xf32, #tpu.memory_space<vmem>>
      %dma_start3A_886 = arith.constant 0 : i32
      %dma_start3A_887 = tpu.memref_slice %arg9[%dma_start3A_881, %dma_start3A_886] : memref<4x64xi32, #tpu.memory_space<vmem>> -> memref<1x64xi32, #tpu.memory_space<vmem>>
      %dma_start3A_888 = tpu.memref_squeeze %dma_start3A_887 : memref<1x64xi32, #tpu.memory_space<vmem>> -> memref<64xi32, #tpu.memory_space<vmem>>
      %dma_start3A_889 = arith.constant 0 : i32
      %dma_start3A_890 = arith.constant 0 : i32
      %dma_start3A_891 = tpu.memref_slice %arg11[%dma_start3A_889, %dma_start3A_890] : memref<10240x128xf32, #tpu.memory_space<vmem_shared>> -> memref<10240x128xf32, #tpu.memory_space<vmem_shared>>
      tpu.enqueue_indirect_dma source(%dma_start3A_885 : memref<64x128xf32, #tpu.memory_space<vmem>>) target(%dma_start3A_891 : memref<10240x128xf32, #tpu.memory_space<vmem_shared>>) offsets(%dma_start3A_888 : memref<64xi32, #tpu.memory_space<vmem>>) semaphore(%arg21 : memref<!tpu.dma_semaphore, #tpu.memory_space<semaphore_mem>>) {add = true}
      %dma_wait3A_892 = arith.constant 0 : i32
      %dma_wait3A_893 = tpu.memref_slice %arg3[%min3A_787, %dma_wait3A_892] : memref<5120x64xi32, #tpu.memory_space<hbm>> -> memref<4x64xi32, #tpu.memory_space<hbm>>
      %dma_wait3A_894 = arith.constant 0 : i32
      %dma_wait3A_895 = tpu.memref_slice %arg3[%min3A_787, %dma_wait3A_894] : memref<5120x64xi32, #tpu.memory_space<hbm>> -> memref<4x64xi32, #tpu.memory_space<hbm>>
      tpu.wait_dma2 semaphore(%arg12 : memref<!tpu.dma_semaphore, #tpu.memory_space<semaphore_mem>>) src(%dma_wait3A_895 : memref<4x64xi32, #tpu.memory_space<hbm>>) dst(%arg6 : memref<4x64xi32, #tpu.memory_space<vmem>>)
      %dma_wait3A_896 = arith.constant 0 : i32
      %dma_wait3A_897 = tpu.memref_slice %arg4[%min3A_787, %dma_wait3A_896] : memref<5120x64xi32, #tpu.memory_space<hbm>> -> memref<4x64xi32, #tpu.memory_space<hbm>>
      %dma_wait3A_898 = arith.constant 0 : i32
      %dma_wait3A_899 = tpu.memref_slice %arg4[%min3A_787, %dma_wait3A_898] : memref<5120x64xi32, #tpu.memory_space<hbm>> -> memref<4x64xi32, #tpu.memory_space<hbm>>
      tpu.wait_dma2 semaphore(%arg12 : memref<!tpu.dma_semaphore, #tpu.memory_space<semaphore_mem>>) src(%dma_wait3A_899 : memref<4x64xi32, #tpu.memory_space<hbm>>) dst(%arg8 : memref<4x64xi32, #tpu.memory_space<vmem>>)
      %scan3A_900 = arith.constant 0 : i32
      scf.yield %scan3A_900 : i32
    }
    %scan3A_413 = arith.constant 20 : i32
    %dma_wait3A_414 = arith.constant 0 : i32
    %dma_wait3A_415 = arith.constant 0 : i32
    %dma_wait3A_416 = arith.constant 0 : i32
    %dma_wait3A_417 = arith.constant 0 : i32
    %dma_wait3A_418 = tpu.memref_slice %arg10[%dma_wait3A_414, %dma_wait3A_416, %dma_wait3A_417] : memref<4x64x128xf32, #tpu.memory_space<vmem>> -> memref<1x64x128xf32, #tpu.memory_space<vmem>>
    %dma_wait3A_419 = tpu.memref_squeeze %dma_wait3A_418 : memref<1x64x128xf32, #tpu.memory_space<vmem>> -> memref<64x128xf32, #tpu.memory_space<vmem>>
    %dma_wait3A_420 = arith.constant 0 : i32
    %dma_wait3A_421 = tpu.memref_slice %arg9[%dma_wait3A_415, %dma_wait3A_420] : memref<4x64xi32, #tpu.memory_space<vmem>> -> memref<1x64xi32, #tpu.memory_space<vmem>>
    %dma_wait3A_422 = tpu.memref_squeeze %dma_wait3A_421 : memref<1x64xi32, #tpu.memory_space<vmem>> -> memref<64xi32, #tpu.memory_space<vmem>>
    %dma_wait3A_423 = arith.constant 0 : i32
    %dma_wait3A_424 = arith.constant 0 : i32
    %dma_wait3A_425 = tpu.memref_slice %arg11[%dma_wait3A_423, %dma_wait3A_424] : memref<10240x128xf32, #tpu.memory_space<vmem_shared>> -> memref<10240x128xf32, #tpu.memory_space<vmem_shared>>
    tpu.wait_indirect_dma semaphore(%arg18 : memref<!tpu.dma_semaphore, #tpu.memory_space<semaphore_mem>>) src(%dma_wait3A_419 : memref<64x128xf32, #tpu.memory_space<vmem>>) dst(%dma_wait3A_425 : memref<10240x128xf32, #tpu.memory_space<vmem_shared>>)
    %dma_wait3A_426 = arith.constant 1 : i32
    %dma_wait3A_427 = arith.constant 0 : i32
    %dma_wait3A_428 = arith.constant 0 : i32
    %dma_wait3A_429 = arith.constant 0 : i32
    %dma_wait3A_430 = tpu.memref_slice %arg10[%dma_wait3A_426, %dma_wait3A_428, %dma_wait3A_429] : memref<4x64x128xf32, #tpu.memory_space<vmem>> -> memref<1x64x128xf32, #tpu.memory_space<vmem>>
    %dma_wait3A_431 = tpu.memref_squeeze %dma_wait3A_430 : memref<1x64x128xf32, #tpu.memory_space<vmem>> -> memref<64x128xf32, #tpu.memory_space<vmem>>
    %dma_wait3A_432 = arith.constant 0 : i32
    %dma_wait3A_433 = tpu.memref_slice %arg9[%dma_wait3A_427, %dma_wait3A_432] : memref<4x64xi32, #tpu.memory_space<vmem>> -> memref<1x64xi32, #tpu.memory_space<vmem>>
    %dma_wait3A_434 = tpu.memref_squeeze %dma_wait3A_433 : memref<1x64xi32, #tpu.memory_space<vmem>> -> memref<64xi32, #tpu.memory_space<vmem>>
    %dma_wait3A_435 = arith.constant 0 : i32
    %dma_wait3A_436 = arith.constant 0 : i32
    %dma_wait3A_437 = tpu.memref_slice %arg11[%dma_wait3A_435, %dma_wait3A_436] : memref<10240x128xf32, #tpu.memory_space<vmem_shared>> -> memref<10240x128xf32, #tpu.memory_space<vmem_shared>>
    tpu.wait_indirect_dma semaphore(%arg19 : memref<!tpu.dma_semaphore, #tpu.memory_space<semaphore_mem>>) src(%dma_wait3A_431 : memref<64x128xf32, #tpu.memory_space<vmem>>) dst(%dma_wait3A_437 : memref<10240x128xf32, #tpu.memory_space<vmem_shared>>)
    %dma_wait3A_438 = arith.constant 2 : i32
    %dma_wait3A_439 = arith.constant 0 : i32
    %dma_wait3A_440 = arith.constant 0 : i32
    %dma_wait3A_441 = arith.constant 0 : i32
    %dma_wait3A_442 = tpu.memref_slice %arg10[%dma_wait3A_438, %dma_wait3A_440, %dma_wait3A_441] : memref<4x64x128xf32, #tpu.memory_space<vmem>> -> memref<1x64x128xf32, #tpu.memory_space<vmem>>
    %dma_wait3A_443 = tpu.memref_squeeze %dma_wait3A_442 : memref<1x64x128xf32, #tpu.memory_space<vmem>> -> memref<64x128xf32, #tpu.memory_space<vmem>>
    %dma_wait3A_444 = arith.constant 0 : i32
    %dma_wait3A_445 = tpu.memref_slice %arg9[%dma_wait3A_439, %dma_wait3A_444] : memref<4x64xi32, #tpu.memory_space<vmem>> -> memref<1x64xi32, #tpu.memory_space<vmem>>
    %dma_wait3A_446 = tpu.memref_squeeze %dma_wait3A_445 : memref<1x64xi32, #tpu.memory_space<vmem>> -> memref<64xi32, #tpu.memory_space<vmem>>
    %dma_wait3A_447 = arith.constant 0 : i32
    %dma_wait3A_448 = arith.constant 0 : i32
    %dma_wait3A_449 = tpu.memref_slice %arg11[%dma_wait3A_447, %dma_wait3A_448] : memref<10240x128xf32, #tpu.memory_space<vmem_shared>> -> memref<10240x128xf32, #tpu.memory_space<vmem_shared>>
    tpu.wait_indirect_dma semaphore(%arg20 : memref<!tpu.dma_semaphore, #tpu.memory_space<semaphore_mem>>) src(%dma_wait3A_443 : memref<64x128xf32, #tpu.memory_space<vmem>>) dst(%dma_wait3A_449 : memref<10240x128xf32, #tpu.memory_space<vmem_shared>>)
    %dma_wait3A_450 = arith.constant 3 : i32
    %dma_wait3A_451 = arith.constant 0 : i32
    %dma_wait3A_452 = arith.constant 0 : i32
    %dma_wait3A_453 = arith.constant 0 : i32
    %dma_wait3A_454 = tpu.memref_slice %arg10[%dma_wait3A_450, %dma_wait3A_452, %dma_wait3A_453] : memref<4x64x128xf32, #tpu.memory_space<vmem>> -> memref<1x64x128xf32, #tpu.memory_space<vmem>>
    %dma_wait3A_455 = tpu.memref_squeeze %dma_wait3A_454 : memref<1x64x128xf32, #tpu.memory_space<vmem>> -> memref<64x128xf32, #tpu.memory_space<vmem>>
    %dma_wait3A_456 = arith.constant 0 : i32
    %dma_wait3A_457 = tpu.memref_slice %arg9[%dma_wait3A_451, %dma_wait3A_456] : memref<4x64xi32, #tpu.memory_space<vmem>> -> memref<1x64xi32, #tpu.memory_space<vmem>>
    %dma_wait3A_458 = tpu.memref_squeeze %dma_wait3A_457 : memref<1x64xi32, #tpu.memory_space<vmem>> -> memref<64xi32, #tpu.memory_space<vmem>>
    %dma_wait3A_459 = arith.constant 0 : i32
    %dma_wait3A_460 = arith.constant 0 : i32
    %dma_wait3A_461 = tpu.memref_slice %arg11[%dma_wait3A_459, %dma_wait3A_460] : memref<10240x128xf32, #tpu.memory_space<vmem_shared>> -> memref<10240x128xf32, #tpu.memory_space<vmem_shared>>
    tpu.wait_indirect_dma semaphore(%arg21 : memref<!tpu.dma_semaphore, #tpu.memory_space<semaphore_mem>>) src(%dma_wait3A_455 : memref<64x128xf32, #tpu.memory_space<vmem>>) dst(%dma_wait3A_461 : memref<10240x128xf32, #tpu.memory_space<vmem_shared>>)
    %barrier3A_462 = arith.constant 0 : index
    tpu.barrier barrier_id(%barrier3A_462)
    %mul3A_463 = arith.constant 640 : i32
    %mul3A_464 = arith.muli %arg1, %mul3A_463 : i32
    %mul3A_465 = arith.constant 640 : i32
    %mul3A_466 = arith.muli %arg1, %mul3A_465 : i32
    "tpu.region"() ({
      %run_scoped3A = tpu.sem_alloc : memref<!tpu.dma_semaphore, #tpu.memory_space<semaphore_mem>>
      %dma_start3A_467 = arith.constant 0 : i32
      %dma_start3A_468 = tpu.memref_slice %arg5[%arg0, %mul3A_466, %dma_start3A_467] : memref<2x10240x128xf32, #tpu.memory_space<hbm>> -> memref<1x640x128xf32, #tpu.memory_space<hbm>>
      %dma_start3A_469 = tpu.memref_squeeze %dma_start3A_468 : memref<1x640x128xf32, #tpu.memory_space<hbm>> -> memref<640x128xf32, #tpu.memory_space<hbm>>
      %dma_start3A_470 = arith.constant 0 : i32
      %dma_start3A_471 = tpu.memref_slice %arg11[%mul3A_464, %dma_start3A_470] : memref<10240x128xf32, #tpu.memory_space<vmem_shared>> -> memref<640x128xf32, #tpu.memory_space<vmem_shared>>
      tpu.enqueue_dma source(%dma_start3A_471 : memref<640x128xf32, #tpu.memory_space<vmem_shared>>) target(%dma_start3A_469 : memref<640x128xf32, #tpu.memory_space<hbm>>) target_semaphore(%run_scoped3A : memref<!tpu.dma_semaphore, #tpu.memory_space<semaphore_mem>>)
      %dma_wait3A_472 = arith.constant 0 : i32
      %dma_wait3A_473 = tpu.memref_slice %arg5[%arg0, %mul3A_466, %dma_wait3A_472] : memref<2x10240x128xf32, #tpu.memory_space<hbm>> -> memref<1x640x128xf32, #tpu.memory_space<hbm>>
      %dma_wait3A_474 = tpu.memref_squeeze %dma_wait3A_473 : memref<1x640x128xf32, #tpu.memory_space<hbm>> -> memref<640x128xf32, #tpu.memory_space<hbm>>
      %dma_wait3A_475 = arith.constant 0 : i32
      %dma_wait3A_476 = tpu.memref_slice %arg11[%mul3A_464, %dma_wait3A_475] : memref<10240x128xf32, #tpu.memory_space<vmem_shared>> -> memref<640x128xf32, #tpu.memory_space<vmem_shared>>
      tpu.wait_dma2 semaphore(%run_scoped3A : memref<!tpu.dma_semaphore, #tpu.memory_space<semaphore_mem>>) src(%dma_wait3A_476 : memref<640x128xf32, #tpu.memory_space<vmem_shared>>) dst(%dma_wait3A_474 : memref<640x128xf32, #tpu.memory_space<hbm>>)
      tpu.yield
    }) : () -> ()
    return
  }
}

module attributes {stable_mosaic.version = 14 : i64} {
  func.func @_mm1_body(%arg0: i32, %arg1: memref<2x512xf32, #tpu.memory_space<vmem>>, %arg2: memref<512x128xf32, #tpu.memory_space<vmem>>, %arg3: memref<128x128xf32, #tpu.memory_space<vmem>>, %arg4: memref<512x128xf32, #tpu.memory_space<vmem>>) attributes {dimension_semantics = [#tpu.dimension_semantics<arbitrary>], iteration_bounds = array<i64: 20>, scalar_prefetch = 0 : i64, scratch_operands = 0 : i64, tpu.core_type = #tpu.core_type<tc>, window_params = [{transform_indices = @transform_0, window_bounds = array<i64: 2, 512>}, {transform_indices = @transform_1, window_bounds = array<i64: 512, 128>}, {pipeline_mode = #tpu.pipeline_mode<synchronous>, transform_indices = @transform_2, window_bounds = array<i64: 128, 128>}, {transform_indices = @transform_3, window_bounds = array<i64: 512, 128>}]} {
    %get3A = arith.constant 0 : index
    %get3A_0 = arith.constant 0 : index
    %get3A_1 = vector.load %arg1[%get3A, %get3A_0] : memref<2x512xf32, #tpu.memory_space<vmem>>, vector<1x512xf32>
    %get3A_2 = vector.shape_cast %get3A_1 : vector<1x512xf32> to vector<512xf32>
    %get3A_3 = arith.constant 1 : index
    %get3A_4 = arith.constant 0 : index
    %get3A_5 = vector.load %arg1[%get3A_3, %get3A_4] : memref<2x512xf32, #tpu.memory_space<vmem>>, vector<1x512xf32>
    %get3A_6 = vector.shape_cast %get3A_5 : vector<1x512xf32> to vector<512xf32>
    %add3A = arith.addf %get3A_2, %get3A_6 : vector<512xf32>
    %add3A_7 = arith.constant 1.000000e+00 : f32
    %add3A_8 = vector.broadcast %add3A_7 : f32 to vector<512xf32>
    %add3A_9 = arith.addf %add3A, %add3A_8 : vector<512xf32>
    %rsqrt3A = math.rsqrt %add3A_9 : vector<512xf32>
    %get3A_10 = arith.constant 0 : index
    %get3A_11 = arith.constant 0 : index
    %get3A_12 = vector.load %arg2[%get3A_10, %get3A_11] : memref<512x128xf32, #tpu.memory_space<vmem>>, vector<512x128xf32>
    %get3A_13 = arith.constant 0 : index
    %get3A_14 = arith.constant 0 : index
    %get3A_15 = vector.load %arg3[%get3A_13, %get3A_14] : memref<128x128xf32, #tpu.memory_space<vmem>>, vector<128x128xf32>
    %dot_general3A = arith.constant dense<0.000000e+00> : vector<512x128xf32>
    %dot_general3A_16 = tpu.matmul %get3A_12, %get3A_15, %dot_general3A {dimension_numbers = #tpu.dot_dimension_numbers<[1], [0], [0], [1], [0, 0, 1, 1], [], []>, transpose_lhs_hint = false} : vector<512x128xf32>, vector<128x128xf32>, vector<512x128xf32> -> vector<512x128xf32>
    %broadcast_in_dim3A = vector.shape_cast %rsqrt3A : vector<512xf32> to vector<512x1xf32>
    %mul3A = vector.broadcast %broadcast_in_dim3A : vector<512x1xf32> to vector<512x128xf32>
    %mul3A_17 = arith.mulf %dot_general3A_16, %mul3A : vector<512x128xf32>
    %swap3A = arith.constant 0 : index
    %swap3A_18 = arith.constant 0 : index
    %swap3A_19 = vector.load %arg4[%swap3A, %swap3A_18] : memref<512x128xf32, #tpu.memory_space<vmem>>, vector<512x128xf32>
    tpu.vector_store %arg4[%swap3A, %swap3A_18], %mul3A_17 {strides = array<i32>} : memref<512x128xf32, #tpu.memory_space<vmem>>, vector<512x128xf32>,
    return
  }
  func.func @transform_0(%arg0: i32) -> (i32, i32) {
    %c0_i32 = arith.constant 0 : i32
    %c0_i32_0 = arith.constant 0 : i32
    return %c0_i32, %arg0 : i32, i32
  }
  func.func @transform_1(%arg0: i32) -> (i32, i32) {
    %c0_i32 = arith.constant 0 : i32
    %c0_i32_0 = arith.constant 0 : i32
    return %arg0, %c0_i32 : i32, i32
  }
  func.func @transform_2(%arg0: i32) -> (i32, i32) {
    %c0_i32 = arith.constant 0 : i32
    %c0_i32_0 = arith.constant 0 : i32
    %c0_i32_1 = arith.constant 0 : i32
    return %c0_i32, %c0_i32_0 : i32, i32
  }
  func.func @transform_3(%arg0: i32) -> (i32, i32) {
    %c0_i32 = arith.constant 0 : i32
    %c0_i32_0 = arith.constant 0 : i32
    return %arg0, %c0_i32 : i32, i32
  }
}

module attributes {stable_mosaic.version = 14 : i64} {
  func.func @_mm2_body(%arg0: i32, %arg1: memref<2x512xf32, #tpu.memory_space<vmem>>, %arg2: memref<2x512x128xf32, #tpu.memory_space<vmem>>, %arg3: memref<512x128xf32, #tpu.memory_space<vmem>>, %arg4: memref<128x128xf32, #tpu.memory_space<vmem>>, %arg5: memref<1x128xf32, #tpu.memory_space<vmem>>, %arg6: memref<512x128xf32, #tpu.memory_space<vmem>>) attributes {dimension_semantics = [#tpu.dimension_semantics<arbitrary>], iteration_bounds = array<i64: 20>, scalar_prefetch = 0 : i64, scratch_operands = 0 : i64, tpu.core_type = #tpu.core_type<tc>, window_params = [{transform_indices = @transform_0, window_bounds = array<i64: 2, 512>}, {transform_indices = @transform_1, window_bounds = array<i64: 2, 512, 128>}, {transform_indices = @transform_2, window_bounds = array<i64: 512, 128>}, {pipeline_mode = #tpu.pipeline_mode<synchronous>, transform_indices = @transform_3, window_bounds = array<i64: 128, 128>}, {pipeline_mode = #tpu.pipeline_mode<synchronous>, transform_indices = @transform_4, window_bounds = array<i64: 1, 128>}, {transform_indices = @transform_5, window_bounds = array<i64: 512, 128>}]} {
    %get3A = arith.constant 0 : index
    %get3A_0 = arith.constant 0 : index
    %get3A_1 = vector.load %arg1[%get3A, %get3A_0] : memref<2x512xf32, #tpu.memory_space<vmem>>, vector<1x512xf32>
    %get3A_2 = vector.shape_cast %get3A_1 : vector<1x512xf32> to vector<512xf32>
    %get3A_3 = arith.constant 1 : index
    %get3A_4 = arith.constant 0 : index
    %get3A_5 = vector.load %arg1[%get3A_3, %get3A_4] : memref<2x512xf32, #tpu.memory_space<vmem>>, vector<1x512xf32>
    %get3A_6 = vector.shape_cast %get3A_5 : vector<1x512xf32> to vector<512xf32>
    %add3A = arith.addf %get3A_2, %get3A_6 : vector<512xf32>
    %add3A_7 = arith.constant 1.000000e+00 : f32
    %add3A_8 = vector.broadcast %add3A_7 : f32 to vector<512xf32>
    %add3A_9 = arith.addf %add3A, %add3A_8 : vector<512xf32>
    %rsqrt3A = math.rsqrt %add3A_9 : vector<512xf32>
    %get3A_10 = arith.constant 0 : index
    %get3A_11 = arith.constant 0 : index
    %get3A_12 = arith.constant 0 : index
    %get3A_13 = vector.load %arg2[%get3A_10, %get3A_11, %get3A_12] : memref<2x512x128xf32, #tpu.memory_space<vmem>>, vector<1x512x128xf32>
    %get3A_14 = vector.shape_cast %get3A_13 : vector<1x512x128xf32> to vector<512x128xf32>
    %get3A_15 = arith.constant 1 : index
    %get3A_16 = arith.constant 0 : index
    %get3A_17 = arith.constant 0 : index
    %get3A_18 = vector.load %arg2[%get3A_15, %get3A_16, %get3A_17] : memref<2x512x128xf32, #tpu.memory_space<vmem>>, vector<1x512x128xf32>
    %get3A_19 = vector.shape_cast %get3A_18 : vector<1x512x128xf32> to vector<512x128xf32>
    %add3A_20 = arith.addf %get3A_14, %get3A_19 : vector<512x128xf32>
    %get3A_21 = arith.constant 0 : index
    %get3A_22 = arith.constant 0 : index
    %get3A_23 = vector.load %arg3[%get3A_21, %get3A_22] : memref<512x128xf32, #tpu.memory_space<vmem>>, vector<512x128xf32>
    %add3A_24 = arith.addf %add3A_20, %get3A_23 : vector<512x128xf32>
    %broadcast_in_dim3A = vector.shape_cast %rsqrt3A : vector<512xf32> to vector<512x1xf32>
    %mul3A = vector.broadcast %broadcast_in_dim3A : vector<512x1xf32> to vector<512x128xf32>
    %mul3A_25 = arith.mulf %add3A_24, %mul3A : vector<512x128xf32>
    %get3A_26 = arith.constant 0 : index
    %get3A_27 = arith.constant 0 : index
    %get3A_28 = vector.load %arg5[%get3A_26, %get3A_27] : memref<1x128xf32, #tpu.memory_space<vmem>>, vector<1x128xf32>
    %add3A_29 = vector.broadcast %get3A_28 : vector<1x128xf32> to vector<512x128xf32>
    %add3A_30 = arith.addf %mul3A_25, %add3A_29 : vector<512x128xf32>
    %max3A = arith.constant 0.000000e+00 : f32
    %max3A_31 = vector.broadcast %max3A : f32 to vector<512x128xf32>
    %max3A_32 = arith.maximumf %add3A_30, %max3A_31 : vector<512x128xf32>
    %get3A_33 = arith.constant 0 : index
    %get3A_34 = arith.constant 0 : index
    %get3A_35 = vector.load %arg4[%get3A_33, %get3A_34] : memref<128x128xf32, #tpu.memory_space<vmem>>, vector<128x128xf32>
    %dot_general3A = arith.constant dense<0.000000e+00> : vector<512x128xf32>
    %dot_general3A_36 = tpu.matmul %max3A_32, %get3A_35, %dot_general3A {dimension_numbers = #tpu.dot_dimension_numbers<[1], [0], [0], [1], [0, 0, 1, 1], [], []>, transpose_lhs_hint = false} : vector<512x128xf32>, vector<128x128xf32>, vector<512x128xf32> -> vector<512x128xf32>
    %broadcast_in_dim3A_37 = vector.shape_cast %rsqrt3A : vector<512xf32> to vector<512x1xf32>
    %mul3A_38 = vector.broadcast %broadcast_in_dim3A_37 : vector<512x1xf32> to vector<512x128xf32>
    %mul3A_39 = arith.mulf %dot_general3A_36, %mul3A_38 : vector<512x128xf32>
    %swap3A = arith.constant 0 : index
    %swap3A_40 = arith.constant 0 : index
    %swap3A_41 = vector.load %arg6[%swap3A, %swap3A_40] : memref<512x128xf32, #tpu.memory_space<vmem>>, vector<512x128xf32>
    tpu.vector_store %arg6[%swap3A, %swap3A_40], %mul3A_39 {strides = array<i32>} : memref<512x128xf32, #tpu.memory_space<vmem>>, vector<512x128xf32>,
    return
  }
  func.func @transform_0(%arg0: i32) -> (i32, i32) {
    %c0_i32 = arith.constant 0 : i32
    %c0_i32_0 = arith.constant 0 : i32
    return %c0_i32, %arg0 : i32, i32
  }
  func.func @transform_1(%arg0: i32) -> (i32, i32, i32) {
    %c0_i32 = arith.constant 0 : i32
    %c0_i32_0 = arith.constant 0 : i32
    %c0_i32_1 = arith.constant 0 : i32
    return %c0_i32, %arg0, %c0_i32_0 : i32, i32, i32
  }
  func.func @transform_2(%arg0: i32) -> (i32, i32) {
    %c0_i32 = arith.constant 0 : i32
    %c0_i32_0 = arith.constant 0 : i32
    return %arg0, %c0_i32 : i32, i32
  }
  func.func @transform_3(%arg0: i32) -> (i32, i32) {
    %c0_i32 = arith.constant 0 : i32
    %c0_i32_0 = arith.constant 0 : i32
    %c0_i32_1 = arith.constant 0 : i32
    return %c0_i32, %c0_i32_0 : i32, i32
  }
  func.func @transform_4(%arg0: i32) -> (i32, i32) {
    %c0_i32 = arith.constant 0 : i32
    %c0_i32_0 = arith.constant 0 : i32
    %c0_i32_1 = arith.constant 0 : i32
    return %c0_i32, %c0_i32_0 : i32, i32
  }
  func.func @transform_5(%arg0: i32) -> (i32, i32) {
    %c0_i32 = arith.constant 0 : i32
    %c0_i32_0 = arith.constant 0 : i32
    return %arg0, %c0_i32 : i32, i32
  }
}

module attributes {stable_mosaic.version = 14 : i64} {
  func.func @_mm3_body(%arg0: i32, %arg1: memref<2x512xf32, #tpu.memory_space<vmem>>, %arg2: memref<2x512x128xf32, #tpu.memory_space<vmem>>, %arg3: memref<512x128xf32, #tpu.memory_space<vmem>>, %arg4: memref<1x128xf32, #tpu.memory_space<vmem>>, %arg5: memref<512x128xf32, #tpu.memory_space<vmem>>) attributes {dimension_semantics = [#tpu.dimension_semantics<arbitrary>], iteration_bounds = array<i64: 20>, scalar_prefetch = 0 : i64, scratch_operands = 0 : i64, tpu.core_type = #tpu.core_type<tc>, window_params = [{transform_indices = @transform_0, window_bounds = array<i64: 2, 512>}, {transform_indices = @transform_1, window_bounds = array<i64: 2, 512, 128>}, {transform_indices = @transform_2, window_bounds = array<i64: 512, 128>}, {pipeline_mode = #tpu.pipeline_mode<synchronous>, transform_indices = @transform_3, window_bounds = array<i64: 1, 128>}, {transform_indices = @transform_4, window_bounds = array<i64: 512, 128>}]} {
    %get3A = arith.constant 0 : index
    %get3A_0 = arith.constant 0 : index
    %get3A_1 = vector.load %arg1[%get3A, %get3A_0] : memref<2x512xf32, #tpu.memory_space<vmem>>, vector<1x512xf32>
    %get3A_2 = vector.shape_cast %get3A_1 : vector<1x512xf32> to vector<512xf32>
    %get3A_3 = arith.constant 1 : index
    %get3A_4 = arith.constant 0 : index
    %get3A_5 = vector.load %arg1[%get3A_3, %get3A_4] : memref<2x512xf32, #tpu.memory_space<vmem>>, vector<1x512xf32>
    %get3A_6 = vector.shape_cast %get3A_5 : vector<1x512xf32> to vector<512xf32>
    %add3A = arith.addf %get3A_2, %get3A_6 : vector<512xf32>
    %add3A_7 = arith.constant 1.000000e+00 : f32
    %add3A_8 = vector.broadcast %add3A_7 : f32 to vector<512xf32>
    %add3A_9 = arith.addf %add3A, %add3A_8 : vector<512xf32>
    %rsqrt3A = math.rsqrt %add3A_9 : vector<512xf32>
    %get3A_10 = arith.constant 0 : index
    %get3A_11 = arith.constant 0 : index
    %get3A_12 = arith.constant 0 : index
    %get3A_13 = vector.load %arg2[%get3A_10, %get3A_11, %get3A_12] : memref<2x512x128xf32, #tpu.memory_space<vmem>>, vector<1x512x128xf32>
    %get3A_14 = vector.shape_cast %get3A_13 : vector<1x512x128xf32> to vector<512x128xf32>
    %get3A_15 = arith.constant 1 : index
    %get3A_16 = arith.constant 0 : index
    %get3A_17 = arith.constant 0 : index
    %get3A_18 = vector.load %arg2[%get3A_15, %get3A_16, %get3A_17] : memref<2x512x128xf32, #tpu.memory_space<vmem>>, vector<1x512x128xf32>
    %get3A_19 = vector.shape_cast %get3A_18 : vector<1x512x128xf32> to vector<512x128xf32>
    %add3A_20 = arith.addf %get3A_14, %get3A_19 : vector<512x128xf32>
    %get3A_21 = arith.constant 0 : index
    %get3A_22 = arith.constant 0 : index
    %get3A_23 = vector.load %arg3[%get3A_21, %get3A_22] : memref<512x128xf32, #tpu.memory_space<vmem>>, vector<512x128xf32>
    %add3A_24 = arith.addf %add3A_20, %get3A_23 : vector<512x128xf32>
    %broadcast_in_dim3A = vector.shape_cast %rsqrt3A : vector<512xf32> to vector<512x1xf32>
    %mul3A = vector.broadcast %broadcast_in_dim3A : vector<512x1xf32> to vector<512x128xf32>
    %mul3A_25 = arith.mulf %add3A_24, %mul3A : vector<512x128xf32>
    %get3A_26 = arith.constant 0 : index
    %get3A_27 = arith.constant 0 : index
    %get3A_28 = vector.load %arg4[%get3A_26, %get3A_27] : memref<1x128xf32, #tpu.memory_space<vmem>>, vector<1x128xf32>
    %add3A_29 = vector.broadcast %get3A_28 : vector<1x128xf32> to vector<512x128xf32>
    %add3A_30 = arith.addf %mul3A_25, %add3A_29 : vector<512x128xf32>
    %swap3A = arith.constant 0 : index
    %swap3A_31 = arith.constant 0 : index
    %swap3A_32 = vector.load %arg5[%swap3A, %swap3A_31] : memref<512x128xf32, #tpu.memory_space<vmem>>, vector<512x128xf32>
    tpu.vector_store %arg5[%swap3A, %swap3A_31], %add3A_30 {strides = array<i32>} : memref<512x128xf32, #tpu.memory_space<vmem>>, vector<512x128xf32>,
    return
  }
  func.func @transform_0(%arg0: i32) -> (i32, i32) {
    %c0_i32 = arith.constant 0 : i32
    %c0_i32_0 = arith.constant 0 : i32
    return %c0_i32, %arg0 : i32, i32
  }
  func.func @transform_1(%arg0: i32) -> (i32, i32, i32) {
    %c0_i32 = arith.constant 0 : i32
    %c0_i32_0 = arith.constant 0 : i32
    %c0_i32_1 = arith.constant 0 : i32
    return %c0_i32, %arg0, %c0_i32_0 : i32, i32, i32
  }
  func.func @transform_2(%arg0: i32) -> (i32, i32) {
    %c0_i32 = arith.constant 0 : i32
    %c0_i32_0 = arith.constant 0 : i32
    return %arg0, %c0_i32 : i32, i32
  }
  func.func @transform_3(%arg0: i32) -> (i32, i32) {
    %c0_i32 = arith.constant 0 : i32
    %c0_i32_0 = arith.constant 0 : i32
    %c0_i32_1 = arith.constant 0 : i32
    return %c0_i32, %c0_i32_0 : i32, i32
  }
  func.func @transform_4(%arg0: i32) -> (i32, i32) {
    %c0_i32 = arith.constant 0 : i32
    %c0_i32_0 = arith.constant 0 : i32
    return %arg0, %c0_i32 : i32, i32
  }
}

</mosaic_0001>

<sc_bundles>
// kernel: kernel.11.cloned.1.call-start
scs
__scs_entry_jumppad:
0x0: {  	(pc) =	sbr.rel $0x88, $3  }
0x1: {  	(tag) =	ssettag $0x0;
	lr =	simm.s32 $0x1  }
0x2: {  	[smem:$0x3F9B] =	sst lr;
	_ =	strace $0xD0000000  }
0x3: {  	_ = 	snop  }
0x4: {  	_ = 	snop  }
0x5: {  	_ = 	snop  }
0x6: {  	_ = 	snop  }
0x7: {  	_ = 	snop  }
__scs_overlays_trampoline_lowered:
0x8: {  	[smem:$0x3FAA] =	sst s0  }
0x9: {  	[smem:$0x3FAB] =	sst s1  }
0xa: {  	[smem:$0x3FAC] =	sst s2  }
0xb: {  	[smem:$0x3FAD] =	sst s3  }
0xc: {  	[smem:$0x3FAE] =	sst s4  }
0xd: {  	[smem:$0x3FAF] =	sst s5  }
0xe: {  	[smem:$0x3FB0] =	sst s6  }
0xf: {  	[smem:$0x3FB1] =	sst s7  }
0x10: {  	[smem:$0x3FB2] =	sst s8  }
0x11: {  	[smem:$0x3FB3] =	sst s9;
	s0 =	simm.s32 @!p0 $0x0  }
0x12: {  	s1 =	sld [smem:$0x3F99];
	s0 =	simm.s32 @p0 $0x1  }
0x13: {  	[smem:$0x3FB4] =	sst s0;
	s0 =	simm.s32 @!p1 $0x0  }
0x14: {  	s2 =	sld [smem:$0x3F98];
	s0 =	simm.s32 @p1 $0x1  }
0x15: {  	[smem:$0x3FB5] =	sst s0;
	s0 =	simm.s32 @!p2 $0x0  }
0x16: {  	s3 =	sld [smem:$0x3FDB];
	s0 =	simm.s32 @p2 $0x1  }
0x17: {  	s4 =	simm.s32 $0x1BF5;
	[smem:$0x3FB7] =	sst s0  }
0x18: {  	s0 =	sld [smem:$0x3F9A];
	_ =	swait.ge [sflag:s4], $0x0  }
0x19: {  	s7 =	sld [smem:$0x3F9B]  }
0x1a: {  	s8 =	sadd.s32 $0xFFFFE003, lr  }
0x1b: {  	s9 =	sadd.s32 $0xFFFFFEF7, lr;
	s5 =	simm.s32 $0xFFFFFFFF;
	p2 =	slt.u32 s8, $0xFFFFF086  }
0x1c: {  	p1 =	slt.u32 s9, $0xF7A;
	s5 =	simm.s32 @!p2 $0x0  }
0x1d: {  	s5 =	simm.s32 @p1 $0x1;
	p0 =	seq.s32 s7, s2  }
0x1e: {  	s7 =	smul.u32 @!p0 $0xF7A, s2;
	p2 =	seq.s32 @!p0 s5, $0x0  }
0x1f: {  	s9 =	smul.u32 $0xF7A, s1;
	s8 =	simm.s32 @!p0 $0x1BF5;
	p2 =	por !p2, p0  }
0x20: {  	[sflag:s8] =	ssyncset.s32 @!p0 $0xFFFFF086;
	s6 =	sadd.s32 @!p0 s3, s7;
	s7 =	simm.s32 @!p0 $0x108  }
0x21: {  	s3 =	sadd.s32 s3, s9;
	s6 =	sadd.s32 @!p0 $0x88, s6;
	s7 =	simm.s32 @p2 $0x1082  }
0x22: {  	[simem:s7], [sflag:s8] =	dma.local @!p0 [hbm:s6], $0xF7A  }
0x23: {  	s9 =	sor.u32 $0xD0000000, s2;
	s6 =	simm.s32 $0x108;
	_ =	swait.ge @!p0 [sflag:s8], $0x0  }
0x24: {  	s3 =	sadd.s32 $0x88, s3;
	s6 =	simm.s32 @!p1 $0x1082;
	[sflag:s4] =	ssyncset.s32 $0xFFFFF086  }
0x25: {  	[simem:s6], [sflag:s4] =	dma.local [hbm:s3], $0xF7A  }
0x26: {  	[smem:$0x3F9B] =	sst s1;
	(tag) =	ssettag s2;
	_ =	strace s9  }
0x27: {  	s1 =	sld [smem:$0x3FAB]  }
0x28: {  	s2 =	sld [smem:$0x3FAC]  }
0x29: {  	s4 =	sld [smem:$0x3FAE]  }
0x2a: {  	p0 =	seq.s32 s5, $0x0;
	s5 =	sld [smem:$0x3FAF]  }
0x2b: {  	s6 =	sld [smem:$0x3FB0]  }
0x2c: {  	s7 =	sld [smem:$0x3FB1]  }
0x2d: {  	s3 =	simm.s32 $0x108;
	s8 =	sld [smem:$0x3FB2]  }
0x2e: {  	s3 =	simm.s32 @!p0 $0x1082;
	s9 =	sld [smem:$0x3FB3]  }
0x2f: {  	lr =	sadd.s32 s0, s3;
	s0 =	sld [smem:$0x3FAA]  }
0x30: {  	s3 =	sld [smem:$0x3FAD]  }
0x31: {  	[smem:$0x3FB6] =	sst s10  }
0x32: {  	s10 =	sld [smem:$0x3FB4];
	_ =	sdelay $0x3  }
0x33: {  	p0 =	seq.s32 s10, $0x1;
	s10 =	sld [smem:$0x3FB6];
	_ =	sdelay $0x3  }
0x34: {  	[smem:$0x3FB6] =	sst s10  }
0x35: {  	s10 =	sld [smem:$0x3FB5];
	_ =	sdelay $0x3  }
0x36: {  	p1 =	seq.s32 s10, $0x1;
	s10 =	sld [smem:$0x3FB6];
	_ =	sdelay $0x3  }
0x37: {  	[smem:$0x3FB6] =	sst s10  }
0x38: {  	s10 =	sld [smem:$0x3FB7]  }
0x39: {  	_ = 	snop;
	(pc) =	sbr.ind lr, $3  }
0x3a: {  	_ = 	snop  }
0x3b: {  	_ = 	snop  }
0x3c: {  	p2 =	seq.s32 s10, $0x1;
	s10 =	sld [smem:$0x3FB6]  }
0x3d: {  	_ =	shalt  }
0x3e: {  	_ =	shalt  }
0x3f: {  	_ =	shalt  }
0x40: {  	_ =	shalt  }
0x41: {  	_ =	shalt  }
0x42: {  	_ =	shalt  }
0x43: {  	_ =	shalt  }
0x44: {  	_ =	shalt  }
0x45: {  	_ =	shalt  }
0x46: {  	_ =	shalt  }
0x47: {  	_ =	shalt  }
0x48: {  	_ =	shalt  }
0x49: {  	_ =	shalt  }
0x4a: {  	_ =	shalt  }
0x4b: {  	_ =	shalt  }
0x4c: {  	_ =	shalt  }
0x4d: {  	_ =	shalt  }
0x4e: {  	_ =	shalt  }
0x4f: {  	_ =	shalt  }
0x50: {  	_ =	shalt  }
0x51: {  	_ =	shalt  }
0x52: {  	_ =	shalt  }
0x53: {  	_ =	shalt  }
0x54: {  	_ =	shalt  }
0x55: {  	_ =	shalt  }
0x56: {  	_ =	shalt  }
0x57: {  	_ =	shalt  }
0x58: {  	_ =	shalt  }
0x59: {  	_ =	shalt  }
0x5a: {  	_ =	shalt  }
0x5b: {  	_ =	shalt  }
0x5c: {  	_ =	shalt  }
0x5d: {  	_ =	shalt  }
0x5e: {  	_ =	shalt  }
0x5f: {  	_ =	shalt  }
0x60: {  	_ =	shalt  }
0x61: {  	_ =	shalt  }
0x62: {  	_ =	shalt  }
0x63: {  	_ =	shalt  }
0x64: {  	_ =	shalt  }
0x65: {  	_ =	shalt  }
0x66: {  	_ =	shalt  }
0x67: {  	_ =	shalt  }
0x68: {  	_ =	shalt  }
0x69: {  	_ =	shalt  }
0x6a: {  	_ =	shalt  }
0x6b: {  	_ =	shalt  }
0x6c: {  	_ =	shalt  }
0x6d: {  	_ =	shalt  }
0x6e: {  	_ =	shalt  }
0x6f: {  	_ =	shalt  }
0x70: {  	_ =	shalt  }
0x71: {  	_ =	shalt  }
0x72: {  	_ =	shalt  }
0x73: {  	_ =	shalt  }
0x74: {  	_ =	shalt  }
0x75: {  	_ =	shalt  }
0x76: {  	_ =	shalt  }
0x77: {  	_ =	shalt  }
0x78: {  	_ =	shalt  }
0x79: {  	_ =	shalt  }
0x7a: {  	_ =	shalt  }
0x7b: {  	_ =	shalt  }
0x7c: {  	_ =	shalt  }
0x7d: {  	_ =	shalt  }
0x7e: {  	_ =	shalt  }
0x7f: {  	_ =	shalt  }
0x80: {  	_ =	shalt  }
0x81: {  	_ =	shalt  }
0x82: {  	_ =	shalt  }
0x83: {  	_ =	shalt  }
0x84: {  	_ =	shalt  }
0x85: {  	_ =	shalt  }
0x86: {  	_ =	shalt  }
0x87: {  	_ =	shalt  }
.Lfunc_end0:
.L_simem_size_0:
called_computation.1_lowered:
.L_overlay_start_0:
0x88: {  	s2 =	sld [smem:$0x3FD9]  }
0x89: {  	s3 =	sld [smem:$0x3FFE];
	_ =	sdelay $0x1  }
0x8a: {  	s1 =	srdreg.scid  }
0x8b: {  	s0 =	sand.u32 $0x1, s1  }
0x8c: {  	s17 =	sshll.u32 s0, $0xA;
	s2 =	sadd.s32 s3, s2  }
0x8d: {  	s2 =	sadd.s32 s2, s17  }
0x8e: {  	[smem:$0x3FC2] =	sst s2  }
0x8f: {  	_ = 	snop  }
0x90: {  	s2 =	sld [smem:$0x3FD0];
	(tm) =	ssettm $0x1  }
0x91: {  	s18 =	sld [smem:$0x3FFB];
	_ =	sdelay $0x3  }
0x92: {  	_ =	strace s18  }
0x93: {  	s3 =	sld [smem:$0x3FFC];
	_ =	sdelay $0x3  }
0x94: {  	_ =	strace s3  }
0x95: {  	s3 =	sld [smem:$0x3FFD];
	_ =	sdelay $0x3  }
0x96: {  	_ =	strace s3  }
0x97: {  	_ =	strace $0x8FFFFFFF  }
0x98: {  	s19 =	sld [smem:$0x3FDB];
	_ =	sdelay $0x1  }
0x99: {  	s4 =	simm.s32 $_scs_section_size  }
0x9a: {  	s5 =	simm.s32 $_size__tile_overlayer_lowered;
	s6 =	simm.s32 $_tile_overlayer_lowered  }
0x9b: {  	s22 =	simm.s32 $0x1BFF;
	s21 =	sshll.u32 s6, $0x1;
	s3 =	sadd.s32 s4, s19  }
0x9c: {  	s7 =	simm.s32 $0x0;
	s20 =	sshll.u32 s5, $0x1;
	s5 =	sadd.s32 s21, s3  }
0x9d: {  	[timem:s7], [sflag:s22] =	dma.local [hbm:s5], s20  }
0x9e: {  	_ =	swait.ge [sflag:s22], s20  }
0x9f: {  	s4 =	ssub.s32 $0x0, s20;
	[sflag:s22] =	ssyncset.done $0x0  }
0xa0: {  	[sflag:s22] =	ssyncadd.s32 s4;
	_ =	sdelay $0x1  }
0xa1: {  	s23 =	simm.s32 $0x1B8B  }
0xa2: {  	_ =	swait.ge [sflag:s23], $0x1  }
0xa3: {  	[sflag:s23] =	ssyncset.done $0x0  }
0xa4: {  	s25 =	simm.s32 $0x1B8E;
	s24 =	sld [smem:$0x3FFE];
	[sflag:s23] =	ssyncadd.s32 $0xFFFFFFFF  }
0xa5: {  	s26 =	simm.s32 $execute0_lowered;
	[smem:$0x3FD2] =	sst s25  }
0xa6: {  	s5 =	sshll.u32 s26, $0x1;
	_ =	strace $0x80000049;
	[dreg:$0x1] =	wrdreg $0xFFFFFFFF  }
0xa7: {  	s28 =	simm.s32 $_size_execute0_lowered;
	s3 =	sadd.s32 s3, s5;
	[dreg:$0x0] =	wrdreg $0x0  }
0xa8: {  	s5 =	sshll.u32 s28, $0x1;
	[dreg:$0x2] =	wrdreg s3  }
0xa9: {  	[dreg:$0x3] =	wrdreg s5  }
0xaa: {  	[dreg:$0x4] =	wrdreg $0xC0  }
0xab: {  	_ =	task [dreg:s7], $0x5FFFF  }
0xac: {  	[dreg:$0x1] =	wrdreg $0xFFFFFFFF  }
0xad: {  	[dreg:$0x0] =	wrdreg $0x60  }
0xae: {  	[dreg:$0x2] =	wrdreg s24  }
0xaf: {  	[dreg:$0x3] =	wrdreg s2  }
0xb0: {  	[dreg:$0x4] =	wrdreg $0x88000  }
0xb1: {  	[dreg:$0x5] =	wrdreg $0x9  }
0xb2: {  	_ =	task.clear_ibuf [dreg:s7], $0x6FFFF;
	_ =	strace $0x90000049  }
0xb3: {  	s29 =	simm.s32 $0x9;
	_ =	strace $0x8000004B  }
0xb4: {  	_ =	swait.ge [sflag:s29], $0x1  }
0xb5: {  	[sflag:s29] =	ssyncadd.s32 $0xFFFFFFFF  }
0xb6: {  	_ =	strace $0x9000004B  }
0xb7: {  	_ =	sfence  }
0xb8: {  	s30 =	sld [smem:$0x0];
	_ =	sdelay $0x2  }
0xb9: {  	s31 =	sshll.u32 s1, $0xD;
	s1 =	sshrl.u32 s1, $0x2  }
0xba: {  	s3 =	sand.u32 $0x4000, s31;
	s1 =	sadd.s32 s1, s30  }
0xbb: {  	s0 =	sor.u32 s3, s0;
	s1 =	sshll.u32 s1, $0x11  }
0xbc: {  	s0 =	sor.u32 s1, s0  }
0xbd: {  	s0 =	sadd.s32 $0x8F2B, s0  }
0xbe: {  	[sflag:s0] =	ssyncadd.remote.s32 $0x1  }
0xbf: {  	_ =	sfence.sel $0xFFFF  }
0xc0: {  	[dreg:$0x0] =	wrdreg $0xFFFFFFFF;
	(pc) =	sbr.abs _section_cstart, $3  }
0xc1: {  	[dreg:$0x1] =	wrdreg $0xFFFFFFFF  }
0xc2: {  	_ =	task.clear_ibuf [dreg:s7], $0x2FFFF;
	_ =	strace $0x9FFFFFFF  }
0xc3: {  	(tm) =	ssettm $0x7FFFFFFF  }
tec
execute0_lowered:
.L_overlay_start_1:
0x0: {  	(tag) =	ssettag $0x1  }
0x1: {  	s0 =	rddreg [dreg:$0x0]  }
0x2: {  	s1 =	rddreg [dreg:$0x1]  }
0x3: {  	s2 =	rddreg [dreg:$0x2];
	s4 =	simm.s32 $0x0;
	s13 =	stileid.u32  }
0x4: {  	s3 =	srdreg.scid;
	s14 =	simm.s32 $0x100;
	s8 =	smul.u32 $0x14000, s13  }
0x5: {  	[smem:$0x7FF] =	sst s4;
	s3 =	sand.u32 $0x1, s3;
	s9 =	smul.u32 $0x50000, s13  }
0x6: {  	s5 =	sadd.s32 $0x16E00, s0;
	s6 =	sadd.s32 $0x2E00, s0;
	s10 =	smul.u32 $0x140, s13  }
0x7: {  	s17 =	sshll.u32 s13, $0x1;
	s7 =	smul.u32 $0x140000, s3;
	_ =	strace $0x8000004A  }
0x8: {  	s15 =	ssub.s32 $0x2, s3;
	s12 =	smul.u32 $0xA0, s3;
	s3 =	sor.u32 s3, s17  }
0x9: {  	[dreg:$0x7] =	wrdreg s14;
	s11 =	sshrl.u32 s15, $0x1;
	s3 =	smul.u32 $0xA00, s3  }
0xa: {  	s7 =	sadd.s32 s8, s7;
	s10 =	sadd.s32 s12, s10;
	s12 =	simm.s32 $0x80  }
0xb: {  	s8 =	ssub.s32 s15, s11;
	s15 =	simm.s32 $0x180;
	[dreg:$0x6] =	wrdreg s12  }
0xc: {  	s16 =	sshrl.u32 s9, $0x2;
	[dreg:$0x8] =	wrdreg s15;
	s17 =	sadd.s32 s6, s3  }
0xd: {  	s7 =	sshrl.u32 s7, $0x3;
	s3 =	sadd.s32 s1, s3;
	[dreg:$0x1c] =	wrdreg s17  }
0xe: {  	s0 =	sadd.s32 s7, s0;
	s7 =	sadd.s32 s16, s2;
	[dreg:$0x1d] =	wrdreg s3  }
0xf: {  	s19 =	sshll.u32 s10, $0x4;
	s16 =	simm.s32 $0x480;
	[dreg:$0x12] =	wrdreg s7  }
0x10: {  	s9 =	sor.u32 $0x40, s19;
	s19 =	simm.s32 $0x580;
	[dreg:$0x9] =	wrdreg s16  }
0x11: {  	s18 =	sadd.s32 $0x2000, s7;
	[dreg:$0xb] =	wrdreg s19  }
0x12: {  	s20 =	sadd.s32 $0x4000, s7;
	[dreg:$0x13] =	wrdreg s18  }
0x13: {  	s21 =	sadd.s32 $0x6000, s7;
	[dreg:$0x14] =	wrdreg s20  }
0x14: {  	s22 =	sadd.s32 $0x8000, s7;
	[dreg:$0x15] =	wrdreg s21  }
0x15: {  	s23 =	sadd.s32 $0xA000, s7;
	[dreg:$0x16] =	wrdreg s22  }
0x16: {  	s28 =	simm.s32 $0x40;
	s25 =	sadd.s32 $0xC000, s7;
	[dreg:$0x17] =	wrdreg s23  }
0x17: {  	s29 =	simm.s32 $0x600;
	s24 =	sadd.s32 s9, s6;
	[dreg:$0x18] =	wrdreg s25  }
0x18: {  	s30 =	simm.s32 $0x2800;
	s26 =	sadd.s32 $0xE000, s7;
	[dreg:$0x4] =	wrdreg s24  }
0x19: {  	s31 =	simm.s32 $0x4800;
	s9 =	sadd.s32 s9, s1;
	[dreg:$0x19] =	wrdreg s26  }
0x1a: {  	s14 =	simm.s32 $0x2;
	s13 =	sadd.s32 $0x10000, s7;
	[dreg:$0x5] =	wrdreg s9  }
0x1b: {  	s11 =	simm.s32 $0x9;
	s7 =	sadd.s32 $0x12000, s7;
	[dreg:$0x1a] =	wrdreg s13  }
0x1c: {  	s12 =	simm.s32 $0xA;
	s0 =	sadd.s32 $0x3EE00, s0;
	[dreg:$0x1b] =	wrdreg s7  }
0x1d: {  	s3 =	simm.s32 $0x400;
	s18 =	simm.s32 $0x500;
	[dreg:$0x1e] =	wrdreg s0  }
0x1e: {  	s16 =	simm.s32 $0x0;
	s21 =	smax.u32 s8, $0x1;
	[dreg:$0xa] =	wrdreg s18  }
0x1f: {  	s20 =	simm.s32 $0x280;
	s22 =	simm.s32 $0x300;
	[dreg:$0x1f] =	wrdreg s21  }
0x20: {  	s23 =	simm.s32 $0x380;
	s24 =	simm.s32 $0x680;
	[dreg:$0xc] =	wrdreg s20  }
0x21: {  	s25 =	simm.s32 $0x700;
	s26 =	simm.s32 $0x780;
	[dreg:$0xd] =	wrdreg s22  }
0x22: {  	s0 =	simm.s32 $0x6800;
	s8 =	simm.s32 $0x1;
	[dreg:$0xe] =	wrdreg s23  }
0x23: {  	s9 =	simm.s32 $0x7;
	s13 =	simm.s32 $0x200;
	[dreg:$0xf] =	wrdreg s24  }
0x24: {  	v4 =	vlaneseq.u32;
	s18 =	sor.u32 $0x8, s10;
	s22 =	simm.s32 $0x800;
	[dreg:$0x10] =	wrdreg s25  }
0x25: {  	v0 =	vimm.f32 $0.0e+00;
	v1 =	vor.u32 $0x2710, v4;
	s23 =	simm.s32 $0x3;
	s24 =	simm.s32 $0x4;
	[dreg:$0x11] =	wrdreg s26  }
0x26: {  	v2 =	vor.u32 $0x2720, v4;
	v3 =	vor.u32 $0x2730, v4;
	v4 =	vor.u32 $0x2740, v4;
	s25 =	simm.s32 $0x5;
	s26 =	simm.s32 $0x6;
	s10 =	simm.s32 $0x8  }
.LBB2_1:
0x27: {  	s17 =	sand.u32 $0x7E00, s4  }
0x28: {  	s19 =	sand.u32 $0x70, s4;
	s21 =	sshrl.u32 s17, $0x2  }
0x29: {  	s17 =	simm.s32 $0x40;
	s19 =	sor.u32 s19, s21;
	s21 =	simm.s32 $0x0  }
.LBB2_2:
0x2a: {  	p0 =	sne.s32 s17, $0x7FC0  }
0x2b: {  	[tilespmem:s19+$0x800] =	vst v0;
	s21 =	sadd.s32 $0x10, s21;
	s19 =	smov.u32 s17;
	s17 =	sadd.s32 $0x40, s17  }
.Ltmp0:
0x2c: {  	(pc) =	sbr.rel @p0 .LBB2_2-.Ltmp0, $4  }
0x2d: {  	_ = 	snop  }
0x2e: {  	s19 =	sand.u32 $0x7E00, s19  }
0x2f: {  	s20 =	sand.u32 $0x70, s21;
	s19 =	sshrl.u32 s19, $0x2  }
0x30: {  	s19 =	sor.u32 s20, s19  }
0x31: {  	[tilespmem:s19+$0x800] =	vst v0;
	s7 =	rddreg [dreg:$0x12]  }
0x32: {  	[spmem:s7] =	stream.linear.scatter [tilespmem:s22], [sflag:$0x3], $0x2000, $0x38;
	[tilespmem:$0x1C800] =	vst v63  }
0x33: {  	s21 =	rddreg [dreg:$0x13]  }
0x34: {  	[spmem:s21] =	stream.linear.scatter [tilespmem:s22], [sflag:$0x4], $0x2000, $0x38;
	[tilespmem:$0x1C800] =	vst v63  }
0x35: {  	s15 =	rddreg [dreg:$0x14]  }
0x36: {  	[spmem:s15] =	stream.linear.scatter [tilespmem:s22], [sflag:$0x5], $0x2000, $0x38;
	[tilespmem:$0x1C800] =	vst v63  }
0x37: {  	s17 =	rddreg [dreg:$0x15]  }
0x38: {  	[spmem:s17] =	stream.linear.scatter [tilespmem:s22], [sflag:$0x6], $0x2000, $0x38;
	[tilespmem:$0x1C800] =	vst v63  }
0x39: {  	s19 =	rddreg [dreg:$0x16]  }
0x3a: {  	[spmem:s19] =	stream.linear.scatter [tilespmem:s22], [sflag:$0x3], $0x2000, $0x38;
	[tilespmem:$0x1C800] =	vst v63  }
0x3b: {  	s20 =	rddreg [dreg:$0x17]  }
0x3c: {  	[spmem:s20] =	stream.linear.scatter [tilespmem:s22], [sflag:$0x4], $0x2000, $0x38;
	[tilespmem:$0x1C800] =	vst v63  }
0x3d: {  	s21 =	rddreg [dreg:$0x18]  }
0x3e: {  	[spmem:s21] =	stream.linear.scatter [tilespmem:s22], [sflag:$0x5], $0x2000, $0x38;
	[tilespmem:$0x1C800] =	vst v63  }
0x3f: {  	s15 =	rddreg [dreg:$0x19]  }
0x40: {  	[spmem:s15] =	stream.linear.scatter [tilespmem:s22], [sflag:$0x6], $0x2000, $0x38;
	[tilespmem:$0x1C800] =	vst v63  }
0x41: {  	s17 =	rddreg [dreg:$0x1a]  }
0x42: {  	[spmem:s17] =	stream.linear.scatter [tilespmem:s22], [sflag:$0x3], $0x2000, $0x38;
	[tilespmem:$0x1C800] =	vst v63  }
0x43: {  	s19 =	rddreg [dreg:$0x1b]  }
0x44: {  	[spmem:s19] =	stream.linear.scatter [tilespmem:s22], [sflag:$0x4], $0x2000, $0x38;
	[tilespmem:$0x1C800] =	vst v63  }
0x45: {  	_ =	swait.ge [sflag:s23], $0x2000  }
0x46: {  	[sflag:s23] =	ssyncset.done $0x0  }
0x47: {  	[sflag:s23] =	ssyncadd.s32 $0xFFFFE000  }
0x48: {  	_ =	swait.ge [sflag:s24], $0x2000  }
0x49: {  	[sflag:s24] =	ssyncset.done $0x0  }
0x4a: {  	[sflag:s24] =	ssyncadd.s32 $0xFFFFE000  }
0x4b: {  	_ =	swait.ge [sflag:s25], $0x2000  }
0x4c: {  	[sflag:s25] =	ssyncset.done $0x0  }
0x4d: {  	[sflag:s25] =	ssyncadd.s32 $0xFFFFE000  }
0x4e: {  	_ =	swait.ge [sflag:s26], $0x2000  }
0x4f: {  	[sflag:s26] =	ssyncset.done $0x0  }
0x50: {  	[sflag:s26] =	ssyncadd.s32 $0xFFFFE000  }
0x51: {  	_ =	swait.ge [sflag:s23], $0x2000  }
0x52: {  	[sflag:s23] =	ssyncset.done $0x0  }
0x53: {  	[sflag:s23] =	ssyncadd.s32 $0xFFFFE000  }
0x54: {  	_ =	swait.ge [sflag:s24], $0x2000  }
0x55: {  	[sflag:s24] =	ssyncset.done $0x0  }
0x56: {  	[sflag:s24] =	ssyncadd.s32 $0xFFFFE000  }
0x57: {  	_ =	swait.ge [sflag:s25], $0x2000  }
0x58: {  	[sflag:s25] =	ssyncset.done $0x0  }
0x59: {  	[sflag:s25] =	ssyncadd.s32 $0xFFFFE000  }
0x5a: {  	_ =	swait.ge [sflag:s26], $0x2000  }
0x5b: {  	[sflag:s26] =	ssyncset.done $0x0  }
0x5c: {  	[sflag:s26] =	ssyncadd.s32 $0xFFFFE000  }
0x5d: {  	_ =	swait.ge [sflag:s23], $0x2000  }
0x5e: {  	[sflag:s23] =	ssyncset.done $0x0  }
0x5f: {  	[sflag:s23] =	ssyncadd.s32 $0xFFFFE000  }
0x60: {  	_ =	swait.ge [sflag:s24], $0x2000  }
0x61: {  	[sflag:s24] =	ssyncset.done $0x0  }
0x62: {  	[sflag:s24] =	ssyncadd.s32 $0xFFFFE000  }
0x63: {  	[tilespmem:$0x600] =	vst v1  }
0x64: {  	[tilespmem:$0x610] =	vst v2  }
0x65: {  	[tilespmem:$0x620] =	vst v3  }
0x66: {  	[tilespmem:$0x630] =	vst v4  }
0x67: {  	[bflag:$0x0] =	sbarrier.arrive $0xFFFF  }
0x68: {  	[spmem:s2] =	stream.indirect.scatter.add.f32 [tilespmem:s22], [sflag:$0x7], $0x80, s29, s28, $0xb8;
	[tilespmem:$0x1C800] =	vst v63  }
0x69: {  	_ = 	snop  }
0x6a: {  	[spmem:s2] =	stream.indirect.scatter.add.f32 [tilespmem:s30], [sflag:$0x8], $0x80, s29, s28, $0xb8;
	[tilespmem:$0x1C800] =	vst v63  }
0x6b: {  	_ = 	snop  }
0x6c: {  	[spmem:s2] =	stream.indirect.scatter.add.f32 [tilespmem:s31], [sflag:$0x9], $0x80, s29, s28, $0xb8;
	[tilespmem:$0x1C800] =	vst v63  }
0x6d: {  	_ = 	snop  }
0x6e: {  	[spmem:s2] =	stream.indirect.scatter.add.f32 [tilespmem:s0], [sflag:$0xA], $0x80, s29, s28, $0xb8;
	[tilespmem:$0x1C800] =	vst v63  }
0x6f: {  	s17 =	simm.s32 $0x0;
	s20 =	rddreg [dreg:$0x1c]  }
0x70: {  	[tilespmem:s17], [sflag:$0x1] =	stream.linear.gather [hbm4b:s20+s17], $0x200, $0x38;
	[tilespmem:$0x1C800] =	vst v63  }
0x71: {  	s21 =	rddreg [dreg:$0x1d]  }
0x72: {  	[tilespmem:s3], [sflag:$0x1] =	stream.linear.gather [hbm4b:s21+s17], $0x200, $0x38;
	[tilespmem:$0x1C800] =	vst v63  }
0x73: {  	_ =	swait.ge [sflag:s8], $0x200  }
0x74: {  	[sflag:s8] =	ssyncset.done $0x0  }
0x75: {  	[sflag:s8] =	ssyncadd.s32 $0xFFFFFE00  }
0x76: {  	_ =	swait.ge [sflag:s8], $0x200  }
0x77: {  	[sflag:s8] =	ssyncset.done $0x0  }
0x78: {  	[sflag:s8] =	ssyncadd.s32 $0xFFFFFE00  }
0x79: {  	_ =	swait.ge [sflag:s9], $0x2000  }
0x7a: {  	[sflag:s9] =	ssyncset.done $0x0  }
0x7b: {  	[sflag:s9] =	ssyncadd.s32 $0xFFFFE000  }
0x7c: {  	[tilespmem:s22], [sflag:$0x3] =	stream.indirect.gather [hbm4b:s5+s28], $0x80, s4, s28, $0xb8;
	[tilespmem:$0x1C800] =	vst v63  }
0x7d: {  	_ =	swait.ge [sflag:s10], $0x2000  }
0x7e: {  	[sflag:s10] =	ssyncset.done $0x0  }
0x7f: {  	s7 =	rddreg [dreg:$0x6];
	[sflag:s10] =	ssyncadd.s32 $0xFFFFE000  }
0x80: {  	[tilespmem:s30], [sflag:$0x4] =	stream.indirect.gather [hbm4b:s5+s28], $0x80, s7, s28, $0xb8;
	[tilespmem:$0x1C800] =	vst v63  }
0x81: {  	_ =	swait.ge [sflag:s11], $0x2000  }
0x82: {  	[sflag:s11] =	ssyncset.done $0x0  }
0x83: {  	s15 =	rddreg [dreg:$0x7];
	[sflag:s11] =	ssyncadd.s32 $0xFFFFE000  }
0x84: {  	[tilespmem:s31], [sflag:$0x5] =	stream.indirect.gather [hbm4b:s5+s28], $0x80, s15, s28, $0xb8;
	[tilespmem:$0x1C800] =	vst v63  }
0x85: {  	_ =	swait.ge [sflag:s12], $0x2000  }
0x86: {  	s19 =	rddreg [dreg:$0x8];
	[sflag:s12] =	ssyncset.done $0x0  }
0x87: {  	s20 =	rddreg [dreg:$0x4];
	[sflag:s12] =	ssyncadd.s32 $0xFFFFE000  }
0x88: {  	[tilespmem:s0], [sflag:$0x6] =	stream.indirect.gather [hbm4b:s5+s28], $0x80, s19, s28, $0xb8;
	[tilespmem:$0x1C800] =	vst v63  }
0x89: {  	s21 =	rddreg [dreg:$0x5];
	s19 =	sadd.s32 $0x0, s20  }
0x8a: {  	[tilespmem:s13], [sflag:$0x2] =	stream.linear.gather [hbm4b:s19+s4], $0x200, $0x38;
	[tilespmem:$0x1C800] =	vst v63  }
0x8b: {  	s17 =	sadd.s32 $0x0, s21  }
0x8c: {  	[tilespmem:s29], [sflag:$0x2] =	stream.linear.gather [hbm4b:s17+s4], $0x200, $0x38;
	[tilespmem:$0x1C800] =	vst v63  }
0x8d: {  	_ =	swait.ge [sflag:s23], $0x2000  }
0x8e: {  	[sflag:s23] =	ssyncset.done $0x0  }
0x8f: {  	[sflag:s23] =	ssyncadd.s32 $0xFFFFE000  }
0x90: {  	[spmem:s2] =	stream.indirect.scatter.add.f32 [tilespmem:s22], [sflag:$0x7], $0x80, s3, s28, $0xb8;
	[tilespmem:$0x1C800] =	vst v63  }
0x91: {  	_ =	swait.ge [sflag:s24], $0x2000  }
0x92: {  	[sflag:s24] =	ssyncset.done $0x0  }
0x93: {  	s7 =	rddreg [dreg:$0x9];
	[sflag:s24] =	ssyncadd.s32 $0xFFFFE000  }
0x94: {  	[spmem:s2] =	stream.indirect.scatter.add.f32 [tilespmem:s30], [sflag:$0x8], $0x80, s7, s28, $0xb8;
	[tilespmem:$0x1C800] =	vst v63  }
0x95: {  	_ =	swait.ge [sflag:s25], $0x2000  }
0x96: {  	[sflag:s25] =	ssyncset.done $0x0  }
0x97: {  	s15 =	rddreg [dreg:$0xa];
	[sflag:s25] =	ssyncadd.s32 $0xFFFFE000  }
0x98: {  	[spmem:s2] =	stream.indirect.scatter.add.f32 [tilespmem:s31], [sflag:$0x9], $0x80, s15, s28, $0xb8;
	[tilespmem:$0x1C800] =	vst v63  }
0x99: {  	_ =	swait.ge [sflag:s26], $0x2000  }
0x9a: {  	[sflag:s26] =	ssyncset.done $0x0  }
0x9b: {  	s19 =	rddreg [dreg:$0xb];
	[sflag:s26] =	ssyncadd.s32 $0xFFFFE000  }
0x9c: {  	[spmem:s2] =	stream.indirect.scatter.add.f32 [tilespmem:s0], [sflag:$0xA], $0x80, s19, s28, $0xb8;
	[tilespmem:$0x1C800] =	vst v63  }
0x9d: {  	_ =	swait.ge [sflag:s14], $0x200  }
0x9e: {  	[sflag:s14] =	ssyncset.done $0x0  }
0x9f: {  	[sflag:s14] =	ssyncadd.s32 $0xFFFFFE00  }
0xa0: {  	_ =	swait.ge [sflag:s14], $0x200  }
0xa1: {  	[sflag:s14] =	ssyncset.done $0x0  }
0xa2: {  	[sflag:s14] =	ssyncadd.s32 $0xFFFFFE00  }
0xa3: {  	_ =	swait.ge [sflag:s9], $0x2000  }
0xa4: {  	[sflag:s9] =	ssyncset.done $0x0  }
0xa5: {  	[sflag:s9] =	ssyncadd.s32 $0xFFFFE000  }
0xa6: {  	[tilespmem:s22], [sflag:$0x3] =	stream.indirect.gather [hbm4b:s5+s28], $0x80, s13, s28, $0xb8;
	[tilespmem:$0x1C800] =	vst v63  }
0xa7: {  	_ =	swait.ge [sflag:s10], $0x2000  }
0xa8: {  	[sflag:s10] =	ssyncset.done $0x0  }
0xa9: {  	s20 =	rddreg [dreg:$0xc];
	[sflag:s10] =	ssyncadd.s32 $0xFFFFE000  }
0xaa: {  	[tilespmem:s30], [sflag:$0x4] =	stream.indirect.gather [hbm4b:s5+s28], $0x80, s20, s28, $0xb8;
	[tilespmem:$0x1C800] =	vst v63  }
0xab: {  	_ =	swait.ge [sflag:s11], $0x2000  }
0xac: {  	[sflag:s11] =	ssyncset.done $0x0  }
0xad: {  	s21 =	rddreg [dreg:$0xd];
	[sflag:s11] =	ssyncadd.s32 $0xFFFFE000  }
0xae: {  	[tilespmem:s31], [sflag:$0x5] =	stream.indirect.gather [hbm4b:s5+s28], $0x80, s21, s28, $0xb8;
	[tilespmem:$0x1C800] =	vst v63  }
0xaf: {  	p0 =	slt.s32 s18, $0x13FC;
	s19 =	smov.u32 s18;
	_ =	swait.ge [sflag:s12], $0x2000  }
0xb0: {  	s19 =	simm.s32 @!p0 $0x13FC;
	[sflag:s12] =	ssyncset.done $0x0  }
0xb1: {  	s15 =	sshll.u32 s19, $0x4;
	s7 =	rddreg [dreg:$0xe];
	[sflag:s12] =	ssyncadd.s32 $0xFFFFE000  }
0xb2: {  	[tilespmem:s0], [sflag:$0x6] =	stream.indirect.gather [hbm4b:s5+s28], $0x80, s7, s28, $0xb8;
	[tilespmem:$0x1C800] =	vst v63  }
0xb3: {  	s19 =	sadd.s32 s6, s15  }
0xb4: {  	[tilespmem:s4], [sflag:$0x1] =	stream.linear.gather [hbm4b:s19+s4], $0x200, $0x38;
	[tilespmem:$0x1C800] =	vst v63  }
0xb5: {  	s17 =	sadd.s32 s1, s15  }
0xb6: {  	[tilespmem:s3], [sflag:$0x1] =	stream.linear.gather [hbm4b:s17+s4], $0x200, $0x38;
	[tilespmem:$0x1C800] =	vst v63  }
0xb7: {  	_ =	swait.ge [sflag:s23], $0x2000  }
0xb8: {  	[sflag:s23] =	ssyncset.done $0x0  }
0xb9: {  	[sflag:s23] =	ssyncadd.s32 $0xFFFFE000  }
0xba: {  	[spmem:s2] =	stream.indirect.scatter.add.f32 [tilespmem:s22], [sflag:$0x7], $0x80, s29, s28, $0xb8;
	[tilespmem:$0x1C800] =	vst v63  }
0xbb: {  	_ =	swait.ge [sflag:s24], $0x2000  }
0xbc: {  	[sflag:s24] =	ssyncset.done $0x0  }
0xbd: {  	s19 =	rddreg [dreg:$0xf];
	[sflag:s24] =	ssyncadd.s32 $0xFFFFE000  }
0xbe: {  	[spmem:s2] =	stream.indirect.scatter.add.f32 [tilespmem:s30], [sflag:$0x8], $0x80, s19, s28, $0xb8;
	[tilespmem:$0x1C800] =	vst v63  }
0xbf: {  	_ =	swait.ge [sflag:s25], $0x2000  }
0xc0: {  	[sflag:s25] =	ssyncset.done $0x0  }
0xc1: {  	s20 =	rddreg [dreg:$0x10];
	[sflag:s25] =	ssyncadd.s32 $0xFFFFE000  }
0xc2: {  	[spmem:s2] =	stream.indirect.scatter.add.f32 [tilespmem:s31], [sflag:$0x9], $0x80, s20, s28, $0xb8;
	[tilespmem:$0x1C800] =	vst v63  }
0xc3: {  	_ =	swait.ge [sflag:s26], $0x2000  }
0xc4: {  	[sflag:s26] =	ssyncset.done $0x0  }
0xc5: {  	s21 =	rddreg [dreg:$0x11];
	[sflag:s26] =	ssyncadd.s32 $0xFFFFE000  }
0xc6: {  	[spmem:s2] =	stream.indirect.scatter.add.f32 [tilespmem:s0], [sflag:$0xA], $0x80, s21, s28, $0xb8;
	[tilespmem:$0x1C800] =	vst v63  }
0xc7: {  	_ =	swait.ge [sflag:s8], $0x200  }
0xc8: {  	[sflag:s8] =	ssyncset.done $0x0  }
0xc9: {  	[sflag:s8] =	ssyncadd.s32 $0xFFFFFE00  }
0xca: {  	s17 =	simm.s32 $0x80;
	s21 =	smov.u32 s18;
	_ =	swait.ge [sflag:s8], $0x200  }
.LBB2_4:
0xcb: {  	[sflag:s8] =	ssyncset.done $0x0  }
0xcc: {  	[sflag:s8] =	ssyncadd.s32 $0xFFFFFE00  }
0xcd: {  	_ =	swait.ge [sflag:s9], $0x2000  }
0xce: {  	[sflag:s9] =	ssyncset.done $0x0  }
0xcf: {  	[sflag:s9] =	ssyncadd.s32 $0xFFFFE000  }
0xd0: {  	[tilespmem:s22], [sflag:$0x3] =	stream.indirect.gather [hbm4b:s5+s28], $0x80, s4, s28, $0xb8;
	[tilespmem:$0x1C800] =	vst v63  }
0xd1: {  	_ =	swait.ge [sflag:s10], $0x2000  }
0xd2: {  	[sflag:s10] =	ssyncset.done $0x0  }
0xd3: {  	s20 =	rddreg [dreg:$0x6];
	[sflag:s10] =	ssyncadd.s32 $0xFFFFE000  }
0xd4: {  	[tilespmem:s30], [sflag:$0x4] =	stream.indirect.gather [hbm4b:s5+s28], $0x80, s20, s28, $0xb8;
	[tilespmem:$0x1C800] =	vst v63  }
0xd5: {  	_ =	swait.ge [sflag:s11], $0x2000  }
0xd6: {  	[sflag:s11] =	ssyncset.done $0x0  }
0xd7: {  	s15 =	rddreg [dreg:$0x7];
	[sflag:s11] =	ssyncadd.s32 $0xFFFFE000  }
0xd8: {  	[tilespmem:s31], [sflag:$0x5] =	stream.indirect.gather [hbm4b:s5+s28], $0x80, s15, s28, $0xb8;
	[tilespmem:$0x1C800] =	vst v63  }
0xd9: {  	_ =	swait.ge [sflag:s12], $0x2000  }
0xda: {  	s20 =	rddreg [dreg:$0x8];
	[sflag:s12] =	ssyncset.done $0x0  }
0xdb: {  	s19 =	smov.u32 s17;
	s15 =	rddreg [dreg:$0x4];
	[sflag:s12] =	ssyncadd.s32 $0xFFFFE000  }
0xdc: {  	[tilespmem:s0], [sflag:$0x6] =	stream.indirect.gather [hbm4b:s5+s28], $0x80, s20, s28, $0xb8;
	[tilespmem:$0x1C800] =	vst v63  }
0xdd: {  	s7 =	rddreg [dreg:$0x5];
	s15 =	sadd.s32 s19, s15  }
0xde: {  	[tilespmem:s13], [sflag:$0x2] =	stream.linear.gather [hbm4b:s15+s4], $0x200, $0x38;
	[tilespmem:$0x1C800] =	vst v63  }
0xdf: {  	s7 =	sadd.s32 s19, s7  }
0xe0: {  	[tilespmem:s29], [sflag:$0x2] =	stream.linear.gather [hbm4b:s7+s4], $0x200, $0x38;
	[tilespmem:$0x1C800] =	vst v63  }
0xe1: {  	_ =	swait.ge [sflag:s23], $0x2000  }
0xe2: {  	[sflag:s23] =	ssyncset.done $0x0  }
0xe3: {  	[sflag:s23] =	ssyncadd.s32 $0xFFFFE000  }
0xe4: {  	[spmem:s2] =	stream.indirect.scatter.add.f32 [tilespmem:s22], [sflag:$0x7], $0x80, s3, s28, $0xb8;
	[tilespmem:$0x1C800] =	vst v63  }
0xe5: {  	_ =	swait.ge [sflag:s24], $0x2000  }
0xe6: {  	[sflag:s24] =	ssyncset.done $0x0  }
0xe7: {  	s20 =	rddreg [dreg:$0x9];
	[sflag:s24] =	ssyncadd.s32 $0xFFFFE000  }
0xe8: {  	[spmem:s2] =	stream.indirect.scatter.add.f32 [tilespmem:s30], [sflag:$0x8], $0x80, s20, s28, $0xb8;
	[tilespmem:$0x1C800] =	vst v63  }
0xe9: {  	_ =	swait.ge [sflag:s25], $0x2000  }
0xea: {  	[sflag:s25] =	ssyncset.done $0x0  }
0xeb: {  	s15 =	rddreg [dreg:$0xa];
	[sflag:s25] =	ssyncadd.s32 $0xFFFFE000  }
0xec: {  	[spmem:s2] =	stream.indirect.scatter.add.f32 [tilespmem:s31], [sflag:$0x9], $0x80, s15, s28, $0xb8;
	[tilespmem:$0x1C800] =	vst v63  }
0xed: {  	_ =	swait.ge [sflag:s26], $0x2000  }
0xee: {  	[sflag:s26] =	ssyncset.done $0x0  }
0xef: {  	s19 =	rddreg [dreg:$0xb];
	[sflag:s26] =	ssyncadd.s32 $0xFFFFE000  }
0xf0: {  	[spmem:s2] =	stream.indirect.scatter.add.f32 [tilespmem:s0], [sflag:$0xA], $0x80, s19, s28, $0xb8;
	[tilespmem:$0x1C800] =	vst v63  }
0xf1: {  	_ =	swait.ge [sflag:s14], $0x200  }
0xf2: {  	[sflag:s14] =	ssyncset.done $0x0  }
0xf3: {  	[sflag:s14] =	ssyncadd.s32 $0xFFFFFE00  }
0xf4: {  	_ =	swait.ge [sflag:s14], $0x200  }
0xf5: {  	[sflag:s14] =	ssyncset.done $0x0  }
0xf6: {  	[sflag:s14] =	ssyncadd.s32 $0xFFFFFE00  }
0xf7: {  	_ =	swait.ge [sflag:s9], $0x2000  }
0xf8: {  	[sflag:s9] =	ssyncset.done $0x0  }
0xf9: {  	[sflag:s9] =	ssyncadd.s32 $0xFFFFE000  }
0xfa: {  	[tilespmem:s22], [sflag:$0x3] =	stream.indirect.gather [hbm4b:s5+s28], $0x80, s13, s28, $0xb8;
	[tilespmem:$0x1C800] =	vst v63  }
0xfb: {  	_ =	swait.ge [sflag:s10], $0x2000  }
0xfc: {  	[sflag:s10] =	ssyncset.done $0x0  }
0xfd: {  	s20 =	rddreg [dreg:$0xc];
	[sflag:s10] =	ssyncadd.s32 $0xFFFFE000  }
0xfe: {  	[tilespmem:s30], [sflag:$0x4] =	stream.indirect.gather [hbm4b:s5+s28], $0x80, s20, s28, $0xb8;
	[tilespmem:$0x1C800] =	vst v63  }
0xff: {  	_ =	swait.ge [sflag:s11], $0x2000  }
0x100: {  	[sflag:s11] =	ssyncset.done $0x0  }
0x101: {  	s21 =	sadd.s32 $0x8, s21;
	s15 =	rddreg [dreg:$0xd];
	[sflag:s11] =	ssyncadd.s32 $0xFFFFE000  }
0x102: {  	[tilespmem:s31], [sflag:$0x5] =	stream.indirect.gather [hbm4b:s5+s28], $0x80, s15, s28, $0xb8;
	[tilespmem:$0x1C800] =	vst v63  }
0x103: {  	p1 =	slt.s32 s21, $0x13FC;
	s15 =	smov.u32 s21;
	_ =	swait.ge [sflag:s12], $0x2000  }
0x104: {  	s15 =	simm.s32 @!p1 $0x13FC;
	[sflag:s12] =	ssyncset.done $0x0  }
0x105: {  	s19 =	rddreg [dreg:$0xe];
	s20 =	sshll.u32 s15, $0x4;
	[sflag:s12] =	ssyncadd.s32 $0xFFFFE000  }
0x106: {  	[tilespmem:s0], [sflag:$0x6] =	stream.indirect.gather [hbm4b:s5+s28], $0x80, s19, s28, $0xb8;
	[tilespmem:$0x1C800] =	vst v63  }
0x107: {  	s15 =	sadd.s32 s6, s20  }
0x108: {  	[tilespmem:s4], [sflag:$0x1] =	stream.linear.gather [hbm4b:s15+s4], $0x200, $0x38;
	[tilespmem:$0x1C800] =	vst v63  }
0x109: {  	s7 =	sadd.s32 s1, s20  }
0x10a: {  	[tilespmem:s3], [sflag:$0x1] =	stream.linear.gather [hbm4b:s7+s4], $0x200, $0x38;
	[tilespmem:$0x1C800] =	vst v63  }
0x10b: {  	_ =	swait.ge [sflag:s23], $0x2000  }
0x10c: {  	[sflag:s23] =	ssyncset.done $0x0  }
0x10d: {  	[sflag:s23] =	ssyncadd.s32 $0xFFFFE000  }
0x10e: {  	[spmem:s2] =	stream.indirect.scatter.add.f32 [tilespmem:s22], [sflag:$0x7], $0x80, s29, s28, $0xb8;
	[tilespmem:$0x1C800] =	vst v63  }
0x10f: {  	_ =	swait.ge [sflag:s24], $0x2000  }
0x110: {  	[sflag:s24] =	ssyncset.done $0x0  }
0x111: {  	s15 =	rddreg [dreg:$0xf];
	[sflag:s24] =	ssyncadd.s32 $0xFFFFE000  }
0x112: {  	[spmem:s2] =	stream.indirect.scatter.add.f32 [tilespmem:s30], [sflag:$0x8], $0x80, s15, s28, $0xb8;
	[tilespmem:$0x1C800] =	vst v63  }
0x113: {  	_ =	swait.ge [sflag:s25], $0x2000  }
0x114: {  	[sflag:s25] =	ssyncset.done $0x0  }
0x115: {  	s19 =	rddreg [dreg:$0x10];
	[sflag:s25] =	ssyncadd.s32 $0xFFFFE000  }
0x116: {  	[spmem:s2] =	stream.indirect.scatter.add.f32 [tilespmem:s31], [sflag:$0x9], $0x80, s19, s28, $0xb8;
	[tilespmem:$0x1C800] =	vst v63  }
0x117: {  	_ =	swait.ge [sflag:s26], $0x2000  }
0x118: {  	[sflag:s26] =	ssyncset.done $0x0  }
0x119: {  	p0 =	sne.s32 s17, $0x980;
	s20 =	rddreg [dreg:$0x11];
	[sflag:s26] =	ssyncadd.s32 $0xFFFFE000  }
0x11a: {  	[spmem:s2] =	stream.indirect.scatter.add.f32 [tilespmem:s0], [sflag:$0xA], $0x80, s20, s28, $0xb8;
	[tilespmem:$0x1C800] =	vst v63  }
.Ltmp1:
0x11b: {  	_ = 	snop;
	(pc) =	sbr.rel @p0 .LBB2_4-.Ltmp1, $4  }
0x11c: {  	_ =	swait.ge [sflag:s8], $0x200  }
0x11d: {  	[sflag:s8] =	ssyncset.done $0x0  }
0x11e: {  	[sflag:s8] =	ssyncadd.s32 $0xFFFFFE00  }
0x11f: {  	s17 =	sadd.s32 $0x80, s17;
	_ =	swait.ge [sflag:s8], $0x200  }
0x120: {  	[sflag:s8] =	ssyncset.done $0x0  }
0x121: {  	[sflag:s8] =	ssyncadd.s32 $0xFFFFFE00  }
0x122: {  	_ =	swait.ge [sflag:s9], $0x2000  }
0x123: {  	[sflag:s9] =	ssyncset.done $0x0  }
0x124: {  	[sflag:s9] =	ssyncadd.s32 $0xFFFFE000  }
0x125: {  	_ =	swait.ge [sflag:s10], $0x2000  }
0x126: {  	[sflag:s10] =	ssyncset.done $0x0  }
0x127: {  	[sflag:s10] =	ssyncadd.s32 $0xFFFFE000  }
0x128: {  	_ =	swait.ge [sflag:s11], $0x2000  }
0x129: {  	[sflag:s11] =	ssyncset.done $0x0  }
0x12a: {  	[sflag:s11] =	ssyncadd.s32 $0xFFFFE000  }
0x12b: {  	_ =	swait.ge [sflag:s12], $0x2000  }
0x12c: {  	[sflag:s12] =	ssyncset.done $0x0  }
0x12d: {  	[sflag:s12] =	ssyncadd.s32 $0xFFFFE000  }
0x12e: {  	s7 =	stileid.u32;
	[bflag:$0x0] =	sbarrier.arrive $0xFFFF  }
0x12f: {  	s20 =	simm.s32 $0xB;
	s7 =	sshll.u32 s7, $0x6;
	s15 =	rddreg [dreg:$0x12]  }
0x130: {  	s7 =	sor.u32 $0x1C0B, s7;
	s17 =	rddreg [dreg:$0x1e];
	s15 =	sshrl.u32 s15, $0x3  }
0x131: {  	[hbm:s17], [sflag:s7] =	dma.local [spmem:s15], $0x2800  }
0x132: {  	_ =	swait.ge [sflag:s20], $0x2800  }
0x133: {  	s16 =	sadd.s32 $0x1, s16;
	s21 =	rddreg [dreg:$0x1f]  }
0x134: {  	p0 =	sne.s32 s16, s21  }
.Ltmp2:
0x135: {  	_ = 	snop;
	(pc) =	sbr.rel @p0 .LBB2_1-.Ltmp2, $3  }
0x136: {  	_ =	sdelay $0x1  }
0x137: {  	[sflag:s20] =	ssyncset.done $0x0  }
0x138: {  	[sflag:s20] =	ssyncadd.s32 $0xFFFFD800  }
0x139: {  	_ =	sfence.sel $0x180000  }
0x13a: {  	[bflag:$0x0] =	sbarrier.arrive $0xFFFF  }
0x13b: {  	_ =	strace $0x9000004A  }
0x13c: {  	s0 =	stileid.u32;
	[bflag:$0x2] =	sbarrier.arrive $0xFFFF  }
0x13d: {  	p0 =	sne.s32 s0, $0x0;
	s0 =	rddreg [dreg:$0x3]  }
0x13e: {  	s0 =	sadd.s32 @!p0 $0x100000, s0  }
0x13f: {  	[sflag:s0] =	ssyncadd.tile.s32 @!p0 $0x1;
	_ =	shalt  }
.Lfunc_end2:
_tile_overlayer_lowered:
.L_overlay_start_2:
0x140: {  	(tag) =	ssettag $0x2  }
0x141: {  	s0 =	rddreg [dreg:$0x0];
	s2 =	stileid.u32  }
0x142: {  	s1 =	rddreg [dreg:$0x1];
	p0 =	sne.s32 s2, $0x0  }
0x143: {  	s3 =	rddreg [dreg:$0x2];
	[bflag:$0x3] =	sbarrier.arrive $0xFFFF;
	s2 =	simm.s32 @!p0 $0x1C0B  }
0x144: {  	[timem:s3], [sflag:s2] =	dma.local @!p0 [hbm:s0], s1  }
0x145: {  	s0 =	simm.s32 @!p0 $0xB  }
0x146: {  	_ =	swait.ge @!p0 [sflag:s0], s1  }
0x147: {  	s1 =	ssub.s32 @!p0 $0x0, s1;
	[sflag:s0] =	ssyncset.done @!p0 $0x0  }
0x148: {  	[sflag:s0] =	ssyncadd.s32 @!p0 s1  }
0x149: {  	[bflag:$0x3] =	sbarrier.arrive $0xFFFF  }
0x14a: {  	_ =	shalt  }

// kernel: kernel.14.cloned.1.call-start
scs
__scs_entry_jumppad:
0x0: {  	(pc) =	sbr.rel $0x88, $3  }
0x1: {  	(tag) =	ssettag $0x0;
	lr =	simm.s32 $0x1  }
0x2: {  	[smem:$0x3F9B] =	sst lr;
	_ =	strace $0xD0000000  }
0x3: {  	_ = 	snop  }
0x4: {  	_ = 	snop  }
0x5: {  	_ = 	snop  }
0x6: {  	_ = 	snop  }
0x7: {  	_ = 	snop  }
__scs_overlays_trampoline_lowered:
0x8: {  	[smem:$0x3FAA] =	sst s0  }
0x9: {  	[smem:$0x3FAB] =	sst s1  }
0xa: {  	[smem:$0x3FAC] =	sst s2  }
0xb: {  	[smem:$0x3FAD] =	sst s3  }
0xc: {  	[smem:$0x3FAE] =	sst s4  }
0xd: {  	[smem:$0x3FAF] =	sst s5  }
0xe: {  	[smem:$0x3FB0] =	sst s6  }
0xf: {  	[smem:$0x3FB1] =	sst s7  }
0x10: {  	[smem:$0x3FB2] =	sst s8  }
0x11: {  	[smem:$0x3FB3] =	sst s9;
	s0 =	simm.s32 @!p0 $0x0  }
0x12: {  	s1 =	sld [smem:$0x3F99];
	s0 =	simm.s32 @p0 $0x1  }
0x13: {  	[smem:$0x3FB4] =	sst s0;
	s0 =	simm.s32 @!p1 $0x0  }
0x14: {  	s2 =	sld [smem:$0x3F98];
	s0 =	simm.s32 @p1 $0x1  }
0x15: {  	[smem:$0x3FB5] =	sst s0;
	s0 =	simm.s32 @!p2 $0x0  }
0x16: {  	s3 =	sld [smem:$0x3FDB];
	s0 =	simm.s32 @p2 $0x1  }
0x17: {  	s4 =	simm.s32 $0x1BF5;
	[smem:$0x3FB7] =	sst s0  }
0x18: {  	s0 =	sld [smem:$0x3F9A];
	_ =	swait.ge [sflag:s4], $0x0  }
0x19: {  	s7 =	sld [smem:$0x3F9B]  }
0x1a: {  	s8 =	sadd.s32 $0xFFFFE003, lr  }
0x1b: {  	s9 =	sadd.s32 $0xFFFFFEF7, lr;
	s5 =	simm.s32 $0xFFFFFFFF;
	p2 =	slt.u32 s8, $0xFFFFF086  }
0x1c: {  	p1 =	slt.u32 s9, $0xF7A;
	s5 =	simm.s32 @!p2 $0x0  }
0x1d: {  	s5 =	simm.s32 @p1 $0x1;
	p0 =	seq.s32 s7, s2  }
0x1e: {  	s7 =	smul.u32 @!p0 $0xF7A, s2;
	p2 =	seq.s32 @!p0 s5, $0x0  }
0x1f: {  	s9 =	smul.u32 $0xF7A, s1;
	s8 =	simm.s32 @!p0 $0x1BF5;
	p2 =	por !p2, p0  }
0x20: {  	[sflag:s8] =	ssyncset.s32 @!p0 $0xFFFFF086;
	s6 =	sadd.s32 @!p0 s3, s7;
	s7 =	simm.s32 @!p0 $0x108  }
0x21: {  	s3 =	sadd.s32 s3, s9;
	s6 =	sadd.s32 @!p0 $0x88, s6;
	s7 =	simm.s32 @p2 $0x1082  }
0x22: {  	[simem:s7], [sflag:s8] =	dma.local @!p0 [hbm:s6], $0xF7A  }
0x23: {  	s9 =	sor.u32 $0xD0000000, s2;
	s6 =	simm.s32 $0x108;
	_ =	swait.ge @!p0 [sflag:s8], $0x0  }
0x24: {  	s3 =	sadd.s32 $0x88, s3;
	s6 =	simm.s32 @!p1 $0x1082;
	[sflag:s4] =	ssyncset.s32 $0xFFFFF086  }
0x25: {  	[simem:s6], [sflag:s4] =	dma.local [hbm:s3], $0xF7A  }
0x26: {  	[smem:$0x3F9B] =	sst s1;
	(tag) =	ssettag s2;
	_ =	strace s9  }
0x27: {  	s1 =	sld [smem:$0x3FAB]  }
0x28: {  	s2 =	sld [smem:$0x3FAC]  }
0x29: {  	s4 =	sld [smem:$0x3FAE]  }
0x2a: {  	p0 =	seq.s32 s5, $0x0;
	s5 =	sld [smem:$0x3FAF]  }
0x2b: {  	s6 =	sld [smem:$0x3FB0]  }
0x2c: {  	s7 =	sld [smem:$0x3FB1]  }
0x2d: {  	s3 =	simm.s32 $0x108;
	s8 =	sld [smem:$0x3FB2]  }
0x2e: {  	s3 =	simm.s32 @!p0 $0x1082;
	s9 =	sld [smem:$0x3FB3]  }
0x2f: {  	lr =	sadd.s32 s0, s3;
	s0 =	sld [smem:$0x3FAA]  }
0x30: {  	s3 =	sld [smem:$0x3FAD]  }
0x31: {  	[smem:$0x3FB6] =	sst s10  }
0x32: {  	s10 =	sld [smem:$0x3FB4];
	_ =	sdelay $0x3  }
0x33: {  	p0 =	seq.s32 s10, $0x1;
	s10 =	sld [smem:$0x3FB6];
	_ =	sdelay $0x3  }
0x34: {  	[smem:$0x3FB6] =	sst s10  }
0x35: {  	s10 =	sld [smem:$0x3FB5];
	_ =	sdelay $0x3  }
0x36: {  	p1 =	seq.s32 s10, $0x1;
	s10 =	sld [smem:$0x3FB6];
	_ =	sdelay $0x3  }
0x37: {  	[smem:$0x3FB6] =	sst s10  }
0x38: {  	s10 =	sld [smem:$0x3FB7]  }
0x39: {  	_ = 	snop;
	(pc) =	sbr.ind lr, $3  }
0x3a: {  	_ = 	snop  }
0x3b: {  	_ = 	snop  }
0x3c: {  	p2 =	seq.s32 s10, $0x1;
	s10 =	sld [smem:$0x3FB6]  }
0x3d: {  	_ =	shalt  }
0x3e: {  	_ =	shalt  }
0x3f: {  	_ =	shalt  }
0x40: {  	_ =	shalt  }
0x41: {  	_ =	shalt  }
0x42: {  	_ =	shalt  }
0x43: {  	_ =	shalt  }
0x44: {  	_ =	shalt  }
0x45: {  	_ =	shalt  }
0x46: {  	_ =	shalt  }
0x47: {  	_ =	shalt  }
0x48: {  	_ =	shalt  }
0x49: {  	_ =	shalt  }
0x4a: {  	_ =	shalt  }
0x4b: {  	_ =	shalt  }
0x4c: {  	_ =	shalt  }
0x4d: {  	_ =	shalt  }
0x4e: {  	_ =	shalt  }
0x4f: {  	_ =	shalt  }
0x50: {  	_ =	shalt  }
0x51: {  	_ =	shalt  }
0x52: {  	_ =	shalt  }
0x53: {  	_ =	shalt  }
0x54: {  	_ =	shalt  }
0x55: {  	_ =	shalt  }
0x56: {  	_ =	shalt  }
0x57: {  	_ =	shalt  }
0x58: {  	_ =	shalt  }
0x59: {  	_ =	shalt  }
0x5a: {  	_ =	shalt  }
0x5b: {  	_ =	shalt  }
0x5c: {  	_ =	shalt  }
0x5d: {  	_ =	shalt  }
0x5e: {  	_ =	shalt  }
0x5f: {  	_ =	shalt  }
0x60: {  	_ =	shalt  }
0x61: {  	_ =	shalt  }
0x62: {  	_ =	shalt  }
0x63: {  	_ =	shalt  }
0x64: {  	_ =	shalt  }
0x65: {  	_ =	shalt  }
0x66: {  	_ =	shalt  }
0x67: {  	_ =	shalt  }
0x68: {  	_ =	shalt  }
0x69: {  	_ =	shalt  }
0x6a: {  	_ =	shalt  }
0x6b: {  	_ =	shalt  }
0x6c: {  	_ =	shalt  }
0x6d: {  	_ =	shalt  }
0x6e: {  	_ =	shalt  }
0x6f: {  	_ =	shalt  }
0x70: {  	_ =	shalt  }
0x71: {  	_ =	shalt  }
0x72: {  	_ =	shalt  }
0x73: {  	_ =	shalt  }
0x74: {  	_ =	shalt  }
0x75: {  	_ =	shalt  }
0x76: {  	_ =	shalt  }
0x77: {  	_ =	shalt  }
0x78: {  	_ =	shalt  }
0x79: {  	_ =	shalt  }
0x7a: {  	_ =	shalt  }
0x7b: {  	_ =	shalt  }
0x7c: {  	_ =	shalt  }
0x7d: {  	_ =	shalt  }
0x7e: {  	_ =	shalt  }
0x7f: {  	_ =	shalt  }
0x80: {  	_ =	shalt  }
0x81: {  	_ =	shalt  }
0x82: {  	_ =	shalt  }
0x83: {  	_ =	shalt  }
0x84: {  	_ =	shalt  }
0x85: {  	_ =	shalt  }
0x86: {  	_ =	shalt  }
0x87: {  	_ =	shalt  }
.Lfunc_end0:
.L_simem_size_0:
called_computation.2_lowered:
.L_overlay_start_0:
0x88: {  	s2 =	sld [smem:$0x3FD9]  }
0x89: {  	s3 =	sld [smem:$0x3FFE];
	_ =	sdelay $0x1  }
0x8a: {  	s1 =	srdreg.scid  }
0x8b: {  	s0 =	sand.u32 $0x1, s1  }
0x8c: {  	s17 =	sshll.u32 s0, $0xA;
	s2 =	sadd.s32 s3, s2  }
0x8d: {  	s2 =	sadd.s32 s2, s17  }
0x8e: {  	[smem:$0x3FC2] =	sst s2  }
0x8f: {  	_ = 	snop  }
0x90: {  	s2 =	sld [smem:$0x3FD0];
	(tm) =	ssettm $0x1  }
0x91: {  	s18 =	sld [smem:$0x3FFB];
	_ =	sdelay $0x3  }
0x92: {  	_ =	strace s18  }
0x93: {  	s3 =	sld [smem:$0x3FFC];
	_ =	sdelay $0x3  }
0x94: {  	_ =	strace s3  }
0x95: {  	s3 =	sld [smem:$0x3FFD];
	_ =	sdelay $0x3  }
0x96: {  	_ =	strace s3  }
0x97: {  	_ =	strace $0x8FFFFFFF  }
0x98: {  	s19 =	sld [smem:$0x3FDB];
	_ =	sdelay $0x1  }
0x99: {  	s4 =	simm.s32 $_scs_section_size  }
0x9a: {  	s5 =	simm.s32 $_size__tile_overlayer_lowered;
	s6 =	simm.s32 $_tile_overlayer_lowered  }
0x9b: {  	s22 =	simm.s32 $0x1BFF;
	s21 =	sshll.u32 s6, $0x1;
	s3 =	sadd.s32 s4, s19  }
0x9c: {  	s7 =	simm.s32 $0x0;
	s20 =	sshll.u32 s5, $0x1;
	s5 =	sadd.s32 s21, s3  }
0x9d: {  	[timem:s7], [sflag:s22] =	dma.local [hbm:s5], s20  }
0x9e: {  	_ =	swait.ge [sflag:s22], s20  }
0x9f: {  	s4 =	ssub.s32 $0x0, s20;
	[sflag:s22] =	ssyncset.done $0x0  }
0xa0: {  	[sflag:s22] =	ssyncadd.s32 s4;
	_ =	sdelay $0x1  }
0xa1: {  	s23 =	simm.s32 $0x1B8B  }
0xa2: {  	_ =	swait.ge [sflag:s23], $0x1  }
0xa3: {  	[sflag:s23] =	ssyncset.done $0x0  }
0xa4: {  	s25 =	simm.s32 $0x1B8E;
	s24 =	sld [smem:$0x3FFE];
	[sflag:s23] =	ssyncadd.s32 $0xFFFFFFFF  }
0xa5: {  	s26 =	simm.s32 $execute0_lowered;
	[smem:$0x3FD2] =	sst s25  }
0xa6: {  	s5 =	sshll.u32 s26, $0x1;
	_ =	strace $0x8000004C;
	[dreg:$0x1] =	wrdreg $0xFFFFFFFF  }
0xa7: {  	s28 =	simm.s32 $_size_execute0_lowered;
	s3 =	sadd.s32 s3, s5;
	[dreg:$0x0] =	wrdreg $0x0  }
0xa8: {  	s5 =	sshll.u32 s28, $0x1;
	[dreg:$0x2] =	wrdreg s3  }
0xa9: {  	[dreg:$0x3] =	wrdreg s5  }
0xaa: {  	[dreg:$0x4] =	wrdreg $0xC0  }
0xab: {  	_ =	task [dreg:s7], $0x5FFFF  }
0xac: {  	[dreg:$0x1] =	wrdreg $0xFFFFFFFF  }
0xad: {  	[dreg:$0x0] =	wrdreg $0x60  }
0xae: {  	[dreg:$0x2] =	wrdreg s24  }
0xaf: {  	[dreg:$0x3] =	wrdreg s2  }
0xb0: {  	[dreg:$0x4] =	wrdreg $0x88000  }
0xb1: {  	[dreg:$0x5] =	wrdreg $0x9  }
0xb2: {  	_ =	task.clear_ibuf [dreg:s7], $0x6FFFF;
	_ =	strace $0x9000004C  }
0xb3: {  	s29 =	simm.s32 $0x9;
	_ =	strace $0x8000004E  }
0xb4: {  	_ =	swait.ge [sflag:s29], $0x1  }
0xb5: {  	[sflag:s29] =	ssyncadd.s32 $0xFFFFFFFF  }
0xb6: {  	_ =	strace $0x9000004E  }
0xb7: {  	_ =	sfence  }
0xb8: {  	s30 =	sld [smem:$0x0];
	_ =	sdelay $0x2  }
0xb9: {  	s31 =	sshll.u32 s1, $0xD;
	s1 =	sshrl.u32 s1, $0x2  }
0xba: {  	s3 =	sand.u32 $0x4000, s31;
	s1 =	sadd.s32 s1, s30  }
0xbb: {  	s0 =	sor.u32 s3, s0;
	s1 =	sshll.u32 s1, $0x11  }
0xbc: {  	s0 =	sor.u32 s1, s0  }
0xbd: {  	s0 =	sadd.s32 $0x8F2B, s0  }
0xbe: {  	[sflag:s0] =	ssyncadd.remote.s32 $0x1  }
0xbf: {  	_ =	sfence.sel $0xFFFF  }
0xc0: {  	[dreg:$0x0] =	wrdreg $0xFFFFFFFF;
	(pc) =	sbr.abs _section_cstart, $3  }
0xc1: {  	[dreg:$0x1] =	wrdreg $0xFFFFFFFF  }
0xc2: {  	_ =	task.clear_ibuf [dreg:s7], $0x2FFFF;
	_ =	strace $0x9FFFFFFF  }
0xc3: {  	(tm) =	ssettm $0x7FFFFFFF  }
tec
execute0_lowered:
.L_overlay_start_1:
0x0: {  	(tag) =	ssettag $0x1  }
0x1: {  	s0 =	rddreg [dreg:$0x0]  }
0x2: {  	s1 =	rddreg [dreg:$0x1]  }
0x3: {  	s2 =	rddreg [dreg:$0x2];
	s4 =	simm.s32 $0x0;
	s13 =	stileid.u32  }
0x4: {  	s3 =	srdreg.scid;
	s14 =	simm.s32 $0x100;
	s8 =	smul.u32 $0x14000, s13  }
0x5: {  	[smem:$0x7FF] =	sst s4;
	s3 =	sand.u32 $0x1, s3;
	s9 =	smul.u32 $0x50000, s13  }
0x6: {  	s5 =	sadd.s32 $0x16E00, s0;
	s6 =	sadd.s32 $0x2E00, s0;
	s10 =	smul.u32 $0x140, s13  }
0x7: {  	s17 =	sshll.u32 s13, $0x1;
	s7 =	smul.u32 $0x140000, s3;
	_ =	strace $0x8000004D  }
0x8: {  	s15 =	ssub.s32 $0x2, s3;
	s12 =	smul.u32 $0xA0, s3;
	s3 =	sor.u32 s3, s17  }
0x9: {  	[dreg:$0x7] =	wrdreg s14;
	s11 =	sshrl.u32 s15, $0x1;
	s3 =	smul.u32 $0xA00, s3  }
0xa: {  	s7 =	sadd.s32 s8, s7;
	s10 =	sadd.s32 s12, s10;
	s12 =	simm.s32 $0x80  }
0xb: {  	s8 =	ssub.s32 s15, s11;
	s15 =	simm.s32 $0x180;
	[dreg:$0x6] =	wrdreg s12  }
0xc: {  	s16 =	sshrl.u32 s9, $0x2;
	[dreg:$0x8] =	wrdreg s15;
	s17 =	sadd.s32 s6, s3  }
0xd: {  	s7 =	sshrl.u32 s7, $0x3;
	s3 =	sadd.s32 s1, s3;
	[dreg:$0x1c] =	wrdreg s17  }
0xe: {  	s0 =	sadd.s32 s7, s0;
	s7 =	sadd.s32 s16, s2;
	[dreg:$0x1d] =	wrdreg s3  }
0xf: {  	s19 =	sshll.u32 s10, $0x4;
	s16 =	simm.s32 $0x480;
	[dreg:$0x12] =	wrdreg s7  }
0x10: {  	s9 =	sor.u32 $0x40, s19;
	s19 =	simm.s32 $0x580;
	[dreg:$0x9] =	wrdreg s16  }
0x11: {  	s18 =	sadd.s32 $0x2000, s7;
	[dreg:$0xb] =	wrdreg s19  }
0x12: {  	s20 =	sadd.s32 $0x4000, s7;
	[dreg:$0x13] =	wrdreg s18  }
0x13: {  	s21 =	sadd.s32 $0x6000, s7;
	[dreg:$0x14] =	wrdreg s20  }
0x14: {  	s22 =	sadd.s32 $0x8000, s7;
	[dreg:$0x15] =	wrdreg s21  }
0x15: {  	s23 =	sadd.s32 $0xA000, s7;
	[dreg:$0x16] =	wrdreg s22  }
0x16: {  	s28 =	simm.s32 $0x40;
	s25 =	sadd.s32 $0xC000, s7;
	[dreg:$0x17] =	wrdreg s23  }
0x17: {  	s29 =	simm.s32 $0x600;
	s24 =	sadd.s32 s9, s6;
	[dreg:$0x18] =	wrdreg s25  }
0x18: {  	s30 =	simm.s32 $0x2800;
	s26 =	sadd.s32 $0xE000, s7;
	[dreg:$0x4] =	wrdreg s24  }
0x19: {  	s31 =	simm.s32 $0x4800;
	s9 =	sadd.s32 s9, s1;
	[dreg:$0x19] =	wrdreg s26  }
0x1a: {  	s14 =	simm.s32 $0x2;
	s13 =	sadd.s32 $0x10000, s7;
	[dreg:$0x5] =	wrdreg s9  }
0x1b: {  	s11 =	simm.s32 $0x9;
	s7 =	sadd.s32 $0x12000, s7;
	[dreg:$0x1a] =	wrdreg s13  }
0x1c: {  	s12 =	simm.s32 $0xA;
	s0 =	sadd.s32 $0x3EE00, s0;
	[dreg:$0x1b] =	wrdreg s7  }
0x1d: {  	s3 =	simm.s32 $0x400;
	s18 =	simm.s32 $0x500;
	[dreg:$0x1e] =	wrdreg s0  }
0x1e: {  	s16 =	simm.s32 $0x0;
	s21 =	smax.u32 s8, $0x1;
	[dreg:$0xa] =	wrdreg s18  }
0x1f: {  	s20 =	simm.s32 $0x280;
	s22 =	simm.s32 $0x300;
	[dreg:$0x1f] =	wrdreg s21  }
0x20: {  	s23 =	simm.s32 $0x380;
	s24 =	simm.s32 $0x680;
	[dreg:$0xc] =	wrdreg s20  }
0x21: {  	s25 =	simm.s32 $0x700;
	s26 =	simm.s32 $0x780;
	[dreg:$0xd] =	wrdreg s22  }
0x22: {  	s0 =	simm.s32 $0x6800;
	s8 =	simm.s32 $0x1;
	[dreg:$0xe] =	wrdreg s23  }
0x23: {  	s9 =	simm.s32 $0x7;
	s13 =	simm.s32 $0x200;
	[dreg:$0xf] =	wrdreg s24  }
0x24: {  	v4 =	vlaneseq.u32;
	s18 =	sor.u32 $0x8, s10;
	s22 =	simm.s32 $0x800;
	[dreg:$0x10] =	wrdreg s25  }
0x25: {  	v0 =	vimm.f32 $0.0e+00;
	v1 =	vor.u32 $0x2710, v4;
	s23 =	simm.s32 $0x3;
	s24 =	simm.s32 $0x4;
	[dreg:$0x11] =	wrdreg s26  }
0x26: {  	v2 =	vor.u32 $0x2720, v4;
	v3 =	vor.u32 $0x2730, v4;
	v4 =	vor.u32 $0x2740, v4;
	s25 =	simm.s32 $0x5;
	s26 =	simm.s32 $0x6;
	s10 =	simm.s32 $0x8  }
.LBB2_1:
0x27: {  	s17 =	sand.u32 $0x7E00, s4  }
0x28: {  	s19 =	sand.u32 $0x70, s4;
	s21 =	sshrl.u32 s17, $0x2  }
0x29: {  	s17 =	simm.s32 $0x40;
	s19 =	sor.u32 s19, s21;
	s21 =	simm.s32 $0x0  }
.LBB2_2:
0x2a: {  	p0 =	sne.s32 s17, $0x7FC0  }
0x2b: {  	[tilespmem:s19+$0x800] =	vst v0;
	s21 =	sadd.s32 $0x10, s21;
	s19 =	smov.u32 s17;
	s17 =	sadd.s32 $0x40, s17  }
.Ltmp0:
0x2c: {  	(pc) =	sbr.rel @p0 .LBB2_2-.Ltmp0, $4  }
0x2d: {  	_ = 	snop  }
0x2e: {  	s19 =	sand.u32 $0x7E00, s19  }
0x2f: {  	s20 =	sand.u32 $0x70, s21;
	s19 =	sshrl.u32 s19, $0x2  }
0x30: {  	s19 =	sor.u32 s20, s19  }
0x31: {  	[tilespmem:s19+$0x800] =	vst v0;
	s7 =	rddreg [dreg:$0x12]  }
0x32: {  	[spmem:s7] =	stream.linear.scatter [tilespmem:s22], [sflag:$0x3], $0x2000, $0x38;
	[tilespmem:$0x1C800] =	vst v63  }
0x33: {  	s21 =	rddreg [dreg:$0x13]  }
0x34: {  	[spmem:s21] =	stream.linear.scatter [tilespmem:s22], [sflag:$0x4], $0x2000, $0x38;
	[tilespmem:$0x1C800] =	vst v63  }
0x35: {  	s15 =	rddreg [dreg:$0x14]  }
0x36: {  	[spmem:s15] =	stream.linear.scatter [tilespmem:s22], [sflag:$0x5], $0x2000, $0x38;
	[tilespmem:$0x1C800] =	vst v63  }
0x37: {  	s17 =	rddreg [dreg:$0x15]  }
0x38: {  	[spmem:s17] =	stream.linear.scatter [tilespmem:s22], [sflag:$0x6], $0x2000, $0x38;
	[tilespmem:$0x1C800] =	vst v63  }
0x39: {  	s19 =	rddreg [dreg:$0x16]  }
0x3a: {  	[spmem:s19] =	stream.linear.scatter [tilespmem:s22], [sflag:$0x3], $0x2000, $0x38;
	[tilespmem:$0x1C800] =	vst v63  }
0x3b: {  	s20 =	rddreg [dreg:$0x17]  }
0x3c: {  	[spmem:s20] =	stream.linear.scatter [tilespmem:s22], [sflag:$0x4], $0x2000, $0x38;
	[tilespmem:$0x1C800] =	vst v63  }
0x3d: {  	s21 =	rddreg [dreg:$0x18]  }
0x3e: {  	[spmem:s21] =	stream.linear.scatter [tilespmem:s22], [sflag:$0x5], $0x2000, $0x38;
	[tilespmem:$0x1C800] =	vst v63  }
0x3f: {  	s15 =	rddreg [dreg:$0x19]  }
0x40: {  	[spmem:s15] =	stream.linear.scatter [tilespmem:s22], [sflag:$0x6], $0x2000, $0x38;
	[tilespmem:$0x1C800] =	vst v63  }
0x41: {  	s17 =	rddreg [dreg:$0x1a]  }
0x42: {  	[spmem:s17] =	stream.linear.scatter [tilespmem:s22], [sflag:$0x3], $0x2000, $0x38;
	[tilespmem:$0x1C800] =	vst v63  }
0x43: {  	s19 =	rddreg [dreg:$0x1b]  }
0x44: {  	[spmem:s19] =	stream.linear.scatter [tilespmem:s22], [sflag:$0x4], $0x2000, $0x38;
	[tilespmem:$0x1C800] =	vst v63  }
0x45: {  	_ =	swait.ge [sflag:s23], $0x2000  }
0x46: {  	[sflag:s23] =	ssyncset.done $0x0  }
0x47: {  	[sflag:s23] =	ssyncadd.s32 $0xFFFFE000  }
0x48: {  	_ =	swait.ge [sflag:s24], $0x2000  }
0x49: {  	[sflag:s24] =	ssyncset.done $0x0  }
0x4a: {  	[sflag:s24] =	ssyncadd.s32 $0xFFFFE000  }
0x4b: {  	_ =	swait.ge [sflag:s25], $0x2000  }
0x4c: {  	[sflag:s25] =	ssyncset.done $0x0  }
0x4d: {  	[sflag:s25] =	ssyncadd.s32 $0xFFFFE000  }
0x4e: {  	_ =	swait.ge [sflag:s26], $0x2000  }
0x4f: {  	[sflag:s26] =	ssyncset.done $0x0  }
0x50: {  	[sflag:s26] =	ssyncadd.s32 $0xFFFFE000  }
0x51: {  	_ =	swait.ge [sflag:s23], $0x2000  }
0x52: {  	[sflag:s23] =	ssyncset.done $0x0  }
0x53: {  	[sflag:s23] =	ssyncadd.s32 $0xFFFFE000  }
0x54: {  	_ =	swait.ge [sflag:s24], $0x2000  }
0x55: {  	[sflag:s24] =	ssyncset.done $0x0  }
0x56: {  	[sflag:s24] =	ssyncadd.s32 $0xFFFFE000  }
0x57: {  	_ =	swait.ge [sflag:s25], $0x2000  }
0x58: {  	[sflag:s25] =	ssyncset.done $0x0  }
0x59: {  	[sflag:s25] =	ssyncadd.s32 $0xFFFFE000  }
0x5a: {  	_ =	swait.ge [sflag:s26], $0x2000  }
0x5b: {  	[sflag:s26] =	ssyncset.done $0x0  }
0x5c: {  	[sflag:s26] =	ssyncadd.s32 $0xFFFFE000  }
0x5d: {  	_ =	swait.ge [sflag:s23], $0x2000  }
0x5e: {  	[sflag:s23] =	ssyncset.done $0x0  }
0x5f: {  	[sflag:s23] =	ssyncadd.s32 $0xFFFFE000  }
0x60: {  	_ =	swait.ge [sflag:s24], $0x2000  }
0x61: {  	[sflag:s24] =	ssyncset.done $0x0  }
0x62: {  	[sflag:s24] =	ssyncadd.s32 $0xFFFFE000  }
0x63: {  	[tilespmem:$0x600] =	vst v1  }
0x64: {  	[tilespmem:$0x610] =	vst v2  }
0x65: {  	[tilespmem:$0x620] =	vst v3  }
0x66: {  	[tilespmem:$0x630] =	vst v4  }
0x67: {  	[bflag:$0x0] =	sbarrier.arrive $0xFFFF  }
0x68: {  	[spmem:s2] =	stream.indirect.scatter.add.f32 [tilespmem:s22], [sflag:$0x7], $0x80, s29, s28, $0xb8;
	[tilespmem:$0x1C800] =	vst v63  }
0x69: {  	_ = 	snop  }
0x6a: {  	[spmem:s2] =	stream.indirect.scatter.add.f32 [tilespmem:s30], [sflag:$0x8], $0x80, s29, s28, $0xb8;
	[tilespmem:$0x1C800] =	vst v63  }
0x6b: {  	_ = 	snop  }
0x6c: {  	[spmem:s2] =	stream.indirect.scatter.add.f32 [tilespmem:s31], [sflag:$0x9], $0x80, s29, s28, $0xb8;
	[tilespmem:$0x1C800] =	vst v63  }
0x6d: {  	_ = 	snop  }
0x6e: {  	[spmem:s2] =	stream.indirect.scatter.add.f32 [tilespmem:s0], [sflag:$0xA], $0x80, s29, s28, $0xb8;
	[tilespmem:$0x1C800] =	vst v63  }
0x6f: {  	s17 =	simm.s32 $0x0;
	s20 =	rddreg [dreg:$0x1c]  }
0x70: {  	[tilespmem:s17], [sflag:$0x1] =	stream.linear.gather [hbm4b:s20+s17], $0x200, $0x38;
	[tilespmem:$0x1C800] =	vst v63  }
0x71: {  	s21 =	rddreg [dreg:$0x1d]  }
0x72: {  	[tilespmem:s3], [sflag:$0x1] =	stream.linear.gather [hbm4b:s21+s17], $0x200, $0x38;
	[tilespmem:$0x1C800] =	vst v63  }
0x73: {  	_ =	swait.ge [sflag:s8], $0x200  }
0x74: {  	[sflag:s8] =	ssyncset.done $0x0  }
0x75: {  	[sflag:s8] =	ssyncadd.s32 $0xFFFFFE00  }
0x76: {  	_ =	swait.ge [sflag:s8], $0x200  }
0x77: {  	[sflag:s8] =	ssyncset.done $0x0  }
0x78: {  	[sflag:s8] =	ssyncadd.s32 $0xFFFFFE00  }
0x79: {  	_ =	swait.ge [sflag:s9], $0x2000  }
0x7a: {  	[sflag:s9] =	ssyncset.done $0x0  }
0x7b: {  	[sflag:s9] =	ssyncadd.s32 $0xFFFFE000  }
0x7c: {  	[tilespmem:s22], [sflag:$0x3] =	stream.indirect.gather [hbm4b:s5+s28], $0x80, s4, s28, $0xb8;
	[tilespmem:$0x1C800] =	vst v63  }
0x7d: {  	_ =	swait.ge [sflag:s10], $0x2000  }
0x7e: {  	[sflag:s10] =	ssyncset.done $0x0  }
0x7f: {  	s7 =	rddreg [dreg:$0x6];
	[sflag:s10] =	ssyncadd.s32 $0xFFFFE000  }
0x80: {  	[tilespmem:s30], [sflag:$0x4] =	stream.indirect.gather [hbm4b:s5+s28], $0x80, s7, s28, $0xb8;
	[tilespmem:$0x1C800] =	vst v63  }
0x81: {  	_ =	swait.ge [sflag:s11], $0x2000  }
0x82: {  	[sflag:s11] =	ssyncset.done $0x0  }
0x83: {  	s15 =	rddreg [dreg:$0x7];
	[sflag:s11] =	ssyncadd.s32 $0xFFFFE000  }
0x84: {  	[tilespmem:s31], [sflag:$0x5] =	stream.indirect.gather [hbm4b:s5+s28], $0x80, s15, s28, $0xb8;
	[tilespmem:$0x1C800] =	vst v63  }
0x85: {  	_ =	swait.ge [sflag:s12], $0x2000  }
0x86: {  	s19 =	rddreg [dreg:$0x8];
	[sflag:s12] =	ssyncset.done $0x0  }
0x87: {  	s20 =	rddreg [dreg:$0x4];
	[sflag:s12] =	ssyncadd.s32 $0xFFFFE000  }
0x88: {  	[tilespmem:s0], [sflag:$0x6] =	stream.indirect.gather [hbm4b:s5+s28], $0x80, s19, s28, $0xb8;
	[tilespmem:$0x1C800] =	vst v63  }
0x89: {  	s21 =	rddreg [dreg:$0x5];
	s19 =	sadd.s32 $0x0, s20  }
0x8a: {  	[tilespmem:s13], [sflag:$0x2] =	stream.linear.gather [hbm4b:s19+s4], $0x200, $0x38;
	[tilespmem:$0x1C800] =	vst v63  }
0x8b: {  	s17 =	sadd.s32 $0x0, s21  }
0x8c: {  	[tilespmem:s29], [sflag:$0x2] =	stream.linear.gather [hbm4b:s17+s4], $0x200, $0x38;
	[tilespmem:$0x1C800] =	vst v63  }
0x8d: {  	_ =	swait.ge [sflag:s23], $0x2000  }
0x8e: {  	[sflag:s23] =	ssyncset.done $0x0  }
0x8f: {  	[sflag:s23] =	ssyncadd.s32 $0xFFFFE000  }
0x90: {  	[spmem:s2] =	stream.indirect.scatter.add.f32 [tilespmem:s22], [sflag:$0x7], $0x80, s3, s28, $0xb8;
	[tilespmem:$0x1C800] =	vst v63  }
0x91: {  	_ =	swait.ge [sflag:s24], $0x2000  }
0x92: {  	[sflag:s24] =	ssyncset.done $0x0  }
0x93: {  	s7 =	rddreg [dreg:$0x9];
	[sflag:s24] =	ssyncadd.s32 $0xFFFFE000  }
0x94: {  	[spmem:s2] =	stream.indirect.scatter.add.f32 [tilespmem:s30], [sflag:$0x8], $0x80, s7, s28, $0xb8;
	[tilespmem:$0x1C800] =	vst v63  }
0x95: {  	_ =	swait.ge [sflag:s25], $0x2000  }
0x96: {  	[sflag:s25] =	ssyncset.done $0x0  }
0x97: {  	s15 =	rddreg [dreg:$0xa];
	[sflag:s25] =	ssyncadd.s32 $0xFFFFE000  }
0x98: {  	[spmem:s2] =	stream.indirect.scatter.add.f32 [tilespmem:s31], [sflag:$0x9], $0x80, s15, s28, $0xb8;
	[tilespmem:$0x1C800] =	vst v63  }
0x99: {  	_ =	swait.ge [sflag:s26], $0x2000  }
0x9a: {  	[sflag:s26] =	ssyncset.done $0x0  }
0x9b: {  	s19 =	rddreg [dreg:$0xb];
	[sflag:s26] =	ssyncadd.s32 $0xFFFFE000  }
0x9c: {  	[spmem:s2] =	stream.indirect.scatter.add.f32 [tilespmem:s0], [sflag:$0xA], $0x80, s19, s28, $0xb8;
	[tilespmem:$0x1C800] =	vst v63  }
0x9d: {  	_ =	swait.ge [sflag:s14], $0x200  }
0x9e: {  	[sflag:s14] =	ssyncset.done $0x0  }
0x9f: {  	[sflag:s14] =	ssyncadd.s32 $0xFFFFFE00  }
0xa0: {  	_ =	swait.ge [sflag:s14], $0x200  }
0xa1: {  	[sflag:s14] =	ssyncset.done $0x0  }
0xa2: {  	[sflag:s14] =	ssyncadd.s32 $0xFFFFFE00  }
0xa3: {  	_ =	swait.ge [sflag:s9], $0x2000  }
0xa4: {  	[sflag:s9] =	ssyncset.done $0x0  }
0xa5: {  	[sflag:s9] =	ssyncadd.s32 $0xFFFFE000  }
0xa6: {  	[tilespmem:s22], [sflag:$0x3] =	stream.indirect.gather [hbm4b:s5+s28], $0x80, s13, s28, $0xb8;
	[tilespmem:$0x1C800] =	vst v63  }
0xa7: {  	_ =	swait.ge [sflag:s10], $0x2000  }
0xa8: {  	[sflag:s10] =	ssyncset.done $0x0  }
0xa9: {  	s20 =	rddreg [dreg:$0xc];
	[sflag:s10] =	ssyncadd.s32 $0xFFFFE000  }
0xaa: {  	[tilespmem:s30], [sflag:$0x4] =	stream.indirect.gather [hbm4b:s5+s28], $0x80, s20, s28, $0xb8;
	[tilespmem:$0x1C800] =	vst v63  }
0xab: {  	_ =	swait.ge [sflag:s11], $0x2000  }
0xac: {  	[sflag:s11] =	ssyncset.done $0x0  }
0xad: {  	s21 =	rddreg [dreg:$0xd];
	[sflag:s11] =	ssyncadd.s32 $0xFFFFE000  }
0xae: {  	[tilespmem:s31], [sflag:$0x5] =	stream.indirect.gather [hbm4b:s5+s28], $0x80, s21, s28, $0xb8;
	[tilespmem:$0x1C800] =	vst v63  }
0xaf: {  	p0 =	slt.s32 s18, $0x13FC;
	s19 =	smov.u32 s18;
	_ =	swait.ge [sflag:s12], $0x2000  }
0xb0: {  	s19 =	simm.s32 @!p0 $0x13FC;
	[sflag:s12] =	ssyncset.done $0x0  }
0xb1: {  	s15 =	sshll.u32 s19, $0x4;
	s7 =	rddreg [dreg:$0xe];
	[sflag:s12] =	ssyncadd.s32 $0xFFFFE000  }
0xb2: {  	[tilespmem:s0], [sflag:$0x6] =	stream.indirect.gather [hbm4b:s5+s28], $0x80, s7, s28, $0xb8;
	[tilespmem:$0x1C800] =	vst v63  }
0xb3: {  	s19 =	sadd.s32 s6, s15  }
0xb4: {  	[tilespmem:s4], [sflag:$0x1] =	stream.linear.gather [hbm4b:s19+s4], $0x200, $0x38;
	[tilespmem:$0x1C800] =	vst v63  }
0xb5: {  	s17 =	sadd.s32 s1, s15  }
0xb6: {  	[tilespmem:s3], [sflag:$0x1] =	stream.linear.gather [hbm4b:s17+s4], $0x200, $0x38;
	[tilespmem:$0x1C800] =	vst v63  }
0xb7: {  	_ =	swait.ge [sflag:s23], $0x2000  }
0xb8: {  	[sflag:s23] =	ssyncset.done $0x0  }
0xb9: {  	[sflag:s23] =	ssyncadd.s32 $0xFFFFE000  }
0xba: {  	[spmem:s2] =	stream.indirect.scatter.add.f32 [tilespmem:s22], [sflag:$0x7], $0x80, s29, s28, $0xb8;
	[tilespmem:$0x1C800] =	vst v63  }
0xbb: {  	_ =	swait.ge [sflag:s24], $0x2000  }
0xbc: {  	[sflag:s24] =	ssyncset.done $0x0  }
0xbd: {  	s19 =	rddreg [dreg:$0xf];
	[sflag:s24] =	ssyncadd.s32 $0xFFFFE000  }
0xbe: {  	[spmem:s2] =	stream.indirect.scatter.add.f32 [tilespmem:s30], [sflag:$0x8], $0x80, s19, s28, $0xb8;
	[tilespmem:$0x1C800] =	vst v63  }
0xbf: {  	_ =	swait.ge [sflag:s25], $0x2000  }
0xc0: {  	[sflag:s25] =	ssyncset.done $0x0  }
0xc1: {  	s20 =	rddreg [dreg:$0x10];
	[sflag:s25] =	ssyncadd.s32 $0xFFFFE000  }
0xc2: {  	[spmem:s2] =	stream.indirect.scatter.add.f32 [tilespmem:s31], [sflag:$0x9], $0x80, s20, s28, $0xb8;
	[tilespmem:$0x1C800] =	vst v63  }
0xc3: {  	_ =	swait.ge [sflag:s26], $0x2000  }
0xc4: {  	[sflag:s26] =	ssyncset.done $0x0  }
0xc5: {  	s21 =	rddreg [dreg:$0x11];
	[sflag:s26] =	ssyncadd.s32 $0xFFFFE000  }
0xc6: {  	[spmem:s2] =	stream.indirect.scatter.add.f32 [tilespmem:s0], [sflag:$0xA], $0x80, s21, s28, $0xb8;
	[tilespmem:$0x1C800] =	vst v63  }
0xc7: {  	_ =	swait.ge [sflag:s8], $0x200  }
0xc8: {  	[sflag:s8] =	ssyncset.done $0x0  }
0xc9: {  	[sflag:s8] =	ssyncadd.s32 $0xFFFFFE00  }
0xca: {  	s17 =	simm.s32 $0x80;
	s21 =	smov.u32 s18;
	_ =	swait.ge [sflag:s8], $0x200  }
.LBB2_4:
0xcb: {  	[sflag:s8] =	ssyncset.done $0x0  }
0xcc: {  	[sflag:s8] =	ssyncadd.s32 $0xFFFFFE00  }
0xcd: {  	_ =	swait.ge [sflag:s9], $0x2000  }
0xce: {  	[sflag:s9] =	ssyncset.done $0x0  }
0xcf: {  	[sflag:s9] =	ssyncadd.s32 $0xFFFFE000  }
0xd0: {  	[tilespmem:s22], [sflag:$0x3] =	stream.indirect.gather [hbm4b:s5+s28], $0x80, s4, s28, $0xb8;
	[tilespmem:$0x1C800] =	vst v63  }
0xd1: {  	_ =	swait.ge [sflag:s10], $0x2000  }
0xd2: {  	[sflag:s10] =	ssyncset.done $0x0  }
0xd3: {  	s20 =	rddreg [dreg:$0x6];
	[sflag:s10] =	ssyncadd.s32 $0xFFFFE000  }
0xd4: {  	[tilespmem:s30], [sflag:$0x4] =	stream.indirect.gather [hbm4b:s5+s28], $0x80, s20, s28, $0xb8;
	[tilespmem:$0x1C800] =	vst v63  }
0xd5: {  	_ =	swait.ge [sflag:s11], $0x2000  }
0xd6: {  	[sflag:s11] =	ssyncset.done $0x0  }
0xd7: {  	s15 =	rddreg [dreg:$0x7];
	[sflag:s11] =	ssyncadd.s32 $0xFFFFE000  }
0xd8: {  	[tilespmem:s31], [sflag:$0x5] =	stream.indirect.gather [hbm4b:s5+s28], $0x80, s15, s28, $0xb8;
	[tilespmem:$0x1C800] =	vst v63  }
0xd9: {  	_ =	swait.ge [sflag:s12], $0x2000  }
0xda: {  	s20 =	rddreg [dreg:$0x8];
	[sflag:s12] =	ssyncset.done $0x0  }
0xdb: {  	s19 =	smov.u32 s17;
	s15 =	rddreg [dreg:$0x4];
	[sflag:s12] =	ssyncadd.s32 $0xFFFFE000  }
0xdc: {  	[tilespmem:s0], [sflag:$0x6] =	stream.indirect.gather [hbm4b:s5+s28], $0x80, s20, s28, $0xb8;
	[tilespmem:$0x1C800] =	vst v63  }
0xdd: {  	s7 =	rddreg [dreg:$0x5];
	s15 =	sadd.s32 s19, s15  }
0xde: {  	[tilespmem:s13], [sflag:$0x2] =	stream.linear.gather [hbm4b:s15+s4], $0x200, $0x38;
	[tilespmem:$0x1C800] =	vst v63  }
0xdf: {  	s7 =	sadd.s32 s19, s7  }
0xe0: {  	[tilespmem:s29], [sflag:$0x2] =	stream.linear.gather [hbm4b:s7+s4], $0x200, $0x38;
	[tilespmem:$0x1C800] =	vst v63  }
0xe1: {  	_ =	swait.ge [sflag:s23], $0x2000  }
0xe2: {  	[sflag:s23] =	ssyncset.done $0x0  }
0xe3: {  	[sflag:s23] =	ssyncadd.s32 $0xFFFFE000  }
0xe4: {  	[spmem:s2] =	stream.indirect.scatter.add.f32 [tilespmem:s22], [sflag:$0x7], $0x80, s3, s28, $0xb8;
	[tilespmem:$0x1C800] =	vst v63  }
0xe5: {  	_ =	swait.ge [sflag:s24], $0x2000  }
0xe6: {  	[sflag:s24] =	ssyncset.done $0x0  }
0xe7: {  	s20 =	rddreg [dreg:$0x9];
	[sflag:s24] =	ssyncadd.s32 $0xFFFFE000  }
0xe8: {  	[spmem:s2] =	stream.indirect.scatter.add.f32 [tilespmem:s30], [sflag:$0x8], $0x80, s20, s28, $0xb8;
	[tilespmem:$0x1C800] =	vst v63  }
0xe9: {  	_ =	swait.ge [sflag:s25], $0x2000  }
0xea: {  	[sflag:s25] =	ssyncset.done $0x0  }
0xeb: {  	s15 =	rddreg [dreg:$0xa];
	[sflag:s25] =	ssyncadd.s32 $0xFFFFE000  }
0xec: {  	[spmem:s2] =	stream.indirect.scatter.add.f32 [tilespmem:s31], [sflag:$0x9], $0x80, s15, s28, $0xb8;
	[tilespmem:$0x1C800] =	vst v63  }
0xed: {  	_ =	swait.ge [sflag:s26], $0x2000  }
0xee: {  	[sflag:s26] =	ssyncset.done $0x0  }
0xef: {  	s19 =	rddreg [dreg:$0xb];
	[sflag:s26] =	ssyncadd.s32 $0xFFFFE000  }
0xf0: {  	[spmem:s2] =	stream.indirect.scatter.add.f32 [tilespmem:s0], [sflag:$0xA], $0x80, s19, s28, $0xb8;
	[tilespmem:$0x1C800] =	vst v63  }
0xf1: {  	_ =	swait.ge [sflag:s14], $0x200  }
0xf2: {  	[sflag:s14] =	ssyncset.done $0x0  }
0xf3: {  	[sflag:s14] =	ssyncadd.s32 $0xFFFFFE00  }
0xf4: {  	_ =	swait.ge [sflag:s14], $0x200  }
0xf5: {  	[sflag:s14] =	ssyncset.done $0x0  }
0xf6: {  	[sflag:s14] =	ssyncadd.s32 $0xFFFFFE00  }
0xf7: {  	_ =	swait.ge [sflag:s9], $0x2000  }
0xf8: {  	[sflag:s9] =	ssyncset.done $0x0  }
0xf9: {  	[sflag:s9] =	ssyncadd.s32 $0xFFFFE000  }
0xfa: {  	[tilespmem:s22], [sflag:$0x3] =	stream.indirect.gather [hbm4b:s5+s28], $0x80, s13, s28, $0xb8;
	[tilespmem:$0x1C800] =	vst v63  }
0xfb: {  	_ =	swait.ge [sflag:s10], $0x2000  }
0xfc: {  	[sflag:s10] =	ssyncset.done $0x0  }
0xfd: {  	s20 =	rddreg [dreg:$0xc];
	[sflag:s10] =	ssyncadd.s32 $0xFFFFE000  }
0xfe: {  	[tilespmem:s30], [sflag:$0x4] =	stream.indirect.gather [hbm4b:s5+s28], $0x80, s20, s28, $0xb8;
	[tilespmem:$0x1C800] =	vst v63  }
0xff: {  	_ =	swait.ge [sflag:s11], $0x2000  }
0x100: {  	[sflag:s11] =	ssyncset.done $0x0  }
0x101: {  	s21 =	sadd.s32 $0x8, s21;
	s15 =	rddreg [dreg:$0xd];
	[sflag:s11] =	ssyncadd.s32 $0xFFFFE000  }
0x102: {  	[tilespmem:s31], [sflag:$0x5] =	stream.indirect.gather [hbm4b:s5+s28], $0x80, s15, s28, $0xb8;
	[tilespmem:$0x1C800] =	vst v63  }
0x103: {  	p1 =	slt.s32 s21, $0x13FC;
	s15 =	smov.u32 s21;
	_ =	swait.ge [sflag:s12], $0x2000  }
0x104: {  	s15 =	simm.s32 @!p1 $0x13FC;
	[sflag:s12] =	ssyncset.done $0x0  }
0x105: {  	s19 =	rddreg [dreg:$0xe];
	s20 =	sshll.u32 s15, $0x4;
	[sflag:s12] =	ssyncadd.s32 $0xFFFFE000  }
0x106: {  	[tilespmem:s0], [sflag:$0x6] =	stream.indirect.gather [hbm4b:s5+s28], $0x80, s19, s28, $0xb8;
	[tilespmem:$0x1C800] =	vst v63  }
0x107: {  	s15 =	sadd.s32 s6, s20  }
0x108: {  	[tilespmem:s4], [sflag:$0x1] =	stream.linear.gather [hbm4b:s15+s4], $0x200, $0x38;
	[tilespmem:$0x1C800] =	vst v63  }
0x109: {  	s7 =	sadd.s32 s1, s20  }
0x10a: {  	[tilespmem:s3], [sflag:$0x1] =	stream.linear.gather [hbm4b:s7+s4], $0x200, $0x38;
	[tilespmem:$0x1C800] =	vst v63  }
0x10b: {  	_ =	swait.ge [sflag:s23], $0x2000  }
0x10c: {  	[sflag:s23] =	ssyncset.done $0x0  }
0x10d: {  	[sflag:s23] =	ssyncadd.s32 $0xFFFFE000  }
0x10e: {  	[spmem:s2] =	stream.indirect.scatter.add.f32 [tilespmem:s22], [sflag:$0x7], $0x80, s29, s28, $0xb8;
	[tilespmem:$0x1C800] =	vst v63  }
0x10f: {  	_ =	swait.ge [sflag:s24], $0x2000  }
0x110: {  	[sflag:s24] =	ssyncset.done $0x0  }
0x111: {  	s15 =	rddreg [dreg:$0xf];
	[sflag:s24] =	ssyncadd.s32 $0xFFFFE000  }
0x112: {  	[spmem:s2] =	stream.indirect.scatter.add.f32 [tilespmem:s30], [sflag:$0x8], $0x80, s15, s28, $0xb8;
	[tilespmem:$0x1C800] =	vst v63  }
0x113: {  	_ =	swait.ge [sflag:s25], $0x2000  }
0x114: {  	[sflag:s25] =	ssyncset.done $0x0  }
0x115: {  	s19 =	rddreg [dreg:$0x10];
	[sflag:s25] =	ssyncadd.s32 $0xFFFFE000  }
0x116: {  	[spmem:s2] =	stream.indirect.scatter.add.f32 [tilespmem:s31], [sflag:$0x9], $0x80, s19, s28, $0xb8;
	[tilespmem:$0x1C800] =	vst v63  }
0x117: {  	_ =	swait.ge [sflag:s26], $0x2000  }
0x118: {  	[sflag:s26] =	ssyncset.done $0x0  }
0x119: {  	p0 =	sne.s32 s17, $0x980;
	s20 =	rddreg [dreg:$0x11];
	[sflag:s26] =	ssyncadd.s32 $0xFFFFE000  }
0x11a: {  	[spmem:s2] =	stream.indirect.scatter.add.f32 [tilespmem:s0], [sflag:$0xA], $0x80, s20, s28, $0xb8;
	[tilespmem:$0x1C800] =	vst v63  }
.Ltmp1:
0x11b: {  	_ = 	snop;
	(pc) =	sbr.rel @p0 .LBB2_4-.Ltmp1, $4  }
0x11c: {  	_ =	swait.ge [sflag:s8], $0x200  }
0x11d: {  	[sflag:s8] =	ssyncset.done $0x0  }
0x11e: {  	[sflag:s8] =	ssyncadd.s32 $0xFFFFFE00  }
0x11f: {  	s17 =	sadd.s32 $0x80, s17;
	_ =	swait.ge [sflag:s8], $0x200  }
0x120: {  	[sflag:s8] =	ssyncset.done $0x0  }
0x121: {  	[sflag:s8] =	ssyncadd.s32 $0xFFFFFE00  }
0x122: {  	_ =	swait.ge [sflag:s9], $0x2000  }
0x123: {  	[sflag:s9] =	ssyncset.done $0x0  }
0x124: {  	[sflag:s9] =	ssyncadd.s32 $0xFFFFE000  }
0x125: {  	_ =	swait.ge [sflag:s10], $0x2000  }
0x126: {  	[sflag:s10] =	ssyncset.done $0x0  }
0x127: {  	[sflag:s10] =	ssyncadd.s32 $0xFFFFE000  }
0x128: {  	_ =	swait.ge [sflag:s11], $0x2000  }
0x129: {  	[sflag:s11] =	ssyncset.done $0x0  }
0x12a: {  	[sflag:s11] =	ssyncadd.s32 $0xFFFFE000  }
0x12b: {  	_ =	swait.ge [sflag:s12], $0x2000  }
0x12c: {  	[sflag:s12] =	ssyncset.done $0x0  }
0x12d: {  	[sflag:s12] =	ssyncadd.s32 $0xFFFFE000  }
0x12e: {  	s7 =	stileid.u32;
	[bflag:$0x0] =	sbarrier.arrive $0xFFFF  }
0x12f: {  	s20 =	simm.s32 $0xB;
	s7 =	sshll.u32 s7, $0x6;
	s15 =	rddreg [dreg:$0x12]  }
0x130: {  	s7 =	sor.u32 $0x1C0B, s7;
	s17 =	rddreg [dreg:$0x1e];
	s15 =	sshrl.u32 s15, $0x3  }
0x131: {  	[hbm:s17], [sflag:s7] =	dma.local [spmem:s15], $0x2800  }
0x132: {  	_ =	swait.ge [sflag:s20], $0x2800  }
0x133: {  	s16 =	sadd.s32 $0x1, s16;
	s21 =	rddreg [dreg:$0x1f]  }
0x134: {  	p0 =	sne.s32 s16, s21  }
.Ltmp2:
0x135: {  	_ = 	snop;
	(pc) =	sbr.rel @p0 .LBB2_1-.Ltmp2, $3  }
0x136: {  	_ =	sdelay $0x1  }
0x137: {  	[sflag:s20] =	ssyncset.done $0x0  }
0x138: {  	[sflag:s20] =	ssyncadd.s32 $0xFFFFD800  }
0x139: {  	_ =	sfence.sel $0x180000  }
0x13a: {  	[bflag:$0x0] =	sbarrier.arrive $0xFFFF  }
0x13b: {  	_ =	strace $0x9000004D  }
0x13c: {  	s0 =	stileid.u32;
	[bflag:$0x2] =	sbarrier.arrive $0xFFFF  }
0x13d: {  	p0 =	sne.s32 s0, $0x0;
	s0 =	rddreg [dreg:$0x3]  }
0x13e: {  	s0 =	sadd.s32 @!p0 $0x100000, s0  }
0x13f: {  	[sflag:s0] =	ssyncadd.tile.s32 @!p0 $0x1;
	_ =	shalt  }
.Lfunc_end2:
_tile_overlayer_lowered:
.L_overlay_start_2:
0x140: {  	(tag) =	ssettag $0x2  }
0x141: {  	s0 =	rddreg [dreg:$0x0];
	s2 =	stileid.u32  }
0x142: {  	s1 =	rddreg [dreg:$0x1];
	p0 =	sne.s32 s2, $0x0  }
0x143: {  	s3 =	rddreg [dreg:$0x2];
	[bflag:$0x3] =	sbarrier.arrive $0xFFFF;
	s2 =	simm.s32 @!p0 $0x1C0B  }
0x144: {  	[timem:s3], [sflag:s2] =	dma.local @!p0 [hbm:s0], s1  }
0x145: {  	s0 =	simm.s32 @!p0 $0xB  }
0x146: {  	_ =	swait.ge @!p0 [sflag:s0], s1  }
0x147: {  	s1 =	ssub.s32 @!p0 $0x0, s1;
	[sflag:s0] =	ssyncset.done @!p0 $0x0  }
0x148: {  	[sflag:s0] =	ssyncadd.s32 @!p0 s1  }
0x149: {  	[bflag:$0x3] =	sbarrier.arrive $0xFFFF  }
0x14a: {  	_ =	shalt  }

// kernel: kernel.8.cloned.1.call-start
scs
__scs_entry_jumppad:
0x0: {  	(pc) =	sbr.rel $0x88, $3  }
0x1: {  	(tag) =	ssettag $0x0;
	lr =	simm.s32 $0x1  }
0x2: {  	[smem:$0x3F9B] =	sst lr;
	_ =	strace $0xD0000000  }
0x3: {  	_ = 	snop  }
0x4: {  	_ = 	snop  }
0x5: {  	_ = 	snop  }
0x6: {  	_ = 	snop  }
0x7: {  	_ = 	snop  }
__scs_overlays_trampoline_lowered:
0x8: {  	[smem:$0x3FAA] =	sst s0  }
0x9: {  	[smem:$0x3FAB] =	sst s1  }
0xa: {  	[smem:$0x3FAC] =	sst s2  }
0xb: {  	[smem:$0x3FAD] =	sst s3  }
0xc: {  	[smem:$0x3FAE] =	sst s4  }
0xd: {  	[smem:$0x3FAF] =	sst s5  }
0xe: {  	[smem:$0x3FB0] =	sst s6  }
0xf: {  	[smem:$0x3FB1] =	sst s7  }
0x10: {  	[smem:$0x3FB2] =	sst s8  }
0x11: {  	[smem:$0x3FB3] =	sst s9;
	s0 =	simm.s32 @!p0 $0x0  }
0x12: {  	s1 =	sld [smem:$0x3F99];
	s0 =	simm.s32 @p0 $0x1  }
0x13: {  	[smem:$0x3FB4] =	sst s0;
	s0 =	simm.s32 @!p1 $0x0  }
0x14: {  	s2 =	sld [smem:$0x3F98];
	s0 =	simm.s32 @p1 $0x1  }
0x15: {  	[smem:$0x3FB5] =	sst s0;
	s0 =	simm.s32 @!p2 $0x0  }
0x16: {  	s3 =	sld [smem:$0x3FDB];
	s0 =	simm.s32 @p2 $0x1  }
0x17: {  	s4 =	simm.s32 $0x1BF5;
	[smem:$0x3FB7] =	sst s0  }
0x18: {  	s0 =	sld [smem:$0x3F9A];
	_ =	swait.ge [sflag:s4], $0x0  }
0x19: {  	s7 =	sld [smem:$0x3F9B]  }
0x1a: {  	s8 =	sadd.s32 $0xFFFFE003, lr  }
0x1b: {  	s9 =	sadd.s32 $0xFFFFFEF7, lr;
	s5 =	simm.s32 $0xFFFFFFFF;
	p2 =	slt.u32 s8, $0xFFFFF086  }
0x1c: {  	p1 =	slt.u32 s9, $0xF7A;
	s5 =	simm.s32 @!p2 $0x0  }
0x1d: {  	s5 =	simm.s32 @p1 $0x1;
	p0 =	seq.s32 s7, s2  }
0x1e: {  	s7 =	smul.u32 @!p0 $0xF7A, s2;
	p2 =	seq.s32 @!p0 s5, $0x0  }
0x1f: {  	s9 =	smul.u32 $0xF7A, s1;
	s8 =	simm.s32 @!p0 $0x1BF5;
	p2 =	por !p2, p0  }
0x20: {  	[sflag:s8] =	ssyncset.s32 @!p0 $0xFFFFF086;
	s6 =	sadd.s32 @!p0 s3, s7;
	s7 =	simm.s32 @!p0 $0x108  }
0x21: {  	s3 =	sadd.s32 s3, s9;
	s6 =	sadd.s32 @!p0 $0x88, s6;
	s7 =	simm.s32 @p2 $0x1082  }
0x22: {  	[simem:s7], [sflag:s8] =	dma.local @!p0 [hbm:s6], $0xF7A  }
0x23: {  	s9 =	sor.u32 $0xD0000000, s2;
	s6 =	simm.s32 $0x108;
	_ =	swait.ge @!p0 [sflag:s8], $0x0  }
0x24: {  	s3 =	sadd.s32 $0x88, s3;
	s6 =	simm.s32 @!p1 $0x1082;
	[sflag:s4] =	ssyncset.s32 $0xFFFFF086  }
0x25: {  	[simem:s6], [sflag:s4] =	dma.local [hbm:s3], $0xF7A  }
0x26: {  	[smem:$0x3F9B] =	sst s1;
	(tag) =	ssettag s2;
	_ =	strace s9  }
0x27: {  	s1 =	sld [smem:$0x3FAB]  }
0x28: {  	s2 =	sld [smem:$0x3FAC]  }
0x29: {  	s4 =	sld [smem:$0x3FAE]  }
0x2a: {  	p0 =	seq.s32 s5, $0x0;
	s5 =	sld [smem:$0x3FAF]  }
0x2b: {  	s6 =	sld [smem:$0x3FB0]  }
0x2c: {  	s7 =	sld [smem:$0x3FB1]  }
0x2d: {  	s3 =	simm.s32 $0x108;
	s8 =	sld [smem:$0x3FB2]  }
0x2e: {  	s3 =	simm.s32 @!p0 $0x1082;
	s9 =	sld [smem:$0x3FB3]  }
0x2f: {  	lr =	sadd.s32 s0, s3;
	s0 =	sld [smem:$0x3FAA]  }
0x30: {  	s3 =	sld [smem:$0x3FAD]  }
0x31: {  	[smem:$0x3FB6] =	sst s10  }
0x32: {  	s10 =	sld [smem:$0x3FB4];
	_ =	sdelay $0x3  }
0x33: {  	p0 =	seq.s32 s10, $0x1;
	s10 =	sld [smem:$0x3FB6];
	_ =	sdelay $0x3  }
0x34: {  	[smem:$0x3FB6] =	sst s10  }
0x35: {  	s10 =	sld [smem:$0x3FB5];
	_ =	sdelay $0x3  }
0x36: {  	p1 =	seq.s32 s10, $0x1;
	s10 =	sld [smem:$0x3FB6];
	_ =	sdelay $0x3  }
0x37: {  	[smem:$0x3FB6] =	sst s10  }
0x38: {  	s10 =	sld [smem:$0x3FB7]  }
0x39: {  	_ = 	snop;
	(pc) =	sbr.ind lr, $3  }
0x3a: {  	_ = 	snop  }
0x3b: {  	_ = 	snop  }
0x3c: {  	p2 =	seq.s32 s10, $0x1;
	s10 =	sld [smem:$0x3FB6]  }
0x3d: {  	_ =	shalt  }
0x3e: {  	_ =	shalt  }
0x3f: {  	_ =	shalt  }
0x40: {  	_ =	shalt  }
0x41: {  	_ =	shalt  }
0x42: {  	_ =	shalt  }
0x43: {  	_ =	shalt  }
0x44: {  	_ =	shalt  }
0x45: {  	_ =	shalt  }
0x46: {  	_ =	shalt  }
0x47: {  	_ =	shalt  }
0x48: {  	_ =	shalt  }
0x49: {  	_ =	shalt  }
0x4a: {  	_ =	shalt  }
0x4b: {  	_ =	shalt  }
0x4c: {  	_ =	shalt  }
0x4d: {  	_ =	shalt  }
0x4e: {  	_ =	shalt  }
0x4f: {  	_ =	shalt  }
0x50: {  	_ =	shalt  }
0x51: {  	_ =	shalt  }
0x52: {  	_ =	shalt  }
0x53: {  	_ =	shalt  }
0x54: {  	_ =	shalt  }
0x55: {  	_ =	shalt  }
0x56: {  	_ =	shalt  }
0x57: {  	_ =	shalt  }
0x58: {  	_ =	shalt  }
0x59: {  	_ =	shalt  }
0x5a: {  	_ =	shalt  }
0x5b: {  	_ =	shalt  }
0x5c: {  	_ =	shalt  }
0x5d: {  	_ =	shalt  }
0x5e: {  	_ =	shalt  }
0x5f: {  	_ =	shalt  }
0x60: {  	_ =	shalt  }
0x61: {  	_ =	shalt  }
0x62: {  	_ =	shalt  }
0x63: {  	_ =	shalt  }
0x64: {  	_ =	shalt  }
0x65: {  	_ =	shalt  }
0x66: {  	_ =	shalt  }
0x67: {  	_ =	shalt  }
0x68: {  	_ =	shalt  }
0x69: {  	_ =	shalt  }
0x6a: {  	_ =	shalt  }
0x6b: {  	_ =	shalt  }
0x6c: {  	_ =	shalt  }
0x6d: {  	_ =	shalt  }
0x6e: {  	_ =	shalt  }
0x6f: {  	_ =	shalt  }
0x70: {  	_ =	shalt  }
0x71: {  	_ =	shalt  }
0x72: {  	_ =	shalt  }
0x73: {  	_ =	shalt  }
0x74: {  	_ =	shalt  }
0x75: {  	_ =	shalt  }
0x76: {  	_ =	shalt  }
0x77: {  	_ =	shalt  }
0x78: {  	_ =	shalt  }
0x79: {  	_ =	shalt  }
0x7a: {  	_ =	shalt  }
0x7b: {  	_ =	shalt  }
0x7c: {  	_ =	shalt  }
0x7d: {  	_ =	shalt  }
0x7e: {  	_ =	shalt  }
0x7f: {  	_ =	shalt  }
0x80: {  	_ =	shalt  }
0x81: {  	_ =	shalt  }
0x82: {  	_ =	shalt  }
0x83: {  	_ =	shalt  }
0x84: {  	_ =	shalt  }
0x85: {  	_ =	shalt  }
0x86: {  	_ =	shalt  }
0x87: {  	_ =	shalt  }
.Lfunc_end0:
.L_simem_size_0:
called_computation_lowered:
.L_overlay_start_0:
0x88: {  	s2 =	sld [smem:$0x3FD9]  }
0x89: {  	s3 =	sld [smem:$0x3FFE];
	_ =	sdelay $0x1  }
0x8a: {  	s1 =	srdreg.scid  }
0x8b: {  	s0 =	sand.u32 $0x1, s1  }
0x8c: {  	s17 =	sshll.u32 s0, $0xA;
	s2 =	sadd.s32 s3, s2  }
0x8d: {  	s2 =	sadd.s32 s2, s17  }
0x8e: {  	[smem:$0x3FC2] =	sst s2  }
0x8f: {  	_ = 	snop  }
0x90: {  	s2 =	sld [smem:$0x3FD0];
	(tm) =	ssettm $0x1  }
0x91: {  	s18 =	sld [smem:$0x3FFB];
	_ =	sdelay $0x3  }
0x92: {  	_ =	strace s18  }
0x93: {  	s3 =	sld [smem:$0x3FFC];
	_ =	sdelay $0x3  }
0x94: {  	_ =	strace s3  }
0x95: {  	s3 =	sld [smem:$0x3FFD];
	_ =	sdelay $0x3  }
0x96: {  	_ =	strace s3  }
0x97: {  	_ =	strace $0x8FFFFFFF  }
0x98: {  	s19 =	sld [smem:$0x3FDB];
	_ =	sdelay $0x1  }
0x99: {  	s4 =	simm.s32 $_scs_section_size  }
0x9a: {  	s5 =	simm.s32 $_size__tile_overlayer_lowered;
	s6 =	simm.s32 $_tile_overlayer_lowered  }
0x9b: {  	s22 =	simm.s32 $0x1BFF;
	s21 =	sshll.u32 s6, $0x1;
	s3 =	sadd.s32 s4, s19  }
0x9c: {  	s7 =	simm.s32 $0x0;
	s20 =	sshll.u32 s5, $0x1;
	s5 =	sadd.s32 s21, s3  }
0x9d: {  	[timem:s7], [sflag:s22] =	dma.local [hbm:s5], s20  }
0x9e: {  	_ =	swait.ge [sflag:s22], s20  }
0x9f: {  	s4 =	ssub.s32 $0x0, s20;
	[sflag:s22] =	ssyncset.done $0x0  }
0xa0: {  	[sflag:s22] =	ssyncadd.s32 s4;
	_ =	sdelay $0x1  }
0xa1: {  	s23 =	simm.s32 $0x1B8B  }
0xa2: {  	_ =	swait.ge [sflag:s23], $0x1  }
0xa3: {  	[sflag:s23] =	ssyncset.done $0x0  }
0xa4: {  	s25 =	simm.s32 $0x1B8E;
	s24 =	sld [smem:$0x3FFE];
	[sflag:s23] =	ssyncadd.s32 $0xFFFFFFFF  }
0xa5: {  	s26 =	simm.s32 $execute0_lowered;
	[smem:$0x3FD2] =	sst s25  }
0xa6: {  	s5 =	sshll.u32 s26, $0x1;
	_ =	strace $0x80000046;
	[dreg:$0x1] =	wrdreg $0xFFFFFFFF  }
0xa7: {  	s28 =	simm.s32 $_size_execute0_lowered;
	s3 =	sadd.s32 s3, s5;
	[dreg:$0x0] =	wrdreg $0x0  }
0xa8: {  	s5 =	sshll.u32 s28, $0x1;
	[dreg:$0x2] =	wrdreg s3  }
0xa9: {  	[dreg:$0x3] =	wrdreg s5  }
0xaa: {  	[dreg:$0x4] =	wrdreg $0xC0  }
0xab: {  	_ =	task [dreg:s7], $0x5FFFF  }
0xac: {  	[dreg:$0x1] =	wrdreg $0xFFFFFFFF  }
0xad: {  	[dreg:$0x0] =	wrdreg $0x60  }
0xae: {  	[dreg:$0x2] =	wrdreg s2  }
0xaf: {  	[dreg:$0x3] =	wrdreg s24  }
0xb0: {  	[dreg:$0x4] =	wrdreg $0x13000  }
0xb1: {  	[dreg:$0x5] =	wrdreg $0x9  }
0xb2: {  	_ =	task.clear_ibuf [dreg:s7], $0x6FFFF;
	_ =	strace $0x90000046  }
0xb3: {  	s29 =	simm.s32 $0x9;
	_ =	strace $0x80000048  }
0xb4: {  	_ =	swait.ge [sflag:s29], $0x1  }
0xb5: {  	[sflag:s29] =	ssyncadd.s32 $0xFFFFFFFF  }
0xb6: {  	_ =	strace $0x90000048  }
0xb7: {  	_ =	sfence  }
0xb8: {  	s30 =	sld [smem:$0x0];
	_ =	sdelay $0x2  }
0xb9: {  	s31 =	sshll.u32 s1, $0xD;
	s1 =	sshrl.u32 s1, $0x2  }
0xba: {  	s3 =	sand.u32 $0x4000, s31;
	s1 =	sadd.s32 s1, s30  }
0xbb: {  	s0 =	sor.u32 s3, s0;
	s1 =	sshll.u32 s1, $0x11  }
0xbc: {  	s0 =	sor.u32 s1, s0  }
0xbd: {  	s0 =	sadd.s32 $0x8F2B, s0  }
0xbe: {  	[sflag:s0] =	ssyncadd.remote.s32 $0x1  }
0xbf: {  	_ =	sfence.sel $0xFFFF  }
0xc0: {  	[dreg:$0x0] =	wrdreg $0xFFFFFFFF;
	(pc) =	sbr.abs _section_cstart, $3  }
0xc1: {  	[dreg:$0x1] =	wrdreg $0xFFFFFFFF  }
0xc2: {  	_ =	task.clear_ibuf [dreg:s7], $0x2FFFF;
	_ =	strace $0x9FFFFFFF  }
0xc3: {  	(tm) =	ssettm $0x7FFFFFFF  }
tec
execute0_lowered:
.L_overlay_start_1:
0x0: {  	(tag) =	ssettag $0x1  }
0x1: {  	s1 =	rddreg [dreg:$0x0]  }
0x2: {  	s0 =	rddreg [dreg:$0x1]  }
0x3: {  	s3 =	rddreg [dreg:$0x2]  }
0x4: {  	s2 =	srdreg.scid;
	s12 =	stileid.u32  }
0x5: {  	s4 =	simm.s32 $0x0;
	s25 =	simm.s32 $0x80;
	s13 =	simm.s32 $0x280  }
0x6: {  	s14 =	simm.s32 $0x300;
	s15 =	simm.s32 $0x380;
	s16 =	simm.s32 $0x400  }
0x7: {  	s17 =	simm.s32 $0x480;
	s18 =	simm.s32 $0x500;
	s19 =	simm.s32 $0x580  }
0x8: {  	s20 =	simm.s32 $0x600;
	s28 =	simm.s32 $0xD00;
	[smem:$0x7FF] =	sst s4  }
0x9: {  	s29 =	simm.s32 $0xD80;
	_ =	strace $0x80000047;
	[dreg:$0x5] =	wrdreg s25  }
0xa: {  	s30 =	simm.s32 $0xE00;
	s5 =	smul.u32 $0x500, s12;
	[dreg:$0x9] =	wrdreg s13  }
0xb: {  	s31 =	simm.s32 $0xE80;
	s21 =	smul.u32 $0xA00, s12;
	[dreg:$0xa] =	wrdreg s14  }
0xc: {  	s2 =	sand.u32 $0x1, s2;
	s8 =	smul.u32 $0x140, s12;
	[dreg:$0xb] =	wrdreg s15  }
0xd: {  	s10 =	sshll.u32 s12, $0x1;
	s12 =	smul.u32 $0x1400, s12;
	[dreg:$0xc] =	wrdreg s16  }
0xe: {  	s6 =	sshll.u32 s2, $0x7;
	s7 =	ssub.s32 $0x2, s2;
	[dreg:$0xd] =	wrdreg s17  }
0xf: {  	s11 =	smul.u32 $0xA0, s2;
	s22 =	sor.u32 s2, s10;
	[dreg:$0xe] =	wrdreg s18  }
0x10: {  	s2 =	smul.u32 $0xA00, s2;
	[dreg:$0xf] =	wrdreg s19;
	s13 =	simm.s32 $0x800  }
0x11: {  	[dreg:$0x10] =	wrdreg s20;
	s14 =	simm.s32 $0x40;
	s15 =	simm.s32 $0x1000  }
0x12: {  	s16 =	simm.s32 $0x2;
	s17 =	simm.s32 $0x3;
	s25 =	simm.s32 $0x900  }
0x13: {  	s18 =	simm.s32 $0x4;
	s19 =	simm.s32 $0x5;
	s20 =	simm.s32 $0x6  }
0x14: {  	s5 =	sor.u32 s6, s5;
	s9 =	sshrl.u32 s7, $0x1;
	s6 =	sshrl.u32 s21, $0x2  }
0x15: {  	s23 =	smul.u32 $0xA00, s22;
	s21 =	simm.s32 $0x680;
	[dreg:$0x15] =	wrdreg s25  }
0x16: {  	s22 =	simm.s32 $0x700;
	s25 =	simm.s32 $0xC00;
	[dreg:$0x11] =	wrdreg s21  }
0x17: {  	s5 =	sshrl.u32 s5, $0x3;
	s8 =	sadd.s32 s11, s8;
	[dreg:$0x12] =	wrdreg s22  }
0x18: {  	s7 =	ssub.s32 s7, s9;
	s9 =	simm.s32 $0x180;
	[dreg:$0x4] =	wrdreg s8  }
0x19: {  	s24 =	sadd.s32 s6, s3;
	s11 =	simm.s32 $0x200;
	[dreg:$0x7] =	wrdreg s9  }
0x1a: {  	s6 =	sadd.s32 s12, s1;
	s26 =	sadd.s32 s1, s23;
	[dreg:$0x8] =	wrdreg s11  }
0x1b: {  	s12 =	simm.s32 $0x1;
	s8 =	simm.s32 $0x100;
	[dreg:$0x18] =	wrdreg s26  }
0x1c: {  	s21 =	simm.s32 $0xA00;
	s10 =	smax.u32 s7, $0x1;
	[dreg:$0x6] =	wrdreg s8  }
0x1d: {  	s22 =	simm.s32 $0xA80;
	s23 =	simm.s32 $0x780;
	[dreg:$0x1a] =	wrdreg s10  }
0x1e: {  	s7 =	smov.u32 s24;
	s24 =	simm.s32 $0x880;
	[dreg:$0x13] =	wrdreg s23  }
0x1f: {  	s0 =	sadd.s32 s5, s0;
	s2 =	sadd.s32 s2, s6;
	[dreg:$0x14] =	wrdreg s24  }
0x20: {  	s6 =	simm.s32 $0x7;
	s0 =	sadd.s32 $0x2400, s0;
	[dreg:$0x17] =	wrdreg s7  }
0x21: {  	s11 =	simm.s32 $0x10;
	s2 =	sadd.s32 $0x100, s2;
	[dreg:$0x19] =	wrdreg s0  }
0x22: {  	s26 =	simm.s32 $0x980;
	s23 =	simm.s32 $0xB00;
	[dreg:$0x1b] =	wrdreg s2  }
0x23: {  	s24 =	simm.s32 $0xB80;
	s10 =	simm.s32 $0xF80;
	[dreg:$0x16] =	wrdreg s26  }
0x24: {  	v0 =	vimm.f32 $1.000000000e+00;
	v1 =	vimm.f32 $0.0e+00;
	s26 =	simm.s32 $0xC80;
	s0 =	simm.s32 $0xF00;
	s2 =	simm.s32 $0x0  }
.LBB2_1:
0x25: {  	[tilespmem:$0x1000] =	vst v0  }
0x26: {  	[tilespmem:$0x1010] =	vst v0  }
0x27: {  	[tilespmem:$0x1020] =	vst v0  }
0x28: {  	[tilespmem:$0x1030] =	vst v0  }
0x29: {  	[tilespmem:$0x1080] =	vst v1  }
0x2a: {  	[tilespmem:$0x1090] =	vst v1  }
0x2b: {  	[tilespmem:$0x10A0] =	vst v1  }
0x2c: {  	[tilespmem:$0x10B0] =	vst v1  }
0x2d: {  	[tilespmem:$0x10C0] =	vst v1  }
0x2e: {  	[tilespmem:$0x10D0] =	vst v1  }
0x2f: {  	[tilespmem:$0x10E0] =	vst v1  }
0x30: {  	[tilespmem:$0x10F0] =	vst v1  }
0x31: {  	[tilespmem:$0x1100] =	vst v1  }
0x32: {  	[tilespmem:$0x1110] =	vst v1  }
0x33: {  	[tilespmem:$0x1120] =	vst v1  }
0x34: {  	[tilespmem:$0x1130] =	vst v1  }
0x35: {  	[tilespmem:$0x1140] =	vst v1  }
0x36: {  	[tilespmem:$0x1150] =	vst v1  }
0x37: {  	[tilespmem:$0x1160] =	vst v1  }
0x38: {  	[tilespmem:$0x1170] =	vst v1  }
0x39: {  	[tilespmem:$0x1180] =	vst v1  }
0x3a: {  	[tilespmem:$0x1190] =	vst v1  }
0x3b: {  	[tilespmem:$0x11A0] =	vst v1  }
0x3c: {  	[tilespmem:$0x11B0] =	vst v1  }
0x3d: {  	[tilespmem:$0x11C0] =	vst v1  }
0x3e: {  	[tilespmem:$0x11D0] =	vst v1  }
0x3f: {  	[tilespmem:$0x11E0] =	vst v1  }
0x40: {  	[tilespmem:$0x11F0] =	vst v1  }
0x41: {  	[tilespmem:$0x1200] =	vst v1  }
0x42: {  	[tilespmem:$0x1210] =	vst v1  }
0x43: {  	[tilespmem:$0x1220] =	vst v1  }
0x44: {  	[tilespmem:$0x1230] =	vst v1  }
0x45: {  	[tilespmem:$0x1240] =	vst v1  }
0x46: {  	[tilespmem:$0x1250] =	vst v1  }
0x47: {  	[tilespmem:$0x1260] =	vst v1  }
0x48: {  	[tilespmem:$0x1270] =	vst v1  }
0x49: {  	[tilespmem:$0x1280] =	vst v1  }
0x4a: {  	[tilespmem:$0x1290] =	vst v1  }
0x4b: {  	[tilespmem:$0x12A0] =	vst v1  }
0x4c: {  	[tilespmem:$0x12B0] =	vst v1  }
0x4d: {  	[tilespmem:$0x12C0] =	vst v1  }
0x4e: {  	[tilespmem:$0x12D0] =	vst v1  }
0x4f: {  	[tilespmem:$0x12E0] =	vst v1  }
0x50: {  	[tilespmem:$0x12F0] =	vst v1;
	s5 =	simm.s32 $0x1080  }
0x51: {  	[spmem:s7] =	stream.linear.scatter [tilespmem:s5], [sflag:$0x7], $0x280, $0x38;
	[tilespmem:$0x1580] =	vst v63  }
0x52: {  	_ =	swait.ge [sflag:s6], $0x280  }
0x53: {  	[sflag:s6] =	ssyncset.done $0x0  }
0x54: {  	[sflag:s6] =	ssyncadd.s32 $0xFFFFFD80  }
0x55: {  	[bflag:$0x0] =	sbarrier.arrive $0xFFFF  }
0x56: {  	s6 =	rddreg [dreg:$0x18]  }
0x57: {  	[tilespmem:s4], [sflag:$0x1] =	stream.linear.gather [hbm4b:s6+s4], $0x800, $0x38;
	[tilespmem:$0x1580] =	vst v63  }
0x58: {  	_ =	swait.ge [sflag:s12], $0x800  }
0x59: {  	[sflag:s12] =	ssyncset.done $0x0  }
0x5a: {  	s9 =	rddreg [dreg:$0x1b];
	[sflag:s12] =	ssyncadd.s32 $0xFFFFF800  }
0x5b: {  	[tilespmem:s13], [sflag:$0x2] =	stream.linear.gather [hbm4b:s9+s4], $0x800, $0x38;
	[tilespmem:$0x1580] =	vst v63  }
0x5c: {  	_ = 	snop  }
0x5d: {  	[spmem:s3] =	stream.indirect.scatter.add.f32 [tilespmem:s15], [sflag:$0x3], $0x1, s4, s14, $0xb8;
	[tilespmem:$0x1580] =	vst v63  }
0x5e: {  	s7 =	rddreg [dreg:$0x5]  }
0x5f: {  	[spmem:s3] =	stream.indirect.scatter.add.f32 [tilespmem:s15], [sflag:$0x4], $0x1, s7, s14, $0xb8;
	[tilespmem:$0x1580] =	vst v63  }
0x60: {  	s8 =	rddreg [dreg:$0x6]  }
0x61: {  	[spmem:s3] =	stream.indirect.scatter.add.f32 [tilespmem:s15], [sflag:$0x5], $0x1, s8, s14, $0xb8;
	[tilespmem:$0x1580] =	vst v63  }
0x62: {  	s5 =	rddreg [dreg:$0x7]  }
0x63: {  	[spmem:s3] =	stream.indirect.scatter.add.f32 [tilespmem:s15], [sflag:$0x6], $0x1, s5, s14, $0xb8;
	[tilespmem:$0x1580] =	vst v63  }
0x64: {  	s7 =	rddreg [dreg:$0x8]  }
0x65: {  	[spmem:s3] =	stream.indirect.scatter.add.f32 [tilespmem:s15], [sflag:$0x3], $0x1, s7, s14, $0xb8;
	[tilespmem:$0x1580] =	vst v63  }
0x66: {  	s5 =	rddreg [dreg:$0x9]  }
0x67: {  	[spmem:s3] =	stream.indirect.scatter.add.f32 [tilespmem:s15], [sflag:$0x4], $0x1, s5, s14, $0xb8;
	[tilespmem:$0x1580] =	vst v63  }
0x68: {  	s7 =	rddreg [dreg:$0xa]  }
0x69: {  	[spmem:s3] =	stream.indirect.scatter.add.f32 [tilespmem:s15], [sflag:$0x5], $0x1, s7, s14, $0xb8;
	[tilespmem:$0x1580] =	vst v63  }
0x6a: {  	s5 =	rddreg [dreg:$0xb]  }
0x6b: {  	[spmem:s3] =	stream.indirect.scatter.add.f32 [tilespmem:s15], [sflag:$0x6], $0x1, s5, s14, $0xb8;
	[tilespmem:$0x1580] =	vst v63  }
0x6c: {  	s7 =	rddreg [dreg:$0xc]  }
0x6d: {  	[spmem:s3] =	stream.indirect.scatter.add.f32 [tilespmem:s15], [sflag:$0x3], $0x1, s7, s14, $0xb8;
	[tilespmem:$0x1580] =	vst v63  }
0x6e: {  	s5 =	rddreg [dreg:$0xd]  }
0x6f: {  	[spmem:s3] =	stream.indirect.scatter.add.f32 [tilespmem:s15], [sflag:$0x4], $0x1, s5, s14, $0xb8;
	[tilespmem:$0x1580] =	vst v63  }
0x70: {  	s7 =	rddreg [dreg:$0xe]  }
0x71: {  	[spmem:s3] =	stream.indirect.scatter.add.f32 [tilespmem:s15], [sflag:$0x5], $0x1, s7, s14, $0xb8;
	[tilespmem:$0x1580] =	vst v63  }
0x72: {  	s5 =	rddreg [dreg:$0xf]  }
0x73: {  	[spmem:s3] =	stream.indirect.scatter.add.f32 [tilespmem:s15], [sflag:$0x6], $0x1, s5, s14, $0xb8;
	[tilespmem:$0x1580] =	vst v63  }
0x74: {  	s7 =	rddreg [dreg:$0x10]  }
0x75: {  	[spmem:s3] =	stream.indirect.scatter.add.f32 [tilespmem:s15], [sflag:$0x3], $0x1, s7, s14, $0xb8;
	[tilespmem:$0x1580] =	vst v63  }
0x76: {  	s5 =	rddreg [dreg:$0x11]  }
0x77: {  	[spmem:s3] =	stream.indirect.scatter.add.f32 [tilespmem:s15], [sflag:$0x4], $0x1, s5, s14, $0xb8;
	[tilespmem:$0x1580] =	vst v63  }
0x78: {  	s7 =	rddreg [dreg:$0x12]  }
0x79: {  	[spmem:s3] =	stream.indirect.scatter.add.f32 [tilespmem:s15], [sflag:$0x5], $0x1, s7, s14, $0xb8;
	[tilespmem:$0x1580] =	vst v63  }
0x7a: {  	s5 =	rddreg [dreg:$0x13]  }
0x7b: {  	[spmem:s3] =	stream.indirect.scatter.add.f32 [tilespmem:s15], [sflag:$0x6], $0x1, s5, s14, $0xb8;
	[tilespmem:$0x1580] =	vst v63  }
0x7c: {  	_ =	swait.ge [sflag:s16], $0x800  }
0x7d: {  	[sflag:s16] =	ssyncset.done $0x0  }
0x7e: {  	[sflag:s16] =	ssyncadd.s32 $0xFFFFF800  }
0x7f: {  	_ =	swait.ge [sflag:s17], $0x40  }
0x80: {  	[sflag:s17] =	ssyncset.done $0x0  }
0x81: {  	[sflag:s17] =	ssyncadd.s32 $0xFFFFFFC0  }
0x82: {  	_ =	swait.ge [sflag:s18], $0x40  }
0x83: {  	[sflag:s18] =	ssyncset.done $0x0  }
0x84: {  	[sflag:s18] =	ssyncadd.s32 $0xFFFFFFC0  }
0x85: {  	_ =	swait.ge [sflag:s19], $0x40  }
0x86: {  	[sflag:s19] =	ssyncset.done $0x0  }
0x87: {  	[sflag:s19] =	ssyncadd.s32 $0xFFFFFFC0  }
0x88: {  	_ =	swait.ge [sflag:s20], $0x40  }
0x89: {  	[sflag:s20] =	ssyncset.done $0x0  }
0x8a: {  	[sflag:s20] =	ssyncadd.s32 $0xFFFFFFC0  }
0x8b: {  	_ =	swait.ge [sflag:s17], $0x40  }
0x8c: {  	[sflag:s17] =	ssyncset.done $0x0  }
0x8d: {  	[sflag:s17] =	ssyncadd.s32 $0xFFFFFFC0  }
0x8e: {  	_ =	swait.ge [sflag:s18], $0x40  }
0x8f: {  	[sflag:s18] =	ssyncset.done $0x0  }
0x90: {  	[sflag:s18] =	ssyncadd.s32 $0xFFFFFFC0  }
0x91: {  	_ =	swait.ge [sflag:s19], $0x40  }
0x92: {  	[sflag:s19] =	ssyncset.done $0x0  }
0x93: {  	[sflag:s19] =	ssyncadd.s32 $0xFFFFFFC0  }
0x94: {  	_ =	swait.ge [sflag:s20], $0x40  }
0x95: {  	[sflag:s20] =	ssyncset.done $0x0  }
0x96: {  	[sflag:s20] =	ssyncadd.s32 $0xFFFFFFC0  }
0x97: {  	_ =	swait.ge [sflag:s17], $0x40  }
0x98: {  	[sflag:s17] =	ssyncset.done $0x0  }
0x99: {  	[sflag:s17] =	ssyncadd.s32 $0xFFFFFFC0  }
0x9a: {  	_ =	swait.ge [sflag:s18], $0x40  }
0x9b: {  	[sflag:s18] =	ssyncset.done $0x0  }
0x9c: {  	[sflag:s18] =	ssyncadd.s32 $0xFFFFFFC0  }
0x9d: {  	_ =	swait.ge [sflag:s19], $0x40  }
0x9e: {  	[sflag:s19] =	ssyncset.done $0x0  }
0x9f: {  	[sflag:s19] =	ssyncadd.s32 $0xFFFFFFC0  }
0xa0: {  	_ =	swait.ge [sflag:s20], $0x40  }
0xa1: {  	[sflag:s20] =	ssyncset.done $0x0  }
0xa2: {  	[sflag:s20] =	ssyncadd.s32 $0xFFFFFFC0  }
0xa3: {  	_ =	swait.ge [sflag:s17], $0x40  }
0xa4: {  	[sflag:s17] =	ssyncset.done $0x0  }
0xa5: {  	[sflag:s17] =	ssyncadd.s32 $0xFFFFFFC0  }
0xa6: {  	_ =	swait.ge [sflag:s18], $0x40  }
0xa7: {  	[sflag:s18] =	ssyncset.done $0x0  }
0xa8: {  	[sflag:s18] =	ssyncadd.s32 $0xFFFFFFC0  }
0xa9: {  	_ =	swait.ge [sflag:s19], $0x40  }
0xaa: {  	[sflag:s19] =	ssyncset.done $0x0  }
0xab: {  	[sflag:s19] =	ssyncadd.s32 $0xFFFFFFC0  }
0xac: {  	_ =	swait.ge [sflag:s20], $0x40  }
0xad: {  	s7 =	rddreg [dreg:$0x4]  }
0xae: {  	s6 =	sadd.s32 $0x20, s7  }
0xaf: {  	p0 =	slt.s32 s6, $0x13F0  }
0xb0: {  	s6 =	simm.s32 @!p0 $0x13F0  }
0xb1: {  	[sflag:s20] =	ssyncset.done $0x0;
	s6 =	sshll.u32 s6, $0x4  }
0xb2: {  	[sflag:s20] =	ssyncadd.s32 $0xFFFFFFC0;
	s6 =	sadd.s32 s1, s6  }
0xb3: {  	[tilespmem:s4], [sflag:$0x1] =	stream.linear.gather [hbm4b:s6+s4], $0x800, $0x38;
	[tilespmem:$0x1580] =	vst v63  }
0xb4: {  	_ = 	snop  }
0xb5: {  	[spmem:s3] =	stream.indirect.scatter.add.f32 [tilespmem:s15], [sflag:$0x3], $0x1, s13, s14, $0xb8;
	[tilespmem:$0x1580] =	vst v63  }
0xb6: {  	s8 =	rddreg [dreg:$0x14]  }
0xb7: {  	[spmem:s3] =	stream.indirect.scatter.add.f32 [tilespmem:s15], [sflag:$0x4], $0x1, s8, s14, $0xb8;
	[tilespmem:$0x1580] =	vst v63  }
0xb8: {  	s5 =	rddreg [dreg:$0x15]  }
0xb9: {  	[spmem:s3] =	stream.indirect.scatter.add.f32 [tilespmem:s15], [sflag:$0x5], $0x1, s5, s14, $0xb8;
	[tilespmem:$0x1580] =	vst v63  }
0xba: {  	s7 =	rddreg [dreg:$0x16]  }
0xbb: {  	[spmem:s3] =	stream.indirect.scatter.add.f32 [tilespmem:s15], [sflag:$0x6], $0x1, s7, s14, $0xb8;
	[tilespmem:$0x1580] =	vst v63  }
0xbc: {  	_ = 	snop  }
0xbd: {  	[spmem:s3] =	stream.indirect.scatter.add.f32 [tilespmem:s15], [sflag:$0x3], $0x1, s21, s14, $0xb8;
	[tilespmem:$0x1580] =	vst v63  }
0xbe: {  	_ = 	snop  }
0xbf: {  	[spmem:s3] =	stream.indirect.scatter.add.f32 [tilespmem:s15], [sflag:$0x4], $0x1, s22, s14, $0xb8;
	[tilespmem:$0x1580] =	vst v63  }
0xc0: {  	_ = 	snop  }
0xc1: {  	[spmem:s3] =	stream.indirect.scatter.add.f32 [tilespmem:s15], [sflag:$0x5], $0x1, s23, s14, $0xb8;
	[tilespmem:$0x1580] =	vst v63  }
0xc2: {  	_ = 	snop  }
0xc3: {  	[spmem:s3] =	stream.indirect.scatter.add.f32 [tilespmem:s15], [sflag:$0x6], $0x1, s24, s14, $0xb8;
	[tilespmem:$0x1580] =	vst v63  }
0xc4: {  	_ = 	snop  }
0xc5: {  	[spmem:s3] =	stream.indirect.scatter.add.f32 [tilespmem:s15], [sflag:$0x3], $0x1, s25, s14, $0xb8;
	[tilespmem:$0x1580] =	vst v63  }
0xc6: {  	_ = 	snop  }
0xc7: {  	[spmem:s3] =	stream.indirect.scatter.add.f32 [tilespmem:s15], [sflag:$0x4], $0x1, s26, s14, $0xb8;
	[tilespmem:$0x1580] =	vst v63  }
0xc8: {  	_ = 	snop  }
0xc9: {  	[spmem:s3] =	stream.indirect.scatter.add.f32 [tilespmem:s15], [sflag:$0x5], $0x1, s28, s14, $0xb8;
	[tilespmem:$0x1580] =	vst v63  }
0xca: {  	_ = 	snop  }
0xcb: {  	[spmem:s3] =	stream.indirect.scatter.add.f32 [tilespmem:s15], [sflag:$0x6], $0x1, s29, s14, $0xb8;
	[tilespmem:$0x1580] =	vst v63  }
0xcc: {  	_ = 	snop  }
0xcd: {  	[spmem:s3] =	stream.indirect.scatter.add.f32 [tilespmem:s15], [sflag:$0x3], $0x1, s30, s14, $0xb8;
	[tilespmem:$0x1580] =	vst v63  }
0xce: {  	_ = 	snop  }
0xcf: {  	[spmem:s3] =	stream.indirect.scatter.add.f32 [tilespmem:s15], [sflag:$0x4], $0x1, s31, s14, $0xb8;
	[tilespmem:$0x1580] =	vst v63  }
0xd0: {  	_ = 	snop  }
0xd1: {  	[spmem:s3] =	stream.indirect.scatter.add.f32 [tilespmem:s15], [sflag:$0x5], $0x1, s0, s14, $0xb8;
	[tilespmem:$0x1580] =	vst v63  }
0xd2: {  	_ = 	snop  }
0xd3: {  	[spmem:s3] =	stream.indirect.scatter.add.f32 [tilespmem:s15], [sflag:$0x6], $0x1, s10, s14, $0xb8;
	[tilespmem:$0x1580] =	vst v63  }
0xd4: {  	_ =	swait.ge [sflag:s12], $0x800  }
0xd5: {  	[sflag:s12] =	ssyncset.done $0x0  }
0xd6: {  	[sflag:s12] =	ssyncadd.s32 $0xFFFFF800  }
0xd7: {  	_ =	swait.ge [sflag:s17], $0x40  }
0xd8: {  	[sflag:s17] =	ssyncset.done $0x0  }
0xd9: {  	[sflag:s17] =	ssyncadd.s32 $0xFFFFFFC0  }
0xda: {  	_ =	swait.ge [sflag:s18], $0x40  }
0xdb: {  	[sflag:s18] =	ssyncset.done $0x0  }
0xdc: {  	[sflag:s18] =	ssyncadd.s32 $0xFFFFFFC0  }
0xdd: {  	_ =	swait.ge [sflag:s19], $0x40  }
0xde: {  	[sflag:s19] =	ssyncset.done $0x0  }
0xdf: {  	[sflag:s19] =	ssyncadd.s32 $0xFFFFFFC0  }
0xe0: {  	_ =	swait.ge [sflag:s20], $0x40  }
0xe1: {  	[sflag:s20] =	ssyncset.done $0x0  }
0xe2: {  	[sflag:s20] =	ssyncadd.s32 $0xFFFFFFC0  }
0xe3: {  	_ =	swait.ge [sflag:s17], $0x40  }
0xe4: {  	[sflag:s17] =	ssyncset.done $0x0  }
0xe5: {  	[sflag:s17] =	ssyncadd.s32 $0xFFFFFFC0  }
0xe6: {  	_ =	swait.ge [sflag:s18], $0x40  }
0xe7: {  	[sflag:s18] =	ssyncset.done $0x0  }
0xe8: {  	[sflag:s18] =	ssyncadd.s32 $0xFFFFFFC0  }
0xe9: {  	_ =	swait.ge [sflag:s19], $0x40  }
0xea: {  	[sflag:s19] =	ssyncset.done $0x0  }
0xeb: {  	[sflag:s19] =	ssyncadd.s32 $0xFFFFFFC0  }
0xec: {  	_ =	swait.ge [sflag:s20], $0x40  }
0xed: {  	[sflag:s20] =	ssyncset.done $0x0  }
0xee: {  	[sflag:s20] =	ssyncadd.s32 $0xFFFFFFC0  }
0xef: {  	_ =	swait.ge [sflag:s17], $0x40  }
0xf0: {  	[sflag:s17] =	ssyncset.done $0x0  }
0xf1: {  	[sflag:s17] =	ssyncadd.s32 $0xFFFFFFC0  }
0xf2: {  	_ =	swait.ge [sflag:s18], $0x40  }
0xf3: {  	[sflag:s18] =	ssyncset.done $0x0  }
0xf4: {  	[sflag:s18] =	ssyncadd.s32 $0xFFFFFFC0  }
0xf5: {  	_ =	swait.ge [sflag:s19], $0x40  }
0xf6: {  	[sflag:s19] =	ssyncset.done $0x0  }
0xf7: {  	[sflag:s19] =	ssyncadd.s32 $0xFFFFFFC0  }
0xf8: {  	_ =	swait.ge [sflag:s20], $0x40  }
0xf9: {  	[sflag:s20] =	ssyncset.done $0x0  }
0xfa: {  	[sflag:s20] =	ssyncadd.s32 $0xFFFFFFC0  }
0xfb: {  	_ =	swait.ge [sflag:s17], $0x40  }
0xfc: {  	[sflag:s17] =	ssyncset.done $0x0  }
0xfd: {  	[sflag:s17] =	ssyncadd.s32 $0xFFFFFFC0  }
0xfe: {  	_ =	swait.ge [sflag:s18], $0x40  }
0xff: {  	[sflag:s18] =	ssyncset.done $0x0  }
0x100: {  	[sflag:s18] =	ssyncadd.s32 $0xFFFFFFC0  }
0x101: {  	_ =	swait.ge [sflag:s19], $0x40  }
0x102: {  	[sflag:s19] =	ssyncset.done $0x0  }
0x103: {  	[sflag:s19] =	ssyncadd.s32 $0xFFFFFFC0  }
0x104: {  	_ =	swait.ge [sflag:s20], $0x40  }
0x105: {  	s6 =	simm.s32 $0x40;
	[sflag:s20] =	ssyncset.done $0x0  }
.LBB2_2:
0x106: {  	[sflag:s20] =	ssyncadd.s32 $0xFFFFFFC0;
	s9 =	sadd.s32 $0x200, s9  }
0x107: {  	[tilespmem:s13], [sflag:$0x2] =	stream.linear.gather [hbm4b:s9+s4], $0x800, $0x38;
	[tilespmem:$0x1580] =	vst v63  }
0x108: {  	_ = 	snop  }
0x109: {  	[spmem:s3] =	stream.indirect.scatter.add.f32 [tilespmem:s15], [sflag:$0x3], $0x1, s4, s14, $0xb8;
	[tilespmem:$0x1580] =	vst v63  }
0x10a: {  	s5 =	rddreg [dreg:$0x5]  }
0x10b: {  	[spmem:s3] =	stream.indirect.scatter.add.f32 [tilespmem:s15], [sflag:$0x4], $0x1, s5, s14, $0xb8;
	[tilespmem:$0x1580] =	vst v63  }
0x10c: {  	s7 =	rddreg [dreg:$0x6]  }
0x10d: {  	[spmem:s3] =	stream.indirect.scatter.add.f32 [tilespmem:s15], [sflag:$0x5], $0x1, s7, s14, $0xb8;
	[tilespmem:$0x1580] =	vst v63  }
0x10e: {  	s5 =	rddreg [dreg:$0x7]  }
0x10f: {  	[spmem:s3] =	stream.indirect.scatter.add.f32 [tilespmem:s15], [sflag:$0x6], $0x1, s5, s14, $0xb8;
	[tilespmem:$0x1580] =	vst v63  }
0x110: {  	s7 =	rddreg [dreg:$0x8]  }
0x111: {  	[spmem:s3] =	stream.indirect.scatter.add.f32 [tilespmem:s15], [sflag:$0x3], $0x1, s7, s14, $0xb8;
	[tilespmem:$0x1580] =	vst v63  }
0x112: {  	s5 =	rddreg [dreg:$0x9]  }
0x113: {  	[spmem:s3] =	stream.indirect.scatter.add.f32 [tilespmem:s15], [sflag:$0x4], $0x1, s5, s14, $0xb8;
	[tilespmem:$0x1580] =	vst v63  }
0x114: {  	s7 =	rddreg [dreg:$0xa]  }
0x115: {  	[spmem:s3] =	stream.indirect.scatter.add.f32 [tilespmem:s15], [sflag:$0x5], $0x1, s7, s14, $0xb8;
	[tilespmem:$0x1580] =	vst v63  }
0x116: {  	s5 =	rddreg [dreg:$0xb]  }
0x117: {  	[spmem:s3] =	stream.indirect.scatter.add.f32 [tilespmem:s15], [sflag:$0x6], $0x1, s5, s14, $0xb8;
	[tilespmem:$0x1580] =	vst v63  }
0x118: {  	s7 =	rddreg [dreg:$0xc]  }
0x119: {  	[spmem:s3] =	stream.indirect.scatter.add.f32 [tilespmem:s15], [sflag:$0x3], $0x1, s7, s14, $0xb8;
	[tilespmem:$0x1580] =	vst v63  }
0x11a: {  	s5 =	rddreg [dreg:$0xd]  }
0x11b: {  	[spmem:s3] =	stream.indirect.scatter.add.f32 [tilespmem:s15], [sflag:$0x4], $0x1, s5, s14, $0xb8;
	[tilespmem:$0x1580] =	vst v63  }
0x11c: {  	s7 =	rddreg [dreg:$0xe]  }
0x11d: {  	[spmem:s3] =	stream.indirect.scatter.add.f32 [tilespmem:s15], [sflag:$0x5], $0x1, s7, s14, $0xb8;
	[tilespmem:$0x1580] =	vst v63  }
0x11e: {  	s5 =	rddreg [dreg:$0xf]  }
0x11f: {  	[spmem:s3] =	stream.indirect.scatter.add.f32 [tilespmem:s15], [sflag:$0x6], $0x1, s5, s14, $0xb8;
	[tilespmem:$0x1580] =	vst v63  }
0x120: {  	s7 =	rddreg [dreg:$0x10]  }
0x121: {  	[spmem:s3] =	stream.indirect.scatter.add.f32 [tilespmem:s15], [sflag:$0x3], $0x1, s7, s14, $0xb8;
	[tilespmem:$0x1580] =	vst v63  }
0x122: {  	s5 =	rddreg [dreg:$0x11]  }
0x123: {  	[spmem:s3] =	stream.indirect.scatter.add.f32 [tilespmem:s15], [sflag:$0x4], $0x1, s5, s14, $0xb8;
	[tilespmem:$0x1580] =	vst v63  }
0x124: {  	s7 =	rddreg [dreg:$0x12]  }
0x125: {  	[spmem:s3] =	stream.indirect.scatter.add.f32 [tilespmem:s15], [sflag:$0x5], $0x1, s7, s14, $0xb8;
	[tilespmem:$0x1580] =	vst v63  }
0x126: {  	s5 =	rddreg [dreg:$0x13]  }
0x127: {  	[spmem:s3] =	stream.indirect.scatter.add.f32 [tilespmem:s15], [sflag:$0x6], $0x1, s5, s14, $0xb8;
	[tilespmem:$0x1580] =	vst v63  }
0x128: {  	_ =	swait.ge [sflag:s16], $0x800  }
0x129: {  	[sflag:s16] =	ssyncset.done $0x0  }
0x12a: {  	[sflag:s16] =	ssyncadd.s32 $0xFFFFF800  }
0x12b: {  	_ =	swait.ge [sflag:s17], $0x40  }
0x12c: {  	[sflag:s17] =	ssyncset.done $0x0  }
0x12d: {  	[sflag:s17] =	ssyncadd.s32 $0xFFFFFFC0  }
0x12e: {  	_ =	swait.ge [sflag:s18], $0x40  }
0x12f: {  	[sflag:s18] =	ssyncset.done $0x0  }
0x130: {  	[sflag:s18] =	ssyncadd.s32 $0xFFFFFFC0  }
0x131: {  	_ =	swait.ge [sflag:s19], $0x40  }
0x132: {  	[sflag:s19] =	ssyncset.done $0x0  }
0x133: {  	[sflag:s19] =	ssyncadd.s32 $0xFFFFFFC0  }
0x134: {  	_ =	swait.ge [sflag:s20], $0x40  }
0x135: {  	[sflag:s20] =	ssyncset.done $0x0  }
0x136: {  	[sflag:s20] =	ssyncadd.s32 $0xFFFFFFC0  }
0x137: {  	_ =	swait.ge [sflag:s17], $0x40  }
0x138: {  	[sflag:s17] =	ssyncset.done $0x0  }
0x139: {  	[sflag:s17] =	ssyncadd.s32 $0xFFFFFFC0  }
0x13a: {  	_ =	swait.ge [sflag:s18], $0x40  }
0x13b: {  	[sflag:s18] =	ssyncset.done $0x0  }
0x13c: {  	[sflag:s18] =	ssyncadd.s32 $0xFFFFFFC0  }
0x13d: {  	_ =	swait.ge [sflag:s19], $0x40  }
0x13e: {  	[sflag:s19] =	ssyncset.done $0x0  }
0x13f: {  	[sflag:s19] =	ssyncadd.s32 $0xFFFFFFC0  }
0x140: {  	_ =	swait.ge [sflag:s20], $0x40  }
0x141: {  	[sflag:s20] =	ssyncset.done $0x0  }
0x142: {  	[sflag:s20] =	ssyncadd.s32 $0xFFFFFFC0  }
0x143: {  	_ =	swait.ge [sflag:s17], $0x40  }
0x144: {  	[sflag:s17] =	ssyncset.done $0x0  }
0x145: {  	[sflag:s17] =	ssyncadd.s32 $0xFFFFFFC0  }
0x146: {  	_ =	swait.ge [sflag:s18], $0x40  }
0x147: {  	[sflag:s18] =	ssyncset.done $0x0  }
0x148: {  	[sflag:s18] =	ssyncadd.s32 $0xFFFFFFC0  }
0x149: {  	_ =	swait.ge [sflag:s19], $0x40  }
0x14a: {  	[sflag:s19] =	ssyncset.done $0x0  }
0x14b: {  	[sflag:s19] =	ssyncadd.s32 $0xFFFFFFC0  }
0x14c: {  	_ =	swait.ge [sflag:s20], $0x40  }
0x14d: {  	[sflag:s20] =	ssyncset.done $0x0  }
0x14e: {  	[sflag:s20] =	ssyncadd.s32 $0xFFFFFFC0  }
0x14f: {  	_ =	swait.ge [sflag:s17], $0x40  }
0x150: {  	[sflag:s17] =	ssyncset.done $0x0  }
0x151: {  	[sflag:s17] =	ssyncadd.s32 $0xFFFFFFC0  }
0x152: {  	_ =	swait.ge [sflag:s18], $0x40  }
0x153: {  	[sflag:s18] =	ssyncset.done $0x0  }
0x154: {  	[sflag:s18] =	ssyncadd.s32 $0xFFFFFFC0  }
0x155: {  	_ =	swait.ge [sflag:s19], $0x40  }
0x156: {  	[sflag:s19] =	ssyncset.done $0x0  }
0x157: {  	[sflag:s19] =	ssyncadd.s32 $0xFFFFFFC0  }
0x158: {  	_ =	swait.ge [sflag:s20], $0x40  }
0x159: {  	s8 =	smov.u32 s6;
	s7 =	rddreg [dreg:$0x4]  }
0x15a: {  	s5 =	sadd.s32 s8, s7  }
0x15b: {  	p1 =	slt.s32 s5, $0x13F0  }
0x15c: {  	s5 =	simm.s32 @!p1 $0x13F0  }
0x15d: {  	[sflag:s20] =	ssyncset.done $0x0;
	s5 =	sshll.u32 s5, $0x4  }
0x15e: {  	[sflag:s20] =	ssyncadd.s32 $0xFFFFFFC0;
	s5 =	sadd.s32 s1, s5  }
0x15f: {  	[tilespmem:s4], [sflag:$0x1] =	stream.linear.gather [hbm4b:s5+s4], $0x800, $0x38;
	[tilespmem:$0x1580] =	vst v63  }
0x160: {  	_ = 	snop  }
0x161: {  	[spmem:s3] =	stream.indirect.scatter.add.f32 [tilespmem:s15], [sflag:$0x3], $0x1, s13, s14, $0xb8;
	[tilespmem:$0x1580] =	vst v63  }
0x162: {  	s8 =	rddreg [dreg:$0x14]  }
0x163: {  	[spmem:s3] =	stream.indirect.scatter.add.f32 [tilespmem:s15], [sflag:$0x4], $0x1, s8, s14, $0xb8;
	[tilespmem:$0x1580] =	vst v63  }
0x164: {  	s7 =	rddreg [dreg:$0x15]  }
0x165: {  	[spmem:s3] =	stream.indirect.scatter.add.f32 [tilespmem:s15], [sflag:$0x5], $0x1, s7, s14, $0xb8;
	[tilespmem:$0x1580] =	vst v63  }
0x166: {  	s8 =	rddreg [dreg:$0x16]  }
0x167: {  	[spmem:s3] =	stream.indirect.scatter.add.f32 [tilespmem:s15], [sflag:$0x6], $0x1, s8, s14, $0xb8;
	[tilespmem:$0x1580] =	vst v63  }
0x168: {  	_ = 	snop  }
0x169: {  	[spmem:s3] =	stream.indirect.scatter.add.f32 [tilespmem:s15], [sflag:$0x3], $0x1, s21, s14, $0xb8;
	[tilespmem:$0x1580] =	vst v63  }
0x16a: {  	_ = 	snop  }
0x16b: {  	[spmem:s3] =	stream.indirect.scatter.add.f32 [tilespmem:s15], [sflag:$0x4], $0x1, s22, s14, $0xb8;
	[tilespmem:$0x1580] =	vst v63  }
0x16c: {  	_ = 	snop  }
0x16d: {  	[spmem:s3] =	stream.indirect.scatter.add.f32 [tilespmem:s15], [sflag:$0x5], $0x1, s23, s14, $0xb8;
	[tilespmem:$0x1580] =	vst v63  }
0x16e: {  	_ = 	snop  }
0x16f: {  	[spmem:s3] =	stream.indirect.scatter.add.f32 [tilespmem:s15], [sflag:$0x6], $0x1, s24, s14, $0xb8;
	[tilespmem:$0x1580] =	vst v63  }
0x170: {  	_ = 	snop  }
0x171: {  	[spmem:s3] =	stream.indirect.scatter.add.f32 [tilespmem:s15], [sflag:$0x3], $0x1, s25, s14, $0xb8;
	[tilespmem:$0x1580] =	vst v63  }
0x172: {  	_ = 	snop  }
0x173: {  	[spmem:s3] =	stream.indirect.scatter.add.f32 [tilespmem:s15], [sflag:$0x4], $0x1, s26, s14, $0xb8;
	[tilespmem:$0x1580] =	vst v63  }
0x174: {  	_ = 	snop  }
0x175: {  	[spmem:s3] =	stream.indirect.scatter.add.f32 [tilespmem:s15], [sflag:$0x5], $0x1, s28, s14, $0xb8;
	[tilespmem:$0x1580] =	vst v63  }
0x176: {  	_ = 	snop  }
0x177: {  	[spmem:s3] =	stream.indirect.scatter.add.f32 [tilespmem:s15], [sflag:$0x6], $0x1, s29, s14, $0xb8;
	[tilespmem:$0x1580] =	vst v63  }
0x178: {  	_ = 	snop  }
0x179: {  	[spmem:s3] =	stream.indirect.scatter.add.f32 [tilespmem:s15], [sflag:$0x3], $0x1, s30, s14, $0xb8;
	[tilespmem:$0x1580] =	vst v63  }
0x17a: {  	_ = 	snop  }
0x17b: {  	[spmem:s3] =	stream.indirect.scatter.add.f32 [tilespmem:s15], [sflag:$0x4], $0x1, s31, s14, $0xb8;
	[tilespmem:$0x1580] =	vst v63  }
0x17c: {  	_ = 	snop  }
0x17d: {  	[spmem:s3] =	stream.indirect.scatter.add.f32 [tilespmem:s15], [sflag:$0x5], $0x1, s0, s14, $0xb8;
	[tilespmem:$0x1580] =	vst v63  }
0x17e: {  	_ = 	snop  }
0x17f: {  	[spmem:s3] =	stream.indirect.scatter.add.f32 [tilespmem:s15], [sflag:$0x6], $0x1, s10, s14, $0xb8;
	[tilespmem:$0x1580] =	vst v63  }
0x180: {  	_ =	swait.ge [sflag:s12], $0x800  }
0x181: {  	[sflag:s12] =	ssyncset.done $0x0  }
0x182: {  	[sflag:s12] =	ssyncadd.s32 $0xFFFFF800  }
0x183: {  	_ =	swait.ge [sflag:s17], $0x40  }
0x184: {  	[sflag:s17] =	ssyncset.done $0x0  }
0x185: {  	[sflag:s17] =	ssyncadd.s32 $0xFFFFFFC0  }
0x186: {  	_ =	swait.ge [sflag:s18], $0x40  }
0x187: {  	[sflag:s18] =	ssyncset.done $0x0  }
0x188: {  	[sflag:s18] =	ssyncadd.s32 $0xFFFFFFC0  }
0x189: {  	_ =	swait.ge [sflag:s19], $0x40  }
0x18a: {  	[sflag:s19] =	ssyncset.done $0x0  }
0x18b: {  	[sflag:s19] =	ssyncadd.s32 $0xFFFFFFC0  }
0x18c: {  	_ =	swait.ge [sflag:s20], $0x40  }
0x18d: {  	[sflag:s20] =	ssyncset.done $0x0  }
0x18e: {  	[sflag:s20] =	ssyncadd.s32 $0xFFFFFFC0  }
0x18f: {  	_ =	swait.ge [sflag:s17], $0x40  }
0x190: {  	[sflag:s17] =	ssyncset.done $0x0  }
0x191: {  	[sflag:s17] =	ssyncadd.s32 $0xFFFFFFC0  }
0x192: {  	_ =	swait.ge [sflag:s18], $0x40  }
0x193: {  	[sflag:s18] =	ssyncset.done $0x0  }
0x194: {  	[sflag:s18] =	ssyncadd.s32 $0xFFFFFFC0  }
0x195: {  	_ =	swait.ge [sflag:s19], $0x40  }
0x196: {  	[sflag:s19] =	ssyncset.done $0x0  }
0x197: {  	[sflag:s19] =	ssyncadd.s32 $0xFFFFFFC0  }
0x198: {  	_ =	swait.ge [sflag:s20], $0x40  }
0x199: {  	[sflag:s20] =	ssyncset.done $0x0  }
0x19a: {  	[sflag:s20] =	ssyncadd.s32 $0xFFFFFFC0  }
0x19b: {  	_ =	swait.ge [sflag:s17], $0x40  }
0x19c: {  	[sflag:s17] =	ssyncset.done $0x0  }
0x19d: {  	[sflag:s17] =	ssyncadd.s32 $0xFFFFFFC0  }
0x19e: {  	_ =	swait.ge [sflag:s18], $0x40  }
0x19f: {  	[sflag:s18] =	ssyncset.done $0x0  }
0x1a0: {  	[sflag:s18] =	ssyncadd.s32 $0xFFFFFFC0  }
0x1a1: {  	_ =	swait.ge [sflag:s19], $0x40  }
0x1a2: {  	[sflag:s19] =	ssyncset.done $0x0  }
0x1a3: {  	[sflag:s19] =	ssyncadd.s32 $0xFFFFFFC0  }
0x1a4: {  	_ =	swait.ge [sflag:s20], $0x40  }
0x1a5: {  	[sflag:s20] =	ssyncset.done $0x0  }
0x1a6: {  	[sflag:s20] =	ssyncadd.s32 $0xFFFFFFC0  }
0x1a7: {  	_ =	swait.ge [sflag:s17], $0x40  }
0x1a8: {  	[sflag:s17] =	ssyncset.done $0x0  }
0x1a9: {  	[sflag:s17] =	ssyncadd.s32 $0xFFFFFFC0  }
0x1aa: {  	_ =	swait.ge [sflag:s18], $0x40  }
0x1ab: {  	[sflag:s18] =	ssyncset.done $0x0  }
0x1ac: {  	p0 =	sne.s32 s6, $0xA0;
	[sflag:s18] =	ssyncadd.s32 $0xFFFFFFC0  }
.Ltmp0:
0x1ad: {  	_ =	swait.ge [sflag:s19], $0x40;
	(pc) =	sbr.rel @p0 .LBB2_2-.Ltmp0, $4  }
0x1ae: {  	[sflag:s19] =	ssyncset.done $0x0  }
0x1af: {  	[sflag:s19] =	ssyncadd.s32 $0xFFFFFFC0  }
0x1b0: {  	_ =	swait.ge [sflag:s20], $0x40  }
0x1b1: {  	s6 =	sadd.s32 $0x20, s6;
	[sflag:s20] =	ssyncset.done $0x0  }
0x1b2: {  	[sflag:s20] =	ssyncadd.s32 $0xFFFFFFC0  }
0x1b3: {  	s5 =	stileid.u32;
	[bflag:$0x0] =	sbarrier.arrive $0xFFFF  }
0x1b4: {  	s9 =	simm.s32 $0x20;
	s5 =	sshll.u32 s5, $0x6;
	s7 =	rddreg [dreg:$0x17]  }
0x1b5: {  	s5 =	sor.u32 $0x1C07, s5;
	s8 =	rddreg [dreg:$0x19];
	s6 =	sshrl.u32 s7, $0x3  }
0x1b6: {  	[hbm:s8@s9], [sflag:s5] =	dma.strided [spmem:s6@s11], $0x50, s12, $0x10   }
0x1b7: {  	s6 =	simm.s32 $0x7  }
0x1b8: {  	_ =	swait.ge [sflag:s6], $0x50  }
0x1b9: {  	s2 =	sadd.s32 $0x1, s2;
	s9 =	rddreg [dreg:$0x1a]  }
0x1ba: {  	p0 =	sne.s32 s2, s9  }
.Ltmp1:
0x1bb: {  	_ = 	snop;
	(pc) =	sbr.rel @p0 .LBB2_1-.Ltmp1, $3  }
0x1bc: {  	_ =	sdelay $0x1  }
0x1bd: {  	[sflag:s6] =	ssyncset.done $0x0  }
0x1be: {  	[sflag:s6] =	ssyncadd.s32 $0xFFFFFFB0  }
0x1bf: {  	_ =	sfence.sel $0x180000  }
0x1c0: {  	[bflag:$0x0] =	sbarrier.arrive $0xFFFF  }
0x1c1: {  	_ =	strace $0x90000047  }
0x1c2: {  	s0 =	stileid.u32;
	[bflag:$0x2] =	sbarrier.arrive $0xFFFF  }
0x1c3: {  	p0 =	sne.s32 s0, $0x0;
	s0 =	rddreg [dreg:$0x3]  }
0x1c4: {  	s0 =	sadd.s32 @!p0 $0x100000, s0  }
0x1c5: {  	[sflag:s0] =	ssyncadd.tile.s32 @!p0 $0x1;
	_ =	shalt  }
.Lfunc_end2:
_tile_overlayer_lowered:
.L_overlay_start_2:
0x1c6: {  	(tag) =	ssettag $0x2  }
0x1c7: {  	s0 =	rddreg [dreg:$0x0];
	s2 =	stileid.u32  }
0x1c8: {  	s1 =	rddreg [dreg:$0x1];
	p0 =	sne.s32 s2, $0x0  }
0x1c9: {  	s3 =	rddreg [dreg:$0x2];
	[bflag:$0x3] =	sbarrier.arrive $0xFFFF;
	s2 =	simm.s32 @!p0 $0x1C07  }
0x1ca: {  	[timem:s3], [sflag:s2] =	dma.local @!p0 [hbm:s0], s1  }
0x1cb: {  	s0 =	simm.s32 @!p0 $0x7  }
0x1cc: {  	_ =	swait.ge @!p0 [sflag:s0], s1  }
0x1cd: {  	s1 =	ssub.s32 @!p0 $0x0, s1;
	[sflag:s0] =	ssyncset.done @!p0 $0x0  }
0x1ce: {  	[sflag:s0] =	ssyncadd.s32 @!p0 s1  }
0x1cf: {  	[bflag:$0x3] =	sbarrier.arrive $0xFFFF  }
0x1d0: {  	_ =	shalt  }

</sc_bundles>
